<compile_context>
chip_gen: v7x
topology: tpu7x:2x2x1
jax: 0.10.2.dev20260603
libtpu: 0.0.44.dev20260713+nightly
codegen_flags: <defaults>
</compile_context>

<pallas_src>
import functools
import math

import jax
import jax.numpy as jnp
from jax import lax
from jax.experimental import pallas as pl
from jax.experimental.pallas import tpu as pltpu
from jax.experimental.pallas import tpu_sc as plsc

_D = 128
_NSEEDS = 500
_NPAD = 512
_K = 4
_BBLK = 2048
_NEG = -1e30

_NW = 32
_BPW = 16384 // _NW
_HALF = _BPW // 2


def _tc_body(x_ref, seeds_ref, wq_ref, attn_ref, idx_ref):
    x = x_ref[...]
    seeds = seeds_ref[...]
    wq = wq_ref[...]
    q = jax.lax.dot_general(x, wq, (((1,), (1,)), ((), ())),
                            preferred_element_type=jnp.float32)
    s = jax.lax.dot_general(q, seeds, (((1,), (1,)), ((), ())),
                            preferred_element_type=jnp.float32)
    s = s * (1.0 / math.sqrt(_D))
    cols = jax.lax.broadcasted_iota(jnp.int32, (_BBLK, _NPAD), 1)
    s = jnp.where(cols < _NSEEDS, s, _NEG)

    v1 = jnp.max(s, axis=1, keepdims=True)
    s1 = jnp.where(s >= v1, _NEG, s)
    v2 = jnp.max(s1, axis=1, keepdims=True)
    s2 = jnp.where(s1 >= v2, _NEG, s1)
    v3 = jnp.max(s2, axis=1, keepdims=True)
    s3 = jnp.where(s2 >= v3, _NEG, s2)
    v4 = jnp.max(s3, axis=1, keepdims=True)

    e2 = jnp.exp(v2 - v1)
    e3 = jnp.exp(v3 - v1)
    e4 = jnp.exp(v4 - v1)
    rz = 1.0 / (1.0 + e2 + e3 + e4)
    attn_ref[...] = jnp.concatenate([jnp.ones_like(v1), e2, e3, e4],
                                    axis=1) * rz

    ix = [jnp.min(jnp.where(s == v, cols, _NPAD), axis=1, keepdims=True)
          for v in (v1, v2, v3, v4)]
    idx_ref[...] = jnp.minimum(jnp.concatenate(ix, axis=1), _NSEEDS - 1)


def _tc_stage(x, seeds_p, Wq):
    batch = x.shape[0]
    grid = (batch // _BBLK,)
    return pl.pallas_call(
        _tc_body,
        grid=grid,
        in_specs=[
            pl.BlockSpec((_BBLK, _D), lambda i: (i, 0)),
            pl.BlockSpec((_NPAD, _D), lambda i: (0, 0)),
            pl.BlockSpec((_D, _D), lambda i: (0, 0)),
        ],
        out_specs=[
            pl.BlockSpec((_BBLK, _K), lambda i: (i, 0)),
            pl.BlockSpec((_BBLK, _K), lambda i: (i, 0)),
        ],
        out_shape=[
            jax.ShapeDtypeStruct((batch, _K), jnp.float32),
            jax.ShapeDtypeStruct((batch, _K), jnp.int32),
        ],
    )(x, seeds_p, Wq)


def _sc_body(seeds_hbm, idx_hbm, attn_hbm, field_hbm,
             seeds_v, idx_v, attn_v, out_v):
    wid = lax.axis_index("s") * 2 + lax.axis_index("c")
    base = wid * _BPW
    pltpu.sync_copy(seeds_hbm, seeds_v)
    pltpu.sync_copy(idx_hbm.at[:, pl.ds(base, _BPW)], idx_v)
    pltpu.sync_copy(attn_hbm.at[:, pl.ds(base, _BPW)], attn_v)
    lane = lax.iota(jnp.int32, 16)

    for half in range(2):
        for g in range(_HALF // 16):
            rowb = g * 16
            srcb = half * _HALF + rowb
            ivs = [idx_v[k, srcb:srcb + 16] for k in range(_K)]
            avs = [attn_v[k, srcb:srcb + 16] for k in range(_K)]
            rowv = lane + rowb

            def col_body(c, carry2, ivs=ivs, avs=avs, rowv=rowv):
                csplat = jnp.full((16,), c, jnp.int32)
                acc = jnp.zeros((16,), jnp.float32)
                for k in range(_K):
                    sv = plsc.load_gather(seeds_v, [ivs[k], csplat])
                    acc = acc + avs[k] * sv
                plsc.store_scatter(out_v, [rowv, csplat], acc)
                return carry2

            lax.fori_loop(0, _D, col_body, 0)

        pltpu.sync_copy(
            out_v, field_hbm.at[pl.ds(base + half * _HALF, _HALF)])


def _sc_stage(seeds, idx, attn):
    batch = idx.shape[0]
    mesh = plsc.VectorSubcoreMesh(core_axis_name="c", subcore_axis_name="s")
    run = functools.partial(
        pl.kernel,
        mesh=mesh,
        compiler_params=pltpu.CompilerParams(needs_layout_passes=False),
        out_type=jax.ShapeDtypeStruct((batch, _D), jnp.float32),
        scratch_types=[
            pltpu.VMEM((_NSEEDS, _D), jnp.float32),
            pltpu.VMEM((_K, _BPW), jnp.int32),
            pltpu.VMEM((_K, _BPW), jnp.float32),
            pltpu.VMEM((_HALF, _D), jnp.float32),
        ],
    )(_sc_body)
    return run(seeds, idx.T.copy(), attn.T.copy())


def kernel(x, seeds, Wq):
    seeds_p = jnp.zeros((_NPAD, _D), jnp.float32).at[:_NSEEDS].set(seeds)
    attn, idx = _tc_stage(x, seeds_p, Wq)
    field = _sc_stage(seeds, idx, attn)
    return (field, attn)

# --- scband reference (transcript-rebuilt; emitter-appended) ---
"""Pipeline reference for scband-chitta-encoder-17918603559310 (READ-ONLY COPY).

The authoritative reference and input builder live on the scoring server;
editing this copy changes nothing except your own understanding.
"""

import math
import jax, jax.numpy as jnp
import numpy as np

D_MODEL = 128
N_SEEDS = 500
TOP_K = 4
BATCH = 16384


def setup_inputs(seed: int = 0) -> dict:
    key = jax.random.key(seed)
    k_x, k_seeds, k_w = jax.random.split(key, 3)
    x = jax.random.normal(k_x, (BATCH, D_MODEL), dtype=jnp.float32)
    seeds = jax.random.normal(k_seeds, (N_SEEDS, D_MODEL), dtype=jnp.float32) * 0.02
    # nn.Linear(d_model, d_model, bias=False) weight: [out, in]
    bound = 1.0 / math.sqrt(D_MODEL)
    Wq = jax.random.uniform(k_w, (D_MODEL, D_MODEL), dtype=jnp.float32, minval=-bound, maxval=bound)
    return {"x": x, "seeds": seeds, "Wq": Wq}


def reference(x, seeds, Wq):
    # q = self.query_proj(x)
    q = x @ Wq.T
    # scores = q @ seeds.T / sqrt(d_model)
    scores = (q @ seeds.T) / math.sqrt(D_MODEL)
    # top-k over seed dimension
    top_scores, top_idx = jax.lax.top_k(scores, TOP_K)
    attn = jax.nn.softmax(top_scores, axis=-1)
    # gather selected seeds: [B, k, d_model]
    seeds_k = jnp.take(seeds, top_idx, axis=0)
    # weighted sum over k -> [B, d_model]
    field = jnp.sum(attn[..., None] * seeds_k, axis=1)
    return (field, attn)

if __name__ == "__main__":
    import jax
    _d = setup_inputs()
    print(jax.jit(kernel)(*tuple(_d.values())))

</pallas_src>

<mosaic_0001>
#map = affine_map<(d0, d1) -> (0, 0)>
module attributes {stable_mosaic.version = 14 : i64} {
  func.func @_sc_body(%arg0: i32, %arg1: i32, %arg2: memref<500x128xf32, #tpu.memory_space<hbm>>, %arg3: memref<4x16384xi32, #tpu.memory_space<hbm>>, %arg4: memref<4x16384xf32, #tpu.memory_space<hbm>>, %arg5: memref<16384x128xf32, #tpu.memory_space<hbm>>, %arg6: memref<500x128xf32, #tpu.memory_space<vmem>>, %arg7: memref<4x512xi32, #tpu.memory_space<vmem>>, %arg8: memref<4x512xf32, #tpu.memory_space<vmem>>, %arg9: memref<256x128xf32, #tpu.memory_space<vmem>>) attributes {dimension_semantics = [#tpu.dimension_semantics<core_parallel>, #tpu.dimension_semantics<subcore_parallel>], iteration_bounds = array<i64: 2, 16>, scalar_prefetch = 0 : i64, scratch_operands = 4 : i64, tpu.core_type = #tpu.core_type<sc_vector_subcore>, window_params = [{transform_indices = #map}, {transform_indices = #map}, {transform_indices = #map}, {transform_indices = #map}]} {
    %mul3A = arith.constant 2 : i32
    %mul3A_0 = arith.muli %arg1, %mul3A : i32
    %add3A = arith.addi %mul3A_0, %arg0 : i32
    %mul3A_1 = arith.constant 512 : i32
    %mul3A_2 = arith.muli %add3A, %mul3A_1 : i32
    "tpu.region"() ({
      %run_scoped3A = tpu.sem_alloc : memref<!tpu.dma_semaphore, #tpu.memory_space<semaphore_mem>>
      tpu.enqueue_dma source(%arg2 : memref<500x128xf32, #tpu.memory_space<hbm>>) target(%arg6 : memref<500x128xf32, #tpu.memory_space<vmem>>) target_semaphore(%run_scoped3A : memref<!tpu.dma_semaphore, #tpu.memory_space<semaphore_mem>>)
      tpu.wait_dma2 semaphore(%run_scoped3A : memref<!tpu.dma_semaphore, #tpu.memory_space<semaphore_mem>>) src(%arg2 : memref<500x128xf32, #tpu.memory_space<hbm>>) dst(%arg6 : memref<500x128xf32, #tpu.memory_space<vmem>>)
      tpu.yield
    }) : () -> ()
    "tpu.region"() ({
      %run_scoped3A = tpu.sem_alloc : memref<!tpu.dma_semaphore, #tpu.memory_space<semaphore_mem>>
      %dma_start3A = arith.constant 0 : i32
      %dma_start3A_1317 = tpu.memref_slice %arg3[%dma_start3A, %mul3A_2] : memref<4x16384xi32, #tpu.memory_space<hbm>> -> memref<4x512xi32, #tpu.memory_space<hbm>>
      %dma_start3A_1318 = arith.constant 0 : i32
      %dma_start3A_1319 = tpu.memref_slice %arg3[%dma_start3A_1318, %mul3A_2] : memref<4x16384xi32, #tpu.memory_space<hbm>> -> memref<4x512xi32, #tpu.memory_space<hbm>>
      tpu.enqueue_dma source(%dma_start3A_1319 : memref<4x512xi32, #tpu.memory_space<hbm>>) target(%arg7 : memref<4x512xi32, #tpu.memory_space<vmem>>) target_semaphore(%run_scoped3A : memref<!tpu.dma_semaphore, #tpu.memory_space<semaphore_mem>>)
      %dma_wait3A = arith.constant 0 : i32
      %dma_wait3A_1320 = tpu.memref_slice %arg3[%dma_wait3A, %mul3A_2] : memref<4x16384xi32, #tpu.memory_space<hbm>> -> memref<4x512xi32, #tpu.memory_space<hbm>>
      %dma_wait3A_1321 = arith.constant 0 : i32
      %dma_wait3A_1322 = tpu.memref_slice %arg3[%dma_wait3A_1321, %mul3A_2] : memref<4x16384xi32, #tpu.memory_space<hbm>> -> memref<4x512xi32, #tpu.memory_space<hbm>>
      tpu.wait_dma2 semaphore(%run_scoped3A : memref<!tpu.dma_semaphore, #tpu.memory_space<semaphore_mem>>) src(%dma_wait3A_1322 : memref<4x512xi32, #tpu.memory_space<hbm>>) dst(%arg7 : memref<4x512xi32, #tpu.memory_space<vmem>>)
      tpu.yield
    }) : () -> ()
    "tpu.region"() ({
      %run_scoped3A = tpu.sem_alloc : memref<!tpu.dma_semaphore, #tpu.memory_space<semaphore_mem>>
      %dma_start3A = arith.constant 0 : i32
      %dma_start3A_1317 = tpu.memref_slice %arg4[%dma_start3A, %mul3A_2] : memref<4x16384xf32, #tpu.memory_space<hbm>> -> memref<4x512xf32, #tpu.memory_space<hbm>>
      %dma_start3A_1318 = arith.constant 0 : i32
      %dma_start3A_1319 = tpu.memref_slice %arg4[%dma_start3A_1318, %mul3A_2] : memref<4x16384xf32, #tpu.memory_space<hbm>> -> memref<4x512xf32, #tpu.memory_space<hbm>>
      tpu.enqueue_dma source(%dma_start3A_1319 : memref<4x512xf32, #tpu.memory_space<hbm>>) target(%arg8 : memref<4x512xf32, #tpu.memory_space<vmem>>) target_semaphore(%run_scoped3A : memref<!tpu.dma_semaphore, #tpu.memory_space<semaphore_mem>>)
      %dma_wait3A = arith.constant 0 : i32
      %dma_wait3A_1320 = tpu.memref_slice %arg4[%dma_wait3A, %mul3A_2] : memref<4x16384xf32, #tpu.memory_space<hbm>> -> memref<4x512xf32, #tpu.memory_space<hbm>>
      %dma_wait3A_1321 = arith.constant 0 : i32
      %dma_wait3A_1322 = tpu.memref_slice %arg4[%dma_wait3A_1321, %mul3A_2] : memref<4x16384xf32, #tpu.memory_space<hbm>> -> memref<4x512xf32, #tpu.memory_space<hbm>>
      tpu.wait_dma2 semaphore(%run_scoped3A : memref<!tpu.dma_semaphore, #tpu.memory_space<semaphore_mem>>) src(%dma_wait3A_1322 : memref<4x512xf32, #tpu.memory_space<hbm>>) dst(%arg8 : memref<4x512xf32, #tpu.memory_space<vmem>>)
      tpu.yield
    }) : () -> ()
    %iota3A = tpu.iota {dimensions = array<i32: 0>} : vector<16xi32>
    %get3A = arith.constant 0 : i32
    %get3A_3 = arith.index_cast %get3A : i32 to index
    %get3A_4 = arith.constant 0 : index
    %get3A_5 = tpu.vector_load %arg7[%get3A_3, %get3A_4] {strides = array<i32>} : memref<4x512xi32, #tpu.memory_space<vmem>>, vector<16xi32>,
    %get3A_6 = arith.constant 1 : i32
    %get3A_7 = arith.index_cast %get3A_6 : i32 to index
    %get3A_8 = arith.constant 0 : index
    %get3A_9 = tpu.vector_load %arg7[%get3A_7, %get3A_8] {strides = array<i32>} : memref<4x512xi32, #tpu.memory_space<vmem>>, vector<16xi32>,
    %get3A_10 = arith.constant 2 : i32
    %get3A_11 = arith.index_cast %get3A_10 : i32 to index
    %get3A_12 = arith.constant 0 : index
    %get3A_13 = tpu.vector_load %arg7[%get3A_11, %get3A_12] {strides = array<i32>} : memref<4x512xi32, #tpu.memory_space<vmem>>, vector<16xi32>,
    %get3A_14 = arith.constant 3 : i32
    %get3A_15 = arith.index_cast %get3A_14 : i32 to index
    %get3A_16 = arith.constant 0 : index
    %get3A_17 = tpu.vector_load %arg7[%get3A_15, %get3A_16] {strides = array<i32>} : memref<4x512xi32, #tpu.memory_space<vmem>>, vector<16xi32>,
    %get3A_18 = arith.constant 0 : i32
    %get3A_19 = arith.index_cast %get3A_18 : i32 to index
    %get3A_20 = arith.constant 0 : index
    %get3A_21 = tpu.vector_load %arg8[%get3A_19, %get3A_20] {strides = array<i32>} : memref<4x512xf32, #tpu.memory_space<vmem>>, vector<16xf32>,
    %get3A_22 = arith.constant 1 : i32
    %get3A_23 = arith.index_cast %get3A_22 : i32 to index
    %get3A_24 = arith.constant 0 : index
    %get3A_25 = tpu.vector_load %arg8[%get3A_23, %get3A_24] {strides = array<i32>} : memref<4x512xf32, #tpu.memory_space<vmem>>, vector<16xf32>,
    %get3A_26 = arith.constant 2 : i32
    %get3A_27 = arith.index_cast %get3A_26 : i32 to index
    %get3A_28 = arith.constant 0 : index
    %get3A_29 = tpu.vector_load %arg8[%get3A_27, %get3A_28] {strides = array<i32>} : memref<4x512xf32, #tpu.memory_space<vmem>>, vector<16xf32>,
    %get3A_30 = arith.constant 3 : i32
    %get3A_31 = arith.index_cast %get3A_30 : i32 to index
    %get3A_32 = arith.constant 0 : index
    %get3A_33 = tpu.vector_load %arg8[%get3A_31, %get3A_32] {strides = array<i32>} : memref<4x512xf32, #tpu.memory_space<vmem>>, vector<16xf32>,
    %add3A_34 = arith.constant 0 : i32
    %add3A_35 = vector.broadcast %add3A_34 : i32 to vector<16xi32>
    %add3A_36 = arith.addi %iota3A, %add3A_35 : vector<16xi32>
    %scan3A = arith.constant 0 : i32
    %scan3A_37 = arith.constant 0 : i32
    %scan3A_38 = arith.constant 128 : i32
    %scan3A_39 = arith.addi %scan3A_37, %scan3A_38 : i32
    %scan3A_40 = arith.constant 1 : i32
    scf.for %scan3A_1317 = %scan3A_37 to %scan3A_39 step %scan3A_40  : i32 {
      %broadcast_in_dim3A = vector.broadcast %scan3A_1317 : i32 to vector<16xi32>
      %broadcast_in_dim3A_1318 = arith.constant 0.000000e+00 : f32
      %broadcast_in_dim3A_1319 = vector.broadcast %broadcast_in_dim3A_1318 : f32 to vector<16xf32>
      %gather3A = tpu.vector_load_idx %arg6[%get3A_5, %broadcast_in_dim3A] : memref<500x128xf32, #tpu.memory_space<vmem>>[vector<16xi32>, vector<16xi32>], vector<16xf32>,
      %mul3A_1320 = arith.mulf %get3A_21, %gather3A : vector<16xf32>
      %add3A_1321 = arith.addf %broadcast_in_dim3A_1319, %mul3A_1320 : vector<16xf32>
      %gather3A_1322 = tpu.vector_load_idx %arg6[%get3A_9, %broadcast_in_dim3A] : memref<500x128xf32, #tpu.memory_space<vmem>>[vector<16xi32>, vector<16xi32>], vector<16xf32>,
      %mul3A_1323 = arith.mulf %get3A_25, %gather3A_1322 : vector<16xf32>
      %add3A_1324 = arith.addf %add3A_1321, %mul3A_1323 : vector<16xf32>
      %gather3A_1325 = tpu.vector_load_idx %arg6[%get3A_13, %broadcast_in_dim3A] : memref<500x128xf32, #tpu.memory_space<vmem>>[vector<16xi32>, vector<16xi32>], vector<16xf32>,
      %mul3A_1326 = arith.mulf %get3A_29, %gather3A_1325 : vector<16xf32>
      %add3A_1327 = arith.addf %add3A_1324, %mul3A_1326 : vector<16xf32>
      %gather3A_1328 = tpu.vector_load_idx %arg6[%get3A_17, %broadcast_in_dim3A] : memref<500x128xf32, #tpu.memory_space<vmem>>[vector<16xi32>, vector<16xi32>], vector<16xf32>,
      %mul3A_1329 = arith.mulf %get3A_33, %gather3A_1328 : vector<16xf32>
      %add3A_1330 = arith.addf %add3A_1327, %mul3A_1329 : vector<16xf32>
      tpu.vector_store_idx %arg9[%add3A_36, %broadcast_in_dim3A], %add3A_1330 : memref<256x128xf32, #tpu.memory_space<vmem>>[vector<16xi32>, vector<16xi32>], vector<16xf32>,
    }
    %scan3A_41 = arith.constant 128 : i32
    %get3A_42 = arith.constant 0 : i32
    %get3A_43 = arith.index_cast %get3A_42 : i32 to index
    %get3A_44 = arith.constant 16 : index
    %get3A_45 = tpu.vector_load %arg7[%get3A_43, %get3A_44] {strides = array<i32>} : memref<4x512xi32, #tpu.memory_space<vmem>>, vector<16xi32>,
    %get3A_46 = arith.constant 1 : i32
    %get3A_47 = arith.index_cast %get3A_46 : i32 to index
    %get3A_48 = arith.constant 16 : index
    %get3A_49 = tpu.vector_load %arg7[%get3A_47, %get3A_48] {strides = array<i32>} : memref<4x512xi32, #tpu.memory_space<vmem>>, vector<16xi32>,
    %get3A_50 = arith.constant 2 : i32
    %get3A_51 = arith.index_cast %get3A_50 : i32 to index
    %get3A_52 = arith.constant 16 : index
    %get3A_53 = tpu.vector_load %arg7[%get3A_51, %get3A_52] {strides = array<i32>} : memref<4x512xi32, #tpu.memory_space<vmem>>, vector<16xi32>,
    %get3A_54 = arith.constant 3 : i32
    %get3A_55 = arith.index_cast %get3A_54 : i32 to index
    %get3A_56 = arith.constant 16 : index
    %get3A_57 = tpu.vector_load %arg7[%get3A_55, %get3A_56] {strides = array<i32>} : memref<4x512xi32, #tpu.memory_space<vmem>>, vector<16xi32>,
    %get3A_58 = arith.constant 0 : i32
    %get3A_59 = arith.index_cast %get3A_58 : i32 to index
    %get3A_60 = arith.constant 16 : index
    %get3A_61 = tpu.vector_load %arg8[%get3A_59, %get3A_60] {strides = array<i32>} : memref<4x512xf32, #tpu.memory_space<vmem>>, vector<16xf32>,
    %get3A_62 = arith.constant 1 : i32
    %get3A_63 = arith.index_cast %get3A_62 : i32 to index
    %get3A_64 = arith.constant 16 : index
    %get3A_65 = tpu.vector_load %arg8[%get3A_63, %get3A_64] {strides = array<i32>} : memref<4x512xf32, #tpu.memory_space<vmem>>, vector<16xf32>,
    %get3A_66 = arith.constant 2 : i32
    %get3A_67 = arith.index_cast %get3A_66 : i32 to index
    %get3A_68 = arith.constant 16 : index
    %get3A_69 = tpu.vector_load %arg8[%get3A_67, %get3A_68] {strides = array<i32>} : memref<4x512xf32, #tpu.memory_space<vmem>>, vector<16xf32>,
    %get3A_70 = arith.constant 3 : i32
    %get3A_71 = arith.index_cast %get3A_70 : i32 to index
    %get3A_72 = arith.constant 16 : index
    %get3A_73 = tpu.vector_load %arg8[%get3A_71, %get3A_72] {strides = array<i32>} : memref<4x512xf32, #tpu.memory_space<vmem>>, vector<16xf32>,
    %add3A_74 = arith.constant 16 : i32
    %add3A_75 = vector.broadcast %add3A_74 : i32 to vector<16xi32>
    %add3A_76 = arith.addi %iota3A, %add3A_75 : vector<16xi32>
    %scan3A_77 = arith.constant 0 : i32
    %scan3A_78 = arith.constant 0 : i32
    %scan3A_79 = arith.constant 128 : i32
    %scan3A_80 = arith.addi %scan3A_78, %scan3A_79 : i32
    %scan3A_81 = arith.constant 1 : i32
    scf.for %scan3A_1317 = %scan3A_78 to %scan3A_80 step %scan3A_81  : i32 {
      %broadcast_in_dim3A = vector.broadcast %scan3A_1317 : i32 to vector<16xi32>
      %broadcast_in_dim3A_1318 = arith.constant 0.000000e+00 : f32
      %broadcast_in_dim3A_1319 = vector.broadcast %broadcast_in_dim3A_1318 : f32 to vector<16xf32>
      %gather3A = tpu.vector_load_idx %arg6[%get3A_45, %broadcast_in_dim3A] : memref<500x128xf32, #tpu.memory_space<vmem>>[vector<16xi32>, vector<16xi32>], vector<16xf32>,
      %mul3A_1320 = arith.mulf %get3A_61, %gather3A : vector<16xf32>
      %add3A_1321 = arith.addf %broadcast_in_dim3A_1319, %mul3A_1320 : vector<16xf32>
      %gather3A_1322 = tpu.vector_load_idx %arg6[%get3A_49, %broadcast_in_dim3A] : memref<500x128xf32, #tpu.memory_space<vmem>>[vector<16xi32>, vector<16xi32>], vector<16xf32>,
      %mul3A_1323 = arith.mulf %get3A_65, %gather3A_1322 : vector<16xf32>
      %add3A_1324 = arith.addf %add3A_1321, %mul3A_1323 : vector<16xf32>
      %gather3A_1325 = tpu.vector_load_idx %arg6[%get3A_53, %broadcast_in_dim3A] : memref<500x128xf32, #tpu.memory_space<vmem>>[vector<16xi32>, vector<16xi32>], vector<16xf32>,
      %mul3A_1326 = arith.mulf %get3A_69, %gather3A_1325 : vector<16xf32>
      %add3A_1327 = arith.addf %add3A_1324, %mul3A_1326 : vector<16xf32>
      %gather3A_1328 = tpu.vector_load_idx %arg6[%get3A_57, %broadcast_in_dim3A] : memref<500x128xf32, #tpu.memory_space<vmem>>[vector<16xi32>, vector<16xi32>], vector<16xf32>,
      %mul3A_1329 = arith.mulf %get3A_73, %gather3A_1328 : vector<16xf32>
      %add3A_1330 = arith.addf %add3A_1327, %mul3A_1329 : vector<16xf32>
      tpu.vector_store_idx %arg9[%add3A_76, %broadcast_in_dim3A], %add3A_1330 : memref<256x128xf32, #tpu.memory_space<vmem>>[vector<16xi32>, vector<16xi32>], vector<16xf32>,
    }
    %scan3A_82 = arith.constant 128 : i32
    %get3A_83 = arith.constant 0 : i32
    %get3A_84 = arith.index_cast %get3A_83 : i32 to index
    %get3A_85 = arith.constant 32 : index
    %get3A_86 = tpu.vector_load %arg7[%get3A_84, %get3A_85] {strides = array<i32>} : memref<4x512xi32, #tpu.memory_space<vmem>>, vector<16xi32>,
    %get3A_87 = arith.constant 1 : i32
    %get3A_88 = arith.index_cast %get3A_87 : i32 to index
    %get3A_89 = arith.constant 32 : index
    %get3A_90 = tpu.vector_load %arg7[%get3A_88, %get3A_89] {strides = array<i32>} : memref<4x512xi32, #tpu.memory_space<vmem>>, vector<16xi32>,
    %get3A_91 = arith.constant 2 : i32
    %get3A_92 = arith.index_cast %get3A_91 : i32 to index
    %get3A_93 = arith.constant 32 : index
    %get3A_94 = tpu.vector_load %arg7[%get3A_92, %get3A_93] {strides = array<i32>} : memref<4x512xi32, #tpu.memory_space<vmem>>, vector<16xi32>,
    %get3A_95 = arith.constant 3 : i32
    %get3A_96 = arith.index_cast %get3A_95 : i32 to index
    %get3A_97 = arith.constant 32 : index
    %get3A_98 = tpu.vector_load %arg7[%get3A_96, %get3A_97] {strides = array<i32>} : memref<4x512xi32, #tpu.memory_space<vmem>>, vector<16xi32>,
    %get3A_99 = arith.constant 0 : i32
    %get3A_100 = arith.index_cast %get3A_99 : i32 to index
    %get3A_101 = arith.constant 32 : index
    %get3A_102 = tpu.vector_load %arg8[%get3A_100, %get3A_101] {strides = array<i32>} : memref<4x512xf32, #tpu.memory_space<vmem>>, vector<16xf32>,
    %get3A_103 = arith.constant 1 : i32
    %get3A_104 = arith.index_cast %get3A_103 : i32 to index
    %get3A_105 = arith.constant 32 : index
    %get3A_106 = tpu.vector_load %arg8[%get3A_104, %get3A_105] {strides = array<i32>} : memref<4x512xf32, #tpu.memory_space<vmem>>, vector<16xf32>,
    %get3A_107 = arith.constant 2 : i32
    %get3A_108 = arith.index_cast %get3A_107 : i32 to index
    %get3A_109 = arith.constant 32 : index
    %get3A_110 = tpu.vector_load %arg8[%get3A_108, %get3A_109] {strides = array<i32>} : memref<4x512xf32, #tpu.memory_space<vmem>>, vector<16xf32>,
    %get3A_111 = arith.constant 3 : i32
    %get3A_112 = arith.index_cast %get3A_111 : i32 to index
    %get3A_113 = arith.constant 32 : index
    %get3A_114 = tpu.vector_load %arg8[%get3A_112, %get3A_113] {strides = array<i32>} : memref<4x512xf32, #tpu.memory_space<vmem>>, vector<16xf32>,
    %add3A_115 = arith.constant 32 : i32
    %add3A_116 = vector.broadcast %add3A_115 : i32 to vector<16xi32>
    %add3A_117 = arith.addi %iota3A, %add3A_116 : vector<16xi32>
    %scan3A_118 = arith.constant 0 : i32
    %scan3A_119 = arith.constant 0 : i32
    %scan3A_120 = arith.constant 128 : i32
    %scan3A_121 = arith.addi %scan3A_119, %scan3A_120 : i32
    %scan3A_122 = arith.constant 1 : i32
    scf.for %scan3A_1317 = %scan3A_119 to %scan3A_121 step %scan3A_122  : i32 {
      %broadcast_in_dim3A = vector.broadcast %scan3A_1317 : i32 to vector<16xi32>
      %broadcast_in_dim3A_1318 = arith.constant 0.000000e+00 : f32
      %broadcast_in_dim3A_1319 = vector.broadcast %broadcast_in_dim3A_1318 : f32 to vector<16xf32>
      %gather3A = tpu.vector_load_idx %arg6[%get3A_86, %broadcast_in_dim3A] : memref<500x128xf32, #tpu.memory_space<vmem>>[vector<16xi32>, vector<16xi32>], vector<16xf32>,
      %mul3A_1320 = arith.mulf %get3A_102, %gather3A : vector<16xf32>
      %add3A_1321 = arith.addf %broadcast_in_dim3A_1319, %mul3A_1320 : vector<16xf32>
      %gather3A_1322 = tpu.vector_load_idx %arg6[%get3A_90, %broadcast_in_dim3A] : memref<500x128xf32, #tpu.memory_space<vmem>>[vector<16xi32>, vector<16xi32>], vector<16xf32>,
      %mul3A_1323 = arith.mulf %get3A_106, %gather3A_1322 : vector<16xf32>
      %add3A_1324 = arith.addf %add3A_1321, %mul3A_1323 : vector<16xf32>
      %gather3A_1325 = tpu.vector_load_idx %arg6[%get3A_94, %broadcast_in_dim3A] : memref<500x128xf32, #tpu.memory_space<vmem>>[vector<16xi32>, vector<16xi32>], vector<16xf32>,
      %mul3A_1326 = arith.mulf %get3A_110, %gather3A_1325 : vector<16xf32>
      %add3A_1327 = arith.addf %add3A_1324, %mul3A_1326 : vector<16xf32>
      %gather3A_1328 = tpu.vector_load_idx %arg6[%get3A_98, %broadcast_in_dim3A] : memref<500x128xf32, #tpu.memory_space<vmem>>[vector<16xi32>, vector<16xi32>], vector<16xf32>,
      %mul3A_1329 = arith.mulf %get3A_114, %gather3A_1328 : vector<16xf32>
      %add3A_1330 = arith.addf %add3A_1327, %mul3A_1329 : vector<16xf32>
      tpu.vector_store_idx %arg9[%add3A_117, %broadcast_in_dim3A], %add3A_1330 : memref<256x128xf32, #tpu.memory_space<vmem>>[vector<16xi32>, vector<16xi32>], vector<16xf32>,
    }
    %scan3A_123 = arith.constant 128 : i32
    %get3A_124 = arith.constant 0 : i32
    %get3A_125 = arith.index_cast %get3A_124 : i32 to index
    %get3A_126 = arith.constant 48 : index
    %get3A_127 = tpu.vector_load %arg7[%get3A_125, %get3A_126] {strides = array<i32>} : memref<4x512xi32, #tpu.memory_space<vmem>>, vector<16xi32>,
    %get3A_128 = arith.constant 1 : i32
    %get3A_129 = arith.index_cast %get3A_128 : i32 to index
    %get3A_130 = arith.constant 48 : index
    %get3A_131 = tpu.vector_load %arg7[%get3A_129, %get3A_130] {strides = array<i32>} : memref<4x512xi32, #tpu.memory_space<vmem>>, vector<16xi32>,
    %get3A_132 = arith.constant 2 : i32
    %get3A_133 = arith.index_cast %get3A_132 : i32 to index
    %get3A_134 = arith.constant 48 : index
    %get3A_135 = tpu.vector_load %arg7[%get3A_133, %get3A_134] {strides = array<i32>} : memref<4x512xi32, #tpu.memory_space<vmem>>, vector<16xi32>,
    %get3A_136 = arith.constant 3 : i32
    %get3A_137 = arith.index_cast %get3A_136 : i32 to index
    %get3A_138 = arith.constant 48 : index
    %get3A_139 = tpu.vector_load %arg7[%get3A_137, %get3A_138] {strides = array<i32>} : memref<4x512xi32, #tpu.memory_space<vmem>>, vector<16xi32>,
    %get3A_140 = arith.constant 0 : i32
    %get3A_141 = arith.index_cast %get3A_140 : i32 to index
    %get3A_142 = arith.constant 48 : index
    %get3A_143 = tpu.vector_load %arg8[%get3A_141, %get3A_142] {strides = array<i32>} : memref<4x512xf32, #tpu.memory_space<vmem>>, vector<16xf32>,
    %get3A_144 = arith.constant 1 : i32
    %get3A_145 = arith.index_cast %get3A_144 : i32 to index
    %get3A_146 = arith.constant 48 : index
    %get3A_147 = tpu.vector_load %arg8[%get3A_145, %get3A_146] {strides = array<i32>} : memref<4x512xf32, #tpu.memory_space<vmem>>, vector<16xf32>,
    %get3A_148 = arith.constant 2 : i32
    %get3A_149 = arith.index_cast %get3A_148 : i32 to index
    %get3A_150 = arith.constant 48 : index
    %get3A_151 = tpu.vector_load %arg8[%get3A_149, %get3A_150] {strides = array<i32>} : memref<4x512xf32, #tpu.memory_space<vmem>>, vector<16xf32>,
    %get3A_152 = arith.constant 3 : i32
    %get3A_153 = arith.index_cast %get3A_152 : i32 to index
    %get3A_154 = arith.constant 48 : index
    %get3A_155 = tpu.vector_load %arg8[%get3A_153, %get3A_154] {strides = array<i32>} : memref<4x512xf32, #tpu.memory_space<vmem>>, vector<16xf32>,
    %add3A_156 = arith.constant 48 : i32
    %add3A_157 = vector.broadcast %add3A_156 : i32 to vector<16xi32>
    %add3A_158 = arith.addi %iota3A, %add3A_157 : vector<16xi32>
    %scan3A_159 = arith.constant 0 : i32
    %scan3A_160 = arith.constant 0 : i32
    %scan3A_161 = arith.constant 128 : i32
    %scan3A_162 = arith.addi %scan3A_160, %scan3A_161 : i32
    %scan3A_163 = arith.constant 1 : i32
    scf.for %scan3A_1317 = %scan3A_160 to %scan3A_162 step %scan3A_163  : i32 {
      %broadcast_in_dim3A = vector.broadcast %scan3A_1317 : i32 to vector<16xi32>
      %broadcast_in_dim3A_1318 = arith.constant 0.000000e+00 : f32
      %broadcast_in_dim3A_1319 = vector.broadcast %broadcast_in_dim3A_1318 : f32 to vector<16xf32>
      %gather3A = tpu.vector_load_idx %arg6[%get3A_127, %broadcast_in_dim3A] : memref<500x128xf32, #tpu.memory_space<vmem>>[vector<16xi32>, vector<16xi32>], vector<16xf32>,
      %mul3A_1320 = arith.mulf %get3A_143, %gather3A : vector<16xf32>
      %add3A_1321 = arith.addf %broadcast_in_dim3A_1319, %mul3A_1320 : vector<16xf32>
      %gather3A_1322 = tpu.vector_load_idx %arg6[%get3A_131, %broadcast_in_dim3A] : memref<500x128xf32, #tpu.memory_space<vmem>>[vector<16xi32>, vector<16xi32>], vector<16xf32>,
      %mul3A_1323 = arith.mulf %get3A_147, %gather3A_1322 : vector<16xf32>
      %add3A_1324 = arith.addf %add3A_1321, %mul3A_1323 : vector<16xf32>
      %gather3A_1325 = tpu.vector_load_idx %arg6[%get3A_135, %broadcast_in_dim3A] : memref<500x128xf32, #tpu.memory_space<vmem>>[vector<16xi32>, vector<16xi32>], vector<16xf32>,
      %mul3A_1326 = arith.mulf %get3A_151, %gather3A_1325 : vector<16xf32>
      %add3A_1327 = arith.addf %add3A_1324, %mul3A_1326 : vector<16xf32>
      %gather3A_1328 = tpu.vector_load_idx %arg6[%get3A_139, %broadcast_in_dim3A] : memref<500x128xf32, #tpu.memory_space<vmem>>[vector<16xi32>, vector<16xi32>], vector<16xf32>,
      %mul3A_1329 = arith.mulf %get3A_155, %gather3A_1328 : vector<16xf32>
      %add3A_1330 = arith.addf %add3A_1327, %mul3A_1329 : vector<16xf32>
      tpu.vector_store_idx %arg9[%add3A_158, %broadcast_in_dim3A], %add3A_1330 : memref<256x128xf32, #tpu.memory_space<vmem>>[vector<16xi32>, vector<16xi32>], vector<16xf32>,
    }
    %scan3A_164 = arith.constant 128 : i32
    %get3A_165 = arith.constant 0 : i32
    %get3A_166 = arith.index_cast %get3A_165 : i32 to index
    %get3A_167 = arith.constant 64 : index
    %get3A_168 = tpu.vector_load %arg7[%get3A_166, %get3A_167] {strides = array<i32>} : memref<4x512xi32, #tpu.memory_space<vmem>>, vector<16xi32>,
    %get3A_169 = arith.constant 1 : i32
    %get3A_170 = arith.index_cast %get3A_169 : i32 to index
    %get3A_171 = arith.constant 64 : index
    %get3A_172 = tpu.vector_load %arg7[%get3A_170, %get3A_171] {strides = array<i32>} : memref<4x512xi32, #tpu.memory_space<vmem>>, vector<16xi32>,
    %get3A_173 = arith.constant 2 : i32
    %get3A_174 = arith.index_cast %get3A_173 : i32 to index
    %get3A_175 = arith.constant 64 : index
    %get3A_176 = tpu.vector_load %arg7[%get3A_174, %get3A_175] {strides = array<i32>} : memref<4x512xi32, #tpu.memory_space<vmem>>, vector<16xi32>,
    %get3A_177 = arith.constant 3 : i32
    %get3A_178 = arith.index_cast %get3A_177 : i32 to index
    %get3A_179 = arith.constant 64 : index
    %get3A_180 = tpu.vector_load %arg7[%get3A_178, %get3A_179] {strides = array<i32>} : memref<4x512xi32, #tpu.memory_space<vmem>>, vector<16xi32>,
    %get3A_181 = arith.constant 0 : i32
    %get3A_182 = arith.index_cast %get3A_181 : i32 to index
    %get3A_183 = arith.constant 64 : index
    %get3A_184 = tpu.vector_load %arg8[%get3A_182, %get3A_183] {strides = array<i32>} : memref<4x512xf32, #tpu.memory_space<vmem>>, vector<16xf32>,
    %get3A_185 = arith.constant 1 : i32
    %get3A_186 = arith.index_cast %get3A_185 : i32 to index
    %get3A_187 = arith.constant 64 : index
    %get3A_188 = tpu.vector_load %arg8[%get3A_186, %get3A_187] {strides = array<i32>} : memref<4x512xf32, #tpu.memory_space<vmem>>, vector<16xf32>,
    %get3A_189 = arith.constant 2 : i32
    %get3A_190 = arith.index_cast %get3A_189 : i32 to index
    %get3A_191 = arith.constant 64 : index
    %get3A_192 = tpu.vector_load %arg8[%get3A_190, %get3A_191] {strides = array<i32>} : memref<4x512xf32, #tpu.memory_space<vmem>>, vector<16xf32>,
    %get3A_193 = arith.constant 3 : i32
    %get3A_194 = arith.index_cast %get3A_193 : i32 to index
    %get3A_195 = arith.constant 64 : index
    %get3A_196 = tpu.vector_load %arg8[%get3A_194, %get3A_195] {strides = array<i32>} : memref<4x512xf32, #tpu.memory_space<vmem>>, vector<16xf32>,
    %add3A_197 = arith.constant 64 : i32
    %add3A_198 = vector.broadcast %add3A_197 : i32 to vector<16xi32>
    %add3A_199 = arith.addi %iota3A, %add3A_198 : vector<16xi32>
    %scan3A_200 = arith.constant 0 : i32
    %scan3A_201 = arith.constant 0 : i32
    %scan3A_202 = arith.constant 128 : i32
    %scan3A_203 = arith.addi %scan3A_201, %scan3A_202 : i32
    %scan3A_204 = arith.constant 1 : i32
    scf.for %scan3A_1317 = %scan3A_201 to %scan3A_203 step %scan3A_204  : i32 {
      %broadcast_in_dim3A = vector.broadcast %scan3A_1317 : i32 to vector<16xi32>
      %broadcast_in_dim3A_1318 = arith.constant 0.000000e+00 : f32
      %broadcast_in_dim3A_1319 = vector.broadcast %broadcast_in_dim3A_1318 : f32 to vector<16xf32>
      %gather3A = tpu.vector_load_idx %arg6[%get3A_168, %broadcast_in_dim3A] : memref<500x128xf32, #tpu.memory_space<vmem>>[vector<16xi32>, vector<16xi32>], vector<16xf32>,
      %mul3A_1320 = arith.mulf %get3A_184, %gather3A : vector<16xf32>
      %add3A_1321 = arith.addf %broadcast_in_dim3A_1319, %mul3A_1320 : vector<16xf32>
      %gather3A_1322 = tpu.vector_load_idx %arg6[%get3A_172, %broadcast_in_dim3A] : memref<500x128xf32, #tpu.memory_space<vmem>>[vector<16xi32>, vector<16xi32>], vector<16xf32>,
      %mul3A_1323 = arith.mulf %get3A_188, %gather3A_1322 : vector<16xf32>
      %add3A_1324 = arith.addf %add3A_1321, %mul3A_1323 : vector<16xf32>
      %gather3A_1325 = tpu.vector_load_idx %arg6[%get3A_176, %broadcast_in_dim3A] : memref<500x128xf32, #tpu.memory_space<vmem>>[vector<16xi32>, vector<16xi32>], vector<16xf32>,
      %mul3A_1326 = arith.mulf %get3A_192, %gather3A_1325 : vector<16xf32>
      %add3A_1327 = arith.addf %add3A_1324, %mul3A_1326 : vector<16xf32>
      %gather3A_1328 = tpu.vector_load_idx %arg6[%get3A_180, %broadcast_in_dim3A] : memref<500x128xf32, #tpu.memory_space<vmem>>[vector<16xi32>, vector<16xi32>], vector<16xf32>,
      %mul3A_1329 = arith.mulf %get3A_196, %gather3A_1328 : vector<16xf32>
      %add3A_1330 = arith.addf %add3A_1327, %mul3A_1329 : vector<16xf32>
      tpu.vector_store_idx %arg9[%add3A_199, %broadcast_in_dim3A], %add3A_1330 : memref<256x128xf32, #tpu.memory_space<vmem>>[vector<16xi32>, vector<16xi32>], vector<16xf32>,
    }
    %scan3A_205 = arith.constant 128 : i32
    %get3A_206 = arith.constant 0 : i32
    %get3A_207 = arith.index_cast %get3A_206 : i32 to index
    %get3A_208 = arith.constant 80 : index
    %get3A_209 = tpu.vector_load %arg7[%get3A_207, %get3A_208] {strides = array<i32>} : memref<4x512xi32, #tpu.memory_space<vmem>>, vector<16xi32>,
    %get3A_210 = arith.constant 1 : i32
    %get3A_211 = arith.index_cast %get3A_210 : i32 to index
    %get3A_212 = arith.constant 80 : index
    %get3A_213 = tpu.vector_load %arg7[%get3A_211, %get3A_212] {strides = array<i32>} : memref<4x512xi32, #tpu.memory_space<vmem>>, vector<16xi32>,
    %get3A_214 = arith.constant 2 : i32
    %get3A_215 = arith.index_cast %get3A_214 : i32 to index
    %get3A_216 = arith.constant 80 : index
    %get3A_217 = tpu.vector_load %arg7[%get3A_215, %get3A_216] {strides = array<i32>} : memref<4x512xi32, #tpu.memory_space<vmem>>, vector<16xi32>,
    %get3A_218 = arith.constant 3 : i32
    %get3A_219 = arith.index_cast %get3A_218 : i32 to index
    %get3A_220 = arith.constant 80 : index
    %get3A_221 = tpu.vector_load %arg7[%get3A_219, %get3A_220] {strides = array<i32>} : memref<4x512xi32, #tpu.memory_space<vmem>>, vector<16xi32>,
    %get3A_222 = arith.constant 0 : i32
    %get3A_223 = arith.index_cast %get3A_222 : i32 to index
    %get3A_224 = arith.constant 80 : index
    %get3A_225 = tpu.vector_load %arg8[%get3A_223, %get3A_224] {strides = array<i32>} : memref<4x512xf32, #tpu.memory_space<vmem>>, vector<16xf32>,
    %get3A_226 = arith.constant 1 : i32
    %get3A_227 = arith.index_cast %get3A_226 : i32 to index
    %get3A_228 = arith.constant 80 : index
    %get3A_229 = tpu.vector_load %arg8[%get3A_227, %get3A_228] {strides = array<i32>} : memref<4x512xf32, #tpu.memory_space<vmem>>, vector<16xf32>,
    %get3A_230 = arith.constant 2 : i32
    %get3A_231 = arith.index_cast %get3A_230 : i32 to index
    %get3A_232 = arith.constant 80 : index
    %get3A_233 = tpu.vector_load %arg8[%get3A_231, %get3A_232] {strides = array<i32>} : memref<4x512xf32, #tpu.memory_space<vmem>>, vector<16xf32>,
    %get3A_234 = arith.constant 3 : i32
    %get3A_235 = arith.index_cast %get3A_234 : i32 to index
    %get3A_236 = arith.constant 80 : index
    %get3A_237 = tpu.vector_load %arg8[%get3A_235, %get3A_236] {strides = array<i32>} : memref<4x512xf32, #tpu.memory_space<vmem>>, vector<16xf32>,
    %add3A_238 = arith.constant 80 : i32
    %add3A_239 = vector.broadcast %add3A_238 : i32 to vector<16xi32>
    %add3A_240 = arith.addi %iota3A, %add3A_239 : vector<16xi32>
    %scan3A_241 = arith.constant 0 : i32
    %scan3A_242 = arith.constant 0 : i32
    %scan3A_243 = arith.constant 128 : i32
    %scan3A_244 = arith.addi %scan3A_242, %scan3A_243 : i32
    %scan3A_245 = arith.constant 1 : i32
    scf.for %scan3A_1317 = %scan3A_242 to %scan3A_244 step %scan3A_245  : i32 {
      %broadcast_in_dim3A = vector.broadcast %scan3A_1317 : i32 to vector<16xi32>
      %broadcast_in_dim3A_1318 = arith.constant 0.000000e+00 : f32
      %broadcast_in_dim3A_1319 = vector.broadcast %broadcast_in_dim3A_1318 : f32 to vector<16xf32>
      %gather3A = tpu.vector_load_idx %arg6[%get3A_209, %broadcast_in_dim3A] : memref<500x128xf32, #tpu.memory_space<vmem>>[vector<16xi32>, vector<16xi32>], vector<16xf32>,
      %mul3A_1320 = arith.mulf %get3A_225, %gather3A : vector<16xf32>
      %add3A_1321 = arith.addf %broadcast_in_dim3A_1319, %mul3A_1320 : vector<16xf32>
      %gather3A_1322 = tpu.vector_load_idx %arg6[%get3A_213, %broadcast_in_dim3A] : memref<500x128xf32, #tpu.memory_space<vmem>>[vector<16xi32>, vector<16xi32>], vector<16xf32>,
      %mul3A_1323 = arith.mulf %get3A_229, %gather3A_1322 : vector<16xf32>
      %add3A_1324 = arith.addf %add3A_1321, %mul3A_1323 : vector<16xf32>
      %gather3A_1325 = tpu.vector_load_idx %arg6[%get3A_217, %broadcast_in_dim3A] : memref<500x128xf32, #tpu.memory_space<vmem>>[vector<16xi32>, vector<16xi32>], vector<16xf32>,
      %mul3A_1326 = arith.mulf %get3A_233, %gather3A_1325 : vector<16xf32>
      %add3A_1327 = arith.addf %add3A_1324, %mul3A_1326 : vector<16xf32>
      %gather3A_1328 = tpu.vector_load_idx %arg6[%get3A_221, %broadcast_in_dim3A] : memref<500x128xf32, #tpu.memory_space<vmem>>[vector<16xi32>, vector<16xi32>], vector<16xf32>,
      %mul3A_1329 = arith.mulf %get3A_237, %gather3A_1328 : vector<16xf32>
      %add3A_1330 = arith.addf %add3A_1327, %mul3A_1329 : vector<16xf32>
      tpu.vector_store_idx %arg9[%add3A_240, %broadcast_in_dim3A], %add3A_1330 : memref<256x128xf32, #tpu.memory_space<vmem>>[vector<16xi32>, vector<16xi32>], vector<16xf32>,
    }
    %scan3A_246 = arith.constant 128 : i32
    %get3A_247 = arith.constant 0 : i32
    %get3A_248 = arith.index_cast %get3A_247 : i32 to index
    %get3A_249 = arith.constant 96 : index
    %get3A_250 = tpu.vector_load %arg7[%get3A_248, %get3A_249] {strides = array<i32>} : memref<4x512xi32, #tpu.memory_space<vmem>>, vector<16xi32>,
    %get3A_251 = arith.constant 1 : i32
    %get3A_252 = arith.index_cast %get3A_251 : i32 to index
    %get3A_253 = arith.constant 96 : index
    %get3A_254 = tpu.vector_load %arg7[%get3A_252, %get3A_253] {strides = array<i32>} : memref<4x512xi32, #tpu.memory_space<vmem>>, vector<16xi32>,
    %get3A_255 = arith.constant 2 : i32
    %get3A_256 = arith.index_cast %get3A_255 : i32 to index
    %get3A_257 = arith.constant 96 : index
    %get3A_258 = tpu.vector_load %arg7[%get3A_256, %get3A_257] {strides = array<i32>} : memref<4x512xi32, #tpu.memory_space<vmem>>, vector<16xi32>,
    %get3A_259 = arith.constant 3 : i32
    %get3A_260 = arith.index_cast %get3A_259 : i32 to index
    %get3A_261 = arith.constant 96 : index
    %get3A_262 = tpu.vector_load %arg7[%get3A_260, %get3A_261] {strides = array<i32>} : memref<4x512xi32, #tpu.memory_space<vmem>>, vector<16xi32>,
    %get3A_263 = arith.constant 0 : i32
    %get3A_264 = arith.index_cast %get3A_263 : i32 to index
    %get3A_265 = arith.constant 96 : index
    %get3A_266 = tpu.vector_load %arg8[%get3A_264, %get3A_265] {strides = array<i32>} : memref<4x512xf32, #tpu.memory_space<vmem>>, vector<16xf32>,
    %get3A_267 = arith.constant 1 : i32
    %get3A_268 = arith.index_cast %get3A_267 : i32 to index
    %get3A_269 = arith.constant 96 : index
    %get3A_270 = tpu.vector_load %arg8[%get3A_268, %get3A_269] {strides = array<i32>} : memref<4x512xf32, #tpu.memory_space<vmem>>, vector<16xf32>,
    %get3A_271 = arith.constant 2 : i32
    %get3A_272 = arith.index_cast %get3A_271 : i32 to index
    %get3A_273 = arith.constant 96 : index
    %get3A_274 = tpu.vector_load %arg8[%get3A_272, %get3A_273] {strides = array<i32>} : memref<4x512xf32, #tpu.memory_space<vmem>>, vector<16xf32>,
    %get3A_275 = arith.constant 3 : i32
    %get3A_276 = arith.index_cast %get3A_275 : i32 to index
    %get3A_277 = arith.constant 96 : index
    %get3A_278 = tpu.vector_load %arg8[%get3A_276, %get3A_277] {strides = array<i32>} : memref<4x512xf32, #tpu.memory_space<vmem>>, vector<16xf32>,
    %add3A_279 = arith.constant 96 : i32
    %add3A_280 = vector.broadcast %add3A_279 : i32 to vector<16xi32>
    %add3A_281 = arith.addi %iota3A, %add3A_280 : vector<16xi32>
    %scan3A_282 = arith.constant 0 : i32
    %scan3A_283 = arith.constant 0 : i32
    %scan3A_284 = arith.constant 128 : i32
    %scan3A_285 = arith.addi %scan3A_283, %scan3A_284 : i32
    %scan3A_286 = arith.constant 1 : i32
    scf.for %scan3A_1317 = %scan3A_283 to %scan3A_285 step %scan3A_286  : i32 {
      %broadcast_in_dim3A = vector.broadcast %scan3A_1317 : i32 to vector<16xi32>
      %broadcast_in_dim3A_1318 = arith.constant 0.000000e+00 : f32
      %broadcast_in_dim3A_1319 = vector.broadcast %broadcast_in_dim3A_1318 : f32 to vector<16xf32>
      %gather3A = tpu.vector_load_idx %arg6[%get3A_250, %broadcast_in_dim3A] : memref<500x128xf32, #tpu.memory_space<vmem>>[vector<16xi32>, vector<16xi32>], vector<16xf32>,
      %mul3A_1320 = arith.mulf %get3A_266, %gather3A : vector<16xf32>
      %add3A_1321 = arith.addf %broadcast_in_dim3A_1319, %mul3A_1320 : vector<16xf32>
      %gather3A_1322 = tpu.vector_load_idx %arg6[%get3A_254, %broadcast_in_dim3A] : memref<500x128xf32, #tpu.memory_space<vmem>>[vector<16xi32>, vector<16xi32>], vector<16xf32>,
      %mul3A_1323 = arith.mulf %get3A_270, %gather3A_1322 : vector<16xf32>
      %add3A_1324 = arith.addf %add3A_1321, %mul3A_1323 : vector<16xf32>
      %gather3A_1325 = tpu.vector_load_idx %arg6[%get3A_258, %broadcast_in_dim3A] : memref<500x128xf32, #tpu.memory_space<vmem>>[vector<16xi32>, vector<16xi32>], vector<16xf32>,
      %mul3A_1326 = arith.mulf %get3A_274, %gather3A_1325 : vector<16xf32>
      %add3A_1327 = arith.addf %add3A_1324, %mul3A_1326 : vector<16xf32>
      %gather3A_1328 = tpu.vector_load_idx %arg6[%get3A_262, %broadcast_in_dim3A] : memref<500x128xf32, #tpu.memory_space<vmem>>[vector<16xi32>, vector<16xi32>], vector<16xf32>,
      %mul3A_1329 = arith.mulf %get3A_278, %gather3A_1328 : vector<16xf32>
      %add3A_1330 = arith.addf %add3A_1327, %mul3A_1329 : vector<16xf32>
      tpu.vector_store_idx %arg9[%add3A_281, %broadcast_in_dim3A], %add3A_1330 : memref<256x128xf32, #tpu.memory_space<vmem>>[vector<16xi32>, vector<16xi32>], vector<16xf32>,
    }
    %scan3A_287 = arith.constant 128 : i32
    %get3A_288 = arith.constant 0 : i32
    %get3A_289 = arith.index_cast %get3A_288 : i32 to index
    %get3A_290 = arith.constant 112 : index
    %get3A_291 = tpu.vector_load %arg7[%get3A_289, %get3A_290] {strides = array<i32>} : memref<4x512xi32, #tpu.memory_space<vmem>>, vector<16xi32>,
    %get3A_292 = arith.constant 1 : i32
    %get3A_293 = arith.index_cast %get3A_292 : i32 to index
    %get3A_294 = arith.constant 112 : index
    %get3A_295 = tpu.vector_load %arg7[%get3A_293, %get3A_294] {strides = array<i32>} : memref<4x512xi32, #tpu.memory_space<vmem>>, vector<16xi32>,
    %get3A_296 = arith.constant 2 : i32
    %get3A_297 = arith.index_cast %get3A_296 : i32 to index
    %get3A_298 = arith.constant 112 : index
    %get3A_299 = tpu.vector_load %arg7[%get3A_297, %get3A_298] {strides = array<i32>} : memref<4x512xi32, #tpu.memory_space<vmem>>, vector<16xi32>,
    %get3A_300 = arith.constant 3 : i32
    %get3A_301 = arith.index_cast %get3A_300 : i32 to index
    %get3A_302 = arith.constant 112 : index
    %get3A_303 = tpu.vector_load %arg7[%get3A_301, %get3A_302] {strides = array<i32>} : memref<4x512xi32, #tpu.memory_space<vmem>>, vector<16xi32>,
    %get3A_304 = arith.constant 0 : i32
    %get3A_305 = arith.index_cast %get3A_304 : i32 to index
    %get3A_306 = arith.constant 112 : index
    %get3A_307 = tpu.vector_load %arg8[%get3A_305, %get3A_306] {strides = array<i32>} : memref<4x512xf32, #tpu.memory_space<vmem>>, vector<16xf32>,
    %get3A_308 = arith.constant 1 : i32
    %get3A_309 = arith.index_cast %get3A_308 : i32 to index
    %get3A_310 = arith.constant 112 : index
    %get3A_311 = tpu.vector_load %arg8[%get3A_309, %get3A_310] {strides = array<i32>} : memref<4x512xf32, #tpu.memory_space<vmem>>, vector<16xf32>,
    %get3A_312 = arith.constant 2 : i32
    %get3A_313 = arith.index_cast %get3A_312 : i32 to index
    %get3A_314 = arith.constant 112 : index
    %get3A_315 = tpu.vector_load %arg8[%get3A_313, %get3A_314] {strides = array<i32>} : memref<4x512xf32, #tpu.memory_space<vmem>>, vector<16xf32>,
    %get3A_316 = arith.constant 3 : i32
    %get3A_317 = arith.index_cast %get3A_316 : i32 to index
    %get3A_318 = arith.constant 112 : index
    %get3A_319 = tpu.vector_load %arg8[%get3A_317, %get3A_318] {strides = array<i32>} : memref<4x512xf32, #tpu.memory_space<vmem>>, vector<16xf32>,
    %add3A_320 = arith.constant 112 : i32
    %add3A_321 = vector.broadcast %add3A_320 : i32 to vector<16xi32>
    %add3A_322 = arith.addi %iota3A, %add3A_321 : vector<16xi32>
    %scan3A_323 = arith.constant 0 : i32
    %scan3A_324 = arith.constant 0 : i32
    %scan3A_325 = arith.constant 128 : i32
    %scan3A_326 = arith.addi %scan3A_324, %scan3A_325 : i32
    %scan3A_327 = arith.constant 1 : i32
    scf.for %scan3A_1317 = %scan3A_324 to %scan3A_326 step %scan3A_327  : i32 {
      %broadcast_in_dim3A = vector.broadcast %scan3A_1317 : i32 to vector<16xi32>
      %broadcast_in_dim3A_1318 = arith.constant 0.000000e+00 : f32
      %broadcast_in_dim3A_1319 = vector.broadcast %broadcast_in_dim3A_1318 : f32 to vector<16xf32>
      %gather3A = tpu.vector_load_idx %arg6[%get3A_291, %broadcast_in_dim3A] : memref<500x128xf32, #tpu.memory_space<vmem>>[vector<16xi32>, vector<16xi32>], vector<16xf32>,
      %mul3A_1320 = arith.mulf %get3A_307, %gather3A : vector<16xf32>
      %add3A_1321 = arith.addf %broadcast_in_dim3A_1319, %mul3A_1320 : vector<16xf32>
      %gather3A_1322 = tpu.vector_load_idx %arg6[%get3A_295, %broadcast_in_dim3A] : memref<500x128xf32, #tpu.memory_space<vmem>>[vector<16xi32>, vector<16xi32>], vector<16xf32>,
      %mul3A_1323 = arith.mulf %get3A_311, %gather3A_1322 : vector<16xf32>
      %add3A_1324 = arith.addf %add3A_1321, %mul3A_1323 : vector<16xf32>
      %gather3A_1325 = tpu.vector_load_idx %arg6[%get3A_299, %broadcast_in_dim3A] : memref<500x128xf32, #tpu.memory_space<vmem>>[vector<16xi32>, vector<16xi32>], vector<16xf32>,
      %mul3A_1326 = arith.mulf %get3A_315, %gather3A_1325 : vector<16xf32>
      %add3A_1327 = arith.addf %add3A_1324, %mul3A_1326 : vector<16xf32>
      %gather3A_1328 = tpu.vector_load_idx %arg6[%get3A_303, %broadcast_in_dim3A] : memref<500x128xf32, #tpu.memory_space<vmem>>[vector<16xi32>, vector<16xi32>], vector<16xf32>,
      %mul3A_1329 = arith.mulf %get3A_319, %gather3A_1328 : vector<16xf32>
      %add3A_1330 = arith.addf %add3A_1327, %mul3A_1329 : vector<16xf32>
      tpu.vector_store_idx %arg9[%add3A_322, %broadcast_in_dim3A], %add3A_1330 : memref<256x128xf32, #tpu.memory_space<vmem>>[vector<16xi32>, vector<16xi32>], vector<16xf32>,
    }
    %scan3A_328 = arith.constant 128 : i32
    %get3A_329 = arith.constant 0 : i32
    %get3A_330 = arith.index_cast %get3A_329 : i32 to index
    %get3A_331 = arith.constant 128 : index
    %get3A_332 = tpu.vector_load %arg7[%get3A_330, %get3A_331] {strides = array<i32>} : memref<4x512xi32, #tpu.memory_space<vmem>>, vector<16xi32>,
    %get3A_333 = arith.constant 1 : i32
    %get3A_334 = arith.index_cast %get3A_333 : i32 to index
    %get3A_335 = arith.constant 128 : index
    %get3A_336 = tpu.vector_load %arg7[%get3A_334, %get3A_335] {strides = array<i32>} : memref<4x512xi32, #tpu.memory_space<vmem>>, vector<16xi32>,
    %get3A_337 = arith.constant 2 : i32
    %get3A_338 = arith.index_cast %get3A_337 : i32 to index
    %get3A_339 = arith.constant 128 : index
    %get3A_340 = tpu.vector_load %arg7[%get3A_338, %get3A_339] {strides = array<i32>} : memref<4x512xi32, #tpu.memory_space<vmem>>, vector<16xi32>,
    %get3A_341 = arith.constant 3 : i32
    %get3A_342 = arith.index_cast %get3A_341 : i32 to index
    %get3A_343 = arith.constant 128 : index
    %get3A_344 = tpu.vector_load %arg7[%get3A_342, %get3A_343] {strides = array<i32>} : memref<4x512xi32, #tpu.memory_space<vmem>>, vector<16xi32>,
    %get3A_345 = arith.constant 0 : i32
    %get3A_346 = arith.index_cast %get3A_345 : i32 to index
    %get3A_347 = arith.constant 128 : index
    %get3A_348 = tpu.vector_load %arg8[%get3A_346, %get3A_347] {strides = array<i32>} : memref<4x512xf32, #tpu.memory_space<vmem>>, vector<16xf32>,
    %get3A_349 = arith.constant 1 : i32
    %get3A_350 = arith.index_cast %get3A_349 : i32 to index
    %get3A_351 = arith.constant 128 : index
    %get3A_352 = tpu.vector_load %arg8[%get3A_350, %get3A_351] {strides = array<i32>} : memref<4x512xf32, #tpu.memory_space<vmem>>, vector<16xf32>,
    %get3A_353 = arith.constant 2 : i32
    %get3A_354 = arith.index_cast %get3A_353 : i32 to index
    %get3A_355 = arith.constant 128 : index
    %get3A_356 = tpu.vector_load %arg8[%get3A_354, %get3A_355] {strides = array<i32>} : memref<4x512xf32, #tpu.memory_space<vmem>>, vector<16xf32>,
    %get3A_357 = arith.constant 3 : i32
    %get3A_358 = arith.index_cast %get3A_357 : i32 to index
    %get3A_359 = arith.constant 128 : index
    %get3A_360 = tpu.vector_load %arg8[%get3A_358, %get3A_359] {strides = array<i32>} : memref<4x512xf32, #tpu.memory_space<vmem>>, vector<16xf32>,
    %add3A_361 = arith.constant 128 : i32
    %add3A_362 = vector.broadcast %add3A_361 : i32 to vector<16xi32>
    %add3A_363 = arith.addi %iota3A, %add3A_362 : vector<16xi32>
    %scan3A_364 = arith.constant 0 : i32
    %scan3A_365 = arith.constant 0 : i32
    %scan3A_366 = arith.constant 128 : i32
    %scan3A_367 = arith.addi %scan3A_365, %scan3A_366 : i32
    %scan3A_368 = arith.constant 1 : i32
    scf.for %scan3A_1317 = %scan3A_365 to %scan3A_367 step %scan3A_368  : i32 {
      %broadcast_in_dim3A = vector.broadcast %scan3A_1317 : i32 to vector<16xi32>
      %broadcast_in_dim3A_1318 = arith.constant 0.000000e+00 : f32
      %broadcast_in_dim3A_1319 = vector.broadcast %broadcast_in_dim3A_1318 : f32 to vector<16xf32>
      %gather3A = tpu.vector_load_idx %arg6[%get3A_332, %broadcast_in_dim3A] : memref<500x128xf32, #tpu.memory_space<vmem>>[vector<16xi32>, vector<16xi32>], vector<16xf32>,
      %mul3A_1320 = arith.mulf %get3A_348, %gather3A : vector<16xf32>
      %add3A_1321 = arith.addf %broadcast_in_dim3A_1319, %mul3A_1320 : vector<16xf32>
      %gather3A_1322 = tpu.vector_load_idx %arg6[%get3A_336, %broadcast_in_dim3A] : memref<500x128xf32, #tpu.memory_space<vmem>>[vector<16xi32>, vector<16xi32>], vector<16xf32>,
      %mul3A_1323 = arith.mulf %get3A_352, %gather3A_1322 : vector<16xf32>
      %add3A_1324 = arith.addf %add3A_1321, %mul3A_1323 : vector<16xf32>
      %gather3A_1325 = tpu.vector_load_idx %arg6[%get3A_340, %broadcast_in_dim3A] : memref<500x128xf32, #tpu.memory_space<vmem>>[vector<16xi32>, vector<16xi32>], vector<16xf32>,
      %mul3A_1326 = arith.mulf %get3A_356, %gather3A_1325 : vector<16xf32>
      %add3A_1327 = arith.addf %add3A_1324, %mul3A_1326 : vector<16xf32>
      %gather3A_1328 = tpu.vector_load_idx %arg6[%get3A_344, %broadcast_in_dim3A] : memref<500x128xf32, #tpu.memory_space<vmem>>[vector<16xi32>, vector<16xi32>], vector<16xf32>,
      %mul3A_1329 = arith.mulf %get3A_360, %gather3A_1328 : vector<16xf32>
      %add3A_1330 = arith.addf %add3A_1327, %mul3A_1329 : vector<16xf32>
      tpu.vector_store_idx %arg9[%add3A_363, %broadcast_in_dim3A], %add3A_1330 : memref<256x128xf32, #tpu.memory_space<vmem>>[vector<16xi32>, vector<16xi32>], vector<16xf32>,
    }
    %scan3A_369 = arith.constant 128 : i32
    %get3A_370 = arith.constant 0 : i32
    %get3A_371 = arith.index_cast %get3A_370 : i32 to index
    %get3A_372 = arith.constant 144 : index
    %get3A_373 = tpu.vector_load %arg7[%get3A_371, %get3A_372] {strides = array<i32>} : memref<4x512xi32, #tpu.memory_space<vmem>>, vector<16xi32>,
    %get3A_374 = arith.constant 1 : i32
    %get3A_375 = arith.index_cast %get3A_374 : i32 to index
    %get3A_376 = arith.constant 144 : index
    %get3A_377 = tpu.vector_load %arg7[%get3A_375, %get3A_376] {strides = array<i32>} : memref<4x512xi32, #tpu.memory_space<vmem>>, vector<16xi32>,
    %get3A_378 = arith.constant 2 : i32
    %get3A_379 = arith.index_cast %get3A_378 : i32 to index
    %get3A_380 = arith.constant 144 : index
    %get3A_381 = tpu.vector_load %arg7[%get3A_379, %get3A_380] {strides = array<i32>} : memref<4x512xi32, #tpu.memory_space<vmem>>, vector<16xi32>,
    %get3A_382 = arith.constant 3 : i32
    %get3A_383 = arith.index_cast %get3A_382 : i32 to index
    %get3A_384 = arith.constant 144 : index
    %get3A_385 = tpu.vector_load %arg7[%get3A_383, %get3A_384] {strides = array<i32>} : memref<4x512xi32, #tpu.memory_space<vmem>>, vector<16xi32>,
    %get3A_386 = arith.constant 0 : i32
    %get3A_387 = arith.index_cast %get3A_386 : i32 to index
    %get3A_388 = arith.constant 144 : index
    %get3A_389 = tpu.vector_load %arg8[%get3A_387, %get3A_388] {strides = array<i32>} : memref<4x512xf32, #tpu.memory_space<vmem>>, vector<16xf32>,
    %get3A_390 = arith.constant 1 : i32
    %get3A_391 = arith.index_cast %get3A_390 : i32 to index
    %get3A_392 = arith.constant 144 : index
    %get3A_393 = tpu.vector_load %arg8[%get3A_391, %get3A_392] {strides = array<i32>} : memref<4x512xf32, #tpu.memory_space<vmem>>, vector<16xf32>,
    %get3A_394 = arith.constant 2 : i32
    %get3A_395 = arith.index_cast %get3A_394 : i32 to index
    %get3A_396 = arith.constant 144 : index
    %get3A_397 = tpu.vector_load %arg8[%get3A_395, %get3A_396] {strides = array<i32>} : memref<4x512xf32, #tpu.memory_space<vmem>>, vector<16xf32>,
    %get3A_398 = arith.constant 3 : i32
    %get3A_399 = arith.index_cast %get3A_398 : i32 to index
    %get3A_400 = arith.constant 144 : index
    %get3A_401 = tpu.vector_load %arg8[%get3A_399, %get3A_400] {strides = array<i32>} : memref<4x512xf32, #tpu.memory_space<vmem>>, vector<16xf32>,
    %add3A_402 = arith.constant 144 : i32
    %add3A_403 = vector.broadcast %add3A_402 : i32 to vector<16xi32>
    %add3A_404 = arith.addi %iota3A, %add3A_403 : vector<16xi32>
    %scan3A_405 = arith.constant 0 : i32
    %scan3A_406 = arith.constant 0 : i32
    %scan3A_407 = arith.constant 128 : i32
    %scan3A_408 = arith.addi %scan3A_406, %scan3A_407 : i32
    %scan3A_409 = arith.constant 1 : i32
    scf.for %scan3A_1317 = %scan3A_406 to %scan3A_408 step %scan3A_409  : i32 {
      %broadcast_in_dim3A = vector.broadcast %scan3A_1317 : i32 to vector<16xi32>
      %broadcast_in_dim3A_1318 = arith.constant 0.000000e+00 : f32
      %broadcast_in_dim3A_1319 = vector.broadcast %broadcast_in_dim3A_1318 : f32 to vector<16xf32>
      %gather3A = tpu.vector_load_idx %arg6[%get3A_373, %broadcast_in_dim3A] : memref<500x128xf32, #tpu.memory_space<vmem>>[vector<16xi32>, vector<16xi32>], vector<16xf32>,
      %mul3A_1320 = arith.mulf %get3A_389, %gather3A : vector<16xf32>
      %add3A_1321 = arith.addf %broadcast_in_dim3A_1319, %mul3A_1320 : vector<16xf32>
      %gather3A_1322 = tpu.vector_load_idx %arg6[%get3A_377, %broadcast_in_dim3A] : memref<500x128xf32, #tpu.memory_space<vmem>>[vector<16xi32>, vector<16xi32>], vector<16xf32>,
      %mul3A_1323 = arith.mulf %get3A_393, %gather3A_1322 : vector<16xf32>
      %add3A_1324 = arith.addf %add3A_1321, %mul3A_1323 : vector<16xf32>
      %gather3A_1325 = tpu.vector_load_idx %arg6[%get3A_381, %broadcast_in_dim3A] : memref<500x128xf32, #tpu.memory_space<vmem>>[vector<16xi32>, vector<16xi32>], vector<16xf32>,
      %mul3A_1326 = arith.mulf %get3A_397, %gather3A_1325 : vector<16xf32>
      %add3A_1327 = arith.addf %add3A_1324, %mul3A_1326 : vector<16xf32>
      %gather3A_1328 = tpu.vector_load_idx %arg6[%get3A_385, %broadcast_in_dim3A] : memref<500x128xf32, #tpu.memory_space<vmem>>[vector<16xi32>, vector<16xi32>], vector<16xf32>,
      %mul3A_1329 = arith.mulf %get3A_401, %gather3A_1328 : vector<16xf32>
      %add3A_1330 = arith.addf %add3A_1327, %mul3A_1329 : vector<16xf32>
      tpu.vector_store_idx %arg9[%add3A_404, %broadcast_in_dim3A], %add3A_1330 : memref<256x128xf32, #tpu.memory_space<vmem>>[vector<16xi32>, vector<16xi32>], vector<16xf32>,
    }
    %scan3A_410 = arith.constant 128 : i32
    %get3A_411 = arith.constant 0 : i32
    %get3A_412 = arith.index_cast %get3A_411 : i32 to index
    %get3A_413 = arith.constant 160 : index
    %get3A_414 = tpu.vector_load %arg7[%get3A_412, %get3A_413] {strides = array<i32>} : memref<4x512xi32, #tpu.memory_space<vmem>>, vector<16xi32>,
    %get3A_415 = arith.constant 1 : i32
    %get3A_416 = arith.index_cast %get3A_415 : i32 to index
    %get3A_417 = arith.constant 160 : index
    %get3A_418 = tpu.vector_load %arg7[%get3A_416, %get3A_417] {strides = array<i32>} : memref<4x512xi32, #tpu.memory_space<vmem>>, vector<16xi32>,
    %get3A_419 = arith.constant 2 : i32
    %get3A_420 = arith.index_cast %get3A_419 : i32 to index
    %get3A_421 = arith.constant 160 : index
    %get3A_422 = tpu.vector_load %arg7[%get3A_420, %get3A_421] {strides = array<i32>} : memref<4x512xi32, #tpu.memory_space<vmem>>, vector<16xi32>,
    %get3A_423 = arith.constant 3 : i32
    %get3A_424 = arith.index_cast %get3A_423 : i32 to index
    %get3A_425 = arith.constant 160 : index
    %get3A_426 = tpu.vector_load %arg7[%get3A_424, %get3A_425] {strides = array<i32>} : memref<4x512xi32, #tpu.memory_space<vmem>>, vector<16xi32>,
    %get3A_427 = arith.constant 0 : i32
    %get3A_428 = arith.index_cast %get3A_427 : i32 to index
    %get3A_429 = arith.constant 160 : index
    %get3A_430 = tpu.vector_load %arg8[%get3A_428, %get3A_429] {strides = array<i32>} : memref<4x512xf32, #tpu.memory_space<vmem>>, vector<16xf32>,
    %get3A_431 = arith.constant 1 : i32
    %get3A_432 = arith.index_cast %get3A_431 : i32 to index
    %get3A_433 = arith.constant 160 : index
    %get3A_434 = tpu.vector_load %arg8[%get3A_432, %get3A_433] {strides = array<i32>} : memref<4x512xf32, #tpu.memory_space<vmem>>, vector<16xf32>,
    %get3A_435 = arith.constant 2 : i32
    %get3A_436 = arith.index_cast %get3A_435 : i32 to index
    %get3A_437 = arith.constant 160 : index
    %get3A_438 = tpu.vector_load %arg8[%get3A_436, %get3A_437] {strides = array<i32>} : memref<4x512xf32, #tpu.memory_space<vmem>>, vector<16xf32>,
    %get3A_439 = arith.constant 3 : i32
    %get3A_440 = arith.index_cast %get3A_439 : i32 to index
    %get3A_441 = arith.constant 160 : index
    %get3A_442 = tpu.vector_load %arg8[%get3A_440, %get3A_441] {strides = array<i32>} : memref<4x512xf32, #tpu.memory_space<vmem>>, vector<16xf32>,
    %add3A_443 = arith.constant 160 : i32
    %add3A_444 = vector.broadcast %add3A_443 : i32 to vector<16xi32>
    %add3A_445 = arith.addi %iota3A, %add3A_444 : vector<16xi32>
    %scan3A_446 = arith.constant 0 : i32
    %scan3A_447 = arith.constant 0 : i32
    %scan3A_448 = arith.constant 128 : i32
    %scan3A_449 = arith.addi %scan3A_447, %scan3A_448 : i32
    %scan3A_450 = arith.constant 1 : i32
    scf.for %scan3A_1317 = %scan3A_447 to %scan3A_449 step %scan3A_450  : i32 {
      %broadcast_in_dim3A = vector.broadcast %scan3A_1317 : i32 to vector<16xi32>
      %broadcast_in_dim3A_1318 = arith.constant 0.000000e+00 : f32
      %broadcast_in_dim3A_1319 = vector.broadcast %broadcast_in_dim3A_1318 : f32 to vector<16xf32>
      %gather3A = tpu.vector_load_idx %arg6[%get3A_414, %broadcast_in_dim3A] : memref<500x128xf32, #tpu.memory_space<vmem>>[vector<16xi32>, vector<16xi32>], vector<16xf32>,
      %mul3A_1320 = arith.mulf %get3A_430, %gather3A : vector<16xf32>
      %add3A_1321 = arith.addf %broadcast_in_dim3A_1319, %mul3A_1320 : vector<16xf32>
      %gather3A_1322 = tpu.vector_load_idx %arg6[%get3A_418, %broadcast_in_dim3A] : memref<500x128xf32, #tpu.memory_space<vmem>>[vector<16xi32>, vector<16xi32>], vector<16xf32>,
      %mul3A_1323 = arith.mulf %get3A_434, %gather3A_1322 : vector<16xf32>
      %add3A_1324 = arith.addf %add3A_1321, %mul3A_1323 : vector<16xf32>
      %gather3A_1325 = tpu.vector_load_idx %arg6[%get3A_422, %broadcast_in_dim3A] : memref<500x128xf32, #tpu.memory_space<vmem>>[vector<16xi32>, vector<16xi32>], vector<16xf32>,
      %mul3A_1326 = arith.mulf %get3A_438, %gather3A_1325 : vector<16xf32>
      %add3A_1327 = arith.addf %add3A_1324, %mul3A_1326 : vector<16xf32>
      %gather3A_1328 = tpu.vector_load_idx %arg6[%get3A_426, %broadcast_in_dim3A] : memref<500x128xf32, #tpu.memory_space<vmem>>[vector<16xi32>, vector<16xi32>], vector<16xf32>,
      %mul3A_1329 = arith.mulf %get3A_442, %gather3A_1328 : vector<16xf32>
      %add3A_1330 = arith.addf %add3A_1327, %mul3A_1329 : vector<16xf32>
      tpu.vector_store_idx %arg9[%add3A_445, %broadcast_in_dim3A], %add3A_1330 : memref<256x128xf32, #tpu.memory_space<vmem>>[vector<16xi32>, vector<16xi32>], vector<16xf32>,
    }
    %scan3A_451 = arith.constant 128 : i32
    %get3A_452 = arith.constant 0 : i32
    %get3A_453 = arith.index_cast %get3A_452 : i32 to index
    %get3A_454 = arith.constant 176 : index
    %get3A_455 = tpu.vector_load %arg7[%get3A_453, %get3A_454] {strides = array<i32>} : memref<4x512xi32, #tpu.memory_space<vmem>>, vector<16xi32>,
    %get3A_456 = arith.constant 1 : i32
    %get3A_457 = arith.index_cast %get3A_456 : i32 to index
    %get3A_458 = arith.constant 176 : index
    %get3A_459 = tpu.vector_load %arg7[%get3A_457, %get3A_458] {strides = array<i32>} : memref<4x512xi32, #tpu.memory_space<vmem>>, vector<16xi32>,
    %get3A_460 = arith.constant 2 : i32
    %get3A_461 = arith.index_cast %get3A_460 : i32 to index
    %get3A_462 = arith.constant 176 : index
    %get3A_463 = tpu.vector_load %arg7[%get3A_461, %get3A_462] {strides = array<i32>} : memref<4x512xi32, #tpu.memory_space<vmem>>, vector<16xi32>,
    %get3A_464 = arith.constant 3 : i32
    %get3A_465 = arith.index_cast %get3A_464 : i32 to index
    %get3A_466 = arith.constant 176 : index
    %get3A_467 = tpu.vector_load %arg7[%get3A_465, %get3A_466] {strides = array<i32>} : memref<4x512xi32, #tpu.memory_space<vmem>>, vector<16xi32>,
    %get3A_468 = arith.constant 0 : i32
    %get3A_469 = arith.index_cast %get3A_468 : i32 to index
    %get3A_470 = arith.constant 176 : index
    %get3A_471 = tpu.vector_load %arg8[%get3A_469, %get3A_470] {strides = array<i32>} : memref<4x512xf32, #tpu.memory_space<vmem>>, vector<16xf32>,
    %get3A_472 = arith.constant 1 : i32
    %get3A_473 = arith.index_cast %get3A_472 : i32 to index
    %get3A_474 = arith.constant 176 : index
    %get3A_475 = tpu.vector_load %arg8[%get3A_473, %get3A_474] {strides = array<i32>} : memref<4x512xf32, #tpu.memory_space<vmem>>, vector<16xf32>,
    %get3A_476 = arith.constant 2 : i32
    %get3A_477 = arith.index_cast %get3A_476 : i32 to index
    %get3A_478 = arith.constant 176 : index
    %get3A_479 = tpu.vector_load %arg8[%get3A_477, %get3A_478] {strides = array<i32>} : memref<4x512xf32, #tpu.memory_space<vmem>>, vector<16xf32>,
    %get3A_480 = arith.constant 3 : i32
    %get3A_481 = arith.index_cast %get3A_480 : i32 to index
    %get3A_482 = arith.constant 176 : index
    %get3A_483 = tpu.vector_load %arg8[%get3A_481, %get3A_482] {strides = array<i32>} : memref<4x512xf32, #tpu.memory_space<vmem>>, vector<16xf32>,
    %add3A_484 = arith.constant 176 : i32
    %add3A_485 = vector.broadcast %add3A_484 : i32 to vector<16xi32>
    %add3A_486 = arith.addi %iota3A, %add3A_485 : vector<16xi32>
    %scan3A_487 = arith.constant 0 : i32
    %scan3A_488 = arith.constant 0 : i32
    %scan3A_489 = arith.constant 128 : i32
    %scan3A_490 = arith.addi %scan3A_488, %scan3A_489 : i32
    %scan3A_491 = arith.constant 1 : i32
    scf.for %scan3A_1317 = %scan3A_488 to %scan3A_490 step %scan3A_491  : i32 {
      %broadcast_in_dim3A = vector.broadcast %scan3A_1317 : i32 to vector<16xi32>
      %broadcast_in_dim3A_1318 = arith.constant 0.000000e+00 : f32
      %broadcast_in_dim3A_1319 = vector.broadcast %broadcast_in_dim3A_1318 : f32 to vector<16xf32>
      %gather3A = tpu.vector_load_idx %arg6[%get3A_455, %broadcast_in_dim3A] : memref<500x128xf32, #tpu.memory_space<vmem>>[vector<16xi32>, vector<16xi32>], vector<16xf32>,
      %mul3A_1320 = arith.mulf %get3A_471, %gather3A : vector<16xf32>
      %add3A_1321 = arith.addf %broadcast_in_dim3A_1319, %mul3A_1320 : vector<16xf32>
      %gather3A_1322 = tpu.vector_load_idx %arg6[%get3A_459, %broadcast_in_dim3A] : memref<500x128xf32, #tpu.memory_space<vmem>>[vector<16xi32>, vector<16xi32>], vector<16xf32>,
      %mul3A_1323 = arith.mulf %get3A_475, %gather3A_1322 : vector<16xf32>
      %add3A_1324 = arith.addf %add3A_1321, %mul3A_1323 : vector<16xf32>
      %gather3A_1325 = tpu.vector_load_idx %arg6[%get3A_463, %broadcast_in_dim3A] : memref<500x128xf32, #tpu.memory_space<vmem>>[vector<16xi32>, vector<16xi32>], vector<16xf32>,
      %mul3A_1326 = arith.mulf %get3A_479, %gather3A_1325 : vector<16xf32>
      %add3A_1327 = arith.addf %add3A_1324, %mul3A_1326 : vector<16xf32>
      %gather3A_1328 = tpu.vector_load_idx %arg6[%get3A_467, %broadcast_in_dim3A] : memref<500x128xf32, #tpu.memory_space<vmem>>[vector<16xi32>, vector<16xi32>], vector<16xf32>,
      %mul3A_1329 = arith.mulf %get3A_483, %gather3A_1328 : vector<16xf32>
      %add3A_1330 = arith.addf %add3A_1327, %mul3A_1329 : vector<16xf32>
      tpu.vector_store_idx %arg9[%add3A_486, %broadcast_in_dim3A], %add3A_1330 : memref<256x128xf32, #tpu.memory_space<vmem>>[vector<16xi32>, vector<16xi32>], vector<16xf32>,
    }
    %scan3A_492 = arith.constant 128 : i32
    %get3A_493 = arith.constant 0 : i32
    %get3A_494 = arith.index_cast %get3A_493 : i32 to index
    %get3A_495 = arith.constant 192 : index
    %get3A_496 = tpu.vector_load %arg7[%get3A_494, %get3A_495] {strides = array<i32>} : memref<4x512xi32, #tpu.memory_space<vmem>>, vector<16xi32>,
    %get3A_497 = arith.constant 1 : i32
    %get3A_498 = arith.index_cast %get3A_497 : i32 to index
    %get3A_499 = arith.constant 192 : index
    %get3A_500 = tpu.vector_load %arg7[%get3A_498, %get3A_499] {strides = array<i32>} : memref<4x512xi32, #tpu.memory_space<vmem>>, vector<16xi32>,
    %get3A_501 = arith.constant 2 : i32
    %get3A_502 = arith.index_cast %get3A_501 : i32 to index
    %get3A_503 = arith.constant 192 : index
    %get3A_504 = tpu.vector_load %arg7[%get3A_502, %get3A_503] {strides = array<i32>} : memref<4x512xi32, #tpu.memory_space<vmem>>, vector<16xi32>,
    %get3A_505 = arith.constant 3 : i32
    %get3A_506 = arith.index_cast %get3A_505 : i32 to index
    %get3A_507 = arith.constant 192 : index
    %get3A_508 = tpu.vector_load %arg7[%get3A_506, %get3A_507] {strides = array<i32>} : memref<4x512xi32, #tpu.memory_space<vmem>>, vector<16xi32>,
    %get3A_509 = arith.constant 0 : i32
    %get3A_510 = arith.index_cast %get3A_509 : i32 to index
    %get3A_511 = arith.constant 192 : index
    %get3A_512 = tpu.vector_load %arg8[%get3A_510, %get3A_511] {strides = array<i32>} : memref<4x512xf32, #tpu.memory_space<vmem>>, vector<16xf32>,
    %get3A_513 = arith.constant 1 : i32
    %get3A_514 = arith.index_cast %get3A_513 : i32 to index
    %get3A_515 = arith.constant 192 : index
    %get3A_516 = tpu.vector_load %arg8[%get3A_514, %get3A_515] {strides = array<i32>} : memref<4x512xf32, #tpu.memory_space<vmem>>, vector<16xf32>,
    %get3A_517 = arith.constant 2 : i32
    %get3A_518 = arith.index_cast %get3A_517 : i32 to index
    %get3A_519 = arith.constant 192 : index
    %get3A_520 = tpu.vector_load %arg8[%get3A_518, %get3A_519] {strides = array<i32>} : memref<4x512xf32, #tpu.memory_space<vmem>>, vector<16xf32>,
    %get3A_521 = arith.constant 3 : i32
    %get3A_522 = arith.index_cast %get3A_521 : i32 to index
    %get3A_523 = arith.constant 192 : index
    %get3A_524 = tpu.vector_load %arg8[%get3A_522, %get3A_523] {strides = array<i32>} : memref<4x512xf32, #tpu.memory_space<vmem>>, vector<16xf32>,
    %add3A_525 = arith.constant 192 : i32
    %add3A_526 = vector.broadcast %add3A_525 : i32 to vector<16xi32>
    %add3A_527 = arith.addi %iota3A, %add3A_526 : vector<16xi32>
    %scan3A_528 = arith.constant 0 : i32
    %scan3A_529 = arith.constant 0 : i32
    %scan3A_530 = arith.constant 128 : i32
    %scan3A_531 = arith.addi %scan3A_529, %scan3A_530 : i32
    %scan3A_532 = arith.constant 1 : i32
    scf.for %scan3A_1317 = %scan3A_529 to %scan3A_531 step %scan3A_532  : i32 {
      %broadcast_in_dim3A = vector.broadcast %scan3A_1317 : i32 to vector<16xi32>
      %broadcast_in_dim3A_1318 = arith.constant 0.000000e+00 : f32
      %broadcast_in_dim3A_1319 = vector.broadcast %broadcast_in_dim3A_1318 : f32 to vector<16xf32>
      %gather3A = tpu.vector_load_idx %arg6[%get3A_496, %broadcast_in_dim3A] : memref<500x128xf32, #tpu.memory_space<vmem>>[vector<16xi32>, vector<16xi32>], vector<16xf32>,
      %mul3A_1320 = arith.mulf %get3A_512, %gather3A : vector<16xf32>
      %add3A_1321 = arith.addf %broadcast_in_dim3A_1319, %mul3A_1320 : vector<16xf32>
      %gather3A_1322 = tpu.vector_load_idx %arg6[%get3A_500, %broadcast_in_dim3A] : memref<500x128xf32, #tpu.memory_space<vmem>>[vector<16xi32>, vector<16xi32>], vector<16xf32>,
      %mul3A_1323 = arith.mulf %get3A_516, %gather3A_1322 : vector<16xf32>
      %add3A_1324 = arith.addf %add3A_1321, %mul3A_1323 : vector<16xf32>
      %gather3A_1325 = tpu.vector_load_idx %arg6[%get3A_504, %broadcast_in_dim3A] : memref<500x128xf32, #tpu.memory_space<vmem>>[vector<16xi32>, vector<16xi32>], vector<16xf32>,
      %mul3A_1326 = arith.mulf %get3A_520, %gather3A_1325 : vector<16xf32>
      %add3A_1327 = arith.addf %add3A_1324, %mul3A_1326 : vector<16xf32>
      %gather3A_1328 = tpu.vector_load_idx %arg6[%get3A_508, %broadcast_in_dim3A] : memref<500x128xf32, #tpu.memory_space<vmem>>[vector<16xi32>, vector<16xi32>], vector<16xf32>,
      %mul3A_1329 = arith.mulf %get3A_524, %gather3A_1328 : vector<16xf32>
      %add3A_1330 = arith.addf %add3A_1327, %mul3A_1329 : vector<16xf32>
      tpu.vector_store_idx %arg9[%add3A_527, %broadcast_in_dim3A], %add3A_1330 : memref<256x128xf32, #tpu.memory_space<vmem>>[vector<16xi32>, vector<16xi32>], vector<16xf32>,
    }
    %scan3A_533 = arith.constant 128 : i32
    %get3A_534 = arith.constant 0 : i32
    %get3A_535 = arith.index_cast %get3A_534 : i32 to index
    %get3A_536 = arith.constant 208 : index
    %get3A_537 = tpu.vector_load %arg7[%get3A_535, %get3A_536] {strides = array<i32>} : memref<4x512xi32, #tpu.memory_space<vmem>>, vector<16xi32>,
    %get3A_538 = arith.constant 1 : i32
    %get3A_539 = arith.index_cast %get3A_538 : i32 to index
    %get3A_540 = arith.constant 208 : index
    %get3A_541 = tpu.vector_load %arg7[%get3A_539, %get3A_540] {strides = array<i32>} : memref<4x512xi32, #tpu.memory_space<vmem>>, vector<16xi32>,
    %get3A_542 = arith.constant 2 : i32
    %get3A_543 = arith.index_cast %get3A_542 : i32 to index
    %get3A_544 = arith.constant 208 : index
    %get3A_545 = tpu.vector_load %arg7[%get3A_543, %get3A_544] {strides = array<i32>} : memref<4x512xi32, #tpu.memory_space<vmem>>, vector<16xi32>,
    %get3A_546 = arith.constant 3 : i32
    %get3A_547 = arith.index_cast %get3A_546 : i32 to index
    %get3A_548 = arith.constant 208 : index
    %get3A_549 = tpu.vector_load %arg7[%get3A_547, %get3A_548] {strides = array<i32>} : memref<4x512xi32, #tpu.memory_space<vmem>>, vector<16xi32>,
    %get3A_550 = arith.constant 0 : i32
    %get3A_551 = arith.index_cast %get3A_550 : i32 to index
    %get3A_552 = arith.constant 208 : index
    %get3A_553 = tpu.vector_load %arg8[%get3A_551, %get3A_552] {strides = array<i32>} : memref<4x512xf32, #tpu.memory_space<vmem>>, vector<16xf32>,
    %get3A_554 = arith.constant 1 : i32
    %get3A_555 = arith.index_cast %get3A_554 : i32 to index
    %get3A_556 = arith.constant 208 : index
    %get3A_557 = tpu.vector_load %arg8[%get3A_555, %get3A_556] {strides = array<i32>} : memref<4x512xf32, #tpu.memory_space<vmem>>, vector<16xf32>,
    %get3A_558 = arith.constant 2 : i32
    %get3A_559 = arith.index_cast %get3A_558 : i32 to index
    %get3A_560 = arith.constant 208 : index
    %get3A_561 = tpu.vector_load %arg8[%get3A_559, %get3A_560] {strides = array<i32>} : memref<4x512xf32, #tpu.memory_space<vmem>>, vector<16xf32>,
    %get3A_562 = arith.constant 3 : i32
    %get3A_563 = arith.index_cast %get3A_562 : i32 to index
    %get3A_564 = arith.constant 208 : index
    %get3A_565 = tpu.vector_load %arg8[%get3A_563, %get3A_564] {strides = array<i32>} : memref<4x512xf32, #tpu.memory_space<vmem>>, vector<16xf32>,
    %add3A_566 = arith.constant 208 : i32
    %add3A_567 = vector.broadcast %add3A_566 : i32 to vector<16xi32>
    %add3A_568 = arith.addi %iota3A, %add3A_567 : vector<16xi32>
    %scan3A_569 = arith.constant 0 : i32
    %scan3A_570 = arith.constant 0 : i32
    %scan3A_571 = arith.constant 128 : i32
    %scan3A_572 = arith.addi %scan3A_570, %scan3A_571 : i32
    %scan3A_573 = arith.constant 1 : i32
    scf.for %scan3A_1317 = %scan3A_570 to %scan3A_572 step %scan3A_573  : i32 {
      %broadcast_in_dim3A = vector.broadcast %scan3A_1317 : i32 to vector<16xi32>
      %broadcast_in_dim3A_1318 = arith.constant 0.000000e+00 : f32
      %broadcast_in_dim3A_1319 = vector.broadcast %broadcast_in_dim3A_1318 : f32 to vector<16xf32>
      %gather3A = tpu.vector_load_idx %arg6[%get3A_537, %broadcast_in_dim3A] : memref<500x128xf32, #tpu.memory_space<vmem>>[vector<16xi32>, vector<16xi32>], vector<16xf32>,
      %mul3A_1320 = arith.mulf %get3A_553, %gather3A : vector<16xf32>
      %add3A_1321 = arith.addf %broadcast_in_dim3A_1319, %mul3A_1320 : vector<16xf32>
      %gather3A_1322 = tpu.vector_load_idx %arg6[%get3A_541, %broadcast_in_dim3A] : memref<500x128xf32, #tpu.memory_space<vmem>>[vector<16xi32>, vector<16xi32>], vector<16xf32>,
      %mul3A_1323 = arith.mulf %get3A_557, %gather3A_1322 : vector<16xf32>
      %add3A_1324 = arith.addf %add3A_1321, %mul3A_1323 : vector<16xf32>
      %gather3A_1325 = tpu.vector_load_idx %arg6[%get3A_545, %broadcast_in_dim3A] : memref<500x128xf32, #tpu.memory_space<vmem>>[vector<16xi32>, vector<16xi32>], vector<16xf32>,
      %mul3A_1326 = arith.mulf %get3A_561, %gather3A_1325 : vector<16xf32>
      %add3A_1327 = arith.addf %add3A_1324, %mul3A_1326 : vector<16xf32>
      %gather3A_1328 = tpu.vector_load_idx %arg6[%get3A_549, %broadcast_in_dim3A] : memref<500x128xf32, #tpu.memory_space<vmem>>[vector<16xi32>, vector<16xi32>], vector<16xf32>,
      %mul3A_1329 = arith.mulf %get3A_565, %gather3A_1328 : vector<16xf32>
      %add3A_1330 = arith.addf %add3A_1327, %mul3A_1329 : vector<16xf32>
      tpu.vector_store_idx %arg9[%add3A_568, %broadcast_in_dim3A], %add3A_1330 : memref<256x128xf32, #tpu.memory_space<vmem>>[vector<16xi32>, vector<16xi32>], vector<16xf32>,
    }
    %scan3A_574 = arith.constant 128 : i32
    %get3A_575 = arith.constant 0 : i32
    %get3A_576 = arith.index_cast %get3A_575 : i32 to index
    %get3A_577 = arith.constant 224 : index
    %get3A_578 = tpu.vector_load %arg7[%get3A_576, %get3A_577] {strides = array<i32>} : memref<4x512xi32, #tpu.memory_space<vmem>>, vector<16xi32>,
    %get3A_579 = arith.constant 1 : i32
    %get3A_580 = arith.index_cast %get3A_579 : i32 to index
    %get3A_581 = arith.constant 224 : index
    %get3A_582 = tpu.vector_load %arg7[%get3A_580, %get3A_581] {strides = array<i32>} : memref<4x512xi32, #tpu.memory_space<vmem>>, vector<16xi32>,
    %get3A_583 = arith.constant 2 : i32
    %get3A_584 = arith.index_cast %get3A_583 : i32 to index
    %get3A_585 = arith.constant 224 : index
    %get3A_586 = tpu.vector_load %arg7[%get3A_584, %get3A_585] {strides = array<i32>} : memref<4x512xi32, #tpu.memory_space<vmem>>, vector<16xi32>,
    %get3A_587 = arith.constant 3 : i32
    %get3A_588 = arith.index_cast %get3A_587 : i32 to index
    %get3A_589 = arith.constant 224 : index
    %get3A_590 = tpu.vector_load %arg7[%get3A_588, %get3A_589] {strides = array<i32>} : memref<4x512xi32, #tpu.memory_space<vmem>>, vector<16xi32>,
    %get3A_591 = arith.constant 0 : i32
    %get3A_592 = arith.index_cast %get3A_591 : i32 to index
    %get3A_593 = arith.constant 224 : index
    %get3A_594 = tpu.vector_load %arg8[%get3A_592, %get3A_593] {strides = array<i32>} : memref<4x512xf32, #tpu.memory_space<vmem>>, vector<16xf32>,
    %get3A_595 = arith.constant 1 : i32
    %get3A_596 = arith.index_cast %get3A_595 : i32 to index
    %get3A_597 = arith.constant 224 : index
    %get3A_598 = tpu.vector_load %arg8[%get3A_596, %get3A_597] {strides = array<i32>} : memref<4x512xf32, #tpu.memory_space<vmem>>, vector<16xf32>,
    %get3A_599 = arith.constant 2 : i32
    %get3A_600 = arith.index_cast %get3A_599 : i32 to index
    %get3A_601 = arith.constant 224 : index
    %get3A_602 = tpu.vector_load %arg8[%get3A_600, %get3A_601] {strides = array<i32>} : memref<4x512xf32, #tpu.memory_space<vmem>>, vector<16xf32>,
    %get3A_603 = arith.constant 3 : i32
    %get3A_604 = arith.index_cast %get3A_603 : i32 to index
    %get3A_605 = arith.constant 224 : index
    %get3A_606 = tpu.vector_load %arg8[%get3A_604, %get3A_605] {strides = array<i32>} : memref<4x512xf32, #tpu.memory_space<vmem>>, vector<16xf32>,
    %add3A_607 = arith.constant 224 : i32
    %add3A_608 = vector.broadcast %add3A_607 : i32 to vector<16xi32>
    %add3A_609 = arith.addi %iota3A, %add3A_608 : vector<16xi32>
    %scan3A_610 = arith.constant 0 : i32
    %scan3A_611 = arith.constant 0 : i32
    %scan3A_612 = arith.constant 128 : i32
    %scan3A_613 = arith.addi %scan3A_611, %scan3A_612 : i32
    %scan3A_614 = arith.constant 1 : i32
    scf.for %scan3A_1317 = %scan3A_611 to %scan3A_613 step %scan3A_614  : i32 {
      %broadcast_in_dim3A = vector.broadcast %scan3A_1317 : i32 to vector<16xi32>
      %broadcast_in_dim3A_1318 = arith.constant 0.000000e+00 : f32
      %broadcast_in_dim3A_1319 = vector.broadcast %broadcast_in_dim3A_1318 : f32 to vector<16xf32>
      %gather3A = tpu.vector_load_idx %arg6[%get3A_578, %broadcast_in_dim3A] : memref<500x128xf32, #tpu.memory_space<vmem>>[vector<16xi32>, vector<16xi32>], vector<16xf32>,
      %mul3A_1320 = arith.mulf %get3A_594, %gather3A : vector<16xf32>
      %add3A_1321 = arith.addf %broadcast_in_dim3A_1319, %mul3A_1320 : vector<16xf32>
      %gather3A_1322 = tpu.vector_load_idx %arg6[%get3A_582, %broadcast_in_dim3A] : memref<500x128xf32, #tpu.memory_space<vmem>>[vector<16xi32>, vector<16xi32>], vector<16xf32>,
      %mul3A_1323 = arith.mulf %get3A_598, %gather3A_1322 : vector<16xf32>
      %add3A_1324 = arith.addf %add3A_1321, %mul3A_1323 : vector<16xf32>
      %gather3A_1325 = tpu.vector_load_idx %arg6[%get3A_586, %broadcast_in_dim3A] : memref<500x128xf32, #tpu.memory_space<vmem>>[vector<16xi32>, vector<16xi32>], vector<16xf32>,
      %mul3A_1326 = arith.mulf %get3A_602, %gather3A_1325 : vector<16xf32>
      %add3A_1327 = arith.addf %add3A_1324, %mul3A_1326 : vector<16xf32>
      %gather3A_1328 = tpu.vector_load_idx %arg6[%get3A_590, %broadcast_in_dim3A] : memref<500x128xf32, #tpu.memory_space<vmem>>[vector<16xi32>, vector<16xi32>], vector<16xf32>,
      %mul3A_1329 = arith.mulf %get3A_606, %gather3A_1328 : vector<16xf32>
      %add3A_1330 = arith.addf %add3A_1327, %mul3A_1329 : vector<16xf32>
      tpu.vector_store_idx %arg9[%add3A_609, %broadcast_in_dim3A], %add3A_1330 : memref<256x128xf32, #tpu.memory_space<vmem>>[vector<16xi32>, vector<16xi32>], vector<16xf32>,
    }
    %scan3A_615 = arith.constant 128 : i32
    %get3A_616 = arith.constant 0 : i32
    %get3A_617 = arith.index_cast %get3A_616 : i32 to index
    %get3A_618 = arith.constant 240 : index
    %get3A_619 = tpu.vector_load %arg7[%get3A_617, %get3A_618] {strides = array<i32>} : memref<4x512xi32, #tpu.memory_space<vmem>>, vector<16xi32>,
    %get3A_620 = arith.constant 1 : i32
    %get3A_621 = arith.index_cast %get3A_620 : i32 to index
    %get3A_622 = arith.constant 240 : index
    %get3A_623 = tpu.vector_load %arg7[%get3A_621, %get3A_622] {strides = array<i32>} : memref<4x512xi32, #tpu.memory_space<vmem>>, vector<16xi32>,
    %get3A_624 = arith.constant 2 : i32
    %get3A_625 = arith.index_cast %get3A_624 : i32 to index
    %get3A_626 = arith.constant 240 : index
    %get3A_627 = tpu.vector_load %arg7[%get3A_625, %get3A_626] {strides = array<i32>} : memref<4x512xi32, #tpu.memory_space<vmem>>, vector<16xi32>,
    %get3A_628 = arith.constant 3 : i32
    %get3A_629 = arith.index_cast %get3A_628 : i32 to index
    %get3A_630 = arith.constant 240 : index
    %get3A_631 = tpu.vector_load %arg7[%get3A_629, %get3A_630] {strides = array<i32>} : memref<4x512xi32, #tpu.memory_space<vmem>>, vector<16xi32>,
    %get3A_632 = arith.constant 0 : i32
    %get3A_633 = arith.index_cast %get3A_632 : i32 to index
    %get3A_634 = arith.constant 240 : index
    %get3A_635 = tpu.vector_load %arg8[%get3A_633, %get3A_634] {strides = array<i32>} : memref<4x512xf32, #tpu.memory_space<vmem>>, vector<16xf32>,
    %get3A_636 = arith.constant 1 : i32
    %get3A_637 = arith.index_cast %get3A_636 : i32 to index
    %get3A_638 = arith.constant 240 : index
    %get3A_639 = tpu.vector_load %arg8[%get3A_637, %get3A_638] {strides = array<i32>} : memref<4x512xf32, #tpu.memory_space<vmem>>, vector<16xf32>,
    %get3A_640 = arith.constant 2 : i32
    %get3A_641 = arith.index_cast %get3A_640 : i32 to index
    %get3A_642 = arith.constant 240 : index
    %get3A_643 = tpu.vector_load %arg8[%get3A_641, %get3A_642] {strides = array<i32>} : memref<4x512xf32, #tpu.memory_space<vmem>>, vector<16xf32>,
    %get3A_644 = arith.constant 3 : i32
    %get3A_645 = arith.index_cast %get3A_644 : i32 to index
    %get3A_646 = arith.constant 240 : index
    %get3A_647 = tpu.vector_load %arg8[%get3A_645, %get3A_646] {strides = array<i32>} : memref<4x512xf32, #tpu.memory_space<vmem>>, vector<16xf32>,
    %add3A_648 = arith.constant 240 : i32
    %add3A_649 = vector.broadcast %add3A_648 : i32 to vector<16xi32>
    %add3A_650 = arith.addi %iota3A, %add3A_649 : vector<16xi32>
    %scan3A_651 = arith.constant 0 : i32
    %scan3A_652 = arith.constant 0 : i32
    %scan3A_653 = arith.constant 128 : i32
    %scan3A_654 = arith.addi %scan3A_652, %scan3A_653 : i32
    %scan3A_655 = arith.constant 1 : i32
    scf.for %scan3A_1317 = %scan3A_652 to %scan3A_654 step %scan3A_655  : i32 {
      %broadcast_in_dim3A = vector.broadcast %scan3A_1317 : i32 to vector<16xi32>
      %broadcast_in_dim3A_1318 = arith.constant 0.000000e+00 : f32
      %broadcast_in_dim3A_1319 = vector.broadcast %broadcast_in_dim3A_1318 : f32 to vector<16xf32>
      %gather3A = tpu.vector_load_idx %arg6[%get3A_619, %broadcast_in_dim3A] : memref<500x128xf32, #tpu.memory_space<vmem>>[vector<16xi32>, vector<16xi32>], vector<16xf32>,
      %mul3A_1320 = arith.mulf %get3A_635, %gather3A : vector<16xf32>
      %add3A_1321 = arith.addf %broadcast_in_dim3A_1319, %mul3A_1320 : vector<16xf32>
      %gather3A_1322 = tpu.vector_load_idx %arg6[%get3A_623, %broadcast_in_dim3A] : memref<500x128xf32, #tpu.memory_space<vmem>>[vector<16xi32>, vector<16xi32>], vector<16xf32>,
      %mul3A_1323 = arith.mulf %get3A_639, %gather3A_1322 : vector<16xf32>
      %add3A_1324 = arith.addf %add3A_1321, %mul3A_1323 : vector<16xf32>
      %gather3A_1325 = tpu.vector_load_idx %arg6[%get3A_627, %broadcast_in_dim3A] : memref<500x128xf32, #tpu.memory_space<vmem>>[vector<16xi32>, vector<16xi32>], vector<16xf32>,
      %mul3A_1326 = arith.mulf %get3A_643, %gather3A_1325 : vector<16xf32>
      %add3A_1327 = arith.addf %add3A_1324, %mul3A_1326 : vector<16xf32>
      %gather3A_1328 = tpu.vector_load_idx %arg6[%get3A_631, %broadcast_in_dim3A] : memref<500x128xf32, #tpu.memory_space<vmem>>[vector<16xi32>, vector<16xi32>], vector<16xf32>,
      %mul3A_1329 = arith.mulf %get3A_647, %gather3A_1328 : vector<16xf32>
      %add3A_1330 = arith.addf %add3A_1327, %mul3A_1329 : vector<16xf32>
      tpu.vector_store_idx %arg9[%add3A_650, %broadcast_in_dim3A], %add3A_1330 : memref<256x128xf32, #tpu.memory_space<vmem>>[vector<16xi32>, vector<16xi32>], vector<16xf32>,
    }
    %scan3A_656 = arith.constant 128 : i32
    %add3A_657 = arith.constant 0 : i32
    %add3A_658 = arith.addi %mul3A_2, %add3A_657 : i32
    "tpu.region"() ({
      %run_scoped3A = tpu.sem_alloc : memref<!tpu.dma_semaphore, #tpu.memory_space<semaphore_mem>>
      %dma_start3A = arith.constant 0 : i32
      %dma_start3A_1317 = tpu.memref_slice %arg5[%add3A_658, %dma_start3A] : memref<16384x128xf32, #tpu.memory_space<hbm>> -> memref<256x128xf32, #tpu.memory_space<hbm>>
      %dma_start3A_1318 = arith.constant 0 : i32
      %dma_start3A_1319 = tpu.memref_slice %arg5[%add3A_658, %dma_start3A_1318] : memref<16384x128xf32, #tpu.memory_space<hbm>> -> memref<256x128xf32, #tpu.memory_space<hbm>>
      tpu.enqueue_dma source(%arg9 : memref<256x128xf32, #tpu.memory_space<vmem>>) target(%dma_start3A_1319 : memref<256x128xf32, #tpu.memory_space<hbm>>) target_semaphore(%run_scoped3A : memref<!tpu.dma_semaphore, #tpu.memory_space<semaphore_mem>>)
      %dma_wait3A = arith.constant 0 : i32
      %dma_wait3A_1320 = tpu.memref_slice %arg5[%add3A_658, %dma_wait3A] : memref<16384x128xf32, #tpu.memory_space<hbm>> -> memref<256x128xf32, #tpu.memory_space<hbm>>
      %dma_wait3A_1321 = arith.constant 0 : i32
      %dma_wait3A_1322 = tpu.memref_slice %arg5[%add3A_658, %dma_wait3A_1321] : memref<16384x128xf32, #tpu.memory_space<hbm>> -> memref<256x128xf32, #tpu.memory_space<hbm>>
      tpu.wait_dma2 semaphore(%run_scoped3A : memref<!tpu.dma_semaphore, #tpu.memory_space<semaphore_mem>>) src(%arg9 : memref<256x128xf32, #tpu.memory_space<vmem>>) dst(%dma_wait3A_1322 : memref<256x128xf32, #tpu.memory_space<hbm>>)
      tpu.yield
    }) : () -> ()
    %get3A_659 = arith.constant 0 : i32
    %get3A_660 = arith.index_cast %get3A_659 : i32 to index
    %get3A_661 = arith.constant 256 : index
    %get3A_662 = tpu.vector_load %arg7[%get3A_660, %get3A_661] {strides = array<i32>} : memref<4x512xi32, #tpu.memory_space<vmem>>, vector<16xi32>,
    %get3A_663 = arith.constant 1 : i32
    %get3A_664 = arith.index_cast %get3A_663 : i32 to index
    %get3A_665 = arith.constant 256 : index
    %get3A_666 = tpu.vector_load %arg7[%get3A_664, %get3A_665] {strides = array<i32>} : memref<4x512xi32, #tpu.memory_space<vmem>>, vector<16xi32>,
    %get3A_667 = arith.constant 2 : i32
    %get3A_668 = arith.index_cast %get3A_667 : i32 to index
    %get3A_669 = arith.constant 256 : index
    %get3A_670 = tpu.vector_load %arg7[%get3A_668, %get3A_669] {strides = array<i32>} : memref<4x512xi32, #tpu.memory_space<vmem>>, vector<16xi32>,
    %get3A_671 = arith.constant 3 : i32
    %get3A_672 = arith.index_cast %get3A_671 : i32 to index
    %get3A_673 = arith.constant 256 : index
    %get3A_674 = tpu.vector_load %arg7[%get3A_672, %get3A_673] {strides = array<i32>} : memref<4x512xi32, #tpu.memory_space<vmem>>, vector<16xi32>,
    %get3A_675 = arith.constant 0 : i32
    %get3A_676 = arith.index_cast %get3A_675 : i32 to index
    %get3A_677 = arith.constant 256 : index
    %get3A_678 = tpu.vector_load %arg8[%get3A_676, %get3A_677] {strides = array<i32>} : memref<4x512xf32, #tpu.memory_space<vmem>>, vector<16xf32>,
    %get3A_679 = arith.constant 1 : i32
    %get3A_680 = arith.index_cast %get3A_679 : i32 to index
    %get3A_681 = arith.constant 256 : index
    %get3A_682 = tpu.vector_load %arg8[%get3A_680, %get3A_681] {strides = array<i32>} : memref<4x512xf32, #tpu.memory_space<vmem>>, vector<16xf32>,
    %get3A_683 = arith.constant 2 : i32
    %get3A_684 = arith.index_cast %get3A_683 : i32 to index
    %get3A_685 = arith.constant 256 : index
    %get3A_686 = tpu.vector_load %arg8[%get3A_684, %get3A_685] {strides = array<i32>} : memref<4x512xf32, #tpu.memory_space<vmem>>, vector<16xf32>,
    %get3A_687 = arith.constant 3 : i32
    %get3A_688 = arith.index_cast %get3A_687 : i32 to index
    %get3A_689 = arith.constant 256 : index
    %get3A_690 = tpu.vector_load %arg8[%get3A_688, %get3A_689] {strides = array<i32>} : memref<4x512xf32, #tpu.memory_space<vmem>>, vector<16xf32>,
    %add3A_691 = arith.constant 0 : i32
    %add3A_692 = vector.broadcast %add3A_691 : i32 to vector<16xi32>
    %add3A_693 = arith.addi %iota3A, %add3A_692 : vector<16xi32>
    %scan3A_694 = arith.constant 0 : i32
    %scan3A_695 = arith.constant 0 : i32
    %scan3A_696 = arith.constant 128 : i32
    %scan3A_697 = arith.addi %scan3A_695, %scan3A_696 : i32
    %scan3A_698 = arith.constant 1 : i32
    scf.for %scan3A_1317 = %scan3A_695 to %scan3A_697 step %scan3A_698  : i32 {
      %broadcast_in_dim3A = vector.broadcast %scan3A_1317 : i32 to vector<16xi32>
      %broadcast_in_dim3A_1318 = arith.constant 0.000000e+00 : f32
      %broadcast_in_dim3A_1319 = vector.broadcast %broadcast_in_dim3A_1318 : f32 to vector<16xf32>
      %gather3A = tpu.vector_load_idx %arg6[%get3A_662, %broadcast_in_dim3A] : memref<500x128xf32, #tpu.memory_space<vmem>>[vector<16xi32>, vector<16xi32>], vector<16xf32>,
      %mul3A_1320 = arith.mulf %get3A_678, %gather3A : vector<16xf32>
      %add3A_1321 = arith.addf %broadcast_in_dim3A_1319, %mul3A_1320 : vector<16xf32>
      %gather3A_1322 = tpu.vector_load_idx %arg6[%get3A_666, %broadcast_in_dim3A] : memref<500x128xf32, #tpu.memory_space<vmem>>[vector<16xi32>, vector<16xi32>], vector<16xf32>,
      %mul3A_1323 = arith.mulf %get3A_682, %gather3A_1322 : vector<16xf32>
      %add3A_1324 = arith.addf %add3A_1321, %mul3A_1323 : vector<16xf32>
      %gather3A_1325 = tpu.vector_load_idx %arg6[%get3A_670, %broadcast_in_dim3A] : memref<500x128xf32, #tpu.memory_space<vmem>>[vector<16xi32>, vector<16xi32>], vector<16xf32>,
      %mul3A_1326 = arith.mulf %get3A_686, %gather3A_1325 : vector<16xf32>
      %add3A_1327 = arith.addf %add3A_1324, %mul3A_1326 : vector<16xf32>
      %gather3A_1328 = tpu.vector_load_idx %arg6[%get3A_674, %broadcast_in_dim3A] : memref<500x128xf32, #tpu.memory_space<vmem>>[vector<16xi32>, vector<16xi32>], vector<16xf32>,
      %mul3A_1329 = arith.mulf %get3A_690, %gather3A_1328 : vector<16xf32>
      %add3A_1330 = arith.addf %add3A_1327, %mul3A_1329 : vector<16xf32>
      tpu.vector_store_idx %arg9[%add3A_693, %broadcast_in_dim3A], %add3A_1330 : memref<256x128xf32, #tpu.memory_space<vmem>>[vector<16xi32>, vector<16xi32>], vector<16xf32>,
    }
    %scan3A_699 = arith.constant 128 : i32
    %get3A_700 = arith.constant 0 : i32
    %get3A_701 = arith.index_cast %get3A_700 : i32 to index
    %get3A_702 = arith.constant 272 : index
    %get3A_703 = tpu.vector_load %arg7[%get3A_701, %get3A_702] {strides = array<i32>} : memref<4x512xi32, #tpu.memory_space<vmem>>, vector<16xi32>,
    %get3A_704 = arith.constant 1 : i32
    %get3A_705 = arith.index_cast %get3A_704 : i32 to index
    %get3A_706 = arith.constant 272 : index
    %get3A_707 = tpu.vector_load %arg7[%get3A_705, %get3A_706] {strides = array<i32>} : memref<4x512xi32, #tpu.memory_space<vmem>>, vector<16xi32>,
    %get3A_708 = arith.constant 2 : i32
    %get3A_709 = arith.index_cast %get3A_708 : i32 to index
    %get3A_710 = arith.constant 272 : index
    %get3A_711 = tpu.vector_load %arg7[%get3A_709, %get3A_710] {strides = array<i32>} : memref<4x512xi32, #tpu.memory_space<vmem>>, vector<16xi32>,
    %get3A_712 = arith.constant 3 : i32
    %get3A_713 = arith.index_cast %get3A_712 : i32 to index
    %get3A_714 = arith.constant 272 : index
    %get3A_715 = tpu.vector_load %arg7[%get3A_713, %get3A_714] {strides = array<i32>} : memref<4x512xi32, #tpu.memory_space<vmem>>, vector<16xi32>,
    %get3A_716 = arith.constant 0 : i32
    %get3A_717 = arith.index_cast %get3A_716 : i32 to index
    %get3A_718 = arith.constant 272 : index
    %get3A_719 = tpu.vector_load %arg8[%get3A_717, %get3A_718] {strides = array<i32>} : memref<4x512xf32, #tpu.memory_space<vmem>>, vector<16xf32>,
    %get3A_720 = arith.constant 1 : i32
    %get3A_721 = arith.index_cast %get3A_720 : i32 to index
    %get3A_722 = arith.constant 272 : index
    %get3A_723 = tpu.vector_load %arg8[%get3A_721, %get3A_722] {strides = array<i32>} : memref<4x512xf32, #tpu.memory_space<vmem>>, vector<16xf32>,
    %get3A_724 = arith.constant 2 : i32
    %get3A_725 = arith.index_cast %get3A_724 : i32 to index
    %get3A_726 = arith.constant 272 : index
    %get3A_727 = tpu.vector_load %arg8[%get3A_725, %get3A_726] {strides = array<i32>} : memref<4x512xf32, #tpu.memory_space<vmem>>, vector<16xf32>,
    %get3A_728 = arith.constant 3 : i32
    %get3A_729 = arith.index_cast %get3A_728 : i32 to index
    %get3A_730 = arith.constant 272 : index
    %get3A_731 = tpu.vector_load %arg8[%get3A_729, %get3A_730] {strides = array<i32>} : memref<4x512xf32, #tpu.memory_space<vmem>>, vector<16xf32>,
    %add3A_732 = arith.constant 16 : i32
    %add3A_733 = vector.broadcast %add3A_732 : i32 to vector<16xi32>
    %add3A_734 = arith.addi %iota3A, %add3A_733 : vector<16xi32>
    %scan3A_735 = arith.constant 0 : i32
    %scan3A_736 = arith.constant 0 : i32
    %scan3A_737 = arith.constant 128 : i32
    %scan3A_738 = arith.addi %scan3A_736, %scan3A_737 : i32
    %scan3A_739 = arith.constant 1 : i32
    scf.for %scan3A_1317 = %scan3A_736 to %scan3A_738 step %scan3A_739  : i32 {
      %broadcast_in_dim3A = vector.broadcast %scan3A_1317 : i32 to vector<16xi32>
      %broadcast_in_dim3A_1318 = arith.constant 0.000000e+00 : f32
      %broadcast_in_dim3A_1319 = vector.broadcast %broadcast_in_dim3A_1318 : f32 to vector<16xf32>
      %gather3A = tpu.vector_load_idx %arg6[%get3A_703, %broadcast_in_dim3A] : memref<500x128xf32, #tpu.memory_space<vmem>>[vector<16xi32>, vector<16xi32>], vector<16xf32>,
      %mul3A_1320 = arith.mulf %get3A_719, %gather3A : vector<16xf32>
      %add3A_1321 = arith.addf %broadcast_in_dim3A_1319, %mul3A_1320 : vector<16xf32>
      %gather3A_1322 = tpu.vector_load_idx %arg6[%get3A_707, %broadcast_in_dim3A] : memref<500x128xf32, #tpu.memory_space<vmem>>[vector<16xi32>, vector<16xi32>], vector<16xf32>,
      %mul3A_1323 = arith.mulf %get3A_723, %gather3A_1322 : vector<16xf32>
      %add3A_1324 = arith.addf %add3A_1321, %mul3A_1323 : vector<16xf32>
      %gather3A_1325 = tpu.vector_load_idx %arg6[%get3A_711, %broadcast_in_dim3A] : memref<500x128xf32, #tpu.memory_space<vmem>>[vector<16xi32>, vector<16xi32>], vector<16xf32>,
      %mul3A_1326 = arith.mulf %get3A_727, %gather3A_1325 : vector<16xf32>
      %add3A_1327 = arith.addf %add3A_1324, %mul3A_1326 : vector<16xf32>
      %gather3A_1328 = tpu.vector_load_idx %arg6[%get3A_715, %broadcast_in_dim3A] : memref<500x128xf32, #tpu.memory_space<vmem>>[vector<16xi32>, vector<16xi32>], vector<16xf32>,
      %mul3A_1329 = arith.mulf %get3A_731, %gather3A_1328 : vector<16xf32>
      %add3A_1330 = arith.addf %add3A_1327, %mul3A_1329 : vector<16xf32>
      tpu.vector_store_idx %arg9[%add3A_734, %broadcast_in_dim3A], %add3A_1330 : memref<256x128xf32, #tpu.memory_space<vmem>>[vector<16xi32>, vector<16xi32>], vector<16xf32>,
    }
    %scan3A_740 = arith.constant 128 : i32
    %get3A_741 = arith.constant 0 : i32
    %get3A_742 = arith.index_cast %get3A_741 : i32 to index
    %get3A_743 = arith.constant 288 : index
    %get3A_744 = tpu.vector_load %arg7[%get3A_742, %get3A_743] {strides = array<i32>} : memref<4x512xi32, #tpu.memory_space<vmem>>, vector<16xi32>,
    %get3A_745 = arith.constant 1 : i32
    %get3A_746 = arith.index_cast %get3A_745 : i32 to index
    %get3A_747 = arith.constant 288 : index
    %get3A_748 = tpu.vector_load %arg7[%get3A_746, %get3A_747] {strides = array<i32>} : memref<4x512xi32, #tpu.memory_space<vmem>>, vector<16xi32>,
    %get3A_749 = arith.constant 2 : i32
    %get3A_750 = arith.index_cast %get3A_749 : i32 to index
    %get3A_751 = arith.constant 288 : index
    %get3A_752 = tpu.vector_load %arg7[%get3A_750, %get3A_751] {strides = array<i32>} : memref<4x512xi32, #tpu.memory_space<vmem>>, vector<16xi32>,
    %get3A_753 = arith.constant 3 : i32
    %get3A_754 = arith.index_cast %get3A_753 : i32 to index
    %get3A_755 = arith.constant 288 : index
    %get3A_756 = tpu.vector_load %arg7[%get3A_754, %get3A_755] {strides = array<i32>} : memref<4x512xi32, #tpu.memory_space<vmem>>, vector<16xi32>,
    %get3A_757 = arith.constant 0 : i32
    %get3A_758 = arith.index_cast %get3A_757 : i32 to index
    %get3A_759 = arith.constant 288 : index
    %get3A_760 = tpu.vector_load %arg8[%get3A_758, %get3A_759] {strides = array<i32>} : memref<4x512xf32, #tpu.memory_space<vmem>>, vector<16xf32>,
    %get3A_761 = arith.constant 1 : i32
    %get3A_762 = arith.index_cast %get3A_761 : i32 to index
    %get3A_763 = arith.constant 288 : index
    %get3A_764 = tpu.vector_load %arg8[%get3A_762, %get3A_763] {strides = array<i32>} : memref<4x512xf32, #tpu.memory_space<vmem>>, vector<16xf32>,
    %get3A_765 = arith.constant 2 : i32
    %get3A_766 = arith.index_cast %get3A_765 : i32 to index
    %get3A_767 = arith.constant 288 : index
    %get3A_768 = tpu.vector_load %arg8[%get3A_766, %get3A_767] {strides = array<i32>} : memref<4x512xf32, #tpu.memory_space<vmem>>, vector<16xf32>,
    %get3A_769 = arith.constant 3 : i32
    %get3A_770 = arith.index_cast %get3A_769 : i32 to index
    %get3A_771 = arith.constant 288 : index
    %get3A_772 = tpu.vector_load %arg8[%get3A_770, %get3A_771] {strides = array<i32>} : memref<4x512xf32, #tpu.memory_space<vmem>>, vector<16xf32>,
    %add3A_773 = arith.constant 32 : i32
    %add3A_774 = vector.broadcast %add3A_773 : i32 to vector<16xi32>
    %add3A_775 = arith.addi %iota3A, %add3A_774 : vector<16xi32>
    %scan3A_776 = arith.constant 0 : i32
    %scan3A_777 = arith.constant 0 : i32
    %scan3A_778 = arith.constant 128 : i32
    %scan3A_779 = arith.addi %scan3A_777, %scan3A_778 : i32
    %scan3A_780 = arith.constant 1 : i32
    scf.for %scan3A_1317 = %scan3A_777 to %scan3A_779 step %scan3A_780  : i32 {
      %broadcast_in_dim3A = vector.broadcast %scan3A_1317 : i32 to vector<16xi32>
      %broadcast_in_dim3A_1318 = arith.constant 0.000000e+00 : f32
      %broadcast_in_dim3A_1319 = vector.broadcast %broadcast_in_dim3A_1318 : f32 to vector<16xf32>
      %gather3A = tpu.vector_load_idx %arg6[%get3A_744, %broadcast_in_dim3A] : memref<500x128xf32, #tpu.memory_space<vmem>>[vector<16xi32>, vector<16xi32>], vector<16xf32>,
      %mul3A_1320 = arith.mulf %get3A_760, %gather3A : vector<16xf32>
      %add3A_1321 = arith.addf %broadcast_in_dim3A_1319, %mul3A_1320 : vector<16xf32>
      %gather3A_1322 = tpu.vector_load_idx %arg6[%get3A_748, %broadcast_in_dim3A] : memref<500x128xf32, #tpu.memory_space<vmem>>[vector<16xi32>, vector<16xi32>], vector<16xf32>,
      %mul3A_1323 = arith.mulf %get3A_764, %gather3A_1322 : vector<16xf32>
      %add3A_1324 = arith.addf %add3A_1321, %mul3A_1323 : vector<16xf32>
      %gather3A_1325 = tpu.vector_load_idx %arg6[%get3A_752, %broadcast_in_dim3A] : memref<500x128xf32, #tpu.memory_space<vmem>>[vector<16xi32>, vector<16xi32>], vector<16xf32>,
      %mul3A_1326 = arith.mulf %get3A_768, %gather3A_1325 : vector<16xf32>
      %add3A_1327 = arith.addf %add3A_1324, %mul3A_1326 : vector<16xf32>
      %gather3A_1328 = tpu.vector_load_idx %arg6[%get3A_756, %broadcast_in_dim3A] : memref<500x128xf32, #tpu.memory_space<vmem>>[vector<16xi32>, vector<16xi32>], vector<16xf32>,
      %mul3A_1329 = arith.mulf %get3A_772, %gather3A_1328 : vector<16xf32>
      %add3A_1330 = arith.addf %add3A_1327, %mul3A_1329 : vector<16xf32>
      tpu.vector_store_idx %arg9[%add3A_775, %broadcast_in_dim3A], %add3A_1330 : memref<256x128xf32, #tpu.memory_space<vmem>>[vector<16xi32>, vector<16xi32>], vector<16xf32>,
    }
    %scan3A_781 = arith.constant 128 : i32
    %get3A_782 = arith.constant 0 : i32
    %get3A_783 = arith.index_cast %get3A_782 : i32 to index
    %get3A_784 = arith.constant 304 : index
    %get3A_785 = tpu.vector_load %arg7[%get3A_783, %get3A_784] {strides = array<i32>} : memref<4x512xi32, #tpu.memory_space<vmem>>, vector<16xi32>,
    %get3A_786 = arith.constant 1 : i32
    %get3A_787 = arith.index_cast %get3A_786 : i32 to index
    %get3A_788 = arith.constant 304 : index
    %get3A_789 = tpu.vector_load %arg7[%get3A_787, %get3A_788] {strides = array<i32>} : memref<4x512xi32, #tpu.memory_space<vmem>>, vector<16xi32>,
    %get3A_790 = arith.constant 2 : i32
    %get3A_791 = arith.index_cast %get3A_790 : i32 to index
    %get3A_792 = arith.constant 304 : index
    %get3A_793 = tpu.vector_load %arg7[%get3A_791, %get3A_792] {strides = array<i32>} : memref<4x512xi32, #tpu.memory_space<vmem>>, vector<16xi32>,
    %get3A_794 = arith.constant 3 : i32
    %get3A_795 = arith.index_cast %get3A_794 : i32 to index
    %get3A_796 = arith.constant 304 : index
    %get3A_797 = tpu.vector_load %arg7[%get3A_795, %get3A_796] {strides = array<i32>} : memref<4x512xi32, #tpu.memory_space<vmem>>, vector<16xi32>,
    %get3A_798 = arith.constant 0 : i32
    %get3A_799 = arith.index_cast %get3A_798 : i32 to index
    %get3A_800 = arith.constant 304 : index
    %get3A_801 = tpu.vector_load %arg8[%get3A_799, %get3A_800] {strides = array<i32>} : memref<4x512xf32, #tpu.memory_space<vmem>>, vector<16xf32>,
    %get3A_802 = arith.constant 1 : i32
    %get3A_803 = arith.index_cast %get3A_802 : i32 to index
    %get3A_804 = arith.constant 304 : index
    %get3A_805 = tpu.vector_load %arg8[%get3A_803, %get3A_804] {strides = array<i32>} : memref<4x512xf32, #tpu.memory_space<vmem>>, vector<16xf32>,
    %get3A_806 = arith.constant 2 : i32
    %get3A_807 = arith.index_cast %get3A_806 : i32 to index
    %get3A_808 = arith.constant 304 : index
    %get3A_809 = tpu.vector_load %arg8[%get3A_807, %get3A_808] {strides = array<i32>} : memref<4x512xf32, #tpu.memory_space<vmem>>, vector<16xf32>,
    %get3A_810 = arith.constant 3 : i32
    %get3A_811 = arith.index_cast %get3A_810 : i32 to index
    %get3A_812 = arith.constant 304 : index
    %get3A_813 = tpu.vector_load %arg8[%get3A_811, %get3A_812] {strides = array<i32>} : memref<4x512xf32, #tpu.memory_space<vmem>>, vector<16xf32>,
    %add3A_814 = arith.constant 48 : i32
    %add3A_815 = vector.broadcast %add3A_814 : i32 to vector<16xi32>
    %add3A_816 = arith.addi %iota3A, %add3A_815 : vector<16xi32>
    %scan3A_817 = arith.constant 0 : i32
    %scan3A_818 = arith.constant 0 : i32
    %scan3A_819 = arith.constant 128 : i32
    %scan3A_820 = arith.addi %scan3A_818, %scan3A_819 : i32
    %scan3A_821 = arith.constant 1 : i32
    scf.for %scan3A_1317 = %scan3A_818 to %scan3A_820 step %scan3A_821  : i32 {
      %broadcast_in_dim3A = vector.broadcast %scan3A_1317 : i32 to vector<16xi32>
      %broadcast_in_dim3A_1318 = arith.constant 0.000000e+00 : f32
      %broadcast_in_dim3A_1319 = vector.broadcast %broadcast_in_dim3A_1318 : f32 to vector<16xf32>
      %gather3A = tpu.vector_load_idx %arg6[%get3A_785, %broadcast_in_dim3A] : memref<500x128xf32, #tpu.memory_space<vmem>>[vector<16xi32>, vector<16xi32>], vector<16xf32>,
      %mul3A_1320 = arith.mulf %get3A_801, %gather3A : vector<16xf32>
      %add3A_1321 = arith.addf %broadcast_in_dim3A_1319, %mul3A_1320 : vector<16xf32>
      %gather3A_1322 = tpu.vector_load_idx %arg6[%get3A_789, %broadcast_in_dim3A] : memref<500x128xf32, #tpu.memory_space<vmem>>[vector<16xi32>, vector<16xi32>], vector<16xf32>,
      %mul3A_1323 = arith.mulf %get3A_805, %gather3A_1322 : vector<16xf32>
      %add3A_1324 = arith.addf %add3A_1321, %mul3A_1323 : vector<16xf32>
      %gather3A_1325 = tpu.vector_load_idx %arg6[%get3A_793, %broadcast_in_dim3A] : memref<500x128xf32, #tpu.memory_space<vmem>>[vector<16xi32>, vector<16xi32>], vector<16xf32>,
      %mul3A_1326 = arith.mulf %get3A_809, %gather3A_1325 : vector<16xf32>
      %add3A_1327 = arith.addf %add3A_1324, %mul3A_1326 : vector<16xf32>
      %gather3A_1328 = tpu.vector_load_idx %arg6[%get3A_797, %broadcast_in_dim3A] : memref<500x128xf32, #tpu.memory_space<vmem>>[vector<16xi32>, vector<16xi32>], vector<16xf32>,
      %mul3A_1329 = arith.mulf %get3A_813, %gather3A_1328 : vector<16xf32>
      %add3A_1330 = arith.addf %add3A_1327, %mul3A_1329 : vector<16xf32>
      tpu.vector_store_idx %arg9[%add3A_816, %broadcast_in_dim3A], %add3A_1330 : memref<256x128xf32, #tpu.memory_space<vmem>>[vector<16xi32>, vector<16xi32>], vector<16xf32>,
    }
    %scan3A_822 = arith.constant 128 : i32
    %get3A_823 = arith.constant 0 : i32
    %get3A_824 = arith.index_cast %get3A_823 : i32 to index
    %get3A_825 = arith.constant 320 : index
    %get3A_826 = tpu.vector_load %arg7[%get3A_824, %get3A_825] {strides = array<i32>} : memref<4x512xi32, #tpu.memory_space<vmem>>, vector<16xi32>,
    %get3A_827 = arith.constant 1 : i32
    %get3A_828 = arith.index_cast %get3A_827 : i32 to index
    %get3A_829 = arith.constant 320 : index
    %get3A_830 = tpu.vector_load %arg7[%get3A_828, %get3A_829] {strides = array<i32>} : memref<4x512xi32, #tpu.memory_space<vmem>>, vector<16xi32>,
    %get3A_831 = arith.constant 2 : i32
    %get3A_832 = arith.index_cast %get3A_831 : i32 to index
    %get3A_833 = arith.constant 320 : index
    %get3A_834 = tpu.vector_load %arg7[%get3A_832, %get3A_833] {strides = array<i32>} : memref<4x512xi32, #tpu.memory_space<vmem>>, vector<16xi32>,
    %get3A_835 = arith.constant 3 : i32
    %get3A_836 = arith.index_cast %get3A_835 : i32 to index
    %get3A_837 = arith.constant 320 : index
    %get3A_838 = tpu.vector_load %arg7[%get3A_836, %get3A_837] {strides = array<i32>} : memref<4x512xi32, #tpu.memory_space<vmem>>, vector<16xi32>,
    %get3A_839 = arith.constant 0 : i32
    %get3A_840 = arith.index_cast %get3A_839 : i32 to index
    %get3A_841 = arith.constant 320 : index
    %get3A_842 = tpu.vector_load %arg8[%get3A_840, %get3A_841] {strides = array<i32>} : memref<4x512xf32, #tpu.memory_space<vmem>>, vector<16xf32>,
    %get3A_843 = arith.constant 1 : i32
    %get3A_844 = arith.index_cast %get3A_843 : i32 to index
    %get3A_845 = arith.constant 320 : index
    %get3A_846 = tpu.vector_load %arg8[%get3A_844, %get3A_845] {strides = array<i32>} : memref<4x512xf32, #tpu.memory_space<vmem>>, vector<16xf32>,
    %get3A_847 = arith.constant 2 : i32
    %get3A_848 = arith.index_cast %get3A_847 : i32 to index
    %get3A_849 = arith.constant 320 : index
    %get3A_850 = tpu.vector_load %arg8[%get3A_848, %get3A_849] {strides = array<i32>} : memref<4x512xf32, #tpu.memory_space<vmem>>, vector<16xf32>,
    %get3A_851 = arith.constant 3 : i32
    %get3A_852 = arith.index_cast %get3A_851 : i32 to index
    %get3A_853 = arith.constant 320 : index
    %get3A_854 = tpu.vector_load %arg8[%get3A_852, %get3A_853] {strides = array<i32>} : memref<4x512xf32, #tpu.memory_space<vmem>>, vector<16xf32>,
    %add3A_855 = arith.constant 64 : i32
    %add3A_856 = vector.broadcast %add3A_855 : i32 to vector<16xi32>
    %add3A_857 = arith.addi %iota3A, %add3A_856 : vector<16xi32>
    %scan3A_858 = arith.constant 0 : i32
    %scan3A_859 = arith.constant 0 : i32
    %scan3A_860 = arith.constant 128 : i32
    %scan3A_861 = arith.addi %scan3A_859, %scan3A_860 : i32
    %scan3A_862 = arith.constant 1 : i32
    scf.for %scan3A_1317 = %scan3A_859 to %scan3A_861 step %scan3A_862  : i32 {
      %broadcast_in_dim3A = vector.broadcast %scan3A_1317 : i32 to vector<16xi32>
      %broadcast_in_dim3A_1318 = arith.constant 0.000000e+00 : f32
      %broadcast_in_dim3A_1319 = vector.broadcast %broadcast_in_dim3A_1318 : f32 to vector<16xf32>
      %gather3A = tpu.vector_load_idx %arg6[%get3A_826, %broadcast_in_dim3A] : memref<500x128xf32, #tpu.memory_space<vmem>>[vector<16xi32>, vector<16xi32>], vector<16xf32>,
      %mul3A_1320 = arith.mulf %get3A_842, %gather3A : vector<16xf32>
      %add3A_1321 = arith.addf %broadcast_in_dim3A_1319, %mul3A_1320 : vector<16xf32>
      %gather3A_1322 = tpu.vector_load_idx %arg6[%get3A_830, %broadcast_in_dim3A] : memref<500x128xf32, #tpu.memory_space<vmem>>[vector<16xi32>, vector<16xi32>], vector<16xf32>,
      %mul3A_1323 = arith.mulf %get3A_846, %gather3A_1322 : vector<16xf32>
      %add3A_1324 = arith.addf %add3A_1321, %mul3A_1323 : vector<16xf32>
      %gather3A_1325 = tpu.vector_load_idx %arg6[%get3A_834, %broadcast_in_dim3A] : memref<500x128xf32, #tpu.memory_space<vmem>>[vector<16xi32>, vector<16xi32>], vector<16xf32>,
      %mul3A_1326 = arith.mulf %get3A_850, %gather3A_1325 : vector<16xf32>
      %add3A_1327 = arith.addf %add3A_1324, %mul3A_1326 : vector<16xf32>
      %gather3A_1328 = tpu.vector_load_idx %arg6[%get3A_838, %broadcast_in_dim3A] : memref<500x128xf32, #tpu.memory_space<vmem>>[vector<16xi32>, vector<16xi32>], vector<16xf32>,
      %mul3A_1329 = arith.mulf %get3A_854, %gather3A_1328 : vector<16xf32>
      %add3A_1330 = arith.addf %add3A_1327, %mul3A_1329 : vector<16xf32>
      tpu.vector_store_idx %arg9[%add3A_857, %broadcast_in_dim3A], %add3A_1330 : memref<256x128xf32, #tpu.memory_space<vmem>>[vector<16xi32>, vector<16xi32>], vector<16xf32>,
    }
    %scan3A_863 = arith.constant 128 : i32
    %get3A_864 = arith.constant 0 : i32
    %get3A_865 = arith.index_cast %get3A_864 : i32 to index
    %get3A_866 = arith.constant 336 : index
    %get3A_867 = tpu.vector_load %arg7[%get3A_865, %get3A_866] {strides = array<i32>} : memref<4x512xi32, #tpu.memory_space<vmem>>, vector<16xi32>,
    %get3A_868 = arith.constant 1 : i32
    %get3A_869 = arith.index_cast %get3A_868 : i32 to index
    %get3A_870 = arith.constant 336 : index
    %get3A_871 = tpu.vector_load %arg7[%get3A_869, %get3A_870] {strides = array<i32>} : memref<4x512xi32, #tpu.memory_space<vmem>>, vector<16xi32>,
    %get3A_872 = arith.constant 2 : i32
    %get3A_873 = arith.index_cast %get3A_872 : i32 to index
    %get3A_874 = arith.constant 336 : index
    %get3A_875 = tpu.vector_load %arg7[%get3A_873, %get3A_874] {strides = array<i32>} : memref<4x512xi32, #tpu.memory_space<vmem>>, vector<16xi32>,
    %get3A_876 = arith.constant 3 : i32
    %get3A_877 = arith.index_cast %get3A_876 : i32 to index
    %get3A_878 = arith.constant 336 : index
    %get3A_879 = tpu.vector_load %arg7[%get3A_877, %get3A_878] {strides = array<i32>} : memref<4x512xi32, #tpu.memory_space<vmem>>, vector<16xi32>,
    %get3A_880 = arith.constant 0 : i32
    %get3A_881 = arith.index_cast %get3A_880 : i32 to index
    %get3A_882 = arith.constant 336 : index
    %get3A_883 = tpu.vector_load %arg8[%get3A_881, %get3A_882] {strides = array<i32>} : memref<4x512xf32, #tpu.memory_space<vmem>>, vector<16xf32>,
    %get3A_884 = arith.constant 1 : i32
    %get3A_885 = arith.index_cast %get3A_884 : i32 to index
    %get3A_886 = arith.constant 336 : index
    %get3A_887 = tpu.vector_load %arg8[%get3A_885, %get3A_886] {strides = array<i32>} : memref<4x512xf32, #tpu.memory_space<vmem>>, vector<16xf32>,
    %get3A_888 = arith.constant 2 : i32
    %get3A_889 = arith.index_cast %get3A_888 : i32 to index
    %get3A_890 = arith.constant 336 : index
    %get3A_891 = tpu.vector_load %arg8[%get3A_889, %get3A_890] {strides = array<i32>} : memref<4x512xf32, #tpu.memory_space<vmem>>, vector<16xf32>,
    %get3A_892 = arith.constant 3 : i32
    %get3A_893 = arith.index_cast %get3A_892 : i32 to index
    %get3A_894 = arith.constant 336 : index
    %get3A_895 = tpu.vector_load %arg8[%get3A_893, %get3A_894] {strides = array<i32>} : memref<4x512xf32, #tpu.memory_space<vmem>>, vector<16xf32>,
    %add3A_896 = arith.constant 80 : i32
    %add3A_897 = vector.broadcast %add3A_896 : i32 to vector<16xi32>
    %add3A_898 = arith.addi %iota3A, %add3A_897 : vector<16xi32>
    %scan3A_899 = arith.constant 0 : i32
    %scan3A_900 = arith.constant 0 : i32
    %scan3A_901 = arith.constant 128 : i32
    %scan3A_902 = arith.addi %scan3A_900, %scan3A_901 : i32
    %scan3A_903 = arith.constant 1 : i32
    scf.for %scan3A_1317 = %scan3A_900 to %scan3A_902 step %scan3A_903  : i32 {
      %broadcast_in_dim3A = vector.broadcast %scan3A_1317 : i32 to vector<16xi32>
      %broadcast_in_dim3A_1318 = arith.constant 0.000000e+00 : f32
      %broadcast_in_dim3A_1319 = vector.broadcast %broadcast_in_dim3A_1318 : f32 to vector<16xf32>
      %gather3A = tpu.vector_load_idx %arg6[%get3A_867, %broadcast_in_dim3A] : memref<500x128xf32, #tpu.memory_space<vmem>>[vector<16xi32>, vector<16xi32>], vector<16xf32>,
      %mul3A_1320 = arith.mulf %get3A_883, %gather3A : vector<16xf32>
      %add3A_1321 = arith.addf %broadcast_in_dim3A_1319, %mul3A_1320 : vector<16xf32>
      %gather3A_1322 = tpu.vector_load_idx %arg6[%get3A_871, %broadcast_in_dim3A] : memref<500x128xf32, #tpu.memory_space<vmem>>[vector<16xi32>, vector<16xi32>], vector<16xf32>,
      %mul3A_1323 = arith.mulf %get3A_887, %gather3A_1322 : vector<16xf32>
      %add3A_1324 = arith.addf %add3A_1321, %mul3A_1323 : vector<16xf32>
      %gather3A_1325 = tpu.vector_load_idx %arg6[%get3A_875, %broadcast_in_dim3A] : memref<500x128xf32, #tpu.memory_space<vmem>>[vector<16xi32>, vector<16xi32>], vector<16xf32>,
      %mul3A_1326 = arith.mulf %get3A_891, %gather3A_1325 : vector<16xf32>
      %add3A_1327 = arith.addf %add3A_1324, %mul3A_1326 : vector<16xf32>
      %gather3A_1328 = tpu.vector_load_idx %arg6[%get3A_879, %broadcast_in_dim3A] : memref<500x128xf32, #tpu.memory_space<vmem>>[vector<16xi32>, vector<16xi32>], vector<16xf32>,
      %mul3A_1329 = arith.mulf %get3A_895, %gather3A_1328 : vector<16xf32>
      %add3A_1330 = arith.addf %add3A_1327, %mul3A_1329 : vector<16xf32>
      tpu.vector_store_idx %arg9[%add3A_898, %broadcast_in_dim3A], %add3A_1330 : memref<256x128xf32, #tpu.memory_space<vmem>>[vector<16xi32>, vector<16xi32>], vector<16xf32>,
    }
    %scan3A_904 = arith.constant 128 : i32
    %get3A_905 = arith.constant 0 : i32
    %get3A_906 = arith.index_cast %get3A_905 : i32 to index
    %get3A_907 = arith.constant 352 : index
    %get3A_908 = tpu.vector_load %arg7[%get3A_906, %get3A_907] {strides = array<i32>} : memref<4x512xi32, #tpu.memory_space<vmem>>, vector<16xi32>,
    %get3A_909 = arith.constant 1 : i32
    %get3A_910 = arith.index_cast %get3A_909 : i32 to index
    %get3A_911 = arith.constant 352 : index
    %get3A_912 = tpu.vector_load %arg7[%get3A_910, %get3A_911] {strides = array<i32>} : memref<4x512xi32, #tpu.memory_space<vmem>>, vector<16xi32>,
    %get3A_913 = arith.constant 2 : i32
    %get3A_914 = arith.index_cast %get3A_913 : i32 to index
    %get3A_915 = arith.constant 352 : index
    %get3A_916 = tpu.vector_load %arg7[%get3A_914, %get3A_915] {strides = array<i32>} : memref<4x512xi32, #tpu.memory_space<vmem>>, vector<16xi32>,
    %get3A_917 = arith.constant 3 : i32
    %get3A_918 = arith.index_cast %get3A_917 : i32 to index
    %get3A_919 = arith.constant 352 : index
    %get3A_920 = tpu.vector_load %arg7[%get3A_918, %get3A_919] {strides = array<i32>} : memref<4x512xi32, #tpu.memory_space<vmem>>, vector<16xi32>,
    %get3A_921 = arith.constant 0 : i32
    %get3A_922 = arith.index_cast %get3A_921 : i32 to index
    %get3A_923 = arith.constant 352 : index
    %get3A_924 = tpu.vector_load %arg8[%get3A_922, %get3A_923] {strides = array<i32>} : memref<4x512xf32, #tpu.memory_space<vmem>>, vector<16xf32>,
    %get3A_925 = arith.constant 1 : i32
    %get3A_926 = arith.index_cast %get3A_925 : i32 to index
    %get3A_927 = arith.constant 352 : index
    %get3A_928 = tpu.vector_load %arg8[%get3A_926, %get3A_927] {strides = array<i32>} : memref<4x512xf32, #tpu.memory_space<vmem>>, vector<16xf32>,
    %get3A_929 = arith.constant 2 : i32
    %get3A_930 = arith.index_cast %get3A_929 : i32 to index
    %get3A_931 = arith.constant 352 : index
    %get3A_932 = tpu.vector_load %arg8[%get3A_930, %get3A_931] {strides = array<i32>} : memref<4x512xf32, #tpu.memory_space<vmem>>, vector<16xf32>,
    %get3A_933 = arith.constant 3 : i32
    %get3A_934 = arith.index_cast %get3A_933 : i32 to index
    %get3A_935 = arith.constant 352 : index
    %get3A_936 = tpu.vector_load %arg8[%get3A_934, %get3A_935] {strides = array<i32>} : memref<4x512xf32, #tpu.memory_space<vmem>>, vector<16xf32>,
    %add3A_937 = arith.constant 96 : i32
    %add3A_938 = vector.broadcast %add3A_937 : i32 to vector<16xi32>
    %add3A_939 = arith.addi %iota3A, %add3A_938 : vector<16xi32>
    %scan3A_940 = arith.constant 0 : i32
    %scan3A_941 = arith.constant 0 : i32
    %scan3A_942 = arith.constant 128 : i32
    %scan3A_943 = arith.addi %scan3A_941, %scan3A_942 : i32
    %scan3A_944 = arith.constant 1 : i32
    scf.for %scan3A_1317 = %scan3A_941 to %scan3A_943 step %scan3A_944  : i32 {
      %broadcast_in_dim3A = vector.broadcast %scan3A_1317 : i32 to vector<16xi32>
      %broadcast_in_dim3A_1318 = arith.constant 0.000000e+00 : f32
      %broadcast_in_dim3A_1319 = vector.broadcast %broadcast_in_dim3A_1318 : f32 to vector<16xf32>
      %gather3A = tpu.vector_load_idx %arg6[%get3A_908, %broadcast_in_dim3A] : memref<500x128xf32, #tpu.memory_space<vmem>>[vector<16xi32>, vector<16xi32>], vector<16xf32>,
      %mul3A_1320 = arith.mulf %get3A_924, %gather3A : vector<16xf32>
      %add3A_1321 = arith.addf %broadcast_in_dim3A_1319, %mul3A_1320 : vector<16xf32>
      %gather3A_1322 = tpu.vector_load_idx %arg6[%get3A_912, %broadcast_in_dim3A] : memref<500x128xf32, #tpu.memory_space<vmem>>[vector<16xi32>, vector<16xi32>], vector<16xf32>,
      %mul3A_1323 = arith.mulf %get3A_928, %gather3A_1322 : vector<16xf32>
      %add3A_1324 = arith.addf %add3A_1321, %mul3A_1323 : vector<16xf32>
      %gather3A_1325 = tpu.vector_load_idx %arg6[%get3A_916, %broadcast_in_dim3A] : memref<500x128xf32, #tpu.memory_space<vmem>>[vector<16xi32>, vector<16xi32>], vector<16xf32>,
      %mul3A_1326 = arith.mulf %get3A_932, %gather3A_1325 : vector<16xf32>
      %add3A_1327 = arith.addf %add3A_1324, %mul3A_1326 : vector<16xf32>
      %gather3A_1328 = tpu.vector_load_idx %arg6[%get3A_920, %broadcast_in_dim3A] : memref<500x128xf32, #tpu.memory_space<vmem>>[vector<16xi32>, vector<16xi32>], vector<16xf32>,
      %mul3A_1329 = arith.mulf %get3A_936, %gather3A_1328 : vector<16xf32>
      %add3A_1330 = arith.addf %add3A_1327, %mul3A_1329 : vector<16xf32>
      tpu.vector_store_idx %arg9[%add3A_939, %broadcast_in_dim3A], %add3A_1330 : memref<256x128xf32, #tpu.memory_space<vmem>>[vector<16xi32>, vector<16xi32>], vector<16xf32>,
    }
    %scan3A_945 = arith.constant 128 : i32
    %get3A_946 = arith.constant 0 : i32
    %get3A_947 = arith.index_cast %get3A_946 : i32 to index
    %get3A_948 = arith.constant 368 : index
    %get3A_949 = tpu.vector_load %arg7[%get3A_947, %get3A_948] {strides = array<i32>} : memref<4x512xi32, #tpu.memory_space<vmem>>, vector<16xi32>,
    %get3A_950 = arith.constant 1 : i32
    %get3A_951 = arith.index_cast %get3A_950 : i32 to index
    %get3A_952 = arith.constant 368 : index
    %get3A_953 = tpu.vector_load %arg7[%get3A_951, %get3A_952] {strides = array<i32>} : memref<4x512xi32, #tpu.memory_space<vmem>>, vector<16xi32>,
    %get3A_954 = arith.constant 2 : i32
    %get3A_955 = arith.index_cast %get3A_954 : i32 to index
    %get3A_956 = arith.constant 368 : index
    %get3A_957 = tpu.vector_load %arg7[%get3A_955, %get3A_956] {strides = array<i32>} : memref<4x512xi32, #tpu.memory_space<vmem>>, vector<16xi32>,
    %get3A_958 = arith.constant 3 : i32
    %get3A_959 = arith.index_cast %get3A_958 : i32 to index
    %get3A_960 = arith.constant 368 : index
    %get3A_961 = tpu.vector_load %arg7[%get3A_959, %get3A_960] {strides = array<i32>} : memref<4x512xi32, #tpu.memory_space<vmem>>, vector<16xi32>,
    %get3A_962 = arith.constant 0 : i32
    %get3A_963 = arith.index_cast %get3A_962 : i32 to index
    %get3A_964 = arith.constant 368 : index
    %get3A_965 = tpu.vector_load %arg8[%get3A_963, %get3A_964] {strides = array<i32>} : memref<4x512xf32, #tpu.memory_space<vmem>>, vector<16xf32>,
    %get3A_966 = arith.constant 1 : i32
    %get3A_967 = arith.index_cast %get3A_966 : i32 to index
    %get3A_968 = arith.constant 368 : index
    %get3A_969 = tpu.vector_load %arg8[%get3A_967, %get3A_968] {strides = array<i32>} : memref<4x512xf32, #tpu.memory_space<vmem>>, vector<16xf32>,
    %get3A_970 = arith.constant 2 : i32
    %get3A_971 = arith.index_cast %get3A_970 : i32 to index
    %get3A_972 = arith.constant 368 : index
    %get3A_973 = tpu.vector_load %arg8[%get3A_971, %get3A_972] {strides = array<i32>} : memref<4x512xf32, #tpu.memory_space<vmem>>, vector<16xf32>,
    %get3A_974 = arith.constant 3 : i32
    %get3A_975 = arith.index_cast %get3A_974 : i32 to index
    %get3A_976 = arith.constant 368 : index
    %get3A_977 = tpu.vector_load %arg8[%get3A_975, %get3A_976] {strides = array<i32>} : memref<4x512xf32, #tpu.memory_space<vmem>>, vector<16xf32>,
    %add3A_978 = arith.constant 112 : i32
    %add3A_979 = vector.broadcast %add3A_978 : i32 to vector<16xi32>
    %add3A_980 = arith.addi %iota3A, %add3A_979 : vector<16xi32>
    %scan3A_981 = arith.constant 0 : i32
    %scan3A_982 = arith.constant 0 : i32
    %scan3A_983 = arith.constant 128 : i32
    %scan3A_984 = arith.addi %scan3A_982, %scan3A_983 : i32
    %scan3A_985 = arith.constant 1 : i32
    scf.for %scan3A_1317 = %scan3A_982 to %scan3A_984 step %scan3A_985  : i32 {
      %broadcast_in_dim3A = vector.broadcast %scan3A_1317 : i32 to vector<16xi32>
      %broadcast_in_dim3A_1318 = arith.constant 0.000000e+00 : f32
      %broadcast_in_dim3A_1319 = vector.broadcast %broadcast_in_dim3A_1318 : f32 to vector<16xf32>
      %gather3A = tpu.vector_load_idx %arg6[%get3A_949, %broadcast_in_dim3A] : memref<500x128xf32, #tpu.memory_space<vmem>>[vector<16xi32>, vector<16xi32>], vector<16xf32>,
      %mul3A_1320 = arith.mulf %get3A_965, %gather3A : vector<16xf32>
      %add3A_1321 = arith.addf %broadcast_in_dim3A_1319, %mul3A_1320 : vector<16xf32>
      %gather3A_1322 = tpu.vector_load_idx %arg6[%get3A_953, %broadcast_in_dim3A] : memref<500x128xf32, #tpu.memory_space<vmem>>[vector<16xi32>, vector<16xi32>], vector<16xf32>,
      %mul3A_1323 = arith.mulf %get3A_969, %gather3A_1322 : vector<16xf32>
      %add3A_1324 = arith.addf %add3A_1321, %mul3A_1323 : vector<16xf32>
      %gather3A_1325 = tpu.vector_load_idx %arg6[%get3A_957, %broadcast_in_dim3A] : memref<500x128xf32, #tpu.memory_space<vmem>>[vector<16xi32>, vector<16xi32>], vector<16xf32>,
      %mul3A_1326 = arith.mulf %get3A_973, %gather3A_1325 : vector<16xf32>
      %add3A_1327 = arith.addf %add3A_1324, %mul3A_1326 : vector<16xf32>
      %gather3A_1328 = tpu.vector_load_idx %arg6[%get3A_961, %broadcast_in_dim3A] : memref<500x128xf32, #tpu.memory_space<vmem>>[vector<16xi32>, vector<16xi32>], vector<16xf32>,
      %mul3A_1329 = arith.mulf %get3A_977, %gather3A_1328 : vector<16xf32>
      %add3A_1330 = arith.addf %add3A_1327, %mul3A_1329 : vector<16xf32>
      tpu.vector_store_idx %arg9[%add3A_980, %broadcast_in_dim3A], %add3A_1330 : memref<256x128xf32, #tpu.memory_space<vmem>>[vector<16xi32>, vector<16xi32>], vector<16xf32>,
    }
    %scan3A_986 = arith.constant 128 : i32
    %get3A_987 = arith.constant 0 : i32
    %get3A_988 = arith.index_cast %get3A_987 : i32 to index
    %get3A_989 = arith.constant 384 : index
    %get3A_990 = tpu.vector_load %arg7[%get3A_988, %get3A_989] {strides = array<i32>} : memref<4x512xi32, #tpu.memory_space<vmem>>, vector<16xi32>,
    %get3A_991 = arith.constant 1 : i32
    %get3A_992 = arith.index_cast %get3A_991 : i32 to index
    %get3A_993 = arith.constant 384 : index
    %get3A_994 = tpu.vector_load %arg7[%get3A_992, %get3A_993] {strides = array<i32>} : memref<4x512xi32, #tpu.memory_space<vmem>>, vector<16xi32>,
    %get3A_995 = arith.constant 2 : i32
    %get3A_996 = arith.index_cast %get3A_995 : i32 to index
    %get3A_997 = arith.constant 384 : index
    %get3A_998 = tpu.vector_load %arg7[%get3A_996, %get3A_997] {strides = array<i32>} : memref<4x512xi32, #tpu.memory_space<vmem>>, vector<16xi32>,
    %get3A_999 = arith.constant 3 : i32
    %get3A_1000 = arith.index_cast %get3A_999 : i32 to index
    %get3A_1001 = arith.constant 384 : index
    %get3A_1002 = tpu.vector_load %arg7[%get3A_1000, %get3A_1001] {strides = array<i32>} : memref<4x512xi32, #tpu.memory_space<vmem>>, vector<16xi32>,
    %get3A_1003 = arith.constant 0 : i32
    %get3A_1004 = arith.index_cast %get3A_1003 : i32 to index
    %get3A_1005 = arith.constant 384 : index
    %get3A_1006 = tpu.vector_load %arg8[%get3A_1004, %get3A_1005] {strides = array<i32>} : memref<4x512xf32, #tpu.memory_space<vmem>>, vector<16xf32>,
    %get3A_1007 = arith.constant 1 : i32
    %get3A_1008 = arith.index_cast %get3A_1007 : i32 to index
    %get3A_1009 = arith.constant 384 : index
    %get3A_1010 = tpu.vector_load %arg8[%get3A_1008, %get3A_1009] {strides = array<i32>} : memref<4x512xf32, #tpu.memory_space<vmem>>, vector<16xf32>,
    %get3A_1011 = arith.constant 2 : i32
    %get3A_1012 = arith.index_cast %get3A_1011 : i32 to index
    %get3A_1013 = arith.constant 384 : index
    %get3A_1014 = tpu.vector_load %arg8[%get3A_1012, %get3A_1013] {strides = array<i32>} : memref<4x512xf32, #tpu.memory_space<vmem>>, vector<16xf32>,
    %get3A_1015 = arith.constant 3 : i32
    %get3A_1016 = arith.index_cast %get3A_1015 : i32 to index
    %get3A_1017 = arith.constant 384 : index
    %get3A_1018 = tpu.vector_load %arg8[%get3A_1016, %get3A_1017] {strides = array<i32>} : memref<4x512xf32, #tpu.memory_space<vmem>>, vector<16xf32>,
    %add3A_1019 = arith.constant 128 : i32
    %add3A_1020 = vector.broadcast %add3A_1019 : i32 to vector<16xi32>
    %add3A_1021 = arith.addi %iota3A, %add3A_1020 : vector<16xi32>
    %scan3A_1022 = arith.constant 0 : i32
    %scan3A_1023 = arith.constant 0 : i32
    %scan3A_1024 = arith.constant 128 : i32
    %scan3A_1025 = arith.addi %scan3A_1023, %scan3A_1024 : i32
    %scan3A_1026 = arith.constant 1 : i32
    scf.for %scan3A_1317 = %scan3A_1023 to %scan3A_1025 step %scan3A_1026  : i32 {
      %broadcast_in_dim3A = vector.broadcast %scan3A_1317 : i32 to vector<16xi32>
      %broadcast_in_dim3A_1318 = arith.constant 0.000000e+00 : f32
      %broadcast_in_dim3A_1319 = vector.broadcast %broadcast_in_dim3A_1318 : f32 to vector<16xf32>
      %gather3A = tpu.vector_load_idx %arg6[%get3A_990, %broadcast_in_dim3A] : memref<500x128xf32, #tpu.memory_space<vmem>>[vector<16xi32>, vector<16xi32>], vector<16xf32>,
      %mul3A_1320 = arith.mulf %get3A_1006, %gather3A : vector<16xf32>
      %add3A_1321 = arith.addf %broadcast_in_dim3A_1319, %mul3A_1320 : vector<16xf32>
      %gather3A_1322 = tpu.vector_load_idx %arg6[%get3A_994, %broadcast_in_dim3A] : memref<500x128xf32, #tpu.memory_space<vmem>>[vector<16xi32>, vector<16xi32>], vector<16xf32>,
      %mul3A_1323 = arith.mulf %get3A_1010, %gather3A_1322 : vector<16xf32>
      %add3A_1324 = arith.addf %add3A_1321, %mul3A_1323 : vector<16xf32>
      %gather3A_1325 = tpu.vector_load_idx %arg6[%get3A_998, %broadcast_in_dim3A] : memref<500x128xf32, #tpu.memory_space<vmem>>[vector<16xi32>, vector<16xi32>], vector<16xf32>,
      %mul3A_1326 = arith.mulf %get3A_1014, %gather3A_1325 : vector<16xf32>
      %add3A_1327 = arith.addf %add3A_1324, %mul3A_1326 : vector<16xf32>
      %gather3A_1328 = tpu.vector_load_idx %arg6[%get3A_1002, %broadcast_in_dim3A] : memref<500x128xf32, #tpu.memory_space<vmem>>[vector<16xi32>, vector<16xi32>], vector<16xf32>,
      %mul3A_1329 = arith.mulf %get3A_1018, %gather3A_1328 : vector<16xf32>
      %add3A_1330 = arith.addf %add3A_1327, %mul3A_1329 : vector<16xf32>
      tpu.vector_store_idx %arg9[%add3A_1021, %broadcast_in_dim3A], %add3A_1330 : memref<256x128xf32, #tpu.memory_space<vmem>>[vector<16xi32>, vector<16xi32>], vector<16xf32>,
    }
    %scan3A_1027 = arith.constant 128 : i32
    %get3A_1028 = arith.constant 0 : i32
    %get3A_1029 = arith.index_cast %get3A_1028 : i32 to index
    %get3A_1030 = arith.constant 400 : index
    %get3A_1031 = tpu.vector_load %arg7[%get3A_1029, %get3A_1030] {strides = array<i32>} : memref<4x512xi32, #tpu.memory_space<vmem>>, vector<16xi32>,
    %get3A_1032 = arith.constant 1 : i32
    %get3A_1033 = arith.index_cast %get3A_1032 : i32 to index
    %get3A_1034 = arith.constant 400 : index
    %get3A_1035 = tpu.vector_load %arg7[%get3A_1033, %get3A_1034] {strides = array<i32>} : memref<4x512xi32, #tpu.memory_space<vmem>>, vector<16xi32>,
    %get3A_1036 = arith.constant 2 : i32
    %get3A_1037 = arith.index_cast %get3A_1036 : i32 to index
    %get3A_1038 = arith.constant 400 : index
    %get3A_1039 = tpu.vector_load %arg7[%get3A_1037, %get3A_1038] {strides = array<i32>} : memref<4x512xi32, #tpu.memory_space<vmem>>, vector<16xi32>,
    %get3A_1040 = arith.constant 3 : i32
    %get3A_1041 = arith.index_cast %get3A_1040 : i32 to index
    %get3A_1042 = arith.constant 400 : index
    %get3A_1043 = tpu.vector_load %arg7[%get3A_1041, %get3A_1042] {strides = array<i32>} : memref<4x512xi32, #tpu.memory_space<vmem>>, vector<16xi32>,
    %get3A_1044 = arith.constant 0 : i32
    %get3A_1045 = arith.index_cast %get3A_1044 : i32 to index
    %get3A_1046 = arith.constant 400 : index
    %get3A_1047 = tpu.vector_load %arg8[%get3A_1045, %get3A_1046] {strides = array<i32>} : memref<4x512xf32, #tpu.memory_space<vmem>>, vector<16xf32>,
    %get3A_1048 = arith.constant 1 : i32
    %get3A_1049 = arith.index_cast %get3A_1048 : i32 to index
    %get3A_1050 = arith.constant 400 : index
    %get3A_1051 = tpu.vector_load %arg8[%get3A_1049, %get3A_1050] {strides = array<i32>} : memref<4x512xf32, #tpu.memory_space<vmem>>, vector<16xf32>,
    %get3A_1052 = arith.constant 2 : i32
    %get3A_1053 = arith.index_cast %get3A_1052 : i32 to index
    %get3A_1054 = arith.constant 400 : index
    %get3A_1055 = tpu.vector_load %arg8[%get3A_1053, %get3A_1054] {strides = array<i32>} : memref<4x512xf32, #tpu.memory_space<vmem>>, vector<16xf32>,
    %get3A_1056 = arith.constant 3 : i32
    %get3A_1057 = arith.index_cast %get3A_1056 : i32 to index
    %get3A_1058 = arith.constant 400 : index
    %get3A_1059 = tpu.vector_load %arg8[%get3A_1057, %get3A_1058] {strides = array<i32>} : memref<4x512xf32, #tpu.memory_space<vmem>>, vector<16xf32>,
    %add3A_1060 = arith.constant 144 : i32
    %add3A_1061 = vector.broadcast %add3A_1060 : i32 to vector<16xi32>
    %add3A_1062 = arith.addi %iota3A, %add3A_1061 : vector<16xi32>
    %scan3A_1063 = arith.constant 0 : i32
    %scan3A_1064 = arith.constant 0 : i32
    %scan3A_1065 = arith.constant 128 : i32
    %scan3A_1066 = arith.addi %scan3A_1064, %scan3A_1065 : i32
    %scan3A_1067 = arith.constant 1 : i32
    scf.for %scan3A_1317 = %scan3A_1064 to %scan3A_1066 step %scan3A_1067  : i32 {
      %broadcast_in_dim3A = vector.broadcast %scan3A_1317 : i32 to vector<16xi32>
      %broadcast_in_dim3A_1318 = arith.constant 0.000000e+00 : f32
      %broadcast_in_dim3A_1319 = vector.broadcast %broadcast_in_dim3A_1318 : f32 to vector<16xf32>
      %gather3A = tpu.vector_load_idx %arg6[%get3A_1031, %broadcast_in_dim3A] : memref<500x128xf32, #tpu.memory_space<vmem>>[vector<16xi32>, vector<16xi32>], vector<16xf32>,
      %mul3A_1320 = arith.mulf %get3A_1047, %gather3A : vector<16xf32>
      %add3A_1321 = arith.addf %broadcast_in_dim3A_1319, %mul3A_1320 : vector<16xf32>
      %gather3A_1322 = tpu.vector_load_idx %arg6[%get3A_1035, %broadcast_in_dim3A] : memref<500x128xf32, #tpu.memory_space<vmem>>[vector<16xi32>, vector<16xi32>], vector<16xf32>,
      %mul3A_1323 = arith.mulf %get3A_1051, %gather3A_1322 : vector<16xf32>
      %add3A_1324 = arith.addf %add3A_1321, %mul3A_1323 : vector<16xf32>
      %gather3A_1325 = tpu.vector_load_idx %arg6[%get3A_1039, %broadcast_in_dim3A] : memref<500x128xf32, #tpu.memory_space<vmem>>[vector<16xi32>, vector<16xi32>], vector<16xf32>,
      %mul3A_1326 = arith.mulf %get3A_1055, %gather3A_1325 : vector<16xf32>
      %add3A_1327 = arith.addf %add3A_1324, %mul3A_1326 : vector<16xf32>
      %gather3A_1328 = tpu.vector_load_idx %arg6[%get3A_1043, %broadcast_in_dim3A] : memref<500x128xf32, #tpu.memory_space<vmem>>[vector<16xi32>, vector<16xi32>], vector<16xf32>,
      %mul3A_1329 = arith.mulf %get3A_1059, %gather3A_1328 : vector<16xf32>
      %add3A_1330 = arith.addf %add3A_1327, %mul3A_1329 : vector<16xf32>
      tpu.vector_store_idx %arg9[%add3A_1062, %broadcast_in_dim3A], %add3A_1330 : memref<256x128xf32, #tpu.memory_space<vmem>>[vector<16xi32>, vector<16xi32>], vector<16xf32>,
    }
    %scan3A_1068 = arith.constant 128 : i32
    %get3A_1069 = arith.constant 0 : i32
    %get3A_1070 = arith.index_cast %get3A_1069 : i32 to index
    %get3A_1071 = arith.constant 416 : index
    %get3A_1072 = tpu.vector_load %arg7[%get3A_1070, %get3A_1071] {strides = array<i32>} : memref<4x512xi32, #tpu.memory_space<vmem>>, vector<16xi32>,
    %get3A_1073 = arith.constant 1 : i32
    %get3A_1074 = arith.index_cast %get3A_1073 : i32 to index
    %get3A_1075 = arith.constant 416 : index
    %get3A_1076 = tpu.vector_load %arg7[%get3A_1074, %get3A_1075] {strides = array<i32>} : memref<4x512xi32, #tpu.memory_space<vmem>>, vector<16xi32>,
    %get3A_1077 = arith.constant 2 : i32
    %get3A_1078 = arith.index_cast %get3A_1077 : i32 to index
    %get3A_1079 = arith.constant 416 : index
    %get3A_1080 = tpu.vector_load %arg7[%get3A_1078, %get3A_1079] {strides = array<i32>} : memref<4x512xi32, #tpu.memory_space<vmem>>, vector<16xi32>,
    %get3A_1081 = arith.constant 3 : i32
    %get3A_1082 = arith.index_cast %get3A_1081 : i32 to index
    %get3A_1083 = arith.constant 416 : index
    %get3A_1084 = tpu.vector_load %arg7[%get3A_1082, %get3A_1083] {strides = array<i32>} : memref<4x512xi32, #tpu.memory_space<vmem>>, vector<16xi32>,
    %get3A_1085 = arith.constant 0 : i32
    %get3A_1086 = arith.index_cast %get3A_1085 : i32 to index
    %get3A_1087 = arith.constant 416 : index
    %get3A_1088 = tpu.vector_load %arg8[%get3A_1086, %get3A_1087] {strides = array<i32>} : memref<4x512xf32, #tpu.memory_space<vmem>>, vector<16xf32>,
    %get3A_1089 = arith.constant 1 : i32
    %get3A_1090 = arith.index_cast %get3A_1089 : i32 to index
    %get3A_1091 = arith.constant 416 : index
    %get3A_1092 = tpu.vector_load %arg8[%get3A_1090, %get3A_1091] {strides = array<i32>} : memref<4x512xf32, #tpu.memory_space<vmem>>, vector<16xf32>,
    %get3A_1093 = arith.constant 2 : i32
    %get3A_1094 = arith.index_cast %get3A_1093 : i32 to index
    %get3A_1095 = arith.constant 416 : index
    %get3A_1096 = tpu.vector_load %arg8[%get3A_1094, %get3A_1095] {strides = array<i32>} : memref<4x512xf32, #tpu.memory_space<vmem>>, vector<16xf32>,
    %get3A_1097 = arith.constant 3 : i32
    %get3A_1098 = arith.index_cast %get3A_1097 : i32 to index
    %get3A_1099 = arith.constant 416 : index
    %get3A_1100 = tpu.vector_load %arg8[%get3A_1098, %get3A_1099] {strides = array<i32>} : memref<4x512xf32, #tpu.memory_space<vmem>>, vector<16xf32>,
    %add3A_1101 = arith.constant 160 : i32
    %add3A_1102 = vector.broadcast %add3A_1101 : i32 to vector<16xi32>
    %add3A_1103 = arith.addi %iota3A, %add3A_1102 : vector<16xi32>
    %scan3A_1104 = arith.constant 0 : i32
    %scan3A_1105 = arith.constant 0 : i32
    %scan3A_1106 = arith.constant 128 : i32
    %scan3A_1107 = arith.addi %scan3A_1105, %scan3A_1106 : i32
    %scan3A_1108 = arith.constant 1 : i32
    scf.for %scan3A_1317 = %scan3A_1105 to %scan3A_1107 step %scan3A_1108  : i32 {
      %broadcast_in_dim3A = vector.broadcast %scan3A_1317 : i32 to vector<16xi32>
      %broadcast_in_dim3A_1318 = arith.constant 0.000000e+00 : f32
      %broadcast_in_dim3A_1319 = vector.broadcast %broadcast_in_dim3A_1318 : f32 to vector<16xf32>
      %gather3A = tpu.vector_load_idx %arg6[%get3A_1072, %broadcast_in_dim3A] : memref<500x128xf32, #tpu.memory_space<vmem>>[vector<16xi32>, vector<16xi32>], vector<16xf32>,
      %mul3A_1320 = arith.mulf %get3A_1088, %gather3A : vector<16xf32>
      %add3A_1321 = arith.addf %broadcast_in_dim3A_1319, %mul3A_1320 : vector<16xf32>
      %gather3A_1322 = tpu.vector_load_idx %arg6[%get3A_1076, %broadcast_in_dim3A] : memref<500x128xf32, #tpu.memory_space<vmem>>[vector<16xi32>, vector<16xi32>], vector<16xf32>,
      %mul3A_1323 = arith.mulf %get3A_1092, %gather3A_1322 : vector<16xf32>
      %add3A_1324 = arith.addf %add3A_1321, %mul3A_1323 : vector<16xf32>
      %gather3A_1325 = tpu.vector_load_idx %arg6[%get3A_1080, %broadcast_in_dim3A] : memref<500x128xf32, #tpu.memory_space<vmem>>[vector<16xi32>, vector<16xi32>], vector<16xf32>,
      %mul3A_1326 = arith.mulf %get3A_1096, %gather3A_1325 : vector<16xf32>
      %add3A_1327 = arith.addf %add3A_1324, %mul3A_1326 : vector<16xf32>
      %gather3A_1328 = tpu.vector_load_idx %arg6[%get3A_1084, %broadcast_in_dim3A] : memref<500x128xf32, #tpu.memory_space<vmem>>[vector<16xi32>, vector<16xi32>], vector<16xf32>,
      %mul3A_1329 = arith.mulf %get3A_1100, %gather3A_1328 : vector<16xf32>
      %add3A_1330 = arith.addf %add3A_1327, %mul3A_1329 : vector<16xf32>
      tpu.vector_store_idx %arg9[%add3A_1103, %broadcast_in_dim3A], %add3A_1330 : memref<256x128xf32, #tpu.memory_space<vmem>>[vector<16xi32>, vector<16xi32>], vector<16xf32>,
    }
    %scan3A_1109 = arith.constant 128 : i32
    %get3A_1110 = arith.constant 0 : i32
    %get3A_1111 = arith.index_cast %get3A_1110 : i32 to index
    %get3A_1112 = arith.constant 432 : index
    %get3A_1113 = tpu.vector_load %arg7[%get3A_1111, %get3A_1112] {strides = array<i32>} : memref<4x512xi32, #tpu.memory_space<vmem>>, vector<16xi32>,
    %get3A_1114 = arith.constant 1 : i32
    %get3A_1115 = arith.index_cast %get3A_1114 : i32 to index
    %get3A_1116 = arith.constant 432 : index
    %get3A_1117 = tpu.vector_load %arg7[%get3A_1115, %get3A_1116] {strides = array<i32>} : memref<4x512xi32, #tpu.memory_space<vmem>>, vector<16xi32>,
    %get3A_1118 = arith.constant 2 : i32
    %get3A_1119 = arith.index_cast %get3A_1118 : i32 to index
    %get3A_1120 = arith.constant 432 : index
    %get3A_1121 = tpu.vector_load %arg7[%get3A_1119, %get3A_1120] {strides = array<i32>} : memref<4x512xi32, #tpu.memory_space<vmem>>, vector<16xi32>,
    %get3A_1122 = arith.constant 3 : i32
    %get3A_1123 = arith.index_cast %get3A_1122 : i32 to index
    %get3A_1124 = arith.constant 432 : index
    %get3A_1125 = tpu.vector_load %arg7[%get3A_1123, %get3A_1124] {strides = array<i32>} : memref<4x512xi32, #tpu.memory_space<vmem>>, vector<16xi32>,
    %get3A_1126 = arith.constant 0 : i32
    %get3A_1127 = arith.index_cast %get3A_1126 : i32 to index
    %get3A_1128 = arith.constant 432 : index
    %get3A_1129 = tpu.vector_load %arg8[%get3A_1127, %get3A_1128] {strides = array<i32>} : memref<4x512xf32, #tpu.memory_space<vmem>>, vector<16xf32>,
    %get3A_1130 = arith.constant 1 : i32
    %get3A_1131 = arith.index_cast %get3A_1130 : i32 to index
    %get3A_1132 = arith.constant 432 : index
    %get3A_1133 = tpu.vector_load %arg8[%get3A_1131, %get3A_1132] {strides = array<i32>} : memref<4x512xf32, #tpu.memory_space<vmem>>, vector<16xf32>,
    %get3A_1134 = arith.constant 2 : i32
    %get3A_1135 = arith.index_cast %get3A_1134 : i32 to index
    %get3A_1136 = arith.constant 432 : index
    %get3A_1137 = tpu.vector_load %arg8[%get3A_1135, %get3A_1136] {strides = array<i32>} : memref<4x512xf32, #tpu.memory_space<vmem>>, vector<16xf32>,
    %get3A_1138 = arith.constant 3 : i32
    %get3A_1139 = arith.index_cast %get3A_1138 : i32 to index
    %get3A_1140 = arith.constant 432 : index
    %get3A_1141 = tpu.vector_load %arg8[%get3A_1139, %get3A_1140] {strides = array<i32>} : memref<4x512xf32, #tpu.memory_space<vmem>>, vector<16xf32>,
    %add3A_1142 = arith.constant 176 : i32
    %add3A_1143 = vector.broadcast %add3A_1142 : i32 to vector<16xi32>
    %add3A_1144 = arith.addi %iota3A, %add3A_1143 : vector<16xi32>
    %scan3A_1145 = arith.constant 0 : i32
    %scan3A_1146 = arith.constant 0 : i32
    %scan3A_1147 = arith.constant 128 : i32
    %scan3A_1148 = arith.addi %scan3A_1146, %scan3A_1147 : i32
    %scan3A_1149 = arith.constant 1 : i32
    scf.for %scan3A_1317 = %scan3A_1146 to %scan3A_1148 step %scan3A_1149  : i32 {
      %broadcast_in_dim3A = vector.broadcast %scan3A_1317 : i32 to vector<16xi32>
      %broadcast_in_dim3A_1318 = arith.constant 0.000000e+00 : f32
      %broadcast_in_dim3A_1319 = vector.broadcast %broadcast_in_dim3A_1318 : f32 to vector<16xf32>
      %gather3A = tpu.vector_load_idx %arg6[%get3A_1113, %broadcast_in_dim3A] : memref<500x128xf32, #tpu.memory_space<vmem>>[vector<16xi32>, vector<16xi32>], vector<16xf32>,
      %mul3A_1320 = arith.mulf %get3A_1129, %gather3A : vector<16xf32>
      %add3A_1321 = arith.addf %broadcast_in_dim3A_1319, %mul3A_1320 : vector<16xf32>
      %gather3A_1322 = tpu.vector_load_idx %arg6[%get3A_1117, %broadcast_in_dim3A] : memref<500x128xf32, #tpu.memory_space<vmem>>[vector<16xi32>, vector<16xi32>], vector<16xf32>,
      %mul3A_1323 = arith.mulf %get3A_1133, %gather3A_1322 : vector<16xf32>
      %add3A_1324 = arith.addf %add3A_1321, %mul3A_1323 : vector<16xf32>
      %gather3A_1325 = tpu.vector_load_idx %arg6[%get3A_1121, %broadcast_in_dim3A] : memref<500x128xf32, #tpu.memory_space<vmem>>[vector<16xi32>, vector<16xi32>], vector<16xf32>,
      %mul3A_1326 = arith.mulf %get3A_1137, %gather3A_1325 : vector<16xf32>
      %add3A_1327 = arith.addf %add3A_1324, %mul3A_1326 : vector<16xf32>
      %gather3A_1328 = tpu.vector_load_idx %arg6[%get3A_1125, %broadcast_in_dim3A] : memref<500x128xf32, #tpu.memory_space<vmem>>[vector<16xi32>, vector<16xi32>], vector<16xf32>,
      %mul3A_1329 = arith.mulf %get3A_1141, %gather3A_1328 : vector<16xf32>
      %add3A_1330 = arith.addf %add3A_1327, %mul3A_1329 : vector<16xf32>
      tpu.vector_store_idx %arg9[%add3A_1144, %broadcast_in_dim3A], %add3A_1330 : memref<256x128xf32, #tpu.memory_space<vmem>>[vector<16xi32>, vector<16xi32>], vector<16xf32>,
    }
    %scan3A_1150 = arith.constant 128 : i32
    %get3A_1151 = arith.constant 0 : i32
    %get3A_1152 = arith.index_cast %get3A_1151 : i32 to index
    %get3A_1153 = arith.constant 448 : index
    %get3A_1154 = tpu.vector_load %arg7[%get3A_1152, %get3A_1153] {strides = array<i32>} : memref<4x512xi32, #tpu.memory_space<vmem>>, vector<16xi32>,
    %get3A_1155 = arith.constant 1 : i32
    %get3A_1156 = arith.index_cast %get3A_1155 : i32 to index
    %get3A_1157 = arith.constant 448 : index
    %get3A_1158 = tpu.vector_load %arg7[%get3A_1156, %get3A_1157] {strides = array<i32>} : memref<4x512xi32, #tpu.memory_space<vmem>>, vector<16xi32>,
    %get3A_1159 = arith.constant 2 : i32
    %get3A_1160 = arith.index_cast %get3A_1159 : i32 to index
    %get3A_1161 = arith.constant 448 : index
    %get3A_1162 = tpu.vector_load %arg7[%get3A_1160, %get3A_1161] {strides = array<i32>} : memref<4x512xi32, #tpu.memory_space<vmem>>, vector<16xi32>,
    %get3A_1163 = arith.constant 3 : i32
    %get3A_1164 = arith.index_cast %get3A_1163 : i32 to index
    %get3A_1165 = arith.constant 448 : index
    %get3A_1166 = tpu.vector_load %arg7[%get3A_1164, %get3A_1165] {strides = array<i32>} : memref<4x512xi32, #tpu.memory_space<vmem>>, vector<16xi32>,
    %get3A_1167 = arith.constant 0 : i32
    %get3A_1168 = arith.index_cast %get3A_1167 : i32 to index
    %get3A_1169 = arith.constant 448 : index
    %get3A_1170 = tpu.vector_load %arg8[%get3A_1168, %get3A_1169] {strides = array<i32>} : memref<4x512xf32, #tpu.memory_space<vmem>>, vector<16xf32>,
    %get3A_1171 = arith.constant 1 : i32
    %get3A_1172 = arith.index_cast %get3A_1171 : i32 to index
    %get3A_1173 = arith.constant 448 : index
    %get3A_1174 = tpu.vector_load %arg8[%get3A_1172, %get3A_1173] {strides = array<i32>} : memref<4x512xf32, #tpu.memory_space<vmem>>, vector<16xf32>,
    %get3A_1175 = arith.constant 2 : i32
    %get3A_1176 = arith.index_cast %get3A_1175 : i32 to index
    %get3A_1177 = arith.constant 448 : index
    %get3A_1178 = tpu.vector_load %arg8[%get3A_1176, %get3A_1177] {strides = array<i32>} : memref<4x512xf32, #tpu.memory_space<vmem>>, vector<16xf32>,
    %get3A_1179 = arith.constant 3 : i32
    %get3A_1180 = arith.index_cast %get3A_1179 : i32 to index
    %get3A_1181 = arith.constant 448 : index
    %get3A_1182 = tpu.vector_load %arg8[%get3A_1180, %get3A_1181] {strides = array<i32>} : memref<4x512xf32, #tpu.memory_space<vmem>>, vector<16xf32>,
    %add3A_1183 = arith.constant 192 : i32
    %add3A_1184 = vector.broadcast %add3A_1183 : i32 to vector<16xi32>
    %add3A_1185 = arith.addi %iota3A, %add3A_1184 : vector<16xi32>
    %scan3A_1186 = arith.constant 0 : i32
    %scan3A_1187 = arith.constant 0 : i32
    %scan3A_1188 = arith.constant 128 : i32
    %scan3A_1189 = arith.addi %scan3A_1187, %scan3A_1188 : i32
    %scan3A_1190 = arith.constant 1 : i32
    scf.for %scan3A_1317 = %scan3A_1187 to %scan3A_1189 step %scan3A_1190  : i32 {
      %broadcast_in_dim3A = vector.broadcast %scan3A_1317 : i32 to vector<16xi32>
      %broadcast_in_dim3A_1318 = arith.constant 0.000000e+00 : f32
      %broadcast_in_dim3A_1319 = vector.broadcast %broadcast_in_dim3A_1318 : f32 to vector<16xf32>
      %gather3A = tpu.vector_load_idx %arg6[%get3A_1154, %broadcast_in_dim3A] : memref<500x128xf32, #tpu.memory_space<vmem>>[vector<16xi32>, vector<16xi32>], vector<16xf32>,
      %mul3A_1320 = arith.mulf %get3A_1170, %gather3A : vector<16xf32>
      %add3A_1321 = arith.addf %broadcast_in_dim3A_1319, %mul3A_1320 : vector<16xf32>
      %gather3A_1322 = tpu.vector_load_idx %arg6[%get3A_1158, %broadcast_in_dim3A] : memref<500x128xf32, #tpu.memory_space<vmem>>[vector<16xi32>, vector<16xi32>], vector<16xf32>,
      %mul3A_1323 = arith.mulf %get3A_1174, %gather3A_1322 : vector<16xf32>
      %add3A_1324 = arith.addf %add3A_1321, %mul3A_1323 : vector<16xf32>
      %gather3A_1325 = tpu.vector_load_idx %arg6[%get3A_1162, %broadcast_in_dim3A] : memref<500x128xf32, #tpu.memory_space<vmem>>[vector<16xi32>, vector<16xi32>], vector<16xf32>,
      %mul3A_1326 = arith.mulf %get3A_1178, %gather3A_1325 : vector<16xf32>
      %add3A_1327 = arith.addf %add3A_1324, %mul3A_1326 : vector<16xf32>
      %gather3A_1328 = tpu.vector_load_idx %arg6[%get3A_1166, %broadcast_in_dim3A] : memref<500x128xf32, #tpu.memory_space<vmem>>[vector<16xi32>, vector<16xi32>], vector<16xf32>,
      %mul3A_1329 = arith.mulf %get3A_1182, %gather3A_1328 : vector<16xf32>
      %add3A_1330 = arith.addf %add3A_1327, %mul3A_1329 : vector<16xf32>
      tpu.vector_store_idx %arg9[%add3A_1185, %broadcast_in_dim3A], %add3A_1330 : memref<256x128xf32, #tpu.memory_space<vmem>>[vector<16xi32>, vector<16xi32>], vector<16xf32>,
    }
    %scan3A_1191 = arith.constant 128 : i32
    %get3A_1192 = arith.constant 0 : i32
    %get3A_1193 = arith.index_cast %get3A_1192 : i32 to index
    %get3A_1194 = arith.constant 464 : index
    %get3A_1195 = tpu.vector_load %arg7[%get3A_1193, %get3A_1194] {strides = array<i32>} : memref<4x512xi32, #tpu.memory_space<vmem>>, vector<16xi32>,
    %get3A_1196 = arith.constant 1 : i32
    %get3A_1197 = arith.index_cast %get3A_1196 : i32 to index
    %get3A_1198 = arith.constant 464 : index
    %get3A_1199 = tpu.vector_load %arg7[%get3A_1197, %get3A_1198] {strides = array<i32>} : memref<4x512xi32, #tpu.memory_space<vmem>>, vector<16xi32>,
    %get3A_1200 = arith.constant 2 : i32
    %get3A_1201 = arith.index_cast %get3A_1200 : i32 to index
    %get3A_1202 = arith.constant 464 : index
    %get3A_1203 = tpu.vector_load %arg7[%get3A_1201, %get3A_1202] {strides = array<i32>} : memref<4x512xi32, #tpu.memory_space<vmem>>, vector<16xi32>,
    %get3A_1204 = arith.constant 3 : i32
    %get3A_1205 = arith.index_cast %get3A_1204 : i32 to index
    %get3A_1206 = arith.constant 464 : index
    %get3A_1207 = tpu.vector_load %arg7[%get3A_1205, %get3A_1206] {strides = array<i32>} : memref<4x512xi32, #tpu.memory_space<vmem>>, vector<16xi32>,
    %get3A_1208 = arith.constant 0 : i32
    %get3A_1209 = arith.index_cast %get3A_1208 : i32 to index
    %get3A_1210 = arith.constant 464 : index
    %get3A_1211 = tpu.vector_load %arg8[%get3A_1209, %get3A_1210] {strides = array<i32>} : memref<4x512xf32, #tpu.memory_space<vmem>>, vector<16xf32>,
    %get3A_1212 = arith.constant 1 : i32
    %get3A_1213 = arith.index_cast %get3A_1212 : i32 to index
    %get3A_1214 = arith.constant 464 : index
    %get3A_1215 = tpu.vector_load %arg8[%get3A_1213, %get3A_1214] {strides = array<i32>} : memref<4x512xf32, #tpu.memory_space<vmem>>, vector<16xf32>,
    %get3A_1216 = arith.constant 2 : i32
    %get3A_1217 = arith.index_cast %get3A_1216 : i32 to index
    %get3A_1218 = arith.constant 464 : index
    %get3A_1219 = tpu.vector_load %arg8[%get3A_1217, %get3A_1218] {strides = array<i32>} : memref<4x512xf32, #tpu.memory_space<vmem>>, vector<16xf32>,
    %get3A_1220 = arith.constant 3 : i32
    %get3A_1221 = arith.index_cast %get3A_1220 : i32 to index
    %get3A_1222 = arith.constant 464 : index
    %get3A_1223 = tpu.vector_load %arg8[%get3A_1221, %get3A_1222] {strides = array<i32>} : memref<4x512xf32, #tpu.memory_space<vmem>>, vector<16xf32>,
    %add3A_1224 = arith.constant 208 : i32
    %add3A_1225 = vector.broadcast %add3A_1224 : i32 to vector<16xi32>
    %add3A_1226 = arith.addi %iota3A, %add3A_1225 : vector<16xi32>
    %scan3A_1227 = arith.constant 0 : i32
    %scan3A_1228 = arith.constant 0 : i32
    %scan3A_1229 = arith.constant 128 : i32
    %scan3A_1230 = arith.addi %scan3A_1228, %scan3A_1229 : i32
    %scan3A_1231 = arith.constant 1 : i32
    scf.for %scan3A_1317 = %scan3A_1228 to %scan3A_1230 step %scan3A_1231  : i32 {
      %broadcast_in_dim3A = vector.broadcast %scan3A_1317 : i32 to vector<16xi32>
      %broadcast_in_dim3A_1318 = arith.constant 0.000000e+00 : f32
      %broadcast_in_dim3A_1319 = vector.broadcast %broadcast_in_dim3A_1318 : f32 to vector<16xf32>
      %gather3A = tpu.vector_load_idx %arg6[%get3A_1195, %broadcast_in_dim3A] : memref<500x128xf32, #tpu.memory_space<vmem>>[vector<16xi32>, vector<16xi32>], vector<16xf32>,
      %mul3A_1320 = arith.mulf %get3A_1211, %gather3A : vector<16xf32>
      %add3A_1321 = arith.addf %broadcast_in_dim3A_1319, %mul3A_1320 : vector<16xf32>
      %gather3A_1322 = tpu.vector_load_idx %arg6[%get3A_1199, %broadcast_in_dim3A] : memref<500x128xf32, #tpu.memory_space<vmem>>[vector<16xi32>, vector<16xi32>], vector<16xf32>,
      %mul3A_1323 = arith.mulf %get3A_1215, %gather3A_1322 : vector<16xf32>
      %add3A_1324 = arith.addf %add3A_1321, %mul3A_1323 : vector<16xf32>
      %gather3A_1325 = tpu.vector_load_idx %arg6[%get3A_1203, %broadcast_in_dim3A] : memref<500x128xf32, #tpu.memory_space<vmem>>[vector<16xi32>, vector<16xi32>], vector<16xf32>,
      %mul3A_1326 = arith.mulf %get3A_1219, %gather3A_1325 : vector<16xf32>
      %add3A_1327 = arith.addf %add3A_1324, %mul3A_1326 : vector<16xf32>
      %gather3A_1328 = tpu.vector_load_idx %arg6[%get3A_1207, %broadcast_in_dim3A] : memref<500x128xf32, #tpu.memory_space<vmem>>[vector<16xi32>, vector<16xi32>], vector<16xf32>,
      %mul3A_1329 = arith.mulf %get3A_1223, %gather3A_1328 : vector<16xf32>
      %add3A_1330 = arith.addf %add3A_1327, %mul3A_1329 : vector<16xf32>
      tpu.vector_store_idx %arg9[%add3A_1226, %broadcast_in_dim3A], %add3A_1330 : memref<256x128xf32, #tpu.memory_space<vmem>>[vector<16xi32>, vector<16xi32>], vector<16xf32>,
    }
    %scan3A_1232 = arith.constant 128 : i32
    %get3A_1233 = arith.constant 0 : i32
    %get3A_1234 = arith.index_cast %get3A_1233 : i32 to index
    %get3A_1235 = arith.constant 480 : index
    %get3A_1236 = tpu.vector_load %arg7[%get3A_1234, %get3A_1235] {strides = array<i32>} : memref<4x512xi32, #tpu.memory_space<vmem>>, vector<16xi32>,
    %get3A_1237 = arith.constant 1 : i32
    %get3A_1238 = arith.index_cast %get3A_1237 : i32 to index
    %get3A_1239 = arith.constant 480 : index
    %get3A_1240 = tpu.vector_load %arg7[%get3A_1238, %get3A_1239] {strides = array<i32>} : memref<4x512xi32, #tpu.memory_space<vmem>>, vector<16xi32>,
    %get3A_1241 = arith.constant 2 : i32
    %get3A_1242 = arith.index_cast %get3A_1241 : i32 to index
    %get3A_1243 = arith.constant 480 : index
    %get3A_1244 = tpu.vector_load %arg7[%get3A_1242, %get3A_1243] {strides = array<i32>} : memref<4x512xi32, #tpu.memory_space<vmem>>, vector<16xi32>,
    %get3A_1245 = arith.constant 3 : i32
    %get3A_1246 = arith.index_cast %get3A_1245 : i32 to index
    %get3A_1247 = arith.constant 480 : index
    %get3A_1248 = tpu.vector_load %arg7[%get3A_1246, %get3A_1247] {strides = array<i32>} : memref<4x512xi32, #tpu.memory_space<vmem>>, vector<16xi32>,
    %get3A_1249 = arith.constant 0 : i32
    %get3A_1250 = arith.index_cast %get3A_1249 : i32 to index
    %get3A_1251 = arith.constant 480 : index
    %get3A_1252 = tpu.vector_load %arg8[%get3A_1250, %get3A_1251] {strides = array<i32>} : memref<4x512xf32, #tpu.memory_space<vmem>>, vector<16xf32>,
    %get3A_1253 = arith.constant 1 : i32
    %get3A_1254 = arith.index_cast %get3A_1253 : i32 to index
    %get3A_1255 = arith.constant 480 : index
    %get3A_1256 = tpu.vector_load %arg8[%get3A_1254, %get3A_1255] {strides = array<i32>} : memref<4x512xf32, #tpu.memory_space<vmem>>, vector<16xf32>,
    %get3A_1257 = arith.constant 2 : i32
    %get3A_1258 = arith.index_cast %get3A_1257 : i32 to index
    %get3A_1259 = arith.constant 480 : index
    %get3A_1260 = tpu.vector_load %arg8[%get3A_1258, %get3A_1259] {strides = array<i32>} : memref<4x512xf32, #tpu.memory_space<vmem>>, vector<16xf32>,
    %get3A_1261 = arith.constant 3 : i32
    %get3A_1262 = arith.index_cast %get3A_1261 : i32 to index
    %get3A_1263 = arith.constant 480 : index
    %get3A_1264 = tpu.vector_load %arg8[%get3A_1262, %get3A_1263] {strides = array<i32>} : memref<4x512xf32, #tpu.memory_space<vmem>>, vector<16xf32>,
    %add3A_1265 = arith.constant 224 : i32
    %add3A_1266 = vector.broadcast %add3A_1265 : i32 to vector<16xi32>
    %add3A_1267 = arith.addi %iota3A, %add3A_1266 : vector<16xi32>
    %scan3A_1268 = arith.constant 0 : i32
    %scan3A_1269 = arith.constant 0 : i32
    %scan3A_1270 = arith.constant 128 : i32
    %scan3A_1271 = arith.addi %scan3A_1269, %scan3A_1270 : i32
    %scan3A_1272 = arith.constant 1 : i32
    scf.for %scan3A_1317 = %scan3A_1269 to %scan3A_1271 step %scan3A_1272  : i32 {
      %broadcast_in_dim3A = vector.broadcast %scan3A_1317 : i32 to vector<16xi32>
      %broadcast_in_dim3A_1318 = arith.constant 0.000000e+00 : f32
      %broadcast_in_dim3A_1319 = vector.broadcast %broadcast_in_dim3A_1318 : f32 to vector<16xf32>
      %gather3A = tpu.vector_load_idx %arg6[%get3A_1236, %broadcast_in_dim3A] : memref<500x128xf32, #tpu.memory_space<vmem>>[vector<16xi32>, vector<16xi32>], vector<16xf32>,
      %mul3A_1320 = arith.mulf %get3A_1252, %gather3A : vector<16xf32>
      %add3A_1321 = arith.addf %broadcast_in_dim3A_1319, %mul3A_1320 : vector<16xf32>
      %gather3A_1322 = tpu.vector_load_idx %arg6[%get3A_1240, %broadcast_in_dim3A] : memref<500x128xf32, #tpu.memory_space<vmem>>[vector<16xi32>, vector<16xi32>], vector<16xf32>,
      %mul3A_1323 = arith.mulf %get3A_1256, %gather3A_1322 : vector<16xf32>
      %add3A_1324 = arith.addf %add3A_1321, %mul3A_1323 : vector<16xf32>
      %gather3A_1325 = tpu.vector_load_idx %arg6[%get3A_1244, %broadcast_in_dim3A] : memref<500x128xf32, #tpu.memory_space<vmem>>[vector<16xi32>, vector<16xi32>], vector<16xf32>,
      %mul3A_1326 = arith.mulf %get3A_1260, %gather3A_1325 : vector<16xf32>
      %add3A_1327 = arith.addf %add3A_1324, %mul3A_1326 : vector<16xf32>
      %gather3A_1328 = tpu.vector_load_idx %arg6[%get3A_1248, %broadcast_in_dim3A] : memref<500x128xf32, #tpu.memory_space<vmem>>[vector<16xi32>, vector<16xi32>], vector<16xf32>,
      %mul3A_1329 = arith.mulf %get3A_1264, %gather3A_1328 : vector<16xf32>
      %add3A_1330 = arith.addf %add3A_1327, %mul3A_1329 : vector<16xf32>
      tpu.vector_store_idx %arg9[%add3A_1267, %broadcast_in_dim3A], %add3A_1330 : memref<256x128xf32, #tpu.memory_space<vmem>>[vector<16xi32>, vector<16xi32>], vector<16xf32>,
    }
    %scan3A_1273 = arith.constant 128 : i32
    %get3A_1274 = arith.constant 0 : i32
    %get3A_1275 = arith.index_cast %get3A_1274 : i32 to index
    %get3A_1276 = arith.constant 496 : index
    %get3A_1277 = tpu.vector_load %arg7[%get3A_1275, %get3A_1276] {strides = array<i32>} : memref<4x512xi32, #tpu.memory_space<vmem>>, vector<16xi32>,
    %get3A_1278 = arith.constant 1 : i32
    %get3A_1279 = arith.index_cast %get3A_1278 : i32 to index
    %get3A_1280 = arith.constant 496 : index
    %get3A_1281 = tpu.vector_load %arg7[%get3A_1279, %get3A_1280] {strides = array<i32>} : memref<4x512xi32, #tpu.memory_space<vmem>>, vector<16xi32>,
    %get3A_1282 = arith.constant 2 : i32
    %get3A_1283 = arith.index_cast %get3A_1282 : i32 to index
    %get3A_1284 = arith.constant 496 : index
    %get3A_1285 = tpu.vector_load %arg7[%get3A_1283, %get3A_1284] {strides = array<i32>} : memref<4x512xi32, #tpu.memory_space<vmem>>, vector<16xi32>,
    %get3A_1286 = arith.constant 3 : i32
    %get3A_1287 = arith.index_cast %get3A_1286 : i32 to index
    %get3A_1288 = arith.constant 496 : index
    %get3A_1289 = tpu.vector_load %arg7[%get3A_1287, %get3A_1288] {strides = array<i32>} : memref<4x512xi32, #tpu.memory_space<vmem>>, vector<16xi32>,
    %get3A_1290 = arith.constant 0 : i32
    %get3A_1291 = arith.index_cast %get3A_1290 : i32 to index
    %get3A_1292 = arith.constant 496 : index
    %get3A_1293 = tpu.vector_load %arg8[%get3A_1291, %get3A_1292] {strides = array<i32>} : memref<4x512xf32, #tpu.memory_space<vmem>>, vector<16xf32>,
    %get3A_1294 = arith.constant 1 : i32
    %get3A_1295 = arith.index_cast %get3A_1294 : i32 to index
    %get3A_1296 = arith.constant 496 : index
    %get3A_1297 = tpu.vector_load %arg8[%get3A_1295, %get3A_1296] {strides = array<i32>} : memref<4x512xf32, #tpu.memory_space<vmem>>, vector<16xf32>,
    %get3A_1298 = arith.constant 2 : i32
    %get3A_1299 = arith.index_cast %get3A_1298 : i32 to index
    %get3A_1300 = arith.constant 496 : index
    %get3A_1301 = tpu.vector_load %arg8[%get3A_1299, %get3A_1300] {strides = array<i32>} : memref<4x512xf32, #tpu.memory_space<vmem>>, vector<16xf32>,
    %get3A_1302 = arith.constant 3 : i32
    %get3A_1303 = arith.index_cast %get3A_1302 : i32 to index
    %get3A_1304 = arith.constant 496 : index
    %get3A_1305 = tpu.vector_load %arg8[%get3A_1303, %get3A_1304] {strides = array<i32>} : memref<4x512xf32, #tpu.memory_space<vmem>>, vector<16xf32>,
    %add3A_1306 = arith.constant 240 : i32
    %add3A_1307 = vector.broadcast %add3A_1306 : i32 to vector<16xi32>
    %add3A_1308 = arith.addi %iota3A, %add3A_1307 : vector<16xi32>
    %scan3A_1309 = arith.constant 0 : i32
    %scan3A_1310 = arith.constant 0 : i32
    %scan3A_1311 = arith.constant 128 : i32
    %scan3A_1312 = arith.addi %scan3A_1310, %scan3A_1311 : i32
    %scan3A_1313 = arith.constant 1 : i32
    scf.for %scan3A_1317 = %scan3A_1310 to %scan3A_1312 step %scan3A_1313  : i32 {
      %broadcast_in_dim3A = vector.broadcast %scan3A_1317 : i32 to vector<16xi32>
      %broadcast_in_dim3A_1318 = arith.constant 0.000000e+00 : f32
      %broadcast_in_dim3A_1319 = vector.broadcast %broadcast_in_dim3A_1318 : f32 to vector<16xf32>
      %gather3A = tpu.vector_load_idx %arg6[%get3A_1277, %broadcast_in_dim3A] : memref<500x128xf32, #tpu.memory_space<vmem>>[vector<16xi32>, vector<16xi32>], vector<16xf32>,
      %mul3A_1320 = arith.mulf %get3A_1293, %gather3A : vector<16xf32>
      %add3A_1321 = arith.addf %broadcast_in_dim3A_1319, %mul3A_1320 : vector<16xf32>
      %gather3A_1322 = tpu.vector_load_idx %arg6[%get3A_1281, %broadcast_in_dim3A] : memref<500x128xf32, #tpu.memory_space<vmem>>[vector<16xi32>, vector<16xi32>], vector<16xf32>,
      %mul3A_1323 = arith.mulf %get3A_1297, %gather3A_1322 : vector<16xf32>
      %add3A_1324 = arith.addf %add3A_1321, %mul3A_1323 : vector<16xf32>
      %gather3A_1325 = tpu.vector_load_idx %arg6[%get3A_1285, %broadcast_in_dim3A] : memref<500x128xf32, #tpu.memory_space<vmem>>[vector<16xi32>, vector<16xi32>], vector<16xf32>,
      %mul3A_1326 = arith.mulf %get3A_1301, %gather3A_1325 : vector<16xf32>
      %add3A_1327 = arith.addf %add3A_1324, %mul3A_1326 : vector<16xf32>
      %gather3A_1328 = tpu.vector_load_idx %arg6[%get3A_1289, %broadcast_in_dim3A] : memref<500x128xf32, #tpu.memory_space<vmem>>[vector<16xi32>, vector<16xi32>], vector<16xf32>,
      %mul3A_1329 = arith.mulf %get3A_1305, %gather3A_1328 : vector<16xf32>
      %add3A_1330 = arith.addf %add3A_1327, %mul3A_1329 : vector<16xf32>
      tpu.vector_store_idx %arg9[%add3A_1308, %broadcast_in_dim3A], %add3A_1330 : memref<256x128xf32, #tpu.memory_space<vmem>>[vector<16xi32>, vector<16xi32>], vector<16xf32>,
    }
    %scan3A_1314 = arith.constant 128 : i32
    %add3A_1315 = arith.constant 256 : i32
    %add3A_1316 = arith.addi %mul3A_2, %add3A_1315 : i32
    "tpu.region"() ({
      %run_scoped3A = tpu.sem_alloc : memref<!tpu.dma_semaphore, #tpu.memory_space<semaphore_mem>>
      %dma_start3A = arith.constant 0 : i32
      %dma_start3A_1317 = tpu.memref_slice %arg5[%add3A_1316, %dma_start3A] : memref<16384x128xf32, #tpu.memory_space<hbm>> -> memref<256x128xf32, #tpu.memory_space<hbm>>
      %dma_start3A_1318 = arith.constant 0 : i32
      %dma_start3A_1319 = tpu.memref_slice %arg5[%add3A_1316, %dma_start3A_1318] : memref<16384x128xf32, #tpu.memory_space<hbm>> -> memref<256x128xf32, #tpu.memory_space<hbm>>
      tpu.enqueue_dma source(%arg9 : memref<256x128xf32, #tpu.memory_space<vmem>>) target(%dma_start3A_1319 : memref<256x128xf32, #tpu.memory_space<hbm>>) target_semaphore(%run_scoped3A : memref<!tpu.dma_semaphore, #tpu.memory_space<semaphore_mem>>)
      %dma_wait3A = arith.constant 0 : i32
      %dma_wait3A_1320 = tpu.memref_slice %arg5[%add3A_1316, %dma_wait3A] : memref<16384x128xf32, #tpu.memory_space<hbm>> -> memref<256x128xf32, #tpu.memory_space<hbm>>
      %dma_wait3A_1321 = arith.constant 0 : i32
      %dma_wait3A_1322 = tpu.memref_slice %arg5[%add3A_1316, %dma_wait3A_1321] : memref<16384x128xf32, #tpu.memory_space<hbm>> -> memref<256x128xf32, #tpu.memory_space<hbm>>
      tpu.wait_dma2 semaphore(%run_scoped3A : memref<!tpu.dma_semaphore, #tpu.memory_space<semaphore_mem>>) src(%arg9 : memref<256x128xf32, #tpu.memory_space<vmem>>) dst(%dma_wait3A_1322 : memref<256x128xf32, #tpu.memory_space<hbm>>)
      tpu.yield
    }) : () -> ()
    return
  }
}

module attributes {stable_mosaic.version = 14 : i64} {
  func.func @_tc_body(%arg0: i32, %arg1: memref<2048x128xf32, #tpu.memory_space<vmem>>, %arg2: memref<512x128xf32, #tpu.memory_space<vmem>>, %arg3: memref<128x128xf32, #tpu.memory_space<vmem>>, %arg4: memref<2048x4xf32, #tpu.memory_space<vmem>>, %arg5: memref<2048x4xi32, #tpu.memory_space<vmem>>) attributes {dimension_semantics = [#tpu.dimension_semantics<arbitrary>], iteration_bounds = array<i64: 8>, scalar_prefetch = 0 : i64, scratch_operands = 0 : i64, tpu.core_type = #tpu.core_type<tc>, window_params = [{transform_indices = @transform_0, window_bounds = array<i64: 2048, 128>}, {pipeline_mode = #tpu.pipeline_mode<synchronous>, transform_indices = @transform_1, window_bounds = array<i64: 512, 128>}, {pipeline_mode = #tpu.pipeline_mode<synchronous>, transform_indices = @transform_2, window_bounds = array<i64: 128, 128>}, {transform_indices = @transform_3, window_bounds = array<i64: 2048, 4>}, {transform_indices = @transform_4, window_bounds = array<i64: 2048, 4>}]} {
    %get3A = arith.constant 0 : index
    %get3A_0 = arith.constant 0 : index
    %get3A_1 = vector.load %arg1[%get3A, %get3A_0] : memref<2048x128xf32, #tpu.memory_space<vmem>>, vector<2048x128xf32>
    %get3A_2 = arith.constant 0 : index
    %get3A_3 = arith.constant 0 : index
    %get3A_4 = vector.load %arg2[%get3A_2, %get3A_3] : memref<512x128xf32, #tpu.memory_space<vmem>>, vector<512x128xf32>
    %get3A_5 = arith.constant 0 : index
    %get3A_6 = arith.constant 0 : index
    %get3A_7 = vector.load %arg3[%get3A_5, %get3A_6] : memref<128x128xf32, #tpu.memory_space<vmem>>, vector<128x128xf32>
    %dot_general3A = arith.constant dense<0.000000e+00> : vector<2048x128xf32>
    %dot_general3A_8 = tpu.matmul %get3A_1, %get3A_7, %dot_general3A {dimension_numbers = #tpu.dot_dimension_numbers<[1], [1], [0], [0], [0, 0, 1, 0], [], []>, transpose_lhs_hint = false} : vector<2048x128xf32>, vector<128x128xf32>, vector<2048x128xf32> -> vector<2048x128xf32>
    %dot_general3A_9 = arith.constant dense<0.000000e+00> : vector<2048x512xf32>
    %dot_general3A_10 = tpu.matmul %dot_general3A_8, %get3A_4, %dot_general3A_9 {dimension_numbers = #tpu.dot_dimension_numbers<[1], [1], [0], [0], [0, 0, 1, 0], [], []>, transpose_lhs_hint = false} : vector<2048x128xf32>, vector<512x128xf32>, vector<2048x512xf32> -> vector<2048x512xf32>
    %mul3A = arith.constant 0.0883883461 : f32
    %mul3A_11 = vector.broadcast %mul3A : f32 to vector<2048x512xf32>
    %mul3A_12 = arith.mulf %dot_general3A_10, %mul3A_11 : vector<2048x512xf32>
    %iota3A = tpu.iota {dimensions = array<i32: 1>} : vector<2048x512xi32>
    %lt3A = arith.constant 500 : i32
    %lt3A_13 = vector.broadcast %lt3A : i32 to vector<2048x512xi32>
    %lt3A_14 = arith.cmpi slt, %iota3A, %lt3A_13 : vector<2048x512xi32>
    %jit3A = arith.constant -1.000000e+30 : f32
    %broadcast_in_dim3A = vector.broadcast %jit3A : f32 to vector<2048x512xf32>
    %select_n3A = arith.select %lt3A_14, %mul3A_12, %broadcast_in_dim3A : vector<2048x512xi1>, vector<2048x512xf32>
    %reduce_max3A = arith.constant dense<0xFF800000> : vector<2048xf32>
    %reduce_max3A_15 = vector.multi_reduction <maximumf>, %select_n3A, %reduce_max3A [1] : vector<2048x512xf32> to vector<2048xf32>
    %broadcast_in_dim3A_16 = vector.shape_cast %reduce_max3A_15 : vector<2048xf32> to vector<2048x1xf32>
    %ge3A = vector.broadcast %broadcast_in_dim3A_16 : vector<2048x1xf32> to vector<2048x512xf32>
    %ge3A_17 = arith.cmpf oge, %select_n3A, %ge3A : vector<2048x512xf32>
    %jit3A_18 = arith.constant -1.000000e+30 : f32
    %broadcast_in_dim3A_19 = vector.broadcast %jit3A_18 : f32 to vector<2048x512xf32>
    %select_n3A_20 = arith.select %ge3A_17, %broadcast_in_dim3A_19, %select_n3A : vector<2048x512xi1>, vector<2048x512xf32>
    %reduce_max3A_21 = arith.constant dense<0xFF800000> : vector<2048xf32>
    %reduce_max3A_22 = vector.multi_reduction <maximumf>, %select_n3A_20, %reduce_max3A_21 [1] : vector<2048x512xf32> to vector<2048xf32>
    %broadcast_in_dim3A_23 = vector.shape_cast %reduce_max3A_22 : vector<2048xf32> to vector<2048x1xf32>
    %ge3A_24 = vector.broadcast %broadcast_in_dim3A_23 : vector<2048x1xf32> to vector<2048x512xf32>
    %ge3A_25 = arith.cmpf oge, %select_n3A_20, %ge3A_24 : vector<2048x512xf32>
    %jit3A_26 = arith.constant -1.000000e+30 : f32
    %broadcast_in_dim3A_27 = vector.broadcast %jit3A_26 : f32 to vector<2048x512xf32>
    %select_n3A_28 = arith.select %ge3A_25, %broadcast_in_dim3A_27, %select_n3A_20 : vector<2048x512xi1>, vector<2048x512xf32>
    %reduce_max3A_29 = arith.constant dense<0xFF800000> : vector<2048xf32>
    %reduce_max3A_30 = vector.multi_reduction <maximumf>, %select_n3A_28, %reduce_max3A_29 [1] : vector<2048x512xf32> to vector<2048xf32>
    %broadcast_in_dim3A_31 = vector.shape_cast %reduce_max3A_30 : vector<2048xf32> to vector<2048x1xf32>
    %ge3A_32 = vector.broadcast %broadcast_in_dim3A_31 : vector<2048x1xf32> to vector<2048x512xf32>
    %ge3A_33 = arith.cmpf oge, %select_n3A_28, %ge3A_32 : vector<2048x512xf32>
    %jit3A_34 = arith.constant -1.000000e+30 : f32
    %broadcast_in_dim3A_35 = vector.broadcast %jit3A_34 : f32 to vector<2048x512xf32>
    %select_n3A_36 = arith.select %ge3A_33, %broadcast_in_dim3A_35, %select_n3A_28 : vector<2048x512xi1>, vector<2048x512xf32>
    %reduce_max3A_37 = arith.constant dense<0xFF800000> : vector<2048xf32>
    %reduce_max3A_38 = vector.multi_reduction <maximumf>, %select_n3A_36, %reduce_max3A_37 [1] : vector<2048x512xf32> to vector<2048xf32>
    %broadcast_in_dim3A_39 = vector.shape_cast %reduce_max3A_38 : vector<2048xf32> to vector<2048x1xf32>
    %sub3A = arith.subf %broadcast_in_dim3A_23, %broadcast_in_dim3A_16 : vector<2048x1xf32>
    %exp3A = math.exp %sub3A : vector<2048x1xf32>
    %sub3A_40 = arith.subf %broadcast_in_dim3A_31, %broadcast_in_dim3A_16 : vector<2048x1xf32>
    %exp3A_41 = math.exp %sub3A_40 : vector<2048x1xf32>
    %sub3A_42 = arith.subf %broadcast_in_dim3A_39, %broadcast_in_dim3A_16 : vector<2048x1xf32>
    %exp3A_43 = math.exp %sub3A_42 : vector<2048x1xf32>
    %add3A = arith.constant 1.000000e+00 : f32
    %add3A_44 = vector.broadcast %add3A : f32 to vector<2048x1xf32>
    %add3A_45 = arith.addf %add3A_44, %exp3A : vector<2048x1xf32>
    %add3A_46 = arith.addf %add3A_45, %exp3A_41 : vector<2048x1xf32>
    %add3A_47 = arith.addf %add3A_46, %exp3A_43 : vector<2048x1xf32>
    %div3A = arith.constant 1.000000e+00 : f32
    %div3A_48 = vector.broadcast %div3A : f32 to vector<2048x1xf32>
    %div3A_49 = arith.divf %div3A_48, %add3A_47 : vector<2048x1xf32>
    %broadcast_in_dim3A_50 = arith.constant 1.000000e+00 : f32
    %broadcast_in_dim3A_51 = vector.broadcast %broadcast_in_dim3A_50 : f32 to vector<2048x1xf32>
    %concatenate3A = tpu.concatenate %broadcast_in_dim3A_51, %exp3A, %exp3A_41, %exp3A_43 in 1 : vector<2048x1xf32>, vector<2048x1xf32>, vector<2048x1xf32>, vector<2048x1xf32> -> vector<2048x4xf32>
    %mul3A_52 = vector.broadcast %div3A_49 : vector<2048x1xf32> to vector<2048x4xf32>
    %mul3A_53 = arith.mulf %concatenate3A, %mul3A_52 : vector<2048x4xf32>
    %swap3A = arith.constant 0 : index
    %swap3A_54 = arith.constant 0 : index
    %swap3A_55 = vector.load %arg4[%swap3A, %swap3A_54] : memref<2048x4xf32, #tpu.memory_space<vmem>>, vector<2048x4xf32>
    tpu.vector_store %arg4[%swap3A, %swap3A_54], %mul3A_53 {strides = array<i32>} : memref<2048x4xf32, #tpu.memory_space<vmem>>, vector<2048x4xf32>,
    %eq3A = vector.broadcast %broadcast_in_dim3A_16 : vector<2048x1xf32> to vector<2048x512xf32>
    %eq3A_56 = arith.cmpf oeq, %select_n3A, %eq3A : vector<2048x512xf32>
    %jit3A_57 = arith.constant 512 : i32
    %broadcast_in_dim3A_58 = vector.broadcast %jit3A_57 : i32 to vector<2048x512xi32>
    %select_n3A_59 = arith.select %eq3A_56, %iota3A, %broadcast_in_dim3A_58 : vector<2048x512xi1>, vector<2048x512xi32>
    %reduce_min3A = arith.constant dense<2147483647> : vector<2048xi32>
    %reduce_min3A_60 = vector.multi_reduction <minsi>, %select_n3A_59, %reduce_min3A [1] : vector<2048x512xi32> to vector<2048xi32>
    %broadcast_in_dim3A_61 = vector.shape_cast %reduce_min3A_60 : vector<2048xi32> to vector<2048x1xi32>
    %eq3A_62 = vector.broadcast %broadcast_in_dim3A_23 : vector<2048x1xf32> to vector<2048x512xf32>
    %eq3A_63 = arith.cmpf oeq, %select_n3A, %eq3A_62 : vector<2048x512xf32>
    %jit3A_64 = arith.constant 512 : i32
    %broadcast_in_dim3A_65 = vector.broadcast %jit3A_64 : i32 to vector<2048x512xi32>
    %select_n3A_66 = arith.select %eq3A_63, %iota3A, %broadcast_in_dim3A_65 : vector<2048x512xi1>, vector<2048x512xi32>
    %reduce_min3A_67 = arith.constant dense<2147483647> : vector<2048xi32>
    %reduce_min3A_68 = vector.multi_reduction <minsi>, %select_n3A_66, %reduce_min3A_67 [1] : vector<2048x512xi32> to vector<2048xi32>
    %broadcast_in_dim3A_69 = vector.shape_cast %reduce_min3A_68 : vector<2048xi32> to vector<2048x1xi32>
    %eq3A_70 = vector.broadcast %broadcast_in_dim3A_31 : vector<2048x1xf32> to vector<2048x512xf32>
    %eq3A_71 = arith.cmpf oeq, %select_n3A, %eq3A_70 : vector<2048x512xf32>
    %jit3A_72 = arith.constant 512 : i32
    %broadcast_in_dim3A_73 = vector.broadcast %jit3A_72 : i32 to vector<2048x512xi32>
    %select_n3A_74 = arith.select %eq3A_71, %iota3A, %broadcast_in_dim3A_73 : vector<2048x512xi1>, vector<2048x512xi32>
    %reduce_min3A_75 = arith.constant dense<2147483647> : vector<2048xi32>
    %reduce_min3A_76 = vector.multi_reduction <minsi>, %select_n3A_74, %reduce_min3A_75 [1] : vector<2048x512xi32> to vector<2048xi32>
    %broadcast_in_dim3A_77 = vector.shape_cast %reduce_min3A_76 : vector<2048xi32> to vector<2048x1xi32>
    %eq3A_78 = vector.broadcast %broadcast_in_dim3A_39 : vector<2048x1xf32> to vector<2048x512xf32>
    %eq3A_79 = arith.cmpf oeq, %select_n3A, %eq3A_78 : vector<2048x512xf32>
    %jit3A_80 = arith.constant 512 : i32
    %broadcast_in_dim3A_81 = vector.broadcast %jit3A_80 : i32 to vector<2048x512xi32>
    %select_n3A_82 = arith.select %eq3A_79, %iota3A, %broadcast_in_dim3A_81 : vector<2048x512xi1>, vector<2048x512xi32>
    %reduce_min3A_83 = arith.constant dense<2147483647> : vector<2048xi32>
    %reduce_min3A_84 = vector.multi_reduction <minsi>, %select_n3A_82, %reduce_min3A_83 [1] : vector<2048x512xi32> to vector<2048xi32>
    %broadcast_in_dim3A_85 = vector.shape_cast %reduce_min3A_84 : vector<2048xi32> to vector<2048x1xi32>
    %concatenate3A_86 = tpu.concatenate %broadcast_in_dim3A_61, %broadcast_in_dim3A_69, %broadcast_in_dim3A_77, %broadcast_in_dim3A_85 in 1 : vector<2048x1xi32>, vector<2048x1xi32>, vector<2048x1xi32>, vector<2048x1xi32> -> vector<2048x4xi32>
    %min3A = arith.constant 499 : i32
    %min3A_87 = vector.broadcast %min3A : i32 to vector<2048x4xi32>
    %min3A_88 = arith.minsi %concatenate3A_86, %min3A_87 : vector<2048x4xi32>
    %swap3A_89 = arith.constant 0 : index
    %swap3A_90 = arith.constant 0 : index
    %swap3A_91 = vector.load %arg5[%swap3A_89, %swap3A_90] : memref<2048x4xi32, #tpu.memory_space<vmem>>, vector<2048x4xi32>
    tpu.vector_store %arg5[%swap3A_89, %swap3A_90], %min3A_88 {strides = array<i32>} : memref<2048x4xi32, #tpu.memory_space<vmem>>, vector<2048x4xi32>,
    return
  }
  func.func @transform_0(%arg0: i32) -> (i32, i32) {
    %c0_i32 = arith.constant 0 : i32
    %c0_i32_0 = arith.constant 0 : i32
    return %arg0, %c0_i32 : i32, i32
  }
  func.func @transform_1(%arg0: i32) -> (i32, i32) {
    %c0_i32 = arith.constant 0 : i32
    %c0_i32_0 = arith.constant 0 : i32
    %c0_i32_1 = arith.constant 0 : i32
    return %c0_i32, %c0_i32_0 : i32, i32
  }
  func.func @transform_2(%arg0: i32) -> (i32, i32) {
    %c0_i32 = arith.constant 0 : i32
    %c0_i32_0 = arith.constant 0 : i32
    %c0_i32_1 = arith.constant 0 : i32
    return %c0_i32, %c0_i32_0 : i32, i32
  }
  func.func @transform_3(%arg0: i32) -> (i32, i32) {
    %c0_i32 = arith.constant 0 : i32
    %c0_i32_0 = arith.constant 0 : i32
    return %arg0, %c0_i32 : i32, i32
  }
  func.func @transform_4(%arg0: i32) -> (i32, i32) {
    %c0_i32 = arith.constant 0 : i32
    %c0_i32_0 = arith.constant 0 : i32
    return %arg0, %c0_i32 : i32, i32
  }
}

</mosaic_0001>

<sc_bundles>
// kernel: kernel.4.cloned.1.call-start
scs
__scs_entry_jumppad:
0x0: {  	(pc) =	sbr.rel $0x88, $3  }
0x1: {  	(tag) =	ssettag $0x0;
	lr =	simm.s32 $0x1  }
0x2: {  	[smem:$0x3F9E] =	sst lr;
	_ =	strace $0xD0000000  }
0x3: {  	_ = 	snop  }
0x4: {  	_ = 	snop  }
0x5: {  	_ = 	snop  }
0x6: {  	_ = 	snop  }
0x7: {  	_ = 	snop  }
__scs_overlays_trampoline_lowered:
0x8: {  	[smem:$0x3FAD] =	sst s0  }
0x9: {  	[smem:$0x3FAE] =	sst s1  }
0xa: {  	[smem:$0x3FAF] =	sst s2  }
0xb: {  	[smem:$0x3FB0] =	sst s3  }
0xc: {  	[smem:$0x3FB1] =	sst s4  }
0xd: {  	[smem:$0x3FB2] =	sst s5  }
0xe: {  	[smem:$0x3FB3] =	sst s6  }
0xf: {  	[smem:$0x3FB4] =	sst s7  }
0x10: {  	[smem:$0x3FB5] =	sst s8  }
0x11: {  	[smem:$0x3FB6] =	sst s9;
	s0 =	simm.s32 @!p0 $0x0  }
0x12: {  	s1 =	sld [smem:$0x3F9C];
	s0 =	simm.s32 @p0 $0x1  }
0x13: {  	[smem:$0x3FB7] =	sst s0;
	s0 =	simm.s32 @!p1 $0x0  }
0x14: {  	s2 =	sld [smem:$0x3F9B];
	s0 =	simm.s32 @p1 $0x1  }
0x15: {  	[smem:$0x3FB8] =	sst s0;
	s0 =	simm.s32 @!p2 $0x0  }
0x16: {  	s3 =	sld [smem:$0x3FDB];
	s0 =	simm.s32 @p2 $0x1  }
0x17: {  	s4 =	simm.s32 $0x1BF5;
	[smem:$0x3FBA] =	sst s0  }
0x18: {  	s0 =	sld [smem:$0x3F9D];
	_ =	swait.ge [sflag:s4], $0x0  }
0x19: {  	s7 =	sld [smem:$0x3F9E]  }
0x1a: {  	s8 =	sadd.s32 $0xFFFFE003, lr  }
0x1b: {  	s9 =	sadd.s32 $0xFFFFFEF7, lr;
	s5 =	simm.s32 $0xFFFFFFFF;
	p2 =	slt.u32 s8, $0xFFFFF086  }
0x1c: {  	p1 =	slt.u32 s9, $0xF7A;
	s5 =	simm.s32 @!p2 $0x0  }
0x1d: {  	s5 =	simm.s32 @p1 $0x1;
	p0 =	seq.s32 s7, s2  }
0x1e: {  	s7 =	smul.u32 @!p0 $0xF7A, s2;
	p2 =	seq.s32 @!p0 s5, $0x0  }
0x1f: {  	s9 =	smul.u32 $0xF7A, s1;
	s8 =	simm.s32 @!p0 $0x1BF5;
	p2 =	por !p2, p0  }
0x20: {  	[sflag:s8] =	ssyncset.s32 @!p0 $0xFFFFF086;
	s6 =	sadd.s32 @!p0 s3, s7;
	s7 =	simm.s32 @!p0 $0x108  }
0x21: {  	s3 =	sadd.s32 s3, s9;
	s6 =	sadd.s32 @!p0 $0x88, s6;
	s7 =	simm.s32 @p2 $0x1082  }
0x22: {  	[simem:s7], [sflag:s8] =	dma.local @!p0 [hbm:s6], $0xF7A  }
0x23: {  	s9 =	sor.u32 $0xD0000000, s2;
	s6 =	simm.s32 $0x108;
	_ =	swait.ge @!p0 [sflag:s8], $0x0  }
0x24: {  	s3 =	sadd.s32 $0x88, s3;
	s6 =	simm.s32 @!p1 $0x1082;
	[sflag:s4] =	ssyncset.s32 $0xFFFFF086  }
0x25: {  	[simem:s6], [sflag:s4] =	dma.local [hbm:s3], $0xF7A  }
0x26: {  	[smem:$0x3F9E] =	sst s1;
	(tag) =	ssettag s2;
	_ =	strace s9  }
0x27: {  	s1 =	sld [smem:$0x3FAE]  }
0x28: {  	s2 =	sld [smem:$0x3FAF]  }
0x29: {  	s4 =	sld [smem:$0x3FB1]  }
0x2a: {  	p0 =	seq.s32 s5, $0x0;
	s5 =	sld [smem:$0x3FB2]  }
0x2b: {  	s6 =	sld [smem:$0x3FB3]  }
0x2c: {  	s7 =	sld [smem:$0x3FB4]  }
0x2d: {  	s3 =	simm.s32 $0x108;
	s8 =	sld [smem:$0x3FB5]  }
0x2e: {  	s3 =	simm.s32 @!p0 $0x1082;
	s9 =	sld [smem:$0x3FB6]  }
0x2f: {  	lr =	sadd.s32 s0, s3;
	s0 =	sld [smem:$0x3FAD]  }
0x30: {  	s3 =	sld [smem:$0x3FB0]  }
0x31: {  	[smem:$0x3FB9] =	sst s10  }
0x32: {  	s10 =	sld [smem:$0x3FB7];
	_ =	sdelay $0x3  }
0x33: {  	p0 =	seq.s32 s10, $0x1;
	s10 =	sld [smem:$0x3FB9];
	_ =	sdelay $0x3  }
0x34: {  	[smem:$0x3FB9] =	sst s10  }
0x35: {  	s10 =	sld [smem:$0x3FB8];
	_ =	sdelay $0x3  }
0x36: {  	p1 =	seq.s32 s10, $0x1;
	s10 =	sld [smem:$0x3FB9];
	_ =	sdelay $0x3  }
0x37: {  	[smem:$0x3FB9] =	sst s10  }
0x38: {  	s10 =	sld [smem:$0x3FBA]  }
0x39: {  	_ = 	snop;
	(pc) =	sbr.ind lr, $3  }
0x3a: {  	_ = 	snop  }
0x3b: {  	_ = 	snop  }
0x3c: {  	p2 =	seq.s32 s10, $0x1;
	s10 =	sld [smem:$0x3FB9]  }
0x3d: {  	_ =	shalt  }
0x3e: {  	_ =	shalt  }
0x3f: {  	_ =	shalt  }
0x40: {  	_ =	shalt  }
0x41: {  	_ =	shalt  }
0x42: {  	_ =	shalt  }
0x43: {  	_ =	shalt  }
0x44: {  	_ =	shalt  }
0x45: {  	_ =	shalt  }
0x46: {  	_ =	shalt  }
0x47: {  	_ =	shalt  }
0x48: {  	_ =	shalt  }
0x49: {  	_ =	shalt  }
0x4a: {  	_ =	shalt  }
0x4b: {  	_ =	shalt  }
0x4c: {  	_ =	shalt  }
0x4d: {  	_ =	shalt  }
0x4e: {  	_ =	shalt  }
0x4f: {  	_ =	shalt  }
0x50: {  	_ =	shalt  }
0x51: {  	_ =	shalt  }
0x52: {  	_ =	shalt  }
0x53: {  	_ =	shalt  }
0x54: {  	_ =	shalt  }
0x55: {  	_ =	shalt  }
0x56: {  	_ =	shalt  }
0x57: {  	_ =	shalt  }
0x58: {  	_ =	shalt  }
0x59: {  	_ =	shalt  }
0x5a: {  	_ =	shalt  }
0x5b: {  	_ =	shalt  }
0x5c: {  	_ =	shalt  }
0x5d: {  	_ =	shalt  }
0x5e: {  	_ =	shalt  }
0x5f: {  	_ =	shalt  }
0x60: {  	_ =	shalt  }
0x61: {  	_ =	shalt  }
0x62: {  	_ =	shalt  }
0x63: {  	_ =	shalt  }
0x64: {  	_ =	shalt  }
0x65: {  	_ =	shalt  }
0x66: {  	_ =	shalt  }
0x67: {  	_ =	shalt  }
0x68: {  	_ =	shalt  }
0x69: {  	_ =	shalt  }
0x6a: {  	_ =	shalt  }
0x6b: {  	_ =	shalt  }
0x6c: {  	_ =	shalt  }
0x6d: {  	_ =	shalt  }
0x6e: {  	_ =	shalt  }
0x6f: {  	_ =	shalt  }
0x70: {  	_ =	shalt  }
0x71: {  	_ =	shalt  }
0x72: {  	_ =	shalt  }
0x73: {  	_ =	shalt  }
0x74: {  	_ =	shalt  }
0x75: {  	_ =	shalt  }
0x76: {  	_ =	shalt  }
0x77: {  	_ =	shalt  }
0x78: {  	_ =	shalt  }
0x79: {  	_ =	shalt  }
0x7a: {  	_ =	shalt  }
0x7b: {  	_ =	shalt  }
0x7c: {  	_ =	shalt  }
0x7d: {  	_ =	shalt  }
0x7e: {  	_ =	shalt  }
0x7f: {  	_ =	shalt  }
0x80: {  	_ =	shalt  }
0x81: {  	_ =	shalt  }
0x82: {  	_ =	shalt  }
0x83: {  	_ =	shalt  }
0x84: {  	_ =	shalt  }
0x85: {  	_ =	shalt  }
0x86: {  	_ =	shalt  }
0x87: {  	_ =	shalt  }
.Lfunc_end0:
.L_simem_size_0:
called_computation_lowered:
.L_overlay_start_0:
0x88: {  	s2 =	sld [smem:$0x3FD9]  }
0x89: {  	s3 =	sld [smem:$0x3FFE];
	_ =	sdelay $0x1  }
0x8a: {  	s1 =	srdreg.scid  }
0x8b: {  	s0 =	sand.u32 $0x1, s1  }
0x8c: {  	s14 =	sshll.u32 s0, $0xA;
	s2 =	sadd.s32 s3, s2  }
0x8d: {  	s2 =	sadd.s32 s2, s14  }
0x8e: {  	[smem:$0x3FC5] =	sst s2  }
0x8f: {  	_ = 	snop  }
0x90: {  	s2 =	sld [smem:$0x3FD0];
	_ =	sdelay $0x2  }
0x91: {  	s4 =	simm.s32 $0xA;
	s5 =	simm.s32 $0x10;
	s15 =	sld [smem:$0x3FC8]  }
0x92: {  	[smem:s5], [sflag:s4] =	dma.local [hbm:s2], $0x1  }
0x93: {  	_ =	swait.eq [sflag:s4], $0x1  }
0x94: {  	[sflag:s4] =	ssyncset.done $0x0  }
0x95: {  	s16 =	sld [smem:$0x10];
	[sflag:s4] =	ssyncadd.s32 $0xFFFFFFFF  }
0x96: {  	s17 =	sld [smem:$0x11];
	(tm) =	ssettm $0x1  }
0x97: {  	s18 =	sld [smem:$0x3FFB];
	_ =	sdelay $0x3  }
0x98: {  	_ =	strace s18  }
0x99: {  	s5 =	sld [smem:$0x3FFC];
	_ =	sdelay $0x3  }
0x9a: {  	_ =	strace s5  }
0x9b: {  	s5 =	sld [smem:$0x3FFD];
	_ =	sdelay $0x3  }
0x9c: {  	_ =	strace s5  }
0x9d: {  	_ =	strace $0x8FFFFFFF  }
0x9e: {  	s19 =	sld [smem:$0x3FDB];
	_ =	sdelay $0x1  }
0x9f: {  	s6 =	simm.s32 $_scs_section_size  }
0xa0: {  	s7 =	simm.s32 $_size__tile_overlayer_lowered;
	s8 =	simm.s32 $_tile_overlayer_lowered  }
0xa1: {  	s22 =	simm.s32 $0x1BFF;
	s21 =	sshll.u32 s8, $0x1;
	s5 =	sadd.s32 s6, s19  }
0xa2: {  	s9 =	simm.s32 $0x0;
	s20 =	sshll.u32 s7, $0x1;
	s7 =	sadd.s32 s21, s5  }
0xa3: {  	[timem:s9], [sflag:s22] =	dma.local [hbm:s7], s20  }
0xa4: {  	_ =	swait.ge [sflag:s22], s20  }
0xa5: {  	s6 =	ssub.s32 $0x0, s20;
	[sflag:s22] =	ssyncset.done $0x0  }
0xa6: {  	[sflag:s22] =	ssyncadd.s32 s6;
	_ =	sdelay $0x1  }
0xa7: {  	s23 =	simm.s32 $0x1B8B  }
0xa8: {  	_ =	swait.ge [sflag:s23], $0x1  }
0xa9: {  	[sflag:s23] =	ssyncset.done $0x0  }
0xaa: {  	s25 =	simm.s32 $0x1B8E;
	s24 =	sld [smem:$0x3FFE];
	[sflag:s23] =	ssyncadd.s32 $0xFFFFFFFF  }
0xab: {  	s26 =	simm.s32 $execute0_lowered;
	[smem:$0x3FD2] =	sst s25  }
0xac: {  	s7 =	sshll.u32 s26, $0x1;
	_ =	strace $0x80000046;
	[dreg:$0x1] =	wrdreg $0xFFFFFFFF  }
0xad: {  	s28 =	simm.s32 $_size_execute0_lowered;
	s5 =	sadd.s32 s5, s7;
	[dreg:$0x0] =	wrdreg $0x0  }
0xae: {  	s7 =	sshll.u32 s28, $0x1;
	[dreg:$0x2] =	wrdreg s5  }
0xaf: {  	[dreg:$0x3] =	wrdreg s7  }
0xb0: {  	[dreg:$0x4] =	wrdreg $0xC0  }
0xb1: {  	_ =	task [dreg:s9], $0x5FFFF  }
0xb2: {  	[dreg:$0x1] =	wrdreg $0xFFFFFFFF  }
0xb3: {  	[dreg:$0x0] =	wrdreg $0x60  }
0xb4: {  	[dreg:$0x2] =	wrdreg s15  }
0xb5: {  	[dreg:$0x3] =	wrdreg s24  }
0xb6: {  	[dreg:$0x4] =	wrdreg s17  }
0xb7: {  	[dreg:$0x5] =	wrdreg s16  }
0xb8: {  	[dreg:$0x6] =	wrdreg $0x9  }
0xb9: {  	_ =	task.clear_ibuf [dreg:s9], $0x7FFFF;
	_ =	strace $0x90000046  }
0xba: {  	s29 =	simm.s32 $0x9;
	_ =	strace $0x80000048  }
0xbb: {  	_ =	swait.ge [sflag:s29], $0x1  }
0xbc: {  	[sflag:s29] =	ssyncadd.s32 $0xFFFFFFFF  }
0xbd: {  	_ =	strace $0x90000048  }
0xbe: {  	_ =	sfence  }
0xbf: {  	s30 =	sld [smem:$0x0];
	_ =	sdelay $0x2  }
0xc0: {  	s31 =	sshll.u32 s1, $0xD;
	s1 =	sshrl.u32 s1, $0x2  }
0xc1: {  	s3 =	sand.u32 $0x4000, s31;
	s1 =	sadd.s32 s1, s30  }
0xc2: {  	s0 =	sor.u32 s3, s0;
	s1 =	sshll.u32 s1, $0x11  }
0xc3: {  	s0 =	sor.u32 s1, s0  }
0xc4: {  	s0 =	sadd.s32 $0x8F2B, s0  }
0xc5: {  	[sflag:s0] =	ssyncadd.remote.s32 $0x1  }
0xc6: {  	_ =	sfence.sel $0xFFFF  }
0xc7: {  	[dreg:$0x0] =	wrdreg $0xFFFFFFFF;
	(pc) =	sbr.abs _section_cstart, $3  }
0xc8: {  	[dreg:$0x1] =	wrdreg $0xFFFFFFFF  }
0xc9: {  	_ =	task.clear_ibuf [dreg:s9], $0x2FFFF;
	_ =	strace $0x9FFFFFFF  }
0xca: {  	(tm) =	ssettm $0x7FFFFFFF  }
0xcb: {  	_ =	shalt  }
tec
execute0_lowered:
.L_overlay_start_1:
0x0: {  	(tag) =	ssettag $0x1  }
0x1: {  	s1 =	rddreg [dreg:$0x0]  }
0x2: {  	s4 =	rddreg [dreg:$0x1]  }
0x3: {  	s6 =	rddreg [dreg:$0x2]  }
0x4: {  	s5 =	rddreg [dreg:$0x3]  }
0x5: {  	s0 =	rddreg [dreg:$0x4];
	s7 =	srdreg.scid  }
0x6: {  	s3 =	simm.s32 $0x0;
	s2 =	stileid.u32;
	v0 =	vlaneseq.u32;
	s12 =	simm.s32 $0x10C00  }
0x7: {  	s13 =	simm.s32 $0x0;
	s7 =	sand.u32 $0x1, s7;
	[smem:$0x7FF] =	sst s3;
	v0 =	vmul.u32 $0x80, v0  }
0x8: {  	s8 =	sshll.u32 s2, $0xA;
	s9 =	sshll.u32 s7, $0x9;
	s7 =	ssub.s32 $0x2, s7  }
0x9: {  	_ =	strace $0x80000047;
	s8 =	sor.u32 s9, s8;
	s10 =	sshrl.u32 s7, $0x1;
	v1 =	vor.u32 $0x800, v0;
	v2 =	vor.u32 $0x1000, v0;
	v3 =	vor.u32 $0x1800, v0  }
0xa: {  	v4 =	vor.u32 $0x2000, v0;
	v5 =	vor.u32 $0x2800, v0;
	v6 =	vor.u32 $0x3000, v0;
	s9 =	sshrl.u32 s8, $0x1;
	s8 =	sshll.u32 s8, $0x4;
	s10 =	ssub.s32 s7, s10  }
0xb: {  	v7 =	vor.u32 $0x3800, v0;
	v8 =	vor.u32 $0x4000, v0;
	v9 =	vor.u32 $0x4800, v0;
	s11 =	sadd.s32 s9, s4;
	s4 =	sadd.s32 s5, s8;
	s6 =	sadd.s32 s6, s9  }
0xc: {  	v10 =	vor.u32 $0x5000, v0;
	v11 =	vor.u32 $0x5800, v0;
	v12 =	vor.u32 $0x6000, v0;
	s8 =	smax.u32 s10, $0x1;
	s9 =	simm.s32 $0x1;
	s10 =	simm.s32 $0xFC00  }
0xd: {  	v13 =	vor.u32 $0x6800, v0;
	v14 =	vor.u32 $0x7000, v0;
	v15 =	vor.u32 $0x7800, v0;
	s5 =	sadd.s32 $0x800, s11;
	s7 =	sadd.s32 $0x1000, s4;
	s11 =	simm.s32 $0x10400  }
.LBB2_1:
0xe: {  	[tilespmem:s3], [sflag:$0x1] =	stream.linear.gather [hbm4b:s1+s3], $0xFA00, $0x38;
	[tilespmem:$0x18C00] =	vst v63  }
0xf: {  	_ =	swait.ge [sflag:s9], $0xFA00  }
0x10: {  	[sflag:s9] =	ssyncset.done $0x0  }
0x11: {  	[sflag:s9] =	ssyncadd.s32 $0xFFFF0600  }
0x12: {  	[tilespmem:s10], [sflag:$0x1] =	stream.linear.gather [hbm4b:s5+s3], $0x800, $0x38;
	[tilespmem:$0x18C00] =	vst v63  }
0x13: {  	_ =	swait.ge [sflag:s9], $0x800  }
0x14: {  	[sflag:s9] =	ssyncset.done $0x0  }
0x15: {  	[sflag:s9] =	ssyncadd.s32 $0xFFFFF800  }
0x16: {  	[tilespmem:s11], [sflag:$0x1] =	stream.linear.gather [hbm4b:s6+s3], $0x800, $0x38;
	[tilespmem:$0x18C00] =	vst v63  }
0x17: {  	_ =	swait.ge [sflag:s9], $0x800  }
0x18: {  	[sflag:s9] =	ssyncset.done $0x0  }
0x19: {  	[sflag:s9] =	ssyncadd.s32 $0xFFFFF800  }
0x1a: {  	v16 =	vld [tilespmem:$0xFC00];
	_ =	sdelay $0x1  }
0x1b: {  	v18 =	vmov s3  }
0x1c: {  	v18 =	vand.u32 $0x7F, v18;
	v17 =	vld [tilespmem:$0xFC80]  }
0x1d: {  	v24 =	vbroadcast v18, $0x0  }
0x1e: {  	v18 =	vld [tilespmem:$0xFD00];
	v20 =	vshll.u32 v16, $0x7  }
0x1f: {  	v19 =	vor.u32 v20, v24  }
0x20: {  	v23 =	vld [tilespmem:$0xFD80]  }
0x21: {  	v21 =	vshll.u32 v17, $0x7  }
0x22: {  	v25 =	vor.u32 v21, v24  }
0x23: {  	v16 =	vld [tilespmem:$0x10400];
	v22 =	vshll.u32 v18, $0x7  }
0x24: {  	v27 =	vor.u32 v22, v24;
	v26 =	vld.idx.msk [tilespmem:v19+s3+$0x0], $0xffff  }
0x25: {  	v23 =	vshll.u32 v23, $0x7  }
0x26: {  	v17 =	vld [tilespmem:$0x10480];
	v28 =	vor.u32 v23, v24  }
0x27: {  	v29 =	vld.idx.msk [tilespmem:v25+s3+$0x0], $0xffff  }
0x28: {  	v19 =	vld [tilespmem:$0x10500]  }
0x29: {  	v30 =	vmul.f32 v26, v16;
	v26 =	vld.idx.msk [tilespmem:v27+s3+$0x0], $0xffff  }
0x2a: {  	v18 =	vld [tilespmem:$0x10580]  }
0x2b: {  	s14 =	simm.s32 $0x1;
	v25 =	vld.idx.msk [tilespmem:v28+s3+$0x0], $0xffff  }
0x2c: {  	v28 =	vmov s14;
	s14 =	simm.s32 $0x2;
	v29 =	vmul.f32 v29, v17;
	v27 =	vadd.f32 $0.0e+00, v30  }
.LBB2_2:
0x2d: {  	p0 =	sne.s32 s14, $0x7F;
	v28 =	vand.u32 $0x7F, v28  }
0x2e: {  	v26 =	vmul.f32 v26, v19;
	v28 =	vbroadcast v28, $0x0;
	v27 =	vadd.f32 v29, v27  }
0x2f: {  	v29 =	vor.u32 v0, v24  }
0x30: {  	v25 =	vmul.f32 v25, v18;
	v30 =	vor.u32 v20, v28;
	v26 =	vadd.f32 v26, v27;
	v24 =	vmovc v28;
	_ =	sdelay $0x1  }
0x31: {  	v27 =	vor.u32 v21, v24;
	v25 =	vadd.f32 v25, v26;
	_ =	sdelay $0x1  }
0x32: {  	v26 =	vor.u32 v22, v24;
	[tilespmem:v29+s12+$0x0] =	vst.idx.msk $0xffff, v25  }
0x33: {  	v25 =	vld.idx.msk [tilespmem:v30+s3+$0x0], $0xffff  }
0x34: {  	v28 =	vor.u32 v23, v24  }
0x35: {  	v29 =	vld.idx.msk [tilespmem:v27+s3+$0x0], $0xffff;
	_ =	sdelay $0x1  }
.Ltmp0:
0x36: {  	v26 =	vld.idx.msk [tilespmem:v26+s3+$0x0], $0xffff;
	(pc) =	sbr.rel @p0 .LBB2_2-.Ltmp0, $3  }
0x37: {  	_ = 	snop  }
0x38: {  	v27 =	vmul.f32 v25, v16;
	v25 =	vld.idx.msk [tilespmem:v28+s3+$0x0], $0xffff;
	_ =	sdelay $0x1  }
0x39: {  	v28 =	vmov s14;
	s14 =	sadd.s32 $0x1, s14;
	v27 =	vadd.f32 $0.0e+00, v27;
	v29 =	vmul.f32 v29, v17  }
0x3a: {  	v28 =	vand.u32 $0x7F, v28  }
0x3b: {  	v26 =	vmul.f32 v26, v19;
	v28 =	vbroadcast v28, $0x0;
	v27 =	vadd.f32 v29, v27  }
0x3c: {  	v24 =	vor.u32 v0, v24  }
0x3d: {  	v25 =	vmul.f32 v25, v18;
	v20 =	vor.u32 v20, v28;
	v26 =	vadd.f32 v26, v27;
	_ =	sdelay $0x1  }
0x3e: {  	v21 =	vor.u32 v21, v28;
	v25 =	vadd.f32 v25, v26;
	_ =	sdelay $0x1  }
0x3f: {  	v22 =	vor.u32 v22, v28;
	[tilespmem:v24+s12+$0x0] =	vst.idx.msk $0xffff, v25  }
0x40: {  	v20 =	vld.idx.msk [tilespmem:v20+s3+$0x0], $0xffff  }
0x41: {  	v23 =	vor.u32 v23, v28  }
0x42: {  	v21 =	vld.idx.msk [tilespmem:v21+s3+$0x0], $0xffff;
	_ =	sdelay $0x1  }
0x43: {  	v22 =	vld.idx.msk [tilespmem:v22+s3+$0x0], $0xffff  }
0x44: {  	v16 =	vmul.f32 v20, v16  }
0x45: {  	v20 =	vld.idx.msk [tilespmem:v23+s3+$0x0], $0xffff  }
0x46: {  	v17 =	vmul.f32 v21, v17;
	v16 =	vadd.f32 $0.0e+00, v16;
	_ =	sdelay $0x1  }
0x47: {  	v16 =	vadd.f32 v17, v16;
	v17 =	vmul.f32 v22, v19  }
0x48: {  	v19 =	vor.u32 v0, v28  }
0x49: {  	v16 =	vadd.f32 v17, v16;
	v17 =	vmul.f32 v20, v18;
	_ =	sdelay $0x1  }
0x4a: {  	v16 =	vadd.f32 v17, v16;
	_ =	sdelay $0x1  }
0x4b: {  	[tilespmem:v19+s12+$0x0] =	vst.idx.msk $0xffff, v16  }
0x4c: {  	v16 =	vld [tilespmem:$0xFC10]  }
0x4d: {  	s14 =	simm.s32 $0x0  }
0x4e: {  	v18 =	vmov s14  }
0x4f: {  	v18 =	vand.u32 $0x7F, v18;
	v17 =	vld [tilespmem:$0xFC90]  }
0x50: {  	v24 =	vbroadcast v18, $0x0  }
0x51: {  	v18 =	vld [tilespmem:$0xFD10];
	v20 =	vshll.u32 v16, $0x7  }
0x52: {  	v19 =	vor.u32 v20, v24  }
0x53: {  	v23 =	vld [tilespmem:$0xFD90]  }
0x54: {  	v21 =	vshll.u32 v17, $0x7  }
0x55: {  	v25 =	vor.u32 v21, v24  }
0x56: {  	v16 =	vld [tilespmem:$0x10410];
	v22 =	vshll.u32 v18, $0x7  }
0x57: {  	v27 =	vor.u32 v22, v24;
	v26 =	vld.idx.msk [tilespmem:v19+s3+$0x0], $0xffff  }
0x58: {  	v23 =	vshll.u32 v23, $0x7  }
0x59: {  	v17 =	vld [tilespmem:$0x10490];
	v28 =	vor.u32 v23, v24  }
0x5a: {  	v29 =	vld.idx.msk [tilespmem:v25+s3+$0x0], $0xffff  }
0x5b: {  	v19 =	vld [tilespmem:$0x10510]  }
0x5c: {  	v30 =	vmul.f32 v26, v16;
	v26 =	vld.idx.msk [tilespmem:v27+s3+$0x0], $0xffff  }
0x5d: {  	v18 =	vld [tilespmem:$0x10590]  }
0x5e: {  	s31 =	simm.s32 $0x1;
	v25 =	vld.idx.msk [tilespmem:v28+s3+$0x0], $0xffff  }
0x5f: {  	s14 =	simm.s32 $0x2;
	v28 =	vmov s31;
	v29 =	vmul.f32 v29, v17;
	v27 =	vadd.f32 $0.0e+00, v30  }
.LBB2_4:
0x60: {  	p0 =	sne.s32 s14, $0x7F;
	v28 =	vand.u32 $0x7F, v28  }
0x61: {  	v26 =	vmul.f32 v26, v19;
	v28 =	vbroadcast v28, $0x0;
	v27 =	vadd.f32 v29, v27  }
0x62: {  	v29 =	vor.u32 v1, v24  }
0x63: {  	v25 =	vmul.f32 v25, v18;
	v30 =	vor.u32 v20, v28;
	v26 =	vadd.f32 v26, v27;
	v24 =	vmovc v28;
	_ =	sdelay $0x1  }
0x64: {  	v27 =	vor.u32 v21, v24;
	v25 =	vadd.f32 v25, v26;
	_ =	sdelay $0x1  }
0x65: {  	v26 =	vor.u32 v22, v24;
	[tilespmem:v29+s12+$0x0] =	vst.idx.msk $0xffff, v25  }
0x66: {  	v25 =	vld.idx.msk [tilespmem:v30+s3+$0x0], $0xffff  }
0x67: {  	v28 =	vor.u32 v23, v24  }
0x68: {  	v29 =	vld.idx.msk [tilespmem:v27+s3+$0x0], $0xffff;
	_ =	sdelay $0x1  }
.Ltmp1:
0x69: {  	v26 =	vld.idx.msk [tilespmem:v26+s3+$0x0], $0xffff;
	(pc) =	sbr.rel @p0 .LBB2_4-.Ltmp1, $3  }
0x6a: {  	_ = 	snop  }
0x6b: {  	v27 =	vmul.f32 v25, v16;
	v25 =	vld.idx.msk [tilespmem:v28+s3+$0x0], $0xffff;
	_ =	sdelay $0x1  }
0x6c: {  	v28 =	vmov s14;
	s14 =	sadd.s32 $0x1, s14;
	v27 =	vadd.f32 $0.0e+00, v27;
	v29 =	vmul.f32 v29, v17  }
0x6d: {  	v28 =	vand.u32 $0x7F, v28  }
0x6e: {  	v26 =	vmul.f32 v26, v19;
	v28 =	vbroadcast v28, $0x0;
	v27 =	vadd.f32 v29, v27  }
0x6f: {  	v24 =	vor.u32 v1, v24  }
0x70: {  	v25 =	vmul.f32 v25, v18;
	v20 =	vor.u32 v20, v28;
	v26 =	vadd.f32 v26, v27;
	_ =	sdelay $0x1  }
0x71: {  	v21 =	vor.u32 v21, v28;
	v25 =	vadd.f32 v25, v26;
	_ =	sdelay $0x1  }
0x72: {  	v22 =	vor.u32 v22, v28;
	[tilespmem:v24+s12+$0x0] =	vst.idx.msk $0xffff, v25  }
0x73: {  	v20 =	vld.idx.msk [tilespmem:v20+s3+$0x0], $0xffff  }
0x74: {  	v23 =	vor.u32 v23, v28  }
0x75: {  	v21 =	vld.idx.msk [tilespmem:v21+s3+$0x0], $0xffff;
	_ =	sdelay $0x1  }
0x76: {  	v22 =	vld.idx.msk [tilespmem:v22+s3+$0x0], $0xffff  }
0x77: {  	v16 =	vmul.f32 v20, v16  }
0x78: {  	v20 =	vld.idx.msk [tilespmem:v23+s3+$0x0], $0xffff  }
0x79: {  	v17 =	vmul.f32 v21, v17;
	v16 =	vadd.f32 $0.0e+00, v16;
	_ =	sdelay $0x1  }
0x7a: {  	v16 =	vadd.f32 v17, v16;
	v17 =	vmul.f32 v22, v19  }
0x7b: {  	v19 =	vor.u32 v1, v28  }
0x7c: {  	v16 =	vadd.f32 v17, v16;
	v17 =	vmul.f32 v20, v18;
	_ =	sdelay $0x1  }
0x7d: {  	v16 =	vadd.f32 v17, v16;
	_ =	sdelay $0x1  }
0x7e: {  	[tilespmem:v19+s12+$0x0] =	vst.idx.msk $0xffff, v16  }
0x7f: {  	v16 =	vld [tilespmem:$0xFC20]  }
0x80: {  	s14 =	simm.s32 $0x0  }
0x81: {  	v18 =	vmov s14  }
0x82: {  	v18 =	vand.u32 $0x7F, v18;
	v17 =	vld [tilespmem:$0xFCA0]  }
0x83: {  	v24 =	vbroadcast v18, $0x0  }
0x84: {  	v18 =	vld [tilespmem:$0xFD20];
	v20 =	vshll.u32 v16, $0x7  }
0x85: {  	v19 =	vor.u32 v20, v24  }
0x86: {  	v23 =	vld [tilespmem:$0xFDA0]  }
0x87: {  	v21 =	vshll.u32 v17, $0x7  }
0x88: {  	v25 =	vor.u32 v21, v24  }
0x89: {  	v16 =	vld [tilespmem:$0x10420];
	v22 =	vshll.u32 v18, $0x7  }
0x8a: {  	v27 =	vor.u32 v22, v24;
	v26 =	vld.idx.msk [tilespmem:v19+s3+$0x0], $0xffff  }
0x8b: {  	v23 =	vshll.u32 v23, $0x7  }
0x8c: {  	v17 =	vld [tilespmem:$0x104A0];
	v28 =	vor.u32 v23, v24  }
0x8d: {  	v29 =	vld.idx.msk [tilespmem:v25+s3+$0x0], $0xffff  }
0x8e: {  	v19 =	vld [tilespmem:$0x10520]  }
0x8f: {  	v30 =	vmul.f32 v26, v16;
	v26 =	vld.idx.msk [tilespmem:v27+s3+$0x0], $0xffff  }
0x90: {  	v18 =	vld [tilespmem:$0x105A0]  }
0x91: {  	s31 =	simm.s32 $0x1;
	v25 =	vld.idx.msk [tilespmem:v28+s3+$0x0], $0xffff  }
0x92: {  	s14 =	simm.s32 $0x2;
	v28 =	vmov s31;
	v29 =	vmul.f32 v29, v17;
	v27 =	vadd.f32 $0.0e+00, v30  }
.LBB2_6:
0x93: {  	p0 =	sne.s32 s14, $0x7F;
	v28 =	vand.u32 $0x7F, v28  }
0x94: {  	v26 =	vmul.f32 v26, v19;
	v28 =	vbroadcast v28, $0x0;
	v27 =	vadd.f32 v29, v27  }
0x95: {  	v29 =	vor.u32 v2, v24  }
0x96: {  	v25 =	vmul.f32 v25, v18;
	v30 =	vor.u32 v20, v28;
	v26 =	vadd.f32 v26, v27;
	v24 =	vmovc v28;
	_ =	sdelay $0x1  }
0x97: {  	v27 =	vor.u32 v21, v24;
	v25 =	vadd.f32 v25, v26;
	_ =	sdelay $0x1  }
0x98: {  	v26 =	vor.u32 v22, v24;
	[tilespmem:v29+s12+$0x0] =	vst.idx.msk $0xffff, v25  }
0x99: {  	v25 =	vld.idx.msk [tilespmem:v30+s3+$0x0], $0xffff  }
0x9a: {  	v28 =	vor.u32 v23, v24  }
0x9b: {  	v29 =	vld.idx.msk [tilespmem:v27+s3+$0x0], $0xffff;
	_ =	sdelay $0x1  }
.Ltmp2:
0x9c: {  	v26 =	vld.idx.msk [tilespmem:v26+s3+$0x0], $0xffff;
	(pc) =	sbr.rel @p0 .LBB2_6-.Ltmp2, $3  }
0x9d: {  	_ = 	snop  }
0x9e: {  	v27 =	vmul.f32 v25, v16;
	v25 =	vld.idx.msk [tilespmem:v28+s3+$0x0], $0xffff;
	_ =	sdelay $0x1  }
0x9f: {  	v28 =	vmov s14;
	s14 =	sadd.s32 $0x1, s14;
	v27 =	vadd.f32 $0.0e+00, v27;
	v29 =	vmul.f32 v29, v17  }
0xa0: {  	v28 =	vand.u32 $0x7F, v28  }
0xa1: {  	v26 =	vmul.f32 v26, v19;
	v28 =	vbroadcast v28, $0x0;
	v27 =	vadd.f32 v29, v27  }
0xa2: {  	v24 =	vor.u32 v2, v24  }
0xa3: {  	v25 =	vmul.f32 v25, v18;
	v20 =	vor.u32 v20, v28;
	v26 =	vadd.f32 v26, v27;
	_ =	sdelay $0x1  }
0xa4: {  	v21 =	vor.u32 v21, v28;
	v25 =	vadd.f32 v25, v26;
	_ =	sdelay $0x1  }
0xa5: {  	v22 =	vor.u32 v22, v28;
	[tilespmem:v24+s12+$0x0] =	vst.idx.msk $0xffff, v25  }
0xa6: {  	v20 =	vld.idx.msk [tilespmem:v20+s3+$0x0], $0xffff  }
0xa7: {  	v23 =	vor.u32 v23, v28  }
0xa8: {  	v21 =	vld.idx.msk [tilespmem:v21+s3+$0x0], $0xffff;
	_ =	sdelay $0x1  }
0xa9: {  	v22 =	vld.idx.msk [tilespmem:v22+s3+$0x0], $0xffff  }
0xaa: {  	v16 =	vmul.f32 v20, v16  }
0xab: {  	v20 =	vld.idx.msk [tilespmem:v23+s3+$0x0], $0xffff  }
0xac: {  	v17 =	vmul.f32 v21, v17;
	v16 =	vadd.f32 $0.0e+00, v16;
	_ =	sdelay $0x1  }
0xad: {  	v16 =	vadd.f32 v17, v16;
	v17 =	vmul.f32 v22, v19  }
0xae: {  	v19 =	vor.u32 v2, v28  }
0xaf: {  	v16 =	vadd.f32 v17, v16;
	v17 =	vmul.f32 v20, v18;
	_ =	sdelay $0x1  }
0xb0: {  	v16 =	vadd.f32 v17, v16;
	_ =	sdelay $0x1  }
0xb1: {  	[tilespmem:v19+s12+$0x0] =	vst.idx.msk $0xffff, v16  }
0xb2: {  	v16 =	vld [tilespmem:$0xFC30]  }
0xb3: {  	s14 =	simm.s32 $0x0  }
0xb4: {  	v18 =	vmov s14  }
0xb5: {  	v18 =	vand.u32 $0x7F, v18;
	v17 =	vld [tilespmem:$0xFCB0]  }
0xb6: {  	v24 =	vbroadcast v18, $0x0  }
0xb7: {  	v18 =	vld [tilespmem:$0xFD30];
	v20 =	vshll.u32 v16, $0x7  }
0xb8: {  	v19 =	vor.u32 v20, v24  }
0xb9: {  	v23 =	vld [tilespmem:$0xFDB0]  }
0xba: {  	v21 =	vshll.u32 v17, $0x7  }
0xbb: {  	v25 =	vor.u32 v21, v24  }
0xbc: {  	v16 =	vld [tilespmem:$0x10430];
	v22 =	vshll.u32 v18, $0x7  }
0xbd: {  	v27 =	vor.u32 v22, v24;
	v26 =	vld.idx.msk [tilespmem:v19+s3+$0x0], $0xffff  }
0xbe: {  	v23 =	vshll.u32 v23, $0x7  }
0xbf: {  	v17 =	vld [tilespmem:$0x104B0];
	v28 =	vor.u32 v23, v24  }
0xc0: {  	v29 =	vld.idx.msk [tilespmem:v25+s3+$0x0], $0xffff  }
0xc1: {  	v19 =	vld [tilespmem:$0x10530]  }
0xc2: {  	v30 =	vmul.f32 v26, v16;
	v26 =	vld.idx.msk [tilespmem:v27+s3+$0x0], $0xffff  }
0xc3: {  	v18 =	vld [tilespmem:$0x105B0]  }
0xc4: {  	s31 =	simm.s32 $0x1;
	v25 =	vld.idx.msk [tilespmem:v28+s3+$0x0], $0xffff  }
0xc5: {  	s14 =	simm.s32 $0x2;
	v28 =	vmov s31;
	v29 =	vmul.f32 v29, v17;
	v27 =	vadd.f32 $0.0e+00, v30  }
.LBB2_8:
0xc6: {  	p0 =	sne.s32 s14, $0x7F;
	v28 =	vand.u32 $0x7F, v28  }
0xc7: {  	v26 =	vmul.f32 v26, v19;
	v28 =	vbroadcast v28, $0x0;
	v27 =	vadd.f32 v29, v27  }
0xc8: {  	v29 =	vor.u32 v3, v24  }
0xc9: {  	v25 =	vmul.f32 v25, v18;
	v30 =	vor.u32 v20, v28;
	v26 =	vadd.f32 v26, v27;
	v24 =	vmovc v28;
	_ =	sdelay $0x1  }
0xca: {  	v27 =	vor.u32 v21, v24;
	v25 =	vadd.f32 v25, v26;
	_ =	sdelay $0x1  }
0xcb: {  	v26 =	vor.u32 v22, v24;
	[tilespmem:v29+s12+$0x0] =	vst.idx.msk $0xffff, v25  }
0xcc: {  	v25 =	vld.idx.msk [tilespmem:v30+s3+$0x0], $0xffff  }
0xcd: {  	v28 =	vor.u32 v23, v24  }
0xce: {  	v29 =	vld.idx.msk [tilespmem:v27+s3+$0x0], $0xffff;
	_ =	sdelay $0x1  }
.Ltmp3:
0xcf: {  	v26 =	vld.idx.msk [tilespmem:v26+s3+$0x0], $0xffff;
	(pc) =	sbr.rel @p0 .LBB2_8-.Ltmp3, $3  }
0xd0: {  	_ = 	snop  }
0xd1: {  	v27 =	vmul.f32 v25, v16;
	v25 =	vld.idx.msk [tilespmem:v28+s3+$0x0], $0xffff;
	_ =	sdelay $0x1  }
0xd2: {  	v28 =	vmov s14;
	s14 =	sadd.s32 $0x1, s14;
	v27 =	vadd.f32 $0.0e+00, v27;
	v29 =	vmul.f32 v29, v17  }
0xd3: {  	v28 =	vand.u32 $0x7F, v28  }
0xd4: {  	v26 =	vmul.f32 v26, v19;
	v28 =	vbroadcast v28, $0x0;
	v27 =	vadd.f32 v29, v27  }
0xd5: {  	v24 =	vor.u32 v3, v24  }
0xd6: {  	v25 =	vmul.f32 v25, v18;
	v20 =	vor.u32 v20, v28;
	v26 =	vadd.f32 v26, v27;
	_ =	sdelay $0x1  }
0xd7: {  	v21 =	vor.u32 v21, v28;
	v25 =	vadd.f32 v25, v26;
	_ =	sdelay $0x1  }
0xd8: {  	v22 =	vor.u32 v22, v28;
	[tilespmem:v24+s12+$0x0] =	vst.idx.msk $0xffff, v25  }
0xd9: {  	v20 =	vld.idx.msk [tilespmem:v20+s3+$0x0], $0xffff  }
0xda: {  	v23 =	vor.u32 v23, v28  }
0xdb: {  	v21 =	vld.idx.msk [tilespmem:v21+s3+$0x0], $0xffff;
	_ =	sdelay $0x1  }
0xdc: {  	v22 =	vld.idx.msk [tilespmem:v22+s3+$0x0], $0xffff  }
0xdd: {  	v16 =	vmul.f32 v20, v16  }
0xde: {  	v20 =	vld.idx.msk [tilespmem:v23+s3+$0x0], $0xffff  }
0xdf: {  	v17 =	vmul.f32 v21, v17;
	v16 =	vadd.f32 $0.0e+00, v16;
	_ =	sdelay $0x1  }
0xe0: {  	v16 =	vadd.f32 v17, v16;
	v17 =	vmul.f32 v22, v19  }
0xe1: {  	v19 =	vor.u32 v3, v28  }
0xe2: {  	v16 =	vadd.f32 v17, v16;
	v17 =	vmul.f32 v20, v18;
	_ =	sdelay $0x1  }
0xe3: {  	v16 =	vadd.f32 v17, v16;
	_ =	sdelay $0x1  }
0xe4: {  	[tilespmem:v19+s12+$0x0] =	vst.idx.msk $0xffff, v16  }
0xe5: {  	v16 =	vld [tilespmem:$0xFC40]  }
0xe6: {  	s14 =	simm.s32 $0x0  }
0xe7: {  	v18 =	vmov s14  }
0xe8: {  	v18 =	vand.u32 $0x7F, v18;
	v17 =	vld [tilespmem:$0xFCC0]  }
0xe9: {  	v24 =	vbroadcast v18, $0x0  }
0xea: {  	v18 =	vld [tilespmem:$0xFD40];
	v20 =	vshll.u32 v16, $0x7  }
0xeb: {  	v19 =	vor.u32 v20, v24  }
0xec: {  	v23 =	vld [tilespmem:$0xFDC0]  }
0xed: {  	v21 =	vshll.u32 v17, $0x7  }
0xee: {  	v25 =	vor.u32 v21, v24  }
0xef: {  	v16 =	vld [tilespmem:$0x10440];
	v22 =	vshll.u32 v18, $0x7  }
0xf0: {  	v27 =	vor.u32 v22, v24;
	v26 =	vld.idx.msk [tilespmem:v19+s3+$0x0], $0xffff  }
0xf1: {  	v23 =	vshll.u32 v23, $0x7  }
0xf2: {  	v17 =	vld [tilespmem:$0x104C0];
	v28 =	vor.u32 v23, v24  }
0xf3: {  	v29 =	vld.idx.msk [tilespmem:v25+s3+$0x0], $0xffff  }
0xf4: {  	v19 =	vld [tilespmem:$0x10540]  }
0xf5: {  	v30 =	vmul.f32 v26, v16;
	v26 =	vld.idx.msk [tilespmem:v27+s3+$0x0], $0xffff  }
0xf6: {  	v18 =	vld [tilespmem:$0x105C0]  }
0xf7: {  	s31 =	simm.s32 $0x1;
	v25 =	vld.idx.msk [tilespmem:v28+s3+$0x0], $0xffff  }
0xf8: {  	s14 =	simm.s32 $0x2;
	v28 =	vmov s31;
	v29 =	vmul.f32 v29, v17;
	v27 =	vadd.f32 $0.0e+00, v30  }
.LBB2_10:
0xf9: {  	p0 =	sne.s32 s14, $0x7F;
	v28 =	vand.u32 $0x7F, v28  }
0xfa: {  	v26 =	vmul.f32 v26, v19;
	v28 =	vbroadcast v28, $0x0;
	v27 =	vadd.f32 v29, v27  }
0xfb: {  	v29 =	vor.u32 v4, v24  }
0xfc: {  	v25 =	vmul.f32 v25, v18;
	v30 =	vor.u32 v20, v28;
	v26 =	vadd.f32 v26, v27;
	v24 =	vmovc v28;
	_ =	sdelay $0x1  }
0xfd: {  	v27 =	vor.u32 v21, v24;
	v25 =	vadd.f32 v25, v26;
	_ =	sdelay $0x1  }
0xfe: {  	v26 =	vor.u32 v22, v24;
	[tilespmem:v29+s12+$0x0] =	vst.idx.msk $0xffff, v25  }
0xff: {  	v25 =	vld.idx.msk [tilespmem:v30+s3+$0x0], $0xffff  }
0x100: {  	v28 =	vor.u32 v23, v24  }
0x101: {  	v29 =	vld.idx.msk [tilespmem:v27+s3+$0x0], $0xffff;
	_ =	sdelay $0x1  }
.Ltmp4:
0x102: {  	v26 =	vld.idx.msk [tilespmem:v26+s3+$0x0], $0xffff;
	(pc) =	sbr.rel @p0 .LBB2_10-.Ltmp4, $3  }
0x103: {  	_ = 	snop  }
0x104: {  	v27 =	vmul.f32 v25, v16;
	v25 =	vld.idx.msk [tilespmem:v28+s3+$0x0], $0xffff;
	_ =	sdelay $0x1  }
0x105: {  	v28 =	vmov s14;
	s14 =	sadd.s32 $0x1, s14;
	v27 =	vadd.f32 $0.0e+00, v27;
	v29 =	vmul.f32 v29, v17  }
0x106: {  	v28 =	vand.u32 $0x7F, v28  }
0x107: {  	v26 =	vmul.f32 v26, v19;
	v28 =	vbroadcast v28, $0x0;
	v27 =	vadd.f32 v29, v27  }
0x108: {  	v24 =	vor.u32 v4, v24  }
0x109: {  	v25 =	vmul.f32 v25, v18;
	v20 =	vor.u32 v20, v28;
	v26 =	vadd.f32 v26, v27;
	_ =	sdelay $0x1  }
0x10a: {  	v21 =	vor.u32 v21, v28;
	v25 =	vadd.f32 v25, v26;
	_ =	sdelay $0x1  }
0x10b: {  	v22 =	vor.u32 v22, v28;
	[tilespmem:v24+s12+$0x0] =	vst.idx.msk $0xffff, v25  }
0x10c: {  	v20 =	vld.idx.msk [tilespmem:v20+s3+$0x0], $0xffff  }
0x10d: {  	v23 =	vor.u32 v23, v28  }
0x10e: {  	v21 =	vld.idx.msk [tilespmem:v21+s3+$0x0], $0xffff;
	_ =	sdelay $0x1  }
0x10f: {  	v22 =	vld.idx.msk [tilespmem:v22+s3+$0x0], $0xffff  }
0x110: {  	v16 =	vmul.f32 v20, v16  }
0x111: {  	v20 =	vld.idx.msk [tilespmem:v23+s3+$0x0], $0xffff  }
0x112: {  	v17 =	vmul.f32 v21, v17;
	v16 =	vadd.f32 $0.0e+00, v16;
	_ =	sdelay $0x1  }
0x113: {  	v16 =	vadd.f32 v17, v16;
	v17 =	vmul.f32 v22, v19  }
0x114: {  	v19 =	vor.u32 v4, v28  }
0x115: {  	v16 =	vadd.f32 v17, v16;
	v17 =	vmul.f32 v20, v18;
	_ =	sdelay $0x1  }
0x116: {  	v16 =	vadd.f32 v17, v16;
	_ =	sdelay $0x1  }
0x117: {  	[tilespmem:v19+s12+$0x0] =	vst.idx.msk $0xffff, v16  }
0x118: {  	v16 =	vld [tilespmem:$0xFC50]  }
0x119: {  	s14 =	simm.s32 $0x0  }
0x11a: {  	v18 =	vmov s14  }
0x11b: {  	v18 =	vand.u32 $0x7F, v18;
	v17 =	vld [tilespmem:$0xFCD0]  }
0x11c: {  	v24 =	vbroadcast v18, $0x0  }
0x11d: {  	v18 =	vld [tilespmem:$0xFD50];
	v20 =	vshll.u32 v16, $0x7  }
0x11e: {  	v19 =	vor.u32 v20, v24  }
0x11f: {  	v23 =	vld [tilespmem:$0xFDD0]  }
0x120: {  	v21 =	vshll.u32 v17, $0x7  }
0x121: {  	v25 =	vor.u32 v21, v24  }
0x122: {  	v16 =	vld [tilespmem:$0x10450];
	v22 =	vshll.u32 v18, $0x7  }
0x123: {  	v27 =	vor.u32 v22, v24;
	v26 =	vld.idx.msk [tilespmem:v19+s3+$0x0], $0xffff  }
0x124: {  	v23 =	vshll.u32 v23, $0x7  }
0x125: {  	v17 =	vld [tilespmem:$0x104D0];
	v28 =	vor.u32 v23, v24  }
0x126: {  	v29 =	vld.idx.msk [tilespmem:v25+s3+$0x0], $0xffff  }
0x127: {  	v19 =	vld [tilespmem:$0x10550]  }
0x128: {  	v30 =	vmul.f32 v26, v16;
	v26 =	vld.idx.msk [tilespmem:v27+s3+$0x0], $0xffff  }
0x129: {  	v18 =	vld [tilespmem:$0x105D0]  }
0x12a: {  	s31 =	simm.s32 $0x1;
	v25 =	vld.idx.msk [tilespmem:v28+s3+$0x0], $0xffff  }
0x12b: {  	s14 =	simm.s32 $0x2;
	v28 =	vmov s31;
	v29 =	vmul.f32 v29, v17;
	v27 =	vadd.f32 $0.0e+00, v30  }
.LBB2_12:
0x12c: {  	p0 =	sne.s32 s14, $0x7F;
	v28 =	vand.u32 $0x7F, v28  }
0x12d: {  	v26 =	vmul.f32 v26, v19;
	v28 =	vbroadcast v28, $0x0;
	v27 =	vadd.f32 v29, v27  }
0x12e: {  	v29 =	vor.u32 v5, v24  }
0x12f: {  	v25 =	vmul.f32 v25, v18;
	v30 =	vor.u32 v20, v28;
	v26 =	vadd.f32 v26, v27;
	v24 =	vmovc v28;
	_ =	sdelay $0x1  }
0x130: {  	v27 =	vor.u32 v21, v24;
	v25 =	vadd.f32 v25, v26;
	_ =	sdelay $0x1  }
0x131: {  	v26 =	vor.u32 v22, v24;
	[tilespmem:v29+s12+$0x0] =	vst.idx.msk $0xffff, v25  }
0x132: {  	v25 =	vld.idx.msk [tilespmem:v30+s3+$0x0], $0xffff  }
0x133: {  	v28 =	vor.u32 v23, v24  }
0x134: {  	v29 =	vld.idx.msk [tilespmem:v27+s3+$0x0], $0xffff;
	_ =	sdelay $0x1  }
.Ltmp5:
0x135: {  	v26 =	vld.idx.msk [tilespmem:v26+s3+$0x0], $0xffff;
	(pc) =	sbr.rel @p0 .LBB2_12-.Ltmp5, $3  }
0x136: {  	_ = 	snop  }
0x137: {  	v27 =	vmul.f32 v25, v16;
	v25 =	vld.idx.msk [tilespmem:v28+s3+$0x0], $0xffff;
	_ =	sdelay $0x1  }
0x138: {  	v28 =	vmov s14;
	s14 =	sadd.s32 $0x1, s14;
	v27 =	vadd.f32 $0.0e+00, v27;
	v29 =	vmul.f32 v29, v17  }
0x139: {  	v28 =	vand.u32 $0x7F, v28  }
0x13a: {  	v26 =	vmul.f32 v26, v19;
	v28 =	vbroadcast v28, $0x0;
	v27 =	vadd.f32 v29, v27  }
0x13b: {  	v24 =	vor.u32 v5, v24  }
0x13c: {  	v25 =	vmul.f32 v25, v18;
	v20 =	vor.u32 v20, v28;
	v26 =	vadd.f32 v26, v27;
	_ =	sdelay $0x1  }
0x13d: {  	v21 =	vor.u32 v21, v28;
	v25 =	vadd.f32 v25, v26;
	_ =	sdelay $0x1  }
0x13e: {  	v22 =	vor.u32 v22, v28;
	[tilespmem:v24+s12+$0x0] =	vst.idx.msk $0xffff, v25  }
0x13f: {  	v20 =	vld.idx.msk [tilespmem:v20+s3+$0x0], $0xffff  }
0x140: {  	v23 =	vor.u32 v23, v28  }
0x141: {  	v21 =	vld.idx.msk [tilespmem:v21+s3+$0x0], $0xffff;
	_ =	sdelay $0x1  }
0x142: {  	v22 =	vld.idx.msk [tilespmem:v22+s3+$0x0], $0xffff  }
0x143: {  	v16 =	vmul.f32 v20, v16  }
0x144: {  	v20 =	vld.idx.msk [tilespmem:v23+s3+$0x0], $0xffff  }
0x145: {  	v17 =	vmul.f32 v21, v17;
	v16 =	vadd.f32 $0.0e+00, v16;
	_ =	sdelay $0x1  }
0x146: {  	v16 =	vadd.f32 v17, v16;
	v17 =	vmul.f32 v22, v19  }
0x147: {  	v19 =	vor.u32 v5, v28  }
0x148: {  	v16 =	vadd.f32 v17, v16;
	v17 =	vmul.f32 v20, v18;
	_ =	sdelay $0x1  }
0x149: {  	v16 =	vadd.f32 v17, v16;
	_ =	sdelay $0x1  }
0x14a: {  	[tilespmem:v19+s12+$0x0] =	vst.idx.msk $0xffff, v16  }
0x14b: {  	v16 =	vld [tilespmem:$0xFC60]  }
0x14c: {  	s14 =	simm.s32 $0x0  }
0x14d: {  	v18 =	vmov s14  }
0x14e: {  	v18 =	vand.u32 $0x7F, v18;
	v17 =	vld [tilespmem:$0xFCE0]  }
0x14f: {  	v24 =	vbroadcast v18, $0x0  }
0x150: {  	v18 =	vld [tilespmem:$0xFD60];
	v20 =	vshll.u32 v16, $0x7  }
0x151: {  	v19 =	vor.u32 v20, v24  }
0x152: {  	v23 =	vld [tilespmem:$0xFDE0]  }
0x153: {  	v21 =	vshll.u32 v17, $0x7  }
0x154: {  	v25 =	vor.u32 v21, v24  }
0x155: {  	v16 =	vld [tilespmem:$0x10460];
	v22 =	vshll.u32 v18, $0x7  }
0x156: {  	v27 =	vor.u32 v22, v24;
	v26 =	vld.idx.msk [tilespmem:v19+s3+$0x0], $0xffff  }
0x157: {  	v23 =	vshll.u32 v23, $0x7  }
0x158: {  	v17 =	vld [tilespmem:$0x104E0];
	v28 =	vor.u32 v23, v24  }
0x159: {  	v29 =	vld.idx.msk [tilespmem:v25+s3+$0x0], $0xffff  }
0x15a: {  	v19 =	vld [tilespmem:$0x10560]  }
0x15b: {  	v30 =	vmul.f32 v26, v16;
	v26 =	vld.idx.msk [tilespmem:v27+s3+$0x0], $0xffff  }
0x15c: {  	v18 =	vld [tilespmem:$0x105E0]  }
0x15d: {  	s31 =	simm.s32 $0x1;
	v25 =	vld.idx.msk [tilespmem:v28+s3+$0x0], $0xffff  }
0x15e: {  	s14 =	simm.s32 $0x2;
	v28 =	vmov s31;
	v29 =	vmul.f32 v29, v17;
	v27 =	vadd.f32 $0.0e+00, v30  }
.LBB2_14:
0x15f: {  	p0 =	sne.s32 s14, $0x7F;
	v28 =	vand.u32 $0x7F, v28  }
0x160: {  	v26 =	vmul.f32 v26, v19;
	v28 =	vbroadcast v28, $0x0;
	v27 =	vadd.f32 v29, v27  }
0x161: {  	v29 =	vor.u32 v6, v24  }
0x162: {  	v25 =	vmul.f32 v25, v18;
	v30 =	vor.u32 v20, v28;
	v26 =	vadd.f32 v26, v27;
	v24 =	vmovc v28;
	_ =	sdelay $0x1  }
0x163: {  	v27 =	vor.u32 v21, v24;
	v25 =	vadd.f32 v25, v26;
	_ =	sdelay $0x1  }
0x164: {  	v26 =	vor.u32 v22, v24;
	[tilespmem:v29+s12+$0x0] =	vst.idx.msk $0xffff, v25  }
0x165: {  	v25 =	vld.idx.msk [tilespmem:v30+s3+$0x0], $0xffff  }
0x166: {  	v28 =	vor.u32 v23, v24  }
0x167: {  	v29 =	vld.idx.msk [tilespmem:v27+s3+$0x0], $0xffff;
	_ =	sdelay $0x1  }
.Ltmp6:
0x168: {  	v26 =	vld.idx.msk [tilespmem:v26+s3+$0x0], $0xffff;
	(pc) =	sbr.rel @p0 .LBB2_14-.Ltmp6, $3  }
0x169: {  	_ = 	snop  }
0x16a: {  	v27 =	vmul.f32 v25, v16;
	v25 =	vld.idx.msk [tilespmem:v28+s3+$0x0], $0xffff;
	_ =	sdelay $0x1  }
0x16b: {  	v28 =	vmov s14;
	s14 =	sadd.s32 $0x1, s14;
	v27 =	vadd.f32 $0.0e+00, v27;
	v29 =	vmul.f32 v29, v17  }
0x16c: {  	v28 =	vand.u32 $0x7F, v28  }
0x16d: {  	v26 =	vmul.f32 v26, v19;
	v28 =	vbroadcast v28, $0x0;
	v27 =	vadd.f32 v29, v27  }
0x16e: {  	v24 =	vor.u32 v6, v24  }
0x16f: {  	v25 =	vmul.f32 v25, v18;
	v20 =	vor.u32 v20, v28;
	v26 =	vadd.f32 v26, v27;
	_ =	sdelay $0x1  }
0x170: {  	v21 =	vor.u32 v21, v28;
	v25 =	vadd.f32 v25, v26;
	_ =	sdelay $0x1  }
0x171: {  	v22 =	vor.u32 v22, v28;
	[tilespmem:v24+s12+$0x0] =	vst.idx.msk $0xffff, v25  }
0x172: {  	v20 =	vld.idx.msk [tilespmem:v20+s3+$0x0], $0xffff  }
0x173: {  	v23 =	vor.u32 v23, v28  }
0x174: {  	v21 =	vld.idx.msk [tilespmem:v21+s3+$0x0], $0xffff;
	_ =	sdelay $0x1  }
0x175: {  	v22 =	vld.idx.msk [tilespmem:v22+s3+$0x0], $0xffff  }
0x176: {  	v16 =	vmul.f32 v20, v16  }
0x177: {  	v20 =	vld.idx.msk [tilespmem:v23+s3+$0x0], $0xffff  }
0x178: {  	v17 =	vmul.f32 v21, v17;
	v16 =	vadd.f32 $0.0e+00, v16;
	_ =	sdelay $0x1  }
0x179: {  	v16 =	vadd.f32 v17, v16;
	v17 =	vmul.f32 v22, v19  }
0x17a: {  	v19 =	vor.u32 v6, v28  }
0x17b: {  	v16 =	vadd.f32 v17, v16;
	v17 =	vmul.f32 v20, v18;
	_ =	sdelay $0x1  }
0x17c: {  	v16 =	vadd.f32 v17, v16;
	_ =	sdelay $0x1  }
0x17d: {  	[tilespmem:v19+s12+$0x0] =	vst.idx.msk $0xffff, v16  }
0x17e: {  	v16 =	vld [tilespmem:$0xFC70]  }
0x17f: {  	s14 =	simm.s32 $0x0  }
0x180: {  	v18 =	vmov s14  }
0x181: {  	v18 =	vand.u32 $0x7F, v18;
	v17 =	vld [tilespmem:$0xFCF0]  }
0x182: {  	v24 =	vbroadcast v18, $0x0  }
0x183: {  	v18 =	vld [tilespmem:$0xFD70];
	v20 =	vshll.u32 v16, $0x7  }
0x184: {  	v19 =	vor.u32 v20, v24  }
0x185: {  	v23 =	vld [tilespmem:$0xFDF0]  }
0x186: {  	v21 =	vshll.u32 v17, $0x7  }
0x187: {  	v25 =	vor.u32 v21, v24  }
0x188: {  	v16 =	vld [tilespmem:$0x10470];
	v22 =	vshll.u32 v18, $0x7  }
0x189: {  	v27 =	vor.u32 v22, v24;
	v26 =	vld.idx.msk [tilespmem:v19+s3+$0x0], $0xffff  }
0x18a: {  	v23 =	vshll.u32 v23, $0x7  }
0x18b: {  	v17 =	vld [tilespmem:$0x104F0];
	v28 =	vor.u32 v23, v24  }
0x18c: {  	v29 =	vld.idx.msk [tilespmem:v25+s3+$0x0], $0xffff  }
0x18d: {  	v19 =	vld [tilespmem:$0x10570]  }
0x18e: {  	v30 =	vmul.f32 v26, v16;
	v26 =	vld.idx.msk [tilespmem:v27+s3+$0x0], $0xffff  }
0x18f: {  	v18 =	vld [tilespmem:$0x105F0]  }
0x190: {  	s31 =	simm.s32 $0x1;
	v25 =	vld.idx.msk [tilespmem:v28+s3+$0x0], $0xffff  }
0x191: {  	s14 =	simm.s32 $0x2;
	v28 =	vmov s31;
	v29 =	vmul.f32 v29, v17;
	v27 =	vadd.f32 $0.0e+00, v30  }
.LBB2_16:
0x192: {  	p0 =	sne.s32 s14, $0x7F;
	v28 =	vand.u32 $0x7F, v28  }
0x193: {  	v26 =	vmul.f32 v26, v19;
	v28 =	vbroadcast v28, $0x0;
	v27 =	vadd.f32 v29, v27  }
0x194: {  	v29 =	vor.u32 v7, v24  }
0x195: {  	v25 =	vmul.f32 v25, v18;
	v30 =	vor.u32 v20, v28;
	v26 =	vadd.f32 v26, v27;
	v24 =	vmovc v28;
	_ =	sdelay $0x1  }
0x196: {  	v27 =	vor.u32 v21, v24;
	v25 =	vadd.f32 v25, v26;
	_ =	sdelay $0x1  }
0x197: {  	v26 =	vor.u32 v22, v24;
	[tilespmem:v29+s12+$0x0] =	vst.idx.msk $0xffff, v25  }
0x198: {  	v25 =	vld.idx.msk [tilespmem:v30+s3+$0x0], $0xffff  }
0x199: {  	v28 =	vor.u32 v23, v24  }
0x19a: {  	v29 =	vld.idx.msk [tilespmem:v27+s3+$0x0], $0xffff;
	_ =	sdelay $0x1  }
.Ltmp7:
0x19b: {  	v26 =	vld.idx.msk [tilespmem:v26+s3+$0x0], $0xffff;
	(pc) =	sbr.rel @p0 .LBB2_16-.Ltmp7, $3  }
0x19c: {  	_ = 	snop  }
0x19d: {  	v27 =	vmul.f32 v25, v16;
	v25 =	vld.idx.msk [tilespmem:v28+s3+$0x0], $0xffff;
	_ =	sdelay $0x1  }
0x19e: {  	v28 =	vmov s14;
	s14 =	sadd.s32 $0x1, s14;
	v27 =	vadd.f32 $0.0e+00, v27;
	v29 =	vmul.f32 v29, v17  }
0x19f: {  	v28 =	vand.u32 $0x7F, v28  }
0x1a0: {  	v26 =	vmul.f32 v26, v19;
	v28 =	vbroadcast v28, $0x0;
	v27 =	vadd.f32 v29, v27  }
0x1a1: {  	v24 =	vor.u32 v7, v24  }
0x1a2: {  	v25 =	vmul.f32 v25, v18;
	v20 =	vor.u32 v20, v28;
	v26 =	vadd.f32 v26, v27;
	_ =	sdelay $0x1  }
0x1a3: {  	v21 =	vor.u32 v21, v28;
	v25 =	vadd.f32 v25, v26;
	_ =	sdelay $0x1  }
0x1a4: {  	v22 =	vor.u32 v22, v28;
	[tilespmem:v24+s12+$0x0] =	vst.idx.msk $0xffff, v25  }
0x1a5: {  	v20 =	vld.idx.msk [tilespmem:v20+s3+$0x0], $0xffff  }
0x1a6: {  	v23 =	vor.u32 v23, v28  }
0x1a7: {  	v21 =	vld.idx.msk [tilespmem:v21+s3+$0x0], $0xffff;
	_ =	sdelay $0x1  }
0x1a8: {  	v22 =	vld.idx.msk [tilespmem:v22+s3+$0x0], $0xffff  }
0x1a9: {  	v16 =	vmul.f32 v20, v16  }
0x1aa: {  	v20 =	vld.idx.msk [tilespmem:v23+s3+$0x0], $0xffff  }
0x1ab: {  	v17 =	vmul.f32 v21, v17;
	v16 =	vadd.f32 $0.0e+00, v16;
	_ =	sdelay $0x1  }
0x1ac: {  	v16 =	vadd.f32 v17, v16;
	v17 =	vmul.f32 v22, v19  }
0x1ad: {  	v19 =	vor.u32 v7, v28  }
0x1ae: {  	v16 =	vadd.f32 v17, v16;
	v17 =	vmul.f32 v20, v18;
	_ =	sdelay $0x1  }
0x1af: {  	v16 =	vadd.f32 v17, v16;
	_ =	sdelay $0x1  }
0x1b0: {  	[tilespmem:v19+s12+$0x0] =	vst.idx.msk $0xffff, v16  }
0x1b1: {  	v16 =	vld [tilespmem:$0xFE00]  }
0x1b2: {  	s14 =	simm.s32 $0x0  }
0x1b3: {  	v18 =	vmov s14  }
0x1b4: {  	v18 =	vand.u32 $0x7F, v18;
	v17 =	vld [tilespmem:$0xFE80]  }
0x1b5: {  	v24 =	vbroadcast v18, $0x0  }
0x1b6: {  	v18 =	vld [tilespmem:$0xFF00];
	v20 =	vshll.u32 v16, $0x7  }
0x1b7: {  	v19 =	vor.u32 v20, v24  }
0x1b8: {  	v23 =	vld [tilespmem:$0xFF80]  }
0x1b9: {  	v21 =	vshll.u32 v17, $0x7  }
0x1ba: {  	v25 =	vor.u32 v21, v24  }
0x1bb: {  	v16 =	vld [tilespmem:$0x10600];
	v22 =	vshll.u32 v18, $0x7  }
0x1bc: {  	v27 =	vor.u32 v22, v24;
	v26 =	vld.idx.msk [tilespmem:v19+s3+$0x0], $0xffff  }
0x1bd: {  	v23 =	vshll.u32 v23, $0x7  }
0x1be: {  	v17 =	vld [tilespmem:$0x10680];
	v28 =	vor.u32 v23, v24  }
0x1bf: {  	v29 =	vld.idx.msk [tilespmem:v25+s3+$0x0], $0xffff  }
0x1c0: {  	v19 =	vld [tilespmem:$0x10700]  }
0x1c1: {  	v30 =	vmul.f32 v26, v16;
	v26 =	vld.idx.msk [tilespmem:v27+s3+$0x0], $0xffff  }
0x1c2: {  	v18 =	vld [tilespmem:$0x10780]  }
0x1c3: {  	s31 =	simm.s32 $0x1;
	v25 =	vld.idx.msk [tilespmem:v28+s3+$0x0], $0xffff  }
0x1c4: {  	s14 =	simm.s32 $0x2;
	v28 =	vmov s31;
	v29 =	vmul.f32 v29, v17;
	v27 =	vadd.f32 $0.0e+00, v30  }
.LBB2_18:
0x1c5: {  	p0 =	sne.s32 s14, $0x7F;
	v28 =	vand.u32 $0x7F, v28  }
0x1c6: {  	v26 =	vmul.f32 v26, v19;
	v28 =	vbroadcast v28, $0x0;
	v27 =	vadd.f32 v29, v27  }
0x1c7: {  	v29 =	vor.u32 v8, v24  }
0x1c8: {  	v25 =	vmul.f32 v25, v18;
	v30 =	vor.u32 v20, v28;
	v26 =	vadd.f32 v26, v27;
	v24 =	vmovc v28;
	_ =	sdelay $0x1  }
0x1c9: {  	v27 =	vor.u32 v21, v24;
	v25 =	vadd.f32 v25, v26;
	_ =	sdelay $0x1  }
0x1ca: {  	v26 =	vor.u32 v22, v24;
	[tilespmem:v29+s12+$0x0] =	vst.idx.msk $0xffff, v25  }
0x1cb: {  	v25 =	vld.idx.msk [tilespmem:v30+s3+$0x0], $0xffff  }
0x1cc: {  	v28 =	vor.u32 v23, v24  }
0x1cd: {  	v29 =	vld.idx.msk [tilespmem:v27+s3+$0x0], $0xffff;
	_ =	sdelay $0x1  }
.Ltmp8:
0x1ce: {  	v26 =	vld.idx.msk [tilespmem:v26+s3+$0x0], $0xffff;
	(pc) =	sbr.rel @p0 .LBB2_18-.Ltmp8, $3  }
0x1cf: {  	_ = 	snop  }
0x1d0: {  	v27 =	vmul.f32 v25, v16;
	v25 =	vld.idx.msk [tilespmem:v28+s3+$0x0], $0xffff;
	_ =	sdelay $0x1  }
0x1d1: {  	v28 =	vmov s14;
	s14 =	sadd.s32 $0x1, s14;
	v27 =	vadd.f32 $0.0e+00, v27;
	v29 =	vmul.f32 v29, v17  }
0x1d2: {  	v28 =	vand.u32 $0x7F, v28  }
0x1d3: {  	v26 =	vmul.f32 v26, v19;
	v28 =	vbroadcast v28, $0x0;
	v27 =	vadd.f32 v29, v27  }
0x1d4: {  	v24 =	vor.u32 v8, v24  }
0x1d5: {  	v25 =	vmul.f32 v25, v18;
	v20 =	vor.u32 v20, v28;
	v26 =	vadd.f32 v26, v27;
	_ =	sdelay $0x1  }
0x1d6: {  	v21 =	vor.u32 v21, v28;
	v25 =	vadd.f32 v25, v26;
	_ =	sdelay $0x1  }
0x1d7: {  	v22 =	vor.u32 v22, v28;
	[tilespmem:v24+s12+$0x0] =	vst.idx.msk $0xffff, v25  }
0x1d8: {  	v20 =	vld.idx.msk [tilespmem:v20+s3+$0x0], $0xffff  }
0x1d9: {  	v23 =	vor.u32 v23, v28  }
0x1da: {  	v21 =	vld.idx.msk [tilespmem:v21+s3+$0x0], $0xffff;
	_ =	sdelay $0x1  }
0x1db: {  	v22 =	vld.idx.msk [tilespmem:v22+s3+$0x0], $0xffff  }
0x1dc: {  	v16 =	vmul.f32 v20, v16  }
0x1dd: {  	v20 =	vld.idx.msk [tilespmem:v23+s3+$0x0], $0xffff  }
0x1de: {  	v17 =	vmul.f32 v21, v17;
	v16 =	vadd.f32 $0.0e+00, v16;
	_ =	sdelay $0x1  }
0x1df: {  	v16 =	vadd.f32 v17, v16;
	v17 =	vmul.f32 v22, v19  }
0x1e0: {  	v19 =	vor.u32 v8, v28  }
0x1e1: {  	v16 =	vadd.f32 v17, v16;
	v17 =	vmul.f32 v20, v18;
	_ =	sdelay $0x1  }
0x1e2: {  	v16 =	vadd.f32 v17, v16;
	_ =	sdelay $0x1  }
0x1e3: {  	[tilespmem:v19+s12+$0x0] =	vst.idx.msk $0xffff, v16  }
0x1e4: {  	v16 =	vld [tilespmem:$0xFE10]  }
0x1e5: {  	s14 =	simm.s32 $0x0  }
0x1e6: {  	v18 =	vmov s14  }
0x1e7: {  	v18 =	vand.u32 $0x7F, v18;
	v17 =	vld [tilespmem:$0xFE90]  }
0x1e8: {  	v24 =	vbroadcast v18, $0x0  }
0x1e9: {  	v18 =	vld [tilespmem:$0xFF10];
	v20 =	vshll.u32 v16, $0x7  }
0x1ea: {  	v19 =	vor.u32 v20, v24  }
0x1eb: {  	v23 =	vld [tilespmem:$0xFF90]  }
0x1ec: {  	v21 =	vshll.u32 v17, $0x7  }
0x1ed: {  	v25 =	vor.u32 v21, v24  }
0x1ee: {  	v16 =	vld [tilespmem:$0x10610];
	v22 =	vshll.u32 v18, $0x7  }
0x1ef: {  	v27 =	vor.u32 v22, v24;
	v26 =	vld.idx.msk [tilespmem:v19+s3+$0x0], $0xffff  }
0x1f0: {  	v23 =	vshll.u32 v23, $0x7  }
0x1f1: {  	v17 =	vld [tilespmem:$0x10690];
	v28 =	vor.u32 v23, v24  }
0x1f2: {  	v29 =	vld.idx.msk [tilespmem:v25+s3+$0x0], $0xffff  }
0x1f3: {  	v19 =	vld [tilespmem:$0x10710]  }
0x1f4: {  	v30 =	vmul.f32 v26, v16;
	v26 =	vld.idx.msk [tilespmem:v27+s3+$0x0], $0xffff  }
0x1f5: {  	v18 =	vld [tilespmem:$0x10790]  }
0x1f6: {  	s31 =	simm.s32 $0x1;
	v25 =	vld.idx.msk [tilespmem:v28+s3+$0x0], $0xffff  }
0x1f7: {  	s14 =	simm.s32 $0x2;
	v28 =	vmov s31;
	v29 =	vmul.f32 v29, v17;
	v27 =	vadd.f32 $0.0e+00, v30  }
.LBB2_20:
0x1f8: {  	p0 =	sne.s32 s14, $0x7F;
	v28 =	vand.u32 $0x7F, v28  }
0x1f9: {  	v26 =	vmul.f32 v26, v19;
	v28 =	vbroadcast v28, $0x0;
	v27 =	vadd.f32 v29, v27  }
0x1fa: {  	v29 =	vor.u32 v9, v24  }
0x1fb: {  	v25 =	vmul.f32 v25, v18;
	v30 =	vor.u32 v20, v28;
	v26 =	vadd.f32 v26, v27;
	v24 =	vmovc v28;
	_ =	sdelay $0x1  }
0x1fc: {  	v27 =	vor.u32 v21, v24;
	v25 =	vadd.f32 v25, v26;
	_ =	sdelay $0x1  }
0x1fd: {  	v26 =	vor.u32 v22, v24;
	[tilespmem:v29+s12+$0x0] =	vst.idx.msk $0xffff, v25  }
0x1fe: {  	v25 =	vld.idx.msk [tilespmem:v30+s3+$0x0], $0xffff  }
0x1ff: {  	v28 =	vor.u32 v23, v24  }
0x200: {  	v29 =	vld.idx.msk [tilespmem:v27+s3+$0x0], $0xffff;
	_ =	sdelay $0x1  }
.Ltmp9:
0x201: {  	v26 =	vld.idx.msk [tilespmem:v26+s3+$0x0], $0xffff;
	(pc) =	sbr.rel @p0 .LBB2_20-.Ltmp9, $3  }
0x202: {  	_ = 	snop  }
0x203: {  	v27 =	vmul.f32 v25, v16;
	v25 =	vld.idx.msk [tilespmem:v28+s3+$0x0], $0xffff;
	_ =	sdelay $0x1  }
0x204: {  	v28 =	vmov s14;
	s14 =	sadd.s32 $0x1, s14;
	v27 =	vadd.f32 $0.0e+00, v27;
	v29 =	vmul.f32 v29, v17  }
0x205: {  	v28 =	vand.u32 $0x7F, v28  }
0x206: {  	v26 =	vmul.f32 v26, v19;
	v28 =	vbroadcast v28, $0x0;
	v27 =	vadd.f32 v29, v27  }
0x207: {  	v24 =	vor.u32 v9, v24  }
0x208: {  	v25 =	vmul.f32 v25, v18;
	v20 =	vor.u32 v20, v28;
	v26 =	vadd.f32 v26, v27;
	_ =	sdelay $0x1  }
0x209: {  	v21 =	vor.u32 v21, v28;
	v25 =	vadd.f32 v25, v26;
	_ =	sdelay $0x1  }
0x20a: {  	v22 =	vor.u32 v22, v28;
	[tilespmem:v24+s12+$0x0] =	vst.idx.msk $0xffff, v25  }
0x20b: {  	v20 =	vld.idx.msk [tilespmem:v20+s3+$0x0], $0xffff  }
0x20c: {  	v23 =	vor.u32 v23, v28  }
0x20d: {  	v21 =	vld.idx.msk [tilespmem:v21+s3+$0x0], $0xffff;
	_ =	sdelay $0x1  }
0x20e: {  	v22 =	vld.idx.msk [tilespmem:v22+s3+$0x0], $0xffff  }
0x20f: {  	v16 =	vmul.f32 v20, v16  }
0x210: {  	v20 =	vld.idx.msk [tilespmem:v23+s3+$0x0], $0xffff  }
0x211: {  	v17 =	vmul.f32 v21, v17;
	v16 =	vadd.f32 $0.0e+00, v16;
	_ =	sdelay $0x1  }
0x212: {  	v16 =	vadd.f32 v17, v16;
	v17 =	vmul.f32 v22, v19  }
0x213: {  	v19 =	vor.u32 v9, v28  }
0x214: {  	v16 =	vadd.f32 v17, v16;
	v17 =	vmul.f32 v20, v18;
	_ =	sdelay $0x1  }
0x215: {  	v16 =	vadd.f32 v17, v16;
	_ =	sdelay $0x1  }
0x216: {  	[tilespmem:v19+s12+$0x0] =	vst.idx.msk $0xffff, v16  }
0x217: {  	v16 =	vld [tilespmem:$0xFE20]  }
0x218: {  	s14 =	simm.s32 $0x0  }
0x219: {  	v18 =	vmov s14  }
0x21a: {  	v18 =	vand.u32 $0x7F, v18;
	v17 =	vld [tilespmem:$0xFEA0]  }
0x21b: {  	v24 =	vbroadcast v18, $0x0  }
0x21c: {  	v18 =	vld [tilespmem:$0xFF20];
	v20 =	vshll.u32 v16, $0x7  }
0x21d: {  	v19 =	vor.u32 v20, v24  }
0x21e: {  	v23 =	vld [tilespmem:$0xFFA0]  }
0x21f: {  	v21 =	vshll.u32 v17, $0x7  }
0x220: {  	v25 =	vor.u32 v21, v24  }
0x221: {  	v16 =	vld [tilespmem:$0x10620];
	v22 =	vshll.u32 v18, $0x7  }
0x222: {  	v27 =	vor.u32 v22, v24;
	v26 =	vld.idx.msk [tilespmem:v19+s3+$0x0], $0xffff  }
0x223: {  	v23 =	vshll.u32 v23, $0x7  }
0x224: {  	v17 =	vld [tilespmem:$0x106A0];
	v28 =	vor.u32 v23, v24  }
0x225: {  	v29 =	vld.idx.msk [tilespmem:v25+s3+$0x0], $0xffff  }
0x226: {  	v19 =	vld [tilespmem:$0x10720]  }
0x227: {  	v30 =	vmul.f32 v26, v16;
	v26 =	vld.idx.msk [tilespmem:v27+s3+$0x0], $0xffff  }
0x228: {  	v18 =	vld [tilespmem:$0x107A0]  }
0x229: {  	s31 =	simm.s32 $0x1;
	v25 =	vld.idx.msk [tilespmem:v28+s3+$0x0], $0xffff  }
0x22a: {  	s14 =	simm.s32 $0x2;
	v28 =	vmov s31;
	v29 =	vmul.f32 v29, v17;
	v27 =	vadd.f32 $0.0e+00, v30  }
.LBB2_22:
0x22b: {  	p0 =	sne.s32 s14, $0x7F;
	v28 =	vand.u32 $0x7F, v28  }
0x22c: {  	v26 =	vmul.f32 v26, v19;
	v28 =	vbroadcast v28, $0x0;
	v27 =	vadd.f32 v29, v27  }
0x22d: {  	v29 =	vor.u32 v10, v24  }
0x22e: {  	v25 =	vmul.f32 v25, v18;
	v30 =	vor.u32 v20, v28;
	v26 =	vadd.f32 v26, v27;
	v24 =	vmovc v28;
	_ =	sdelay $0x1  }
0x22f: {  	v27 =	vor.u32 v21, v24;
	v25 =	vadd.f32 v25, v26;
	_ =	sdelay $0x1  }
0x230: {  	v26 =	vor.u32 v22, v24;
	[tilespmem:v29+s12+$0x0] =	vst.idx.msk $0xffff, v25  }
0x231: {  	v25 =	vld.idx.msk [tilespmem:v30+s3+$0x0], $0xffff  }
0x232: {  	v28 =	vor.u32 v23, v24  }
0x233: {  	v29 =	vld.idx.msk [tilespmem:v27+s3+$0x0], $0xffff;
	_ =	sdelay $0x1  }
.Ltmp10:
0x234: {  	v26 =	vld.idx.msk [tilespmem:v26+s3+$0x0], $0xffff;
	(pc) =	sbr.rel @p0 .LBB2_22-.Ltmp10, $3  }
0x235: {  	_ = 	snop  }
0x236: {  	v27 =	vmul.f32 v25, v16;
	v25 =	vld.idx.msk [tilespmem:v28+s3+$0x0], $0xffff;
	_ =	sdelay $0x1  }
0x237: {  	v28 =	vmov s14;
	s14 =	sadd.s32 $0x1, s14;
	v27 =	vadd.f32 $0.0e+00, v27;
	v29 =	vmul.f32 v29, v17  }
0x238: {  	v28 =	vand.u32 $0x7F, v28  }
0x239: {  	v26 =	vmul.f32 v26, v19;
	v28 =	vbroadcast v28, $0x0;
	v27 =	vadd.f32 v29, v27  }
0x23a: {  	v24 =	vor.u32 v10, v24  }
0x23b: {  	v25 =	vmul.f32 v25, v18;
	v20 =	vor.u32 v20, v28;
	v26 =	vadd.f32 v26, v27;
	_ =	sdelay $0x1  }
0x23c: {  	v21 =	vor.u32 v21, v28;
	v25 =	vadd.f32 v25, v26;
	_ =	sdelay $0x1  }
0x23d: {  	v22 =	vor.u32 v22, v28;
	[tilespmem:v24+s12+$0x0] =	vst.idx.msk $0xffff, v25  }
0x23e: {  	v20 =	vld.idx.msk [tilespmem:v20+s3+$0x0], $0xffff  }
0x23f: {  	v23 =	vor.u32 v23, v28  }
0x240: {  	v21 =	vld.idx.msk [tilespmem:v21+s3+$0x0], $0xffff;
	_ =	sdelay $0x1  }
0x241: {  	v22 =	vld.idx.msk [tilespmem:v22+s3+$0x0], $0xffff  }
0x242: {  	v16 =	vmul.f32 v20, v16  }
0x243: {  	v20 =	vld.idx.msk [tilespmem:v23+s3+$0x0], $0xffff  }
0x244: {  	v17 =	vmul.f32 v21, v17;
	v16 =	vadd.f32 $0.0e+00, v16;
	_ =	sdelay $0x1  }
0x245: {  	v16 =	vadd.f32 v17, v16;
	v17 =	vmul.f32 v22, v19  }
0x246: {  	v19 =	vor.u32 v10, v28  }
0x247: {  	v16 =	vadd.f32 v17, v16;
	v17 =	vmul.f32 v20, v18;
	_ =	sdelay $0x1  }
0x248: {  	v16 =	vadd.f32 v17, v16;
	_ =	sdelay $0x1  }
0x249: {  	[tilespmem:v19+s12+$0x0] =	vst.idx.msk $0xffff, v16  }
0x24a: {  	v16 =	vld [tilespmem:$0xFE30]  }
0x24b: {  	s14 =	simm.s32 $0x0  }
0x24c: {  	v18 =	vmov s14  }
0x24d: {  	v18 =	vand.u32 $0x7F, v18;
	v17 =	vld [tilespmem:$0xFEB0]  }
0x24e: {  	v24 =	vbroadcast v18, $0x0  }
0x24f: {  	v18 =	vld [tilespmem:$0xFF30];
	v20 =	vshll.u32 v16, $0x7  }
0x250: {  	v19 =	vor.u32 v20, v24  }
0x251: {  	v23 =	vld [tilespmem:$0xFFB0]  }
0x252: {  	v21 =	vshll.u32 v17, $0x7  }
0x253: {  	v25 =	vor.u32 v21, v24  }
0x254: {  	v16 =	vld [tilespmem:$0x10630];
	v22 =	vshll.u32 v18, $0x7  }
0x255: {  	v27 =	vor.u32 v22, v24;
	v26 =	vld.idx.msk [tilespmem:v19+s3+$0x0], $0xffff  }
0x256: {  	v23 =	vshll.u32 v23, $0x7  }
0x257: {  	v17 =	vld [tilespmem:$0x106B0];
	v28 =	vor.u32 v23, v24  }
0x258: {  	v29 =	vld.idx.msk [tilespmem:v25+s3+$0x0], $0xffff  }
0x259: {  	v19 =	vld [tilespmem:$0x10730]  }
0x25a: {  	v30 =	vmul.f32 v26, v16;
	v26 =	vld.idx.msk [tilespmem:v27+s3+$0x0], $0xffff  }
0x25b: {  	v18 =	vld [tilespmem:$0x107B0]  }
0x25c: {  	s31 =	simm.s32 $0x1;
	v25 =	vld.idx.msk [tilespmem:v28+s3+$0x0], $0xffff  }
0x25d: {  	s14 =	simm.s32 $0x2;
	v28 =	vmov s31;
	v29 =	vmul.f32 v29, v17;
	v27 =	vadd.f32 $0.0e+00, v30  }
.LBB2_24:
0x25e: {  	p0 =	sne.s32 s14, $0x7F;
	v28 =	vand.u32 $0x7F, v28  }
0x25f: {  	v26 =	vmul.f32 v26, v19;
	v28 =	vbroadcast v28, $0x0;
	v27 =	vadd.f32 v29, v27  }
0x260: {  	v29 =	vor.u32 v11, v24  }
0x261: {  	v25 =	vmul.f32 v25, v18;
	v30 =	vor.u32 v20, v28;
	v26 =	vadd.f32 v26, v27;
	v24 =	vmovc v28;
	_ =	sdelay $0x1  }
0x262: {  	v27 =	vor.u32 v21, v24;
	v25 =	vadd.f32 v25, v26;
	_ =	sdelay $0x1  }
0x263: {  	v26 =	vor.u32 v22, v24;
	[tilespmem:v29+s12+$0x0] =	vst.idx.msk $0xffff, v25  }
0x264: {  	v25 =	vld.idx.msk [tilespmem:v30+s3+$0x0], $0xffff  }
0x265: {  	v28 =	vor.u32 v23, v24  }
0x266: {  	v29 =	vld.idx.msk [tilespmem:v27+s3+$0x0], $0xffff;
	_ =	sdelay $0x1  }
.Ltmp11:
0x267: {  	v26 =	vld.idx.msk [tilespmem:v26+s3+$0x0], $0xffff;
	(pc) =	sbr.rel @p0 .LBB2_24-.Ltmp11, $3  }
0x268: {  	_ = 	snop  }
0x269: {  	v27 =	vmul.f32 v25, v16;
	v25 =	vld.idx.msk [tilespmem:v28+s3+$0x0], $0xffff;
	_ =	sdelay $0x1  }
0x26a: {  	v28 =	vmov s14;
	s14 =	sadd.s32 $0x1, s14;
	v27 =	vadd.f32 $0.0e+00, v27;
	v29 =	vmul.f32 v29, v17  }
0x26b: {  	v28 =	vand.u32 $0x7F, v28  }
0x26c: {  	v26 =	vmul.f32 v26, v19;
	v28 =	vbroadcast v28, $0x0;
	v27 =	vadd.f32 v29, v27  }
0x26d: {  	v24 =	vor.u32 v11, v24  }
0x26e: {  	v25 =	vmul.f32 v25, v18;
	v20 =	vor.u32 v20, v28;
	v26 =	vadd.f32 v26, v27;
	_ =	sdelay $0x1  }
0x26f: {  	v21 =	vor.u32 v21, v28;
	v25 =	vadd.f32 v25, v26;
	_ =	sdelay $0x1  }
0x270: {  	v22 =	vor.u32 v22, v28;
	[tilespmem:v24+s12+$0x0] =	vst.idx.msk $0xffff, v25  }
0x271: {  	v20 =	vld.idx.msk [tilespmem:v20+s3+$0x0], $0xffff  }
0x272: {  	v23 =	vor.u32 v23, v28  }
0x273: {  	v21 =	vld.idx.msk [tilespmem:v21+s3+$0x0], $0xffff;
	_ =	sdelay $0x1  }
0x274: {  	v22 =	vld.idx.msk [tilespmem:v22+s3+$0x0], $0xffff  }
0x275: {  	v16 =	vmul.f32 v20, v16  }
0x276: {  	v20 =	vld.idx.msk [tilespmem:v23+s3+$0x0], $0xffff  }
0x277: {  	v17 =	vmul.f32 v21, v17;
	v16 =	vadd.f32 $0.0e+00, v16;
	_ =	sdelay $0x1  }
0x278: {  	v16 =	vadd.f32 v17, v16;
	v17 =	vmul.f32 v22, v19  }
0x279: {  	v19 =	vor.u32 v11, v28  }
0x27a: {  	v16 =	vadd.f32 v17, v16;
	v17 =	vmul.f32 v20, v18;
	_ =	sdelay $0x1  }
0x27b: {  	v16 =	vadd.f32 v17, v16;
	_ =	sdelay $0x1  }
0x27c: {  	[tilespmem:v19+s12+$0x0] =	vst.idx.msk $0xffff, v16  }
0x27d: {  	v16 =	vld [tilespmem:$0xFE40]  }
0x27e: {  	s14 =	simm.s32 $0x0  }
0x27f: {  	v18 =	vmov s14  }
0x280: {  	v18 =	vand.u32 $0x7F, v18;
	v17 =	vld [tilespmem:$0xFEC0]  }
0x281: {  	v24 =	vbroadcast v18, $0x0  }
0x282: {  	v18 =	vld [tilespmem:$0xFF40];
	v20 =	vshll.u32 v16, $0x7  }
0x283: {  	v19 =	vor.u32 v20, v24  }
0x284: {  	v23 =	vld [tilespmem:$0xFFC0]  }
0x285: {  	v21 =	vshll.u32 v17, $0x7  }
0x286: {  	v25 =	vor.u32 v21, v24  }
0x287: {  	v16 =	vld [tilespmem:$0x10640];
	v22 =	vshll.u32 v18, $0x7  }
0x288: {  	v27 =	vor.u32 v22, v24;
	v26 =	vld.idx.msk [tilespmem:v19+s3+$0x0], $0xffff  }
0x289: {  	v23 =	vshll.u32 v23, $0x7  }
0x28a: {  	v17 =	vld [tilespmem:$0x106C0];
	v28 =	vor.u32 v23, v24  }
0x28b: {  	v29 =	vld.idx.msk [tilespmem:v25+s3+$0x0], $0xffff  }
0x28c: {  	v19 =	vld [tilespmem:$0x10740]  }
0x28d: {  	v30 =	vmul.f32 v26, v16;
	v26 =	vld.idx.msk [tilespmem:v27+s3+$0x0], $0xffff  }
0x28e: {  	v18 =	vld [tilespmem:$0x107C0]  }
0x28f: {  	s31 =	simm.s32 $0x1;
	v25 =	vld.idx.msk [tilespmem:v28+s3+$0x0], $0xffff  }
0x290: {  	s14 =	simm.s32 $0x2;
	v28 =	vmov s31;
	v29 =	vmul.f32 v29, v17;
	v27 =	vadd.f32 $0.0e+00, v30  }
.LBB2_26:
0x291: {  	p0 =	sne.s32 s14, $0x7F;
	v28 =	vand.u32 $0x7F, v28  }
0x292: {  	v26 =	vmul.f32 v26, v19;
	v28 =	vbroadcast v28, $0x0;
	v27 =	vadd.f32 v29, v27  }
0x293: {  	v29 =	vor.u32 v12, v24  }
0x294: {  	v25 =	vmul.f32 v25, v18;
	v30 =	vor.u32 v20, v28;
	v26 =	vadd.f32 v26, v27;
	v24 =	vmovc v28;
	_ =	sdelay $0x1  }
0x295: {  	v27 =	vor.u32 v21, v24;
	v25 =	vadd.f32 v25, v26;
	_ =	sdelay $0x1  }
0x296: {  	v26 =	vor.u32 v22, v24;
	[tilespmem:v29+s12+$0x0] =	vst.idx.msk $0xffff, v25  }
0x297: {  	v25 =	vld.idx.msk [tilespmem:v30+s3+$0x0], $0xffff  }
0x298: {  	v28 =	vor.u32 v23, v24  }
0x299: {  	v29 =	vld.idx.msk [tilespmem:v27+s3+$0x0], $0xffff;
	_ =	sdelay $0x1  }
.Ltmp12:
0x29a: {  	v26 =	vld.idx.msk [tilespmem:v26+s3+$0x0], $0xffff;
	(pc) =	sbr.rel @p0 .LBB2_26-.Ltmp12, $3  }
0x29b: {  	_ = 	snop  }
0x29c: {  	v27 =	vmul.f32 v25, v16;
	v25 =	vld.idx.msk [tilespmem:v28+s3+$0x0], $0xffff;
	_ =	sdelay $0x1  }
0x29d: {  	v28 =	vmov s14;
	s14 =	sadd.s32 $0x1, s14;
	v27 =	vadd.f32 $0.0e+00, v27;
	v29 =	vmul.f32 v29, v17  }
0x29e: {  	v28 =	vand.u32 $0x7F, v28  }
0x29f: {  	v26 =	vmul.f32 v26, v19;
	v28 =	vbroadcast v28, $0x0;
	v27 =	vadd.f32 v29, v27  }
0x2a0: {  	v24 =	vor.u32 v12, v24  }
0x2a1: {  	v25 =	vmul.f32 v25, v18;
	v20 =	vor.u32 v20, v28;
	v26 =	vadd.f32 v26, v27;
	_ =	sdelay $0x1  }
0x2a2: {  	v21 =	vor.u32 v21, v28;
	v25 =	vadd.f32 v25, v26;
	_ =	sdelay $0x1  }
0x2a3: {  	v22 =	vor.u32 v22, v28;
	[tilespmem:v24+s12+$0x0] =	vst.idx.msk $0xffff, v25  }
0x2a4: {  	v20 =	vld.idx.msk [tilespmem:v20+s3+$0x0], $0xffff  }
0x2a5: {  	v23 =	vor.u32 v23, v28  }
0x2a6: {  	v21 =	vld.idx.msk [tilespmem:v21+s3+$0x0], $0xffff;
	_ =	sdelay $0x1  }
0x2a7: {  	v22 =	vld.idx.msk [tilespmem:v22+s3+$0x0], $0xffff  }
0x2a8: {  	v16 =	vmul.f32 v20, v16  }
0x2a9: {  	v20 =	vld.idx.msk [tilespmem:v23+s3+$0x0], $0xffff  }
0x2aa: {  	v17 =	vmul.f32 v21, v17;
	v16 =	vadd.f32 $0.0e+00, v16;
	_ =	sdelay $0x1  }
0x2ab: {  	v16 =	vadd.f32 v17, v16;
	v17 =	vmul.f32 v22, v19  }
0x2ac: {  	v19 =	vor.u32 v12, v28  }
0x2ad: {  	v16 =	vadd.f32 v17, v16;
	v17 =	vmul.f32 v20, v18;
	_ =	sdelay $0x1  }
0x2ae: {  	v16 =	vadd.f32 v17, v16;
	_ =	sdelay $0x1  }
0x2af: {  	[tilespmem:v19+s12+$0x0] =	vst.idx.msk $0xffff, v16  }
0x2b0: {  	v16 =	vld [tilespmem:$0xFE50]  }
0x2b1: {  	s14 =	simm.s32 $0x0  }
0x2b2: {  	v18 =	vmov s14  }
0x2b3: {  	v18 =	vand.u32 $0x7F, v18;
	v17 =	vld [tilespmem:$0xFED0]  }
0x2b4: {  	v24 =	vbroadcast v18, $0x0  }
0x2b5: {  	v18 =	vld [tilespmem:$0xFF50];
	v20 =	vshll.u32 v16, $0x7  }
0x2b6: {  	v19 =	vor.u32 v20, v24  }
0x2b7: {  	v23 =	vld [tilespmem:$0xFFD0]  }
0x2b8: {  	v21 =	vshll.u32 v17, $0x7  }
0x2b9: {  	v25 =	vor.u32 v21, v24  }
0x2ba: {  	v16 =	vld [tilespmem:$0x10650];
	v22 =	vshll.u32 v18, $0x7  }
0x2bb: {  	v27 =	vor.u32 v22, v24;
	v26 =	vld.idx.msk [tilespmem:v19+s3+$0x0], $0xffff  }
0x2bc: {  	v23 =	vshll.u32 v23, $0x7  }
0x2bd: {  	v17 =	vld [tilespmem:$0x106D0];
	v28 =	vor.u32 v23, v24  }
0x2be: {  	v29 =	vld.idx.msk [tilespmem:v25+s3+$0x0], $0xffff  }
0x2bf: {  	v19 =	vld [tilespmem:$0x10750]  }
0x2c0: {  	v30 =	vmul.f32 v26, v16;
	v26 =	vld.idx.msk [tilespmem:v27+s3+$0x0], $0xffff  }
0x2c1: {  	v18 =	vld [tilespmem:$0x107D0]  }
0x2c2: {  	s31 =	simm.s32 $0x1;
	v25 =	vld.idx.msk [tilespmem:v28+s3+$0x0], $0xffff  }
0x2c3: {  	s14 =	simm.s32 $0x2;
	v28 =	vmov s31;
	v29 =	vmul.f32 v29, v17;
	v27 =	vadd.f32 $0.0e+00, v30  }
.LBB2_28:
0x2c4: {  	p0 =	sne.s32 s14, $0x7F;
	v28 =	vand.u32 $0x7F, v28  }
0x2c5: {  	v26 =	vmul.f32 v26, v19;
	v28 =	vbroadcast v28, $0x0;
	v27 =	vadd.f32 v29, v27  }
0x2c6: {  	v29 =	vor.u32 v13, v24  }
0x2c7: {  	v25 =	vmul.f32 v25, v18;
	v30 =	vor.u32 v20, v28;
	v26 =	vadd.f32 v26, v27;
	v24 =	vmovc v28;
	_ =	sdelay $0x1  }
0x2c8: {  	v27 =	vor.u32 v21, v24;
	v25 =	vadd.f32 v25, v26;
	_ =	sdelay $0x1  }
0x2c9: {  	v26 =	vor.u32 v22, v24;
	[tilespmem:v29+s12+$0x0] =	vst.idx.msk $0xffff, v25  }
0x2ca: {  	v25 =	vld.idx.msk [tilespmem:v30+s3+$0x0], $0xffff  }
0x2cb: {  	v28 =	vor.u32 v23, v24  }
0x2cc: {  	v29 =	vld.idx.msk [tilespmem:v27+s3+$0x0], $0xffff;
	_ =	sdelay $0x1  }
.Ltmp13:
0x2cd: {  	v26 =	vld.idx.msk [tilespmem:v26+s3+$0x0], $0xffff;
	(pc) =	sbr.rel @p0 .LBB2_28-.Ltmp13, $3  }
0x2ce: {  	_ = 	snop  }
0x2cf: {  	v27 =	vmul.f32 v25, v16;
	v25 =	vld.idx.msk [tilespmem:v28+s3+$0x0], $0xffff;
	_ =	sdelay $0x1  }
0x2d0: {  	v28 =	vmov s14;
	s14 =	sadd.s32 $0x1, s14;
	v27 =	vadd.f32 $0.0e+00, v27;
	v29 =	vmul.f32 v29, v17  }
0x2d1: {  	v28 =	vand.u32 $0x7F, v28  }
0x2d2: {  	v26 =	vmul.f32 v26, v19;
	v28 =	vbroadcast v28, $0x0;
	v27 =	vadd.f32 v29, v27  }
0x2d3: {  	v24 =	vor.u32 v13, v24  }
0x2d4: {  	v25 =	vmul.f32 v25, v18;
	v20 =	vor.u32 v20, v28;
	v26 =	vadd.f32 v26, v27;
	_ =	sdelay $0x1  }
0x2d5: {  	v21 =	vor.u32 v21, v28;
	v25 =	vadd.f32 v25, v26;
	_ =	sdelay $0x1  }
0x2d6: {  	v22 =	vor.u32 v22, v28;
	[tilespmem:v24+s12+$0x0] =	vst.idx.msk $0xffff, v25  }
0x2d7: {  	v20 =	vld.idx.msk [tilespmem:v20+s3+$0x0], $0xffff  }
0x2d8: {  	v23 =	vor.u32 v23, v28  }
0x2d9: {  	v21 =	vld.idx.msk [tilespmem:v21+s3+$0x0], $0xffff;
	_ =	sdelay $0x1  }
0x2da: {  	v22 =	vld.idx.msk [tilespmem:v22+s3+$0x0], $0xffff  }
0x2db: {  	v16 =	vmul.f32 v20, v16  }
0x2dc: {  	v20 =	vld.idx.msk [tilespmem:v23+s3+$0x0], $0xffff  }
0x2dd: {  	v17 =	vmul.f32 v21, v17;
	v16 =	vadd.f32 $0.0e+00, v16;
	_ =	sdelay $0x1  }
0x2de: {  	v16 =	vadd.f32 v17, v16;
	v17 =	vmul.f32 v22, v19  }
0x2df: {  	v19 =	vor.u32 v13, v28  }
0x2e0: {  	v16 =	vadd.f32 v17, v16;
	v17 =	vmul.f32 v20, v18;
	_ =	sdelay $0x1  }
0x2e1: {  	v16 =	vadd.f32 v17, v16;
	_ =	sdelay $0x1  }
0x2e2: {  	[tilespmem:v19+s12+$0x0] =	vst.idx.msk $0xffff, v16  }
0x2e3: {  	v16 =	vld [tilespmem:$0xFE60]  }
0x2e4: {  	s14 =	simm.s32 $0x0  }
0x2e5: {  	v18 =	vmov s14  }
0x2e6: {  	v18 =	vand.u32 $0x7F, v18;
	v17 =	vld [tilespmem:$0xFEE0]  }
0x2e7: {  	v24 =	vbroadcast v18, $0x0  }
0x2e8: {  	v18 =	vld [tilespmem:$0xFF60];
	v20 =	vshll.u32 v16, $0x7  }
0x2e9: {  	v19 =	vor.u32 v20, v24  }
0x2ea: {  	v23 =	vld [tilespmem:$0xFFE0]  }
0x2eb: {  	v21 =	vshll.u32 v17, $0x7  }
0x2ec: {  	v25 =	vor.u32 v21, v24  }
0x2ed: {  	v16 =	vld [tilespmem:$0x10660];
	v22 =	vshll.u32 v18, $0x7  }
0x2ee: {  	v27 =	vor.u32 v22, v24;
	v26 =	vld.idx.msk [tilespmem:v19+s3+$0x0], $0xffff  }
0x2ef: {  	v23 =	vshll.u32 v23, $0x7  }
0x2f0: {  	v17 =	vld [tilespmem:$0x106E0];
	v28 =	vor.u32 v23, v24  }
0x2f1: {  	v29 =	vld.idx.msk [tilespmem:v25+s3+$0x0], $0xffff  }
0x2f2: {  	v19 =	vld [tilespmem:$0x10760]  }
0x2f3: {  	v30 =	vmul.f32 v26, v16;
	v26 =	vld.idx.msk [tilespmem:v27+s3+$0x0], $0xffff  }
0x2f4: {  	v18 =	vld [tilespmem:$0x107E0]  }
0x2f5: {  	s31 =	simm.s32 $0x1;
	v25 =	vld.idx.msk [tilespmem:v28+s3+$0x0], $0xffff  }
0x2f6: {  	s14 =	simm.s32 $0x2;
	v28 =	vmov s31;
	v29 =	vmul.f32 v29, v17;
	v27 =	vadd.f32 $0.0e+00, v30  }
.LBB2_30:
0x2f7: {  	p0 =	sne.s32 s14, $0x7F;
	v28 =	vand.u32 $0x7F, v28  }
0x2f8: {  	v26 =	vmul.f32 v26, v19;
	v28 =	vbroadcast v28, $0x0;
	v27 =	vadd.f32 v29, v27  }
0x2f9: {  	v29 =	vor.u32 v14, v24  }
0x2fa: {  	v25 =	vmul.f32 v25, v18;
	v30 =	vor.u32 v20, v28;
	v26 =	vadd.f32 v26, v27;
	v24 =	vmovc v28;
	_ =	sdelay $0x1  }
0x2fb: {  	v27 =	vor.u32 v21, v24;
	v25 =	vadd.f32 v25, v26;
	_ =	sdelay $0x1  }
0x2fc: {  	v26 =	vor.u32 v22, v24;
	[tilespmem:v29+s12+$0x0] =	vst.idx.msk $0xffff, v25  }
0x2fd: {  	v25 =	vld.idx.msk [tilespmem:v30+s3+$0x0], $0xffff  }
0x2fe: {  	v28 =	vor.u32 v23, v24  }
0x2ff: {  	v29 =	vld.idx.msk [tilespmem:v27+s3+$0x0], $0xffff;
	_ =	sdelay $0x1  }
.Ltmp14:
0x300: {  	v26 =	vld.idx.msk [tilespmem:v26+s3+$0x0], $0xffff;
	(pc) =	sbr.rel @p0 .LBB2_30-.Ltmp14, $3  }
0x301: {  	_ = 	snop  }
0x302: {  	v27 =	vmul.f32 v25, v16;
	v25 =	vld.idx.msk [tilespmem:v28+s3+$0x0], $0xffff;
	_ =	sdelay $0x1  }
0x303: {  	v28 =	vmov s14;
	s14 =	sadd.s32 $0x1, s14;
	v27 =	vadd.f32 $0.0e+00, v27;
	v29 =	vmul.f32 v29, v17  }
0x304: {  	v28 =	vand.u32 $0x7F, v28  }
0x305: {  	v26 =	vmul.f32 v26, v19;
	v28 =	vbroadcast v28, $0x0;
	v27 =	vadd.f32 v29, v27  }
0x306: {  	v24 =	vor.u32 v14, v24  }
0x307: {  	v25 =	vmul.f32 v25, v18;
	v20 =	vor.u32 v20, v28;
	v26 =	vadd.f32 v26, v27;
	_ =	sdelay $0x1  }
0x308: {  	v21 =	vor.u32 v21, v28;
	v25 =	vadd.f32 v25, v26;
	_ =	sdelay $0x1  }
0x309: {  	v22 =	vor.u32 v22, v28;
	[tilespmem:v24+s12+$0x0] =	vst.idx.msk $0xffff, v25  }
0x30a: {  	v20 =	vld.idx.msk [tilespmem:v20+s3+$0x0], $0xffff  }
0x30b: {  	v23 =	vor.u32 v23, v28  }
0x30c: {  	v21 =	vld.idx.msk [tilespmem:v21+s3+$0x0], $0xffff;
	_ =	sdelay $0x1  }
0x30d: {  	v22 =	vld.idx.msk [tilespmem:v22+s3+$0x0], $0xffff  }
0x30e: {  	v16 =	vmul.f32 v20, v16  }
0x30f: {  	v20 =	vld.idx.msk [tilespmem:v23+s3+$0x0], $0xffff  }
0x310: {  	v17 =	vmul.f32 v21, v17;
	v16 =	vadd.f32 $0.0e+00, v16;
	_ =	sdelay $0x1  }
0x311: {  	v16 =	vadd.f32 v17, v16;
	v17 =	vmul.f32 v22, v19  }
0x312: {  	v19 =	vor.u32 v14, v28  }
0x313: {  	v16 =	vadd.f32 v17, v16;
	v17 =	vmul.f32 v20, v18;
	_ =	sdelay $0x1  }
0x314: {  	v16 =	vadd.f32 v17, v16;
	_ =	sdelay $0x1  }
0x315: {  	[tilespmem:v19+s12+$0x0] =	vst.idx.msk $0xffff, v16  }
0x316: {  	v16 =	vld [tilespmem:$0xFE70]  }
0x317: {  	s14 =	simm.s32 $0x0  }
0x318: {  	v18 =	vmov s14  }
0x319: {  	v18 =	vand.u32 $0x7F, v18;
	v17 =	vld [tilespmem:$0xFEF0]  }
0x31a: {  	v24 =	vbroadcast v18, $0x0  }
0x31b: {  	v18 =	vld [tilespmem:$0xFF70];
	v20 =	vshll.u32 v16, $0x7  }
0x31c: {  	v19 =	vor.u32 v20, v24  }
0x31d: {  	v23 =	vld [tilespmem:$0xFFF0]  }
0x31e: {  	v21 =	vshll.u32 v17, $0x7  }
0x31f: {  	v25 =	vor.u32 v21, v24  }
0x320: {  	v16 =	vld [tilespmem:$0x10670];
	v22 =	vshll.u32 v18, $0x7  }
0x321: {  	v27 =	vor.u32 v22, v24;
	v26 =	vld.idx.msk [tilespmem:v19+s3+$0x0], $0xffff  }
0x322: {  	v23 =	vshll.u32 v23, $0x7  }
0x323: {  	v17 =	vld [tilespmem:$0x106F0];
	v28 =	vor.u32 v23, v24  }
0x324: {  	v29 =	vld.idx.msk [tilespmem:v25+s3+$0x0], $0xffff  }
0x325: {  	v19 =	vld [tilespmem:$0x10770]  }
0x326: {  	v30 =	vmul.f32 v26, v16;
	v26 =	vld.idx.msk [tilespmem:v27+s3+$0x0], $0xffff  }
0x327: {  	v18 =	vld [tilespmem:$0x107F0]  }
0x328: {  	s31 =	simm.s32 $0x1;
	v25 =	vld.idx.msk [tilespmem:v28+s3+$0x0], $0xffff  }
0x329: {  	s14 =	simm.s32 $0x2;
	v28 =	vmov s31;
	v29 =	vmul.f32 v29, v17;
	v27 =	vadd.f32 $0.0e+00, v30  }
.LBB2_32:
0x32a: {  	p0 =	sne.s32 s14, $0x7F;
	v28 =	vand.u32 $0x7F, v28  }
0x32b: {  	v26 =	vmul.f32 v26, v19;
	v28 =	vbroadcast v28, $0x0;
	v27 =	vadd.f32 v29, v27  }
0x32c: {  	v29 =	vor.u32 v15, v24  }
0x32d: {  	v25 =	vmul.f32 v25, v18;
	v30 =	vor.u32 v20, v28;
	v26 =	vadd.f32 v26, v27;
	v24 =	vmovc v28;
	_ =	sdelay $0x1  }
0x32e: {  	v27 =	vor.u32 v21, v24;
	v25 =	vadd.f32 v25, v26;
	_ =	sdelay $0x1  }
0x32f: {  	v26 =	vor.u32 v22, v24;
	[tilespmem:v29+s12+$0x0] =	vst.idx.msk $0xffff, v25  }
0x330: {  	v25 =	vld.idx.msk [tilespmem:v30+s3+$0x0], $0xffff  }
0x331: {  	v28 =	vor.u32 v23, v24  }
0x332: {  	v29 =	vld.idx.msk [tilespmem:v27+s3+$0x0], $0xffff;
	_ =	sdelay $0x1  }
.Ltmp15:
0x333: {  	v26 =	vld.idx.msk [tilespmem:v26+s3+$0x0], $0xffff;
	(pc) =	sbr.rel @p0 .LBB2_32-.Ltmp15, $3  }
0x334: {  	_ = 	snop  }
0x335: {  	v27 =	vmul.f32 v25, v16;
	v25 =	vld.idx.msk [tilespmem:v28+s3+$0x0], $0xffff;
	_ =	sdelay $0x1  }
0x336: {  	v28 =	vmov s14;
	s14 =	sadd.s32 $0x1, s14;
	v27 =	vadd.f32 $0.0e+00, v27;
	v29 =	vmul.f32 v29, v17  }
0x337: {  	v28 =	vand.u32 $0x7F, v28  }
0x338: {  	v26 =	vmul.f32 v26, v19;
	v28 =	vbroadcast v28, $0x0;
	v27 =	vadd.f32 v29, v27  }
0x339: {  	v24 =	vor.u32 v15, v24  }
0x33a: {  	v25 =	vmul.f32 v25, v18;
	v20 =	vor.u32 v20, v28;
	v26 =	vadd.f32 v26, v27;
	_ =	sdelay $0x1  }
0x33b: {  	v21 =	vor.u32 v21, v28;
	v25 =	vadd.f32 v25, v26;
	_ =	sdelay $0x1  }
0x33c: {  	v22 =	vor.u32 v22, v28;
	[tilespmem:v24+s12+$0x0] =	vst.idx.msk $0xffff, v25  }
0x33d: {  	v20 =	vld.idx.msk [tilespmem:v20+s3+$0x0], $0xffff  }
0x33e: {  	v23 =	vor.u32 v23, v28  }
0x33f: {  	v21 =	vld.idx.msk [tilespmem:v21+s3+$0x0], $0xffff;
	_ =	sdelay $0x1  }
0x340: {  	v22 =	vld.idx.msk [tilespmem:v22+s3+$0x0], $0xffff  }
0x341: {  	v16 =	vmul.f32 v20, v16  }
0x342: {  	v20 =	vld.idx.msk [tilespmem:v23+s3+$0x0], $0xffff  }
0x343: {  	v17 =	vmul.f32 v21, v17;
	v16 =	vadd.f32 $0.0e+00, v16;
	_ =	sdelay $0x1  }
0x344: {  	v16 =	vadd.f32 v17, v16;
	v17 =	vmul.f32 v22, v19  }
0x345: {  	v19 =	vor.u32 v15, v28  }
0x346: {  	v16 =	vadd.f32 v17, v16;
	v17 =	vmul.f32 v20, v18;
	_ =	sdelay $0x1  }
0x347: {  	v16 =	vadd.f32 v17, v16;
	_ =	sdelay $0x1  }
0x348: {  	s14 =	simm.s32 $0x0;
	[tilespmem:v19+s12+$0x0] =	vst.idx.msk $0xffff, v16  }
0x349: {  	[hbm4b:s4+s14] =	stream.linear.scatter [tilespmem:s12], [sflag:$0x1], $0x8000, $0x38;
	[tilespmem:$0x18C00] =	vst v63  }
0x34a: {  	_ =	swait.ge [sflag:s9], $0x8000  }
0x34b: {  	[sflag:s9] =	ssyncset.done $0x0  }
0x34c: {  	[sflag:s9] =	ssyncadd.s32 $0xFFFF8000  }
0x34d: {  	v16 =	vld [tilespmem:$0x10000];
	_ =	sdelay $0x1  }
0x34e: {  	v18 =	vmov s14  }
0x34f: {  	v18 =	vand.u32 $0x7F, v18;
	v17 =	vld [tilespmem:$0x10080]  }
0x350: {  	v24 =	vbroadcast v18, $0x0  }
0x351: {  	v18 =	vld [tilespmem:$0x10100];
	v20 =	vshll.u32 v16, $0x7  }
0x352: {  	v19 =	vor.u32 v20, v24  }
0x353: {  	v23 =	vld [tilespmem:$0x10180]  }
0x354: {  	v21 =	vshll.u32 v17, $0x7  }
0x355: {  	v25 =	vor.u32 v21, v24  }
0x356: {  	v16 =	vld [tilespmem:$0x10800];
	v22 =	vshll.u32 v18, $0x7  }
0x357: {  	v27 =	vor.u32 v22, v24;
	v26 =	vld.idx.msk [tilespmem:v19+s3+$0x0], $0xffff  }
0x358: {  	v23 =	vshll.u32 v23, $0x7  }
0x359: {  	v17 =	vld [tilespmem:$0x10880];
	v28 =	vor.u32 v23, v24  }
0x35a: {  	v29 =	vld.idx.msk [tilespmem:v25+s3+$0x0], $0xffff  }
0x35b: {  	v19 =	vld [tilespmem:$0x10900]  }
0x35c: {  	v30 =	vmul.f32 v26, v16;
	v26 =	vld.idx.msk [tilespmem:v27+s3+$0x0], $0xffff  }
0x35d: {  	v18 =	vld [tilespmem:$0x10980]  }
0x35e: {  	s31 =	simm.s32 $0x1;
	v25 =	vld.idx.msk [tilespmem:v28+s3+$0x0], $0xffff  }
0x35f: {  	s14 =	simm.s32 $0x2;
	v28 =	vmov s31;
	v29 =	vmul.f32 v29, v17;
	v27 =	vadd.f32 $0.0e+00, v30  }
.LBB2_34:
0x360: {  	p0 =	sne.s32 s14, $0x7F;
	v28 =	vand.u32 $0x7F, v28  }
0x361: {  	v26 =	vmul.f32 v26, v19;
	v28 =	vbroadcast v28, $0x0;
	v27 =	vadd.f32 v29, v27  }
0x362: {  	v29 =	vor.u32 v0, v24  }
0x363: {  	v25 =	vmul.f32 v25, v18;
	v30 =	vor.u32 v20, v28;
	v26 =	vadd.f32 v26, v27;
	v24 =	vmovc v28;
	_ =	sdelay $0x1  }
0x364: {  	v27 =	vor.u32 v21, v24;
	v25 =	vadd.f32 v25, v26;
	_ =	sdelay $0x1  }
0x365: {  	v26 =	vor.u32 v22, v24;
	[tilespmem:v29+s12+$0x0] =	vst.idx.msk $0xffff, v25  }
0x366: {  	v25 =	vld.idx.msk [tilespmem:v30+s3+$0x0], $0xffff  }
0x367: {  	v28 =	vor.u32 v23, v24  }
0x368: {  	v29 =	vld.idx.msk [tilespmem:v27+s3+$0x0], $0xffff;
	_ =	sdelay $0x1  }
.Ltmp16:
0x369: {  	v26 =	vld.idx.msk [tilespmem:v26+s3+$0x0], $0xffff;
	(pc) =	sbr.rel @p0 .LBB2_34-.Ltmp16, $3  }
0x36a: {  	_ = 	snop  }
0x36b: {  	v27 =	vmul.f32 v25, v16;
	v25 =	vld.idx.msk [tilespmem:v28+s3+$0x0], $0xffff;
	_ =	sdelay $0x1  }
0x36c: {  	v28 =	vmov s14;
	s14 =	sadd.s32 $0x1, s14;
	v27 =	vadd.f32 $0.0e+00, v27;
	v29 =	vmul.f32 v29, v17  }
0x36d: {  	v28 =	vand.u32 $0x7F, v28  }
0x36e: {  	v26 =	vmul.f32 v26, v19;
	v28 =	vbroadcast v28, $0x0;
	v27 =	vadd.f32 v29, v27  }
0x36f: {  	v24 =	vor.u32 v0, v24  }
0x370: {  	v25 =	vmul.f32 v25, v18;
	v20 =	vor.u32 v20, v28;
	v26 =	vadd.f32 v26, v27;
	_ =	sdelay $0x1  }
0x371: {  	v21 =	vor.u32 v21, v28;
	v25 =	vadd.f32 v25, v26;
	_ =	sdelay $0x1  }
0x372: {  	v22 =	vor.u32 v22, v28;
	[tilespmem:v24+s12+$0x0] =	vst.idx.msk $0xffff, v25  }
0x373: {  	v20 =	vld.idx.msk [tilespmem:v20+s3+$0x0], $0xffff  }
0x374: {  	v23 =	vor.u32 v23, v28  }
0x375: {  	v21 =	vld.idx.msk [tilespmem:v21+s3+$0x0], $0xffff;
	_ =	sdelay $0x1  }
0x376: {  	v22 =	vld.idx.msk [tilespmem:v22+s3+$0x0], $0xffff  }
0x377: {  	v16 =	vmul.f32 v20, v16  }
0x378: {  	v20 =	vld.idx.msk [tilespmem:v23+s3+$0x0], $0xffff  }
0x379: {  	v17 =	vmul.f32 v21, v17;
	v16 =	vadd.f32 $0.0e+00, v16;
	_ =	sdelay $0x1  }
0x37a: {  	v16 =	vadd.f32 v17, v16;
	v17 =	vmul.f32 v22, v19  }
0x37b: {  	v19 =	vor.u32 v0, v28  }
0x37c: {  	v16 =	vadd.f32 v17, v16;
	v17 =	vmul.f32 v20, v18;
	_ =	sdelay $0x1  }
0x37d: {  	v16 =	vadd.f32 v17, v16;
	_ =	sdelay $0x1  }
0x37e: {  	[tilespmem:v19+s12+$0x0] =	vst.idx.msk $0xffff, v16  }
0x37f: {  	v16 =	vld [tilespmem:$0x10010]  }
0x380: {  	s14 =	simm.s32 $0x0  }
0x381: {  	v18 =	vmov s14  }
0x382: {  	v18 =	vand.u32 $0x7F, v18;
	v17 =	vld [tilespmem:$0x10090]  }
0x383: {  	v24 =	vbroadcast v18, $0x0  }
0x384: {  	v18 =	vld [tilespmem:$0x10110];
	v20 =	vshll.u32 v16, $0x7  }
0x385: {  	v19 =	vor.u32 v20, v24  }
0x386: {  	v23 =	vld [tilespmem:$0x10190]  }
0x387: {  	v21 =	vshll.u32 v17, $0x7  }
0x388: {  	v25 =	vor.u32 v21, v24  }
0x389: {  	v16 =	vld [tilespmem:$0x10810];
	v22 =	vshll.u32 v18, $0x7  }
0x38a: {  	v27 =	vor.u32 v22, v24;
	v26 =	vld.idx.msk [tilespmem:v19+s3+$0x0], $0xffff  }
0x38b: {  	v23 =	vshll.u32 v23, $0x7  }
0x38c: {  	v17 =	vld [tilespmem:$0x10890];
	v28 =	vor.u32 v23, v24  }
0x38d: {  	v29 =	vld.idx.msk [tilespmem:v25+s3+$0x0], $0xffff  }
0x38e: {  	v19 =	vld [tilespmem:$0x10910]  }
0x38f: {  	v30 =	vmul.f32 v26, v16;
	v26 =	vld.idx.msk [tilespmem:v27+s3+$0x0], $0xffff  }
0x390: {  	v18 =	vld [tilespmem:$0x10990]  }
0x391: {  	s31 =	simm.s32 $0x1;
	v25 =	vld.idx.msk [tilespmem:v28+s3+$0x0], $0xffff  }
0x392: {  	s14 =	simm.s32 $0x2;
	v28 =	vmov s31;
	v29 =	vmul.f32 v29, v17;
	v27 =	vadd.f32 $0.0e+00, v30  }
.LBB2_36:
0x393: {  	p0 =	sne.s32 s14, $0x7F;
	v28 =	vand.u32 $0x7F, v28  }
0x394: {  	v26 =	vmul.f32 v26, v19;
	v28 =	vbroadcast v28, $0x0;
	v27 =	vadd.f32 v29, v27  }
0x395: {  	v29 =	vor.u32 v1, v24  }
0x396: {  	v25 =	vmul.f32 v25, v18;
	v30 =	vor.u32 v20, v28;
	v26 =	vadd.f32 v26, v27;
	v24 =	vmovc v28;
	_ =	sdelay $0x1  }
0x397: {  	v27 =	vor.u32 v21, v24;
	v25 =	vadd.f32 v25, v26;
	_ =	sdelay $0x1  }
0x398: {  	v26 =	vor.u32 v22, v24;
	[tilespmem:v29+s12+$0x0] =	vst.idx.msk $0xffff, v25  }
0x399: {  	v25 =	vld.idx.msk [tilespmem:v30+s3+$0x0], $0xffff  }
0x39a: {  	v28 =	vor.u32 v23, v24  }
0x39b: {  	v29 =	vld.idx.msk [tilespmem:v27+s3+$0x0], $0xffff;
	_ =	sdelay $0x1  }
.Ltmp17:
0x39c: {  	v26 =	vld.idx.msk [tilespmem:v26+s3+$0x0], $0xffff;
	(pc) =	sbr.rel @p0 .LBB2_36-.Ltmp17, $3  }
0x39d: {  	_ = 	snop  }
0x39e: {  	v27 =	vmul.f32 v25, v16;
	v25 =	vld.idx.msk [tilespmem:v28+s3+$0x0], $0xffff;
	_ =	sdelay $0x1  }
0x39f: {  	v28 =	vmov s14;
	s14 =	sadd.s32 $0x1, s14;
	v27 =	vadd.f32 $0.0e+00, v27;
	v29 =	vmul.f32 v29, v17  }
0x3a0: {  	v28 =	vand.u32 $0x7F, v28  }
0x3a1: {  	v26 =	vmul.f32 v26, v19;
	v28 =	vbroadcast v28, $0x0;
	v27 =	vadd.f32 v29, v27  }
0x3a2: {  	v24 =	vor.u32 v1, v24  }
0x3a3: {  	v25 =	vmul.f32 v25, v18;
	v20 =	vor.u32 v20, v28;
	v26 =	vadd.f32 v26, v27;
	_ =	sdelay $0x1  }
0x3a4: {  	v21 =	vor.u32 v21, v28;
	v25 =	vadd.f32 v25, v26;
	_ =	sdelay $0x1  }
0x3a5: {  	v22 =	vor.u32 v22, v28;
	[tilespmem:v24+s12+$0x0] =	vst.idx.msk $0xffff, v25  }
0x3a6: {  	v20 =	vld.idx.msk [tilespmem:v20+s3+$0x0], $0xffff  }
0x3a7: {  	v23 =	vor.u32 v23, v28  }
0x3a8: {  	v21 =	vld.idx.msk [tilespmem:v21+s3+$0x0], $0xffff;
	_ =	sdelay $0x1  }
0x3a9: {  	v22 =	vld.idx.msk [tilespmem:v22+s3+$0x0], $0xffff  }
0x3aa: {  	v16 =	vmul.f32 v20, v16  }
0x3ab: {  	v20 =	vld.idx.msk [tilespmem:v23+s3+$0x0], $0xffff  }
0x3ac: {  	v17 =	vmul.f32 v21, v17;
	v16 =	vadd.f32 $0.0e+00, v16;
	_ =	sdelay $0x1  }
0x3ad: {  	v16 =	vadd.f32 v17, v16;
	v17 =	vmul.f32 v22, v19  }
0x3ae: {  	v19 =	vor.u32 v1, v28  }
0x3af: {  	v16 =	vadd.f32 v17, v16;
	v17 =	vmul.f32 v20, v18;
	_ =	sdelay $0x1  }
0x3b0: {  	v16 =	vadd.f32 v17, v16;
	_ =	sdelay $0x1  }
0x3b1: {  	[tilespmem:v19+s12+$0x0] =	vst.idx.msk $0xffff, v16  }
0x3b2: {  	v16 =	vld [tilespmem:$0x10020]  }
0x3b3: {  	s14 =	simm.s32 $0x0  }
0x3b4: {  	v18 =	vmov s14  }
0x3b5: {  	v18 =	vand.u32 $0x7F, v18;
	v17 =	vld [tilespmem:$0x100A0]  }
0x3b6: {  	v24 =	vbroadcast v18, $0x0  }
0x3b7: {  	v18 =	vld [tilespmem:$0x10120];
	v20 =	vshll.u32 v16, $0x7  }
0x3b8: {  	v19 =	vor.u32 v20, v24  }
0x3b9: {  	v23 =	vld [tilespmem:$0x101A0]  }
0x3ba: {  	v21 =	vshll.u32 v17, $0x7  }
0x3bb: {  	v25 =	vor.u32 v21, v24  }
0x3bc: {  	v16 =	vld [tilespmem:$0x10820];
	v22 =	vshll.u32 v18, $0x7  }
0x3bd: {  	v27 =	vor.u32 v22, v24;
	v26 =	vld.idx.msk [tilespmem:v19+s3+$0x0], $0xffff  }
0x3be: {  	v23 =	vshll.u32 v23, $0x7  }
0x3bf: {  	v17 =	vld [tilespmem:$0x108A0];
	v28 =	vor.u32 v23, v24  }
0x3c0: {  	v29 =	vld.idx.msk [tilespmem:v25+s3+$0x0], $0xffff  }
0x3c1: {  	v19 =	vld [tilespmem:$0x10920]  }
0x3c2: {  	v30 =	vmul.f32 v26, v16;
	v26 =	vld.idx.msk [tilespmem:v27+s3+$0x0], $0xffff  }
0x3c3: {  	v18 =	vld [tilespmem:$0x109A0]  }
0x3c4: {  	s31 =	simm.s32 $0x1;
	v25 =	vld.idx.msk [tilespmem:v28+s3+$0x0], $0xffff  }
0x3c5: {  	s14 =	simm.s32 $0x2;
	v28 =	vmov s31;
	v29 =	vmul.f32 v29, v17;
	v27 =	vadd.f32 $0.0e+00, v30  }
.LBB2_38:
0x3c6: {  	p0 =	sne.s32 s14, $0x7F;
	v28 =	vand.u32 $0x7F, v28  }
0x3c7: {  	v26 =	vmul.f32 v26, v19;
	v28 =	vbroadcast v28, $0x0;
	v27 =	vadd.f32 v29, v27  }
0x3c8: {  	v29 =	vor.u32 v2, v24  }
0x3c9: {  	v25 =	vmul.f32 v25, v18;
	v30 =	vor.u32 v20, v28;
	v26 =	vadd.f32 v26, v27;
	v24 =	vmovc v28;
	_ =	sdelay $0x1  }
0x3ca: {  	v27 =	vor.u32 v21, v24;
	v25 =	vadd.f32 v25, v26;
	_ =	sdelay $0x1  }
0x3cb: {  	v26 =	vor.u32 v22, v24;
	[tilespmem:v29+s12+$0x0] =	vst.idx.msk $0xffff, v25  }
0x3cc: {  	v25 =	vld.idx.msk [tilespmem:v30+s3+$0x0], $0xffff  }
0x3cd: {  	v28 =	vor.u32 v23, v24  }
0x3ce: {  	v29 =	vld.idx.msk [tilespmem:v27+s3+$0x0], $0xffff;
	_ =	sdelay $0x1  }
.Ltmp18:
0x3cf: {  	v26 =	vld.idx.msk [tilespmem:v26+s3+$0x0], $0xffff;
	(pc) =	sbr.rel @p0 .LBB2_38-.Ltmp18, $3  }
0x3d0: {  	_ = 	snop  }
0x3d1: {  	v27 =	vmul.f32 v25, v16;
	v25 =	vld.idx.msk [tilespmem:v28+s3+$0x0], $0xffff;
	_ =	sdelay $0x1  }
0x3d2: {  	v28 =	vmov s14;
	s14 =	sadd.s32 $0x1, s14;
	v27 =	vadd.f32 $0.0e+00, v27;
	v29 =	vmul.f32 v29, v17  }
0x3d3: {  	v28 =	vand.u32 $0x7F, v28  }
0x3d4: {  	v26 =	vmul.f32 v26, v19;
	v28 =	vbroadcast v28, $0x0;
	v27 =	vadd.f32 v29, v27  }
0x3d5: {  	v24 =	vor.u32 v2, v24  }
0x3d6: {  	v25 =	vmul.f32 v25, v18;
	v20 =	vor.u32 v20, v28;
	v26 =	vadd.f32 v26, v27;
	_ =	sdelay $0x1  }
0x3d7: {  	v21 =	vor.u32 v21, v28;
	v25 =	vadd.f32 v25, v26;
	_ =	sdelay $0x1  }
0x3d8: {  	v22 =	vor.u32 v22, v28;
	[tilespmem:v24+s12+$0x0] =	vst.idx.msk $0xffff, v25  }
0x3d9: {  	v20 =	vld.idx.msk [tilespmem:v20+s3+$0x0], $0xffff  }
0x3da: {  	v23 =	vor.u32 v23, v28  }
0x3db: {  	v21 =	vld.idx.msk [tilespmem:v21+s3+$0x0], $0xffff;
	_ =	sdelay $0x1  }
0x3dc: {  	v22 =	vld.idx.msk [tilespmem:v22+s3+$0x0], $0xffff  }
0x3dd: {  	v16 =	vmul.f32 v20, v16  }
0x3de: {  	v20 =	vld.idx.msk [tilespmem:v23+s3+$0x0], $0xffff  }
0x3df: {  	v17 =	vmul.f32 v21, v17;
	v16 =	vadd.f32 $0.0e+00, v16;
	_ =	sdelay $0x1  }
0x3e0: {  	v16 =	vadd.f32 v17, v16;
	v17 =	vmul.f32 v22, v19  }
0x3e1: {  	v19 =	vor.u32 v2, v28  }
0x3e2: {  	v16 =	vadd.f32 v17, v16;
	v17 =	vmul.f32 v20, v18;
	_ =	sdelay $0x1  }
0x3e3: {  	v16 =	vadd.f32 v17, v16;
	_ =	sdelay $0x1  }
0x3e4: {  	[tilespmem:v19+s12+$0x0] =	vst.idx.msk $0xffff, v16  }
0x3e5: {  	v16 =	vld [tilespmem:$0x10030]  }
0x3e6: {  	s14 =	simm.s32 $0x0  }
0x3e7: {  	v18 =	vmov s14  }
0x3e8: {  	v18 =	vand.u32 $0x7F, v18;
	v17 =	vld [tilespmem:$0x100B0]  }
0x3e9: {  	v24 =	vbroadcast v18, $0x0  }
0x3ea: {  	v18 =	vld [tilespmem:$0x10130];
	v20 =	vshll.u32 v16, $0x7  }
0x3eb: {  	v19 =	vor.u32 v20, v24  }
0x3ec: {  	v23 =	vld [tilespmem:$0x101B0]  }
0x3ed: {  	v21 =	vshll.u32 v17, $0x7  }
0x3ee: {  	v25 =	vor.u32 v21, v24  }
0x3ef: {  	v16 =	vld [tilespmem:$0x10830];
	v22 =	vshll.u32 v18, $0x7  }
0x3f0: {  	v27 =	vor.u32 v22, v24;
	v26 =	vld.idx.msk [tilespmem:v19+s3+$0x0], $0xffff  }
0x3f1: {  	v23 =	vshll.u32 v23, $0x7  }
0x3f2: {  	v17 =	vld [tilespmem:$0x108B0];
	v28 =	vor.u32 v23, v24  }
0x3f3: {  	v29 =	vld.idx.msk [tilespmem:v25+s3+$0x0], $0xffff  }
0x3f4: {  	v19 =	vld [tilespmem:$0x10930]  }
0x3f5: {  	v30 =	vmul.f32 v26, v16;
	v26 =	vld.idx.msk [tilespmem:v27+s3+$0x0], $0xffff  }
0x3f6: {  	v18 =	vld [tilespmem:$0x109B0]  }
0x3f7: {  	s31 =	simm.s32 $0x1;
	v25 =	vld.idx.msk [tilespmem:v28+s3+$0x0], $0xffff  }
0x3f8: {  	s14 =	simm.s32 $0x2;
	v28 =	vmov s31;
	v29 =	vmul.f32 v29, v17;
	v27 =	vadd.f32 $0.0e+00, v30  }
.LBB2_40:
0x3f9: {  	p0 =	sne.s32 s14, $0x7F;
	v28 =	vand.u32 $0x7F, v28  }
0x3fa: {  	v26 =	vmul.f32 v26, v19;
	v28 =	vbroadcast v28, $0x0;
	v27 =	vadd.f32 v29, v27  }
0x3fb: {  	v29 =	vor.u32 v3, v24  }
0x3fc: {  	v25 =	vmul.f32 v25, v18;
	v30 =	vor.u32 v20, v28;
	v26 =	vadd.f32 v26, v27;
	v24 =	vmovc v28;
	_ =	sdelay $0x1  }
0x3fd: {  	v27 =	vor.u32 v21, v24;
	v25 =	vadd.f32 v25, v26;
	_ =	sdelay $0x1  }
0x3fe: {  	v26 =	vor.u32 v22, v24;
	[tilespmem:v29+s12+$0x0] =	vst.idx.msk $0xffff, v25  }
0x3ff: {  	v25 =	vld.idx.msk [tilespmem:v30+s3+$0x0], $0xffff  }
0x400: {  	v28 =	vor.u32 v23, v24  }
0x401: {  	v29 =	vld.idx.msk [tilespmem:v27+s3+$0x0], $0xffff;
	_ =	sdelay $0x1  }
.Ltmp19:
0x402: {  	v26 =	vld.idx.msk [tilespmem:v26+s3+$0x0], $0xffff;
	(pc) =	sbr.rel @p0 .LBB2_40-.Ltmp19, $3  }
0x403: {  	_ = 	snop  }
0x404: {  	v27 =	vmul.f32 v25, v16;
	v25 =	vld.idx.msk [tilespmem:v28+s3+$0x0], $0xffff;
	_ =	sdelay $0x1  }
0x405: {  	v28 =	vmov s14;
	s14 =	sadd.s32 $0x1, s14;
	v27 =	vadd.f32 $0.0e+00, v27;
	v29 =	vmul.f32 v29, v17  }
0x406: {  	v28 =	vand.u32 $0x7F, v28  }
0x407: {  	v26 =	vmul.f32 v26, v19;
	v28 =	vbroadcast v28, $0x0;
	v27 =	vadd.f32 v29, v27  }
0x408: {  	v24 =	vor.u32 v3, v24  }
0x409: {  	v25 =	vmul.f32 v25, v18;
	v20 =	vor.u32 v20, v28;
	v26 =	vadd.f32 v26, v27;
	_ =	sdelay $0x1  }
0x40a: {  	v21 =	vor.u32 v21, v28;
	v25 =	vadd.f32 v25, v26;
	_ =	sdelay $0x1  }
0x40b: {  	v22 =	vor.u32 v22, v28;
	[tilespmem:v24+s12+$0x0] =	vst.idx.msk $0xffff, v25  }
0x40c: {  	v20 =	vld.idx.msk [tilespmem:v20+s3+$0x0], $0xffff  }
0x40d: {  	v23 =	vor.u32 v23, v28  }
0x40e: {  	v21 =	vld.idx.msk [tilespmem:v21+s3+$0x0], $0xffff;
	_ =	sdelay $0x1  }
0x40f: {  	v22 =	vld.idx.msk [tilespmem:v22+s3+$0x0], $0xffff  }
0x410: {  	v16 =	vmul.f32 v20, v16  }
0x411: {  	v20 =	vld.idx.msk [tilespmem:v23+s3+$0x0], $0xffff  }
0x412: {  	v17 =	vmul.f32 v21, v17;
	v16 =	vadd.f32 $0.0e+00, v16;
	_ =	sdelay $0x1  }
0x413: {  	v16 =	vadd.f32 v17, v16;
	v17 =	vmul.f32 v22, v19  }
0x414: {  	v19 =	vor.u32 v3, v28  }
0x415: {  	v16 =	vadd.f32 v17, v16;
	v17 =	vmul.f32 v20, v18;
	_ =	sdelay $0x1  }
0x416: {  	v16 =	vadd.f32 v17, v16;
	_ =	sdelay $0x1  }
0x417: {  	[tilespmem:v19+s12+$0x0] =	vst.idx.msk $0xffff, v16  }
0x418: {  	v16 =	vld [tilespmem:$0x10040]  }
0x419: {  	s14 =	simm.s32 $0x0  }
0x41a: {  	v18 =	vmov s14  }
0x41b: {  	v18 =	vand.u32 $0x7F, v18;
	v17 =	vld [tilespmem:$0x100C0]  }
0x41c: {  	v24 =	vbroadcast v18, $0x0  }
0x41d: {  	v18 =	vld [tilespmem:$0x10140];
	v20 =	vshll.u32 v16, $0x7  }
0x41e: {  	v19 =	vor.u32 v20, v24  }
0x41f: {  	v23 =	vld [tilespmem:$0x101C0]  }
0x420: {  	v21 =	vshll.u32 v17, $0x7  }
0x421: {  	v25 =	vor.u32 v21, v24  }
0x422: {  	v16 =	vld [tilespmem:$0x10840];
	v22 =	vshll.u32 v18, $0x7  }
0x423: {  	v27 =	vor.u32 v22, v24;
	v26 =	vld.idx.msk [tilespmem:v19+s3+$0x0], $0xffff  }
0x424: {  	v23 =	vshll.u32 v23, $0x7  }
0x425: {  	v17 =	vld [tilespmem:$0x108C0];
	v28 =	vor.u32 v23, v24  }
0x426: {  	v29 =	vld.idx.msk [tilespmem:v25+s3+$0x0], $0xffff  }
0x427: {  	v19 =	vld [tilespmem:$0x10940]  }
0x428: {  	v30 =	vmul.f32 v26, v16;
	v26 =	vld.idx.msk [tilespmem:v27+s3+$0x0], $0xffff  }
0x429: {  	v18 =	vld [tilespmem:$0x109C0]  }
0x42a: {  	s31 =	simm.s32 $0x1;
	v25 =	vld.idx.msk [tilespmem:v28+s3+$0x0], $0xffff  }
0x42b: {  	s14 =	simm.s32 $0x2;
	v28 =	vmov s31;
	v29 =	vmul.f32 v29, v17;
	v27 =	vadd.f32 $0.0e+00, v30  }
.LBB2_42:
0x42c: {  	p0 =	sne.s32 s14, $0x7F;
	v28 =	vand.u32 $0x7F, v28  }
0x42d: {  	v26 =	vmul.f32 v26, v19;
	v28 =	vbroadcast v28, $0x0;
	v27 =	vadd.f32 v29, v27  }
0x42e: {  	v29 =	vor.u32 v4, v24  }
0x42f: {  	v25 =	vmul.f32 v25, v18;
	v30 =	vor.u32 v20, v28;
	v26 =	vadd.f32 v26, v27;
	v24 =	vmovc v28;
	_ =	sdelay $0x1  }
0x430: {  	v27 =	vor.u32 v21, v24;
	v25 =	vadd.f32 v25, v26;
	_ =	sdelay $0x1  }
0x431: {  	v26 =	vor.u32 v22, v24;
	[tilespmem:v29+s12+$0x0] =	vst.idx.msk $0xffff, v25  }
0x432: {  	v25 =	vld.idx.msk [tilespmem:v30+s3+$0x0], $0xffff  }
0x433: {  	v28 =	vor.u32 v23, v24  }
0x434: {  	v29 =	vld.idx.msk [tilespmem:v27+s3+$0x0], $0xffff;
	_ =	sdelay $0x1  }
.Ltmp20:
0x435: {  	v26 =	vld.idx.msk [tilespmem:v26+s3+$0x0], $0xffff;
	(pc) =	sbr.rel @p0 .LBB2_42-.Ltmp20, $3  }
0x436: {  	_ = 	snop  }
0x437: {  	v27 =	vmul.f32 v25, v16;
	v25 =	vld.idx.msk [tilespmem:v28+s3+$0x0], $0xffff;
	_ =	sdelay $0x1  }
0x438: {  	v28 =	vmov s14;
	s14 =	sadd.s32 $0x1, s14;
	v27 =	vadd.f32 $0.0e+00, v27;
	v29 =	vmul.f32 v29, v17  }
0x439: {  	v28 =	vand.u32 $0x7F, v28  }
0x43a: {  	v26 =	vmul.f32 v26, v19;
	v28 =	vbroadcast v28, $0x0;
	v27 =	vadd.f32 v29, v27  }
0x43b: {  	v24 =	vor.u32 v4, v24  }
0x43c: {  	v25 =	vmul.f32 v25, v18;
	v20 =	vor.u32 v20, v28;
	v26 =	vadd.f32 v26, v27;
	_ =	sdelay $0x1  }
0x43d: {  	v21 =	vor.u32 v21, v28;
	v25 =	vadd.f32 v25, v26;
	_ =	sdelay $0x1  }
0x43e: {  	v22 =	vor.u32 v22, v28;
	[tilespmem:v24+s12+$0x0] =	vst.idx.msk $0xffff, v25  }
0x43f: {  	v20 =	vld.idx.msk [tilespmem:v20+s3+$0x0], $0xffff  }
0x440: {  	v23 =	vor.u32 v23, v28  }
0x441: {  	v21 =	vld.idx.msk [tilespmem:v21+s3+$0x0], $0xffff;
	_ =	sdelay $0x1  }
0x442: {  	v22 =	vld.idx.msk [tilespmem:v22+s3+$0x0], $0xffff  }
0x443: {  	v16 =	vmul.f32 v20, v16  }
0x444: {  	v20 =	vld.idx.msk [tilespmem:v23+s3+$0x0], $0xffff  }
0x445: {  	v17 =	vmul.f32 v21, v17;
	v16 =	vadd.f32 $0.0e+00, v16;
	_ =	sdelay $0x1  }
0x446: {  	v16 =	vadd.f32 v17, v16;
	v17 =	vmul.f32 v22, v19  }
0x447: {  	v19 =	vor.u32 v4, v28  }
0x448: {  	v16 =	vadd.f32 v17, v16;
	v17 =	vmul.f32 v20, v18;
	_ =	sdelay $0x1  }
0x449: {  	v16 =	vadd.f32 v17, v16;
	_ =	sdelay $0x1  }
0x44a: {  	[tilespmem:v19+s12+$0x0] =	vst.idx.msk $0xffff, v16  }
0x44b: {  	v16 =	vld [tilespmem:$0x10050]  }
0x44c: {  	s14 =	simm.s32 $0x0  }
0x44d: {  	v18 =	vmov s14  }
0x44e: {  	v18 =	vand.u32 $0x7F, v18;
	v17 =	vld [tilespmem:$0x100D0]  }
0x44f: {  	v24 =	vbroadcast v18, $0x0  }
0x450: {  	v18 =	vld [tilespmem:$0x10150];
	v20 =	vshll.u32 v16, $0x7  }
0x451: {  	v19 =	vor.u32 v20, v24  }
0x452: {  	v23 =	vld [tilespmem:$0x101D0]  }
0x453: {  	v21 =	vshll.u32 v17, $0x7  }
0x454: {  	v25 =	vor.u32 v21, v24  }
0x455: {  	v16 =	vld [tilespmem:$0x10850];
	v22 =	vshll.u32 v18, $0x7  }
0x456: {  	v27 =	vor.u32 v22, v24;
	v26 =	vld.idx.msk [tilespmem:v19+s3+$0x0], $0xffff  }
0x457: {  	v23 =	vshll.u32 v23, $0x7  }
0x458: {  	v17 =	vld [tilespmem:$0x108D0];
	v28 =	vor.u32 v23, v24  }
0x459: {  	v29 =	vld.idx.msk [tilespmem:v25+s3+$0x0], $0xffff  }
0x45a: {  	v19 =	vld [tilespmem:$0x10950]  }
0x45b: {  	v30 =	vmul.f32 v26, v16;
	v26 =	vld.idx.msk [tilespmem:v27+s3+$0x0], $0xffff  }
0x45c: {  	v18 =	vld [tilespmem:$0x109D0]  }
0x45d: {  	s31 =	simm.s32 $0x1;
	v25 =	vld.idx.msk [tilespmem:v28+s3+$0x0], $0xffff  }
0x45e: {  	s14 =	simm.s32 $0x2;
	v28 =	vmov s31;
	v29 =	vmul.f32 v29, v17;
	v27 =	vadd.f32 $0.0e+00, v30  }
.LBB2_44:
0x45f: {  	p0 =	sne.s32 s14, $0x7F;
	v28 =	vand.u32 $0x7F, v28  }
0x460: {  	v26 =	vmul.f32 v26, v19;
	v28 =	vbroadcast v28, $0x0;
	v27 =	vadd.f32 v29, v27  }
0x461: {  	v29 =	vor.u32 v5, v24  }
0x462: {  	v25 =	vmul.f32 v25, v18;
	v30 =	vor.u32 v20, v28;
	v26 =	vadd.f32 v26, v27;
	v24 =	vmovc v28;
	_ =	sdelay $0x1  }
0x463: {  	v27 =	vor.u32 v21, v24;
	v25 =	vadd.f32 v25, v26;
	_ =	sdelay $0x1  }
0x464: {  	v26 =	vor.u32 v22, v24;
	[tilespmem:v29+s12+$0x0] =	vst.idx.msk $0xffff, v25  }
0x465: {  	v25 =	vld.idx.msk [tilespmem:v30+s3+$0x0], $0xffff  }
0x466: {  	v28 =	vor.u32 v23, v24  }
0x467: {  	v29 =	vld.idx.msk [tilespmem:v27+s3+$0x0], $0xffff;
	_ =	sdelay $0x1  }
.Ltmp21:
0x468: {  	v26 =	vld.idx.msk [tilespmem:v26+s3+$0x0], $0xffff;
	(pc) =	sbr.rel @p0 .LBB2_44-.Ltmp21, $3  }
0x469: {  	_ = 	snop  }
0x46a: {  	v27 =	vmul.f32 v25, v16;
	v25 =	vld.idx.msk [tilespmem:v28+s3+$0x0], $0xffff;
	_ =	sdelay $0x1  }
0x46b: {  	v28 =	vmov s14;
	s14 =	sadd.s32 $0x1, s14;
	v27 =	vadd.f32 $0.0e+00, v27;
	v29 =	vmul.f32 v29, v17  }
0x46c: {  	v28 =	vand.u32 $0x7F, v28  }
0x46d: {  	v26 =	vmul.f32 v26, v19;
	v28 =	vbroadcast v28, $0x0;
	v27 =	vadd.f32 v29, v27  }
0x46e: {  	v24 =	vor.u32 v5, v24  }
0x46f: {  	v25 =	vmul.f32 v25, v18;
	v20 =	vor.u32 v20, v28;
	v26 =	vadd.f32 v26, v27;
	_ =	sdelay $0x1  }
0x470: {  	v21 =	vor.u32 v21, v28;
	v25 =	vadd.f32 v25, v26;
	_ =	sdelay $0x1  }
0x471: {  	v22 =	vor.u32 v22, v28;
	[tilespmem:v24+s12+$0x0] =	vst.idx.msk $0xffff, v25  }
0x472: {  	v20 =	vld.idx.msk [tilespmem:v20+s3+$0x0], $0xffff  }
0x473: {  	v23 =	vor.u32 v23, v28  }
0x474: {  	v21 =	vld.idx.msk [tilespmem:v21+s3+$0x0], $0xffff;
	_ =	sdelay $0x1  }
0x475: {  	v22 =	vld.idx.msk [tilespmem:v22+s3+$0x0], $0xffff  }
0x476: {  	v16 =	vmul.f32 v20, v16  }
0x477: {  	v20 =	vld.idx.msk [tilespmem:v23+s3+$0x0], $0xffff  }
0x478: {  	v17 =	vmul.f32 v21, v17;
	v16 =	vadd.f32 $0.0e+00, v16;
	_ =	sdelay $0x1  }
0x479: {  	v16 =	vadd.f32 v17, v16;
	v17 =	vmul.f32 v22, v19  }
0x47a: {  	v19 =	vor.u32 v5, v28  }
0x47b: {  	v16 =	vadd.f32 v17, v16;
	v17 =	vmul.f32 v20, v18;
	_ =	sdelay $0x1  }
0x47c: {  	v16 =	vadd.f32 v17, v16;
	_ =	sdelay $0x1  }
0x47d: {  	[tilespmem:v19+s12+$0x0] =	vst.idx.msk $0xffff, v16  }
0x47e: {  	v16 =	vld [tilespmem:$0x10060]  }
0x47f: {  	s14 =	simm.s32 $0x0  }
0x480: {  	v18 =	vmov s14  }
0x481: {  	v18 =	vand.u32 $0x7F, v18;
	v17 =	vld [tilespmem:$0x100E0]  }
0x482: {  	v24 =	vbroadcast v18, $0x0  }
0x483: {  	v18 =	vld [tilespmem:$0x10160];
	v20 =	vshll.u32 v16, $0x7  }
0x484: {  	v19 =	vor.u32 v20, v24  }
0x485: {  	v23 =	vld [tilespmem:$0x101E0]  }
0x486: {  	v21 =	vshll.u32 v17, $0x7  }
0x487: {  	v25 =	vor.u32 v21, v24  }
0x488: {  	v16 =	vld [tilespmem:$0x10860];
	v22 =	vshll.u32 v18, $0x7  }
0x489: {  	v27 =	vor.u32 v22, v24;
	v26 =	vld.idx.msk [tilespmem:v19+s3+$0x0], $0xffff  }
0x48a: {  	v23 =	vshll.u32 v23, $0x7  }
0x48b: {  	v17 =	vld [tilespmem:$0x108E0];
	v28 =	vor.u32 v23, v24  }
0x48c: {  	v29 =	vld.idx.msk [tilespmem:v25+s3+$0x0], $0xffff  }
0x48d: {  	v19 =	vld [tilespmem:$0x10960]  }
0x48e: {  	v30 =	vmul.f32 v26, v16;
	v26 =	vld.idx.msk [tilespmem:v27+s3+$0x0], $0xffff  }
0x48f: {  	v18 =	vld [tilespmem:$0x109E0]  }
0x490: {  	s31 =	simm.s32 $0x1;
	v25 =	vld.idx.msk [tilespmem:v28+s3+$0x0], $0xffff  }
0x491: {  	s14 =	simm.s32 $0x2;
	v28 =	vmov s31;
	v29 =	vmul.f32 v29, v17;
	v27 =	vadd.f32 $0.0e+00, v30  }
.LBB2_46:
0x492: {  	p0 =	sne.s32 s14, $0x7F;
	v28 =	vand.u32 $0x7F, v28  }
0x493: {  	v26 =	vmul.f32 v26, v19;
	v28 =	vbroadcast v28, $0x0;
	v27 =	vadd.f32 v29, v27  }
0x494: {  	v29 =	vor.u32 v6, v24  }
0x495: {  	v25 =	vmul.f32 v25, v18;
	v30 =	vor.u32 v20, v28;
	v26 =	vadd.f32 v26, v27;
	v24 =	vmovc v28;
	_ =	sdelay $0x1  }
0x496: {  	v27 =	vor.u32 v21, v24;
	v25 =	vadd.f32 v25, v26;
	_ =	sdelay $0x1  }
0x497: {  	v26 =	vor.u32 v22, v24;
	[tilespmem:v29+s12+$0x0] =	vst.idx.msk $0xffff, v25  }
0x498: {  	v25 =	vld.idx.msk [tilespmem:v30+s3+$0x0], $0xffff  }
0x499: {  	v28 =	vor.u32 v23, v24  }
0x49a: {  	v29 =	vld.idx.msk [tilespmem:v27+s3+$0x0], $0xffff;
	_ =	sdelay $0x1  }
.Ltmp22:
0x49b: {  	v26 =	vld.idx.msk [tilespmem:v26+s3+$0x0], $0xffff;
	(pc) =	sbr.rel @p0 .LBB2_46-.Ltmp22, $3  }
0x49c: {  	_ = 	snop  }
0x49d: {  	v27 =	vmul.f32 v25, v16;
	v25 =	vld.idx.msk [tilespmem:v28+s3+$0x0], $0xffff;
	_ =	sdelay $0x1  }
0x49e: {  	v28 =	vmov s14;
	s14 =	sadd.s32 $0x1, s14;
	v27 =	vadd.f32 $0.0e+00, v27;
	v29 =	vmul.f32 v29, v17  }
0x49f: {  	v28 =	vand.u32 $0x7F, v28  }
0x4a0: {  	v26 =	vmul.f32 v26, v19;
	v28 =	vbroadcast v28, $0x0;
	v27 =	vadd.f32 v29, v27  }
0x4a1: {  	v24 =	vor.u32 v6, v24  }
0x4a2: {  	v25 =	vmul.f32 v25, v18;
	v20 =	vor.u32 v20, v28;
	v26 =	vadd.f32 v26, v27;
	_ =	sdelay $0x1  }
0x4a3: {  	v21 =	vor.u32 v21, v28;
	v25 =	vadd.f32 v25, v26;
	_ =	sdelay $0x1  }
0x4a4: {  	v22 =	vor.u32 v22, v28;
	[tilespmem:v24+s12+$0x0] =	vst.idx.msk $0xffff, v25  }
0x4a5: {  	v20 =	vld.idx.msk [tilespmem:v20+s3+$0x0], $0xffff  }
0x4a6: {  	v23 =	vor.u32 v23, v28  }
0x4a7: {  	v21 =	vld.idx.msk [tilespmem:v21+s3+$0x0], $0xffff;
	_ =	sdelay $0x1  }
0x4a8: {  	v22 =	vld.idx.msk [tilespmem:v22+s3+$0x0], $0xffff  }
0x4a9: {  	v16 =	vmul.f32 v20, v16  }
0x4aa: {  	v20 =	vld.idx.msk [tilespmem:v23+s3+$0x0], $0xffff  }
0x4ab: {  	v17 =	vmul.f32 v21, v17;
	v16 =	vadd.f32 $0.0e+00, v16;
	_ =	sdelay $0x1  }
0x4ac: {  	v16 =	vadd.f32 v17, v16;
	v17 =	vmul.f32 v22, v19  }
0x4ad: {  	v19 =	vor.u32 v6, v28  }
0x4ae: {  	v16 =	vadd.f32 v17, v16;
	v17 =	vmul.f32 v20, v18;
	_ =	sdelay $0x1  }
0x4af: {  	v16 =	vadd.f32 v17, v16;
	_ =	sdelay $0x1  }
0x4b0: {  	[tilespmem:v19+s12+$0x0] =	vst.idx.msk $0xffff, v16  }
0x4b1: {  	v16 =	vld [tilespmem:$0x10070]  }
0x4b2: {  	s14 =	simm.s32 $0x0  }
0x4b3: {  	v18 =	vmov s14  }
0x4b4: {  	v18 =	vand.u32 $0x7F, v18;
	v17 =	vld [tilespmem:$0x100F0]  }
0x4b5: {  	v24 =	vbroadcast v18, $0x0  }
0x4b6: {  	v18 =	vld [tilespmem:$0x10170];
	v20 =	vshll.u32 v16, $0x7  }
0x4b7: {  	v19 =	vor.u32 v20, v24  }
0x4b8: {  	v23 =	vld [tilespmem:$0x101F0]  }
0x4b9: {  	v21 =	vshll.u32 v17, $0x7  }
0x4ba: {  	v25 =	vor.u32 v21, v24  }
0x4bb: {  	v16 =	vld [tilespmem:$0x10870];
	v22 =	vshll.u32 v18, $0x7  }
0x4bc: {  	v27 =	vor.u32 v22, v24;
	v26 =	vld.idx.msk [tilespmem:v19+s3+$0x0], $0xffff  }
0x4bd: {  	v23 =	vshll.u32 v23, $0x7  }
0x4be: {  	v17 =	vld [tilespmem:$0x108F0];
	v28 =	vor.u32 v23, v24  }
0x4bf: {  	v29 =	vld.idx.msk [tilespmem:v25+s3+$0x0], $0xffff  }
0x4c0: {  	v19 =	vld [tilespmem:$0x10970]  }
0x4c1: {  	v30 =	vmul.f32 v26, v16;
	v26 =	vld.idx.msk [tilespmem:v27+s3+$0x0], $0xffff  }
0x4c2: {  	v18 =	vld [tilespmem:$0x109F0]  }
0x4c3: {  	s31 =	simm.s32 $0x1;
	v25 =	vld.idx.msk [tilespmem:v28+s3+$0x0], $0xffff  }
0x4c4: {  	s14 =	simm.s32 $0x2;
	v28 =	vmov s31;
	v29 =	vmul.f32 v29, v17;
	v27 =	vadd.f32 $0.0e+00, v30  }
.LBB2_48:
0x4c5: {  	p0 =	sne.s32 s14, $0x7F;
	v28 =	vand.u32 $0x7F, v28  }
0x4c6: {  	v26 =	vmul.f32 v26, v19;
	v28 =	vbroadcast v28, $0x0;
	v27 =	vadd.f32 v29, v27  }
0x4c7: {  	v29 =	vor.u32 v7, v24  }
0x4c8: {  	v25 =	vmul.f32 v25, v18;
	v30 =	vor.u32 v20, v28;
	v26 =	vadd.f32 v26, v27;
	v24 =	vmovc v28;
	_ =	sdelay $0x1  }
0x4c9: {  	v27 =	vor.u32 v21, v24;
	v25 =	vadd.f32 v25, v26;
	_ =	sdelay $0x1  }
0x4ca: {  	v26 =	vor.u32 v22, v24;
	[tilespmem:v29+s12+$0x0] =	vst.idx.msk $0xffff, v25  }
0x4cb: {  	v25 =	vld.idx.msk [tilespmem:v30+s3+$0x0], $0xffff  }
0x4cc: {  	v28 =	vor.u32 v23, v24  }
0x4cd: {  	v29 =	vld.idx.msk [tilespmem:v27+s3+$0x0], $0xffff;
	_ =	sdelay $0x1  }
.Ltmp23:
0x4ce: {  	v26 =	vld.idx.msk [tilespmem:v26+s3+$0x0], $0xffff;
	(pc) =	sbr.rel @p0 .LBB2_48-.Ltmp23, $3  }
0x4cf: {  	_ = 	snop  }
0x4d0: {  	v27 =	vmul.f32 v25, v16;
	v25 =	vld.idx.msk [tilespmem:v28+s3+$0x0], $0xffff;
	_ =	sdelay $0x1  }
0x4d1: {  	v28 =	vmov s14;
	s14 =	sadd.s32 $0x1, s14;
	v27 =	vadd.f32 $0.0e+00, v27;
	v29 =	vmul.f32 v29, v17  }
0x4d2: {  	v28 =	vand.u32 $0x7F, v28  }
0x4d3: {  	v26 =	vmul.f32 v26, v19;
	v28 =	vbroadcast v28, $0x0;
	v27 =	vadd.f32 v29, v27  }
0x4d4: {  	v24 =	vor.u32 v7, v24  }
0x4d5: {  	v25 =	vmul.f32 v25, v18;
	v20 =	vor.u32 v20, v28;
	v26 =	vadd.f32 v26, v27;
	_ =	sdelay $0x1  }
0x4d6: {  	v21 =	vor.u32 v21, v28;
	v25 =	vadd.f32 v25, v26;
	_ =	sdelay $0x1  }
0x4d7: {  	v22 =	vor.u32 v22, v28;
	[tilespmem:v24+s12+$0x0] =	vst.idx.msk $0xffff, v25  }
0x4d8: {  	v20 =	vld.idx.msk [tilespmem:v20+s3+$0x0], $0xffff  }
0x4d9: {  	v23 =	vor.u32 v23, v28  }
0x4da: {  	v21 =	vld.idx.msk [tilespmem:v21+s3+$0x0], $0xffff;
	_ =	sdelay $0x1  }
0x4db: {  	v22 =	vld.idx.msk [tilespmem:v22+s3+$0x0], $0xffff  }
0x4dc: {  	v16 =	vmul.f32 v20, v16  }
0x4dd: {  	v20 =	vld.idx.msk [tilespmem:v23+s3+$0x0], $0xffff  }
0x4de: {  	v17 =	vmul.f32 v21, v17;
	v16 =	vadd.f32 $0.0e+00, v16;
	_ =	sdelay $0x1  }
0x4df: {  	v16 =	vadd.f32 v17, v16;
	v17 =	vmul.f32 v22, v19  }
0x4e0: {  	v19 =	vor.u32 v7, v28  }
0x4e1: {  	v16 =	vadd.f32 v17, v16;
	v17 =	vmul.f32 v20, v18;
	_ =	sdelay $0x1  }
0x4e2: {  	v16 =	vadd.f32 v17, v16;
	_ =	sdelay $0x1  }
0x4e3: {  	[tilespmem:v19+s12+$0x0] =	vst.idx.msk $0xffff, v16  }
0x4e4: {  	v16 =	vld [tilespmem:$0x10200]  }
0x4e5: {  	s14 =	simm.s32 $0x0  }
0x4e6: {  	v18 =	vmov s14  }
0x4e7: {  	v18 =	vand.u32 $0x7F, v18;
	v17 =	vld [tilespmem:$0x10280]  }
0x4e8: {  	v24 =	vbroadcast v18, $0x0  }
0x4e9: {  	v18 =	vld [tilespmem:$0x10300];
	v20 =	vshll.u32 v16, $0x7  }
0x4ea: {  	v19 =	vor.u32 v20, v24  }
0x4eb: {  	v23 =	vld [tilespmem:$0x10380]  }
0x4ec: {  	v21 =	vshll.u32 v17, $0x7  }
0x4ed: {  	v25 =	vor.u32 v21, v24  }
0x4ee: {  	v16 =	vld [tilespmem:$0x10A00];
	v22 =	vshll.u32 v18, $0x7  }
0x4ef: {  	v27 =	vor.u32 v22, v24;
	v26 =	vld.idx.msk [tilespmem:v19+s3+$0x0], $0xffff  }
0x4f0: {  	v23 =	vshll.u32 v23, $0x7  }
0x4f1: {  	v17 =	vld [tilespmem:$0x10A80];
	v28 =	vor.u32 v23, v24  }
0x4f2: {  	v29 =	vld.idx.msk [tilespmem:v25+s3+$0x0], $0xffff  }
0x4f3: {  	v19 =	vld [tilespmem:$0x10B00]  }
0x4f4: {  	v30 =	vmul.f32 v26, v16;
	v26 =	vld.idx.msk [tilespmem:v27+s3+$0x0], $0xffff  }
0x4f5: {  	v18 =	vld [tilespmem:$0x10B80]  }
0x4f6: {  	s31 =	simm.s32 $0x1;
	v25 =	vld.idx.msk [tilespmem:v28+s3+$0x0], $0xffff  }
0x4f7: {  	s14 =	simm.s32 $0x2;
	v28 =	vmov s31;
	v29 =	vmul.f32 v29, v17;
	v27 =	vadd.f32 $0.0e+00, v30  }
.LBB2_50:
0x4f8: {  	p0 =	sne.s32 s14, $0x7F;
	v28 =	vand.u32 $0x7F, v28  }
0x4f9: {  	v26 =	vmul.f32 v26, v19;
	v28 =	vbroadcast v28, $0x0;
	v27 =	vadd.f32 v29, v27  }
0x4fa: {  	v29 =	vor.u32 v8, v24  }
0x4fb: {  	v25 =	vmul.f32 v25, v18;
	v30 =	vor.u32 v20, v28;
	v26 =	vadd.f32 v26, v27;
	v24 =	vmovc v28;
	_ =	sdelay $0x1  }
0x4fc: {  	v27 =	vor.u32 v21, v24;
	v25 =	vadd.f32 v25, v26;
	_ =	sdelay $0x1  }
0x4fd: {  	v26 =	vor.u32 v22, v24;
	[tilespmem:v29+s12+$0x0] =	vst.idx.msk $0xffff, v25  }
0x4fe: {  	v25 =	vld.idx.msk [tilespmem:v30+s3+$0x0], $0xffff  }
0x4ff: {  	v28 =	vor.u32 v23, v24  }
0x500: {  	v29 =	vld.idx.msk [tilespmem:v27+s3+$0x0], $0xffff;
	_ =	sdelay $0x1  }
.Ltmp24:
0x501: {  	v26 =	vld.idx.msk [tilespmem:v26+s3+$0x0], $0xffff;
	(pc) =	sbr.rel @p0 .LBB2_50-.Ltmp24, $3  }
0x502: {  	_ = 	snop  }
0x503: {  	v27 =	vmul.f32 v25, v16;
	v25 =	vld.idx.msk [tilespmem:v28+s3+$0x0], $0xffff;
	_ =	sdelay $0x1  }
0x504: {  	v28 =	vmov s14;
	s14 =	sadd.s32 $0x1, s14;
	v27 =	vadd.f32 $0.0e+00, v27;
	v29 =	vmul.f32 v29, v17  }
0x505: {  	v28 =	vand.u32 $0x7F, v28  }
0x506: {  	v26 =	vmul.f32 v26, v19;
	v28 =	vbroadcast v28, $0x0;
	v27 =	vadd.f32 v29, v27  }
0x507: {  	v24 =	vor.u32 v8, v24  }
0x508: {  	v25 =	vmul.f32 v25, v18;
	v20 =	vor.u32 v20, v28;
	v26 =	vadd.f32 v26, v27;
	_ =	sdelay $0x1  }
0x509: {  	v21 =	vor.u32 v21, v28;
	v25 =	vadd.f32 v25, v26;
	_ =	sdelay $0x1  }
0x50a: {  	v22 =	vor.u32 v22, v28;
	[tilespmem:v24+s12+$0x0] =	vst.idx.msk $0xffff, v25  }
0x50b: {  	v20 =	vld.idx.msk [tilespmem:v20+s3+$0x0], $0xffff  }
0x50c: {  	v23 =	vor.u32 v23, v28  }
0x50d: {  	v21 =	vld.idx.msk [tilespmem:v21+s3+$0x0], $0xffff;
	_ =	sdelay $0x1  }
0x50e: {  	v22 =	vld.idx.msk [tilespmem:v22+s3+$0x0], $0xffff  }
0x50f: {  	v16 =	vmul.f32 v20, v16  }
0x510: {  	v20 =	vld.idx.msk [tilespmem:v23+s3+$0x0], $0xffff  }
0x511: {  	v17 =	vmul.f32 v21, v17;
	v16 =	vadd.f32 $0.0e+00, v16;
	_ =	sdelay $0x1  }
0x512: {  	v16 =	vadd.f32 v17, v16;
	v17 =	vmul.f32 v22, v19  }
0x513: {  	v19 =	vor.u32 v8, v28  }
0x514: {  	v16 =	vadd.f32 v17, v16;
	v17 =	vmul.f32 v20, v18;
	_ =	sdelay $0x1  }
0x515: {  	v16 =	vadd.f32 v17, v16;
	_ =	sdelay $0x1  }
0x516: {  	[tilespmem:v19+s12+$0x0] =	vst.idx.msk $0xffff, v16  }
0x517: {  	v16 =	vld [tilespmem:$0x10210]  }
0x518: {  	s14 =	simm.s32 $0x0  }
0x519: {  	v18 =	vmov s14  }
0x51a: {  	v18 =	vand.u32 $0x7F, v18;
	v17 =	vld [tilespmem:$0x10290]  }
0x51b: {  	v24 =	vbroadcast v18, $0x0  }
0x51c: {  	v18 =	vld [tilespmem:$0x10310];
	v20 =	vshll.u32 v16, $0x7  }
0x51d: {  	v19 =	vor.u32 v20, v24  }
0x51e: {  	v23 =	vld [tilespmem:$0x10390]  }
0x51f: {  	v21 =	vshll.u32 v17, $0x7  }
0x520: {  	v25 =	vor.u32 v21, v24  }
0x521: {  	v16 =	vld [tilespmem:$0x10A10];
	v22 =	vshll.u32 v18, $0x7  }
0x522: {  	v27 =	vor.u32 v22, v24;
	v26 =	vld.idx.msk [tilespmem:v19+s3+$0x0], $0xffff  }
0x523: {  	v23 =	vshll.u32 v23, $0x7  }
0x524: {  	v17 =	vld [tilespmem:$0x10A90];
	v28 =	vor.u32 v23, v24  }
0x525: {  	v29 =	vld.idx.msk [tilespmem:v25+s3+$0x0], $0xffff  }
0x526: {  	v19 =	vld [tilespmem:$0x10B10]  }
0x527: {  	v30 =	vmul.f32 v26, v16;
	v26 =	vld.idx.msk [tilespmem:v27+s3+$0x0], $0xffff  }
0x528: {  	v18 =	vld [tilespmem:$0x10B90]  }
0x529: {  	s31 =	simm.s32 $0x1;
	v25 =	vld.idx.msk [tilespmem:v28+s3+$0x0], $0xffff  }
0x52a: {  	s14 =	simm.s32 $0x2;
	v28 =	vmov s31;
	v29 =	vmul.f32 v29, v17;
	v27 =	vadd.f32 $0.0e+00, v30  }
.LBB2_52:
0x52b: {  	p0 =	sne.s32 s14, $0x7F;
	v28 =	vand.u32 $0x7F, v28  }
0x52c: {  	v26 =	vmul.f32 v26, v19;
	v28 =	vbroadcast v28, $0x0;
	v27 =	vadd.f32 v29, v27  }
0x52d: {  	v29 =	vor.u32 v9, v24  }
0x52e: {  	v25 =	vmul.f32 v25, v18;
	v30 =	vor.u32 v20, v28;
	v26 =	vadd.f32 v26, v27;
	v24 =	vmovc v28;
	_ =	sdelay $0x1  }
0x52f: {  	v27 =	vor.u32 v21, v24;
	v25 =	vadd.f32 v25, v26;
	_ =	sdelay $0x1  }
0x530: {  	v26 =	vor.u32 v22, v24;
	[tilespmem:v29+s12+$0x0] =	vst.idx.msk $0xffff, v25  }
0x531: {  	v25 =	vld.idx.msk [tilespmem:v30+s3+$0x0], $0xffff  }
0x532: {  	v28 =	vor.u32 v23, v24  }
0x533: {  	v29 =	vld.idx.msk [tilespmem:v27+s3+$0x0], $0xffff;
	_ =	sdelay $0x1  }
.Ltmp25:
0x534: {  	v26 =	vld.idx.msk [tilespmem:v26+s3+$0x0], $0xffff;
	(pc) =	sbr.rel @p0 .LBB2_52-.Ltmp25, $3  }
0x535: {  	_ = 	snop  }
0x536: {  	v27 =	vmul.f32 v25, v16;
	v25 =	vld.idx.msk [tilespmem:v28+s3+$0x0], $0xffff;
	_ =	sdelay $0x1  }
0x537: {  	v28 =	vmov s14;
	s14 =	sadd.s32 $0x1, s14;
	v27 =	vadd.f32 $0.0e+00, v27;
	v29 =	vmul.f32 v29, v17  }
0x538: {  	v28 =	vand.u32 $0x7F, v28  }
0x539: {  	v26 =	vmul.f32 v26, v19;
	v28 =	vbroadcast v28, $0x0;
	v27 =	vadd.f32 v29, v27  }
0x53a: {  	v24 =	vor.u32 v9, v24  }
0x53b: {  	v25 =	vmul.f32 v25, v18;
	v20 =	vor.u32 v20, v28;
	v26 =	vadd.f32 v26, v27;
	_ =	sdelay $0x1  }
0x53c: {  	v21 =	vor.u32 v21, v28;
	v25 =	vadd.f32 v25, v26;
	_ =	sdelay $0x1  }
0x53d: {  	v22 =	vor.u32 v22, v28;
	[tilespmem:v24+s12+$0x0] =	vst.idx.msk $0xffff, v25  }
0x53e: {  	v20 =	vld.idx.msk [tilespmem:v20+s3+$0x0], $0xffff  }
0x53f: {  	v23 =	vor.u32 v23, v28  }
0x540: {  	v21 =	vld.idx.msk [tilespmem:v21+s3+$0x0], $0xffff;
	_ =	sdelay $0x1  }
0x541: {  	v22 =	vld.idx.msk [tilespmem:v22+s3+$0x0], $0xffff  }
0x542: {  	v16 =	vmul.f32 v20, v16  }
0x543: {  	v20 =	vld.idx.msk [tilespmem:v23+s3+$0x0], $0xffff  }
0x544: {  	v17 =	vmul.f32 v21, v17;
	v16 =	vadd.f32 $0.0e+00, v16;
	_ =	sdelay $0x1  }
0x545: {  	v16 =	vadd.f32 v17, v16;
	v17 =	vmul.f32 v22, v19  }
0x546: {  	v19 =	vor.u32 v9, v28  }
0x547: {  	v16 =	vadd.f32 v17, v16;
	v17 =	vmul.f32 v20, v18;
	_ =	sdelay $0x1  }
0x548: {  	v16 =	vadd.f32 v17, v16;
	_ =	sdelay $0x1  }
0x549: {  	[tilespmem:v19+s12+$0x0] =	vst.idx.msk $0xffff, v16  }
0x54a: {  	v16 =	vld [tilespmem:$0x10220]  }
0x54b: {  	s14 =	simm.s32 $0x0  }
0x54c: {  	v18 =	vmov s14  }
0x54d: {  	v18 =	vand.u32 $0x7F, v18;
	v17 =	vld [tilespmem:$0x102A0]  }
0x54e: {  	v24 =	vbroadcast v18, $0x0  }
0x54f: {  	v18 =	vld [tilespmem:$0x10320];
	v20 =	vshll.u32 v16, $0x7  }
0x550: {  	v19 =	vor.u32 v20, v24  }
0x551: {  	v23 =	vld [tilespmem:$0x103A0]  }
0x552: {  	v21 =	vshll.u32 v17, $0x7  }
0x553: {  	v25 =	vor.u32 v21, v24  }
0x554: {  	v16 =	vld [tilespmem:$0x10A20];
	v22 =	vshll.u32 v18, $0x7  }
0x555: {  	v27 =	vor.u32 v22, v24;
	v26 =	vld.idx.msk [tilespmem:v19+s3+$0x0], $0xffff  }
0x556: {  	v23 =	vshll.u32 v23, $0x7  }
0x557: {  	v17 =	vld [tilespmem:$0x10AA0];
	v28 =	vor.u32 v23, v24  }
0x558: {  	v29 =	vld.idx.msk [tilespmem:v25+s3+$0x0], $0xffff  }
0x559: {  	v19 =	vld [tilespmem:$0x10B20]  }
0x55a: {  	v30 =	vmul.f32 v26, v16;
	v26 =	vld.idx.msk [tilespmem:v27+s3+$0x0], $0xffff  }
0x55b: {  	v18 =	vld [tilespmem:$0x10BA0]  }
0x55c: {  	s31 =	simm.s32 $0x1;
	v25 =	vld.idx.msk [tilespmem:v28+s3+$0x0], $0xffff  }
0x55d: {  	s14 =	simm.s32 $0x2;
	v28 =	vmov s31;
	v29 =	vmul.f32 v29, v17;
	v27 =	vadd.f32 $0.0e+00, v30  }
.LBB2_54:
0x55e: {  	p0 =	sne.s32 s14, $0x7F;
	v28 =	vand.u32 $0x7F, v28  }
0x55f: {  	v26 =	vmul.f32 v26, v19;
	v28 =	vbroadcast v28, $0x0;
	v27 =	vadd.f32 v29, v27  }
0x560: {  	v29 =	vor.u32 v10, v24  }
0x561: {  	v25 =	vmul.f32 v25, v18;
	v30 =	vor.u32 v20, v28;
	v26 =	vadd.f32 v26, v27;
	v24 =	vmovc v28;
	_ =	sdelay $0x1  }
0x562: {  	v27 =	vor.u32 v21, v24;
	v25 =	vadd.f32 v25, v26;
	_ =	sdelay $0x1  }
0x563: {  	v26 =	vor.u32 v22, v24;
	[tilespmem:v29+s12+$0x0] =	vst.idx.msk $0xffff, v25  }
0x564: {  	v25 =	vld.idx.msk [tilespmem:v30+s3+$0x0], $0xffff  }
0x565: {  	v28 =	vor.u32 v23, v24  }
0x566: {  	v29 =	vld.idx.msk [tilespmem:v27+s3+$0x0], $0xffff;
	_ =	sdelay $0x1  }
.Ltmp26:
0x567: {  	v26 =	vld.idx.msk [tilespmem:v26+s3+$0x0], $0xffff;
	(pc) =	sbr.rel @p0 .LBB2_54-.Ltmp26, $3  }
0x568: {  	_ = 	snop  }
0x569: {  	v27 =	vmul.f32 v25, v16;
	v25 =	vld.idx.msk [tilespmem:v28+s3+$0x0], $0xffff;
	_ =	sdelay $0x1  }
0x56a: {  	v28 =	vmov s14;
	s14 =	sadd.s32 $0x1, s14;
	v27 =	vadd.f32 $0.0e+00, v27;
	v29 =	vmul.f32 v29, v17  }
0x56b: {  	v28 =	vand.u32 $0x7F, v28  }
0x56c: {  	v26 =	vmul.f32 v26, v19;
	v28 =	vbroadcast v28, $0x0;
	v27 =	vadd.f32 v29, v27  }
0x56d: {  	v24 =	vor.u32 v10, v24  }
0x56e: {  	v25 =	vmul.f32 v25, v18;
	v20 =	vor.u32 v20, v28;
	v26 =	vadd.f32 v26, v27;
	_ =	sdelay $0x1  }
0x56f: {  	v21 =	vor.u32 v21, v28;
	v25 =	vadd.f32 v25, v26;
	_ =	sdelay $0x1  }
0x570: {  	v22 =	vor.u32 v22, v28;
	[tilespmem:v24+s12+$0x0] =	vst.idx.msk $0xffff, v25  }
0x571: {  	v20 =	vld.idx.msk [tilespmem:v20+s3+$0x0], $0xffff  }
0x572: {  	v23 =	vor.u32 v23, v28  }
0x573: {  	v21 =	vld.idx.msk [tilespmem:v21+s3+$0x0], $0xffff;
	_ =	sdelay $0x1  }
0x574: {  	v22 =	vld.idx.msk [tilespmem:v22+s3+$0x0], $0xffff  }
0x575: {  	v16 =	vmul.f32 v20, v16  }
0x576: {  	v20 =	vld.idx.msk [tilespmem:v23+s3+$0x0], $0xffff  }
0x577: {  	v17 =	vmul.f32 v21, v17;
	v16 =	vadd.f32 $0.0e+00, v16;
	_ =	sdelay $0x1  }
0x578: {  	v16 =	vadd.f32 v17, v16;
	v17 =	vmul.f32 v22, v19  }
0x579: {  	v19 =	vor.u32 v10, v28  }
0x57a: {  	v16 =	vadd.f32 v17, v16;
	v17 =	vmul.f32 v20, v18;
	_ =	sdelay $0x1  }
0x57b: {  	v16 =	vadd.f32 v17, v16;
	_ =	sdelay $0x1  }
0x57c: {  	[tilespmem:v19+s12+$0x0] =	vst.idx.msk $0xffff, v16  }
0x57d: {  	v16 =	vld [tilespmem:$0x10230]  }
0x57e: {  	s14 =	simm.s32 $0x0  }
0x57f: {  	v18 =	vmov s14  }
0x580: {  	v18 =	vand.u32 $0x7F, v18;
	v17 =	vld [tilespmem:$0x102B0]  }
0x581: {  	v24 =	vbroadcast v18, $0x0  }
0x582: {  	v18 =	vld [tilespmem:$0x10330];
	v20 =	vshll.u32 v16, $0x7  }
0x583: {  	v19 =	vor.u32 v20, v24  }
0x584: {  	v23 =	vld [tilespmem:$0x103B0]  }
0x585: {  	v21 =	vshll.u32 v17, $0x7  }
0x586: {  	v25 =	vor.u32 v21, v24  }
0x587: {  	v16 =	vld [tilespmem:$0x10A30];
	v22 =	vshll.u32 v18, $0x7  }
0x588: {  	v27 =	vor.u32 v22, v24;
	v26 =	vld.idx.msk [tilespmem:v19+s3+$0x0], $0xffff  }
0x589: {  	v23 =	vshll.u32 v23, $0x7  }
0x58a: {  	v17 =	vld [tilespmem:$0x10AB0];
	v28 =	vor.u32 v23, v24  }
0x58b: {  	v29 =	vld.idx.msk [tilespmem:v25+s3+$0x0], $0xffff  }
0x58c: {  	v19 =	vld [tilespmem:$0x10B30]  }
0x58d: {  	v30 =	vmul.f32 v26, v16;
	v26 =	vld.idx.msk [tilespmem:v27+s3+$0x0], $0xffff  }
0x58e: {  	v18 =	vld [tilespmem:$0x10BB0]  }
0x58f: {  	s31 =	simm.s32 $0x1;
	v25 =	vld.idx.msk [tilespmem:v28+s3+$0x0], $0xffff  }
0x590: {  	s14 =	simm.s32 $0x2;
	v28 =	vmov s31;
	v29 =	vmul.f32 v29, v17;
	v27 =	vadd.f32 $0.0e+00, v30  }
.LBB2_56:
0x591: {  	p0 =	sne.s32 s14, $0x7F;
	v28 =	vand.u32 $0x7F, v28  }
0x592: {  	v26 =	vmul.f32 v26, v19;
	v28 =	vbroadcast v28, $0x0;
	v27 =	vadd.f32 v29, v27  }
0x593: {  	v29 =	vor.u32 v11, v24  }
0x594: {  	v25 =	vmul.f32 v25, v18;
	v30 =	vor.u32 v20, v28;
	v26 =	vadd.f32 v26, v27;
	v24 =	vmovc v28;
	_ =	sdelay $0x1  }
0x595: {  	v27 =	vor.u32 v21, v24;
	v25 =	vadd.f32 v25, v26;
	_ =	sdelay $0x1  }
0x596: {  	v26 =	vor.u32 v22, v24;
	[tilespmem:v29+s12+$0x0] =	vst.idx.msk $0xffff, v25  }
0x597: {  	v25 =	vld.idx.msk [tilespmem:v30+s3+$0x0], $0xffff  }
0x598: {  	v28 =	vor.u32 v23, v24  }
0x599: {  	v29 =	vld.idx.msk [tilespmem:v27+s3+$0x0], $0xffff;
	_ =	sdelay $0x1  }
.Ltmp27:
0x59a: {  	v26 =	vld.idx.msk [tilespmem:v26+s3+$0x0], $0xffff;
	(pc) =	sbr.rel @p0 .LBB2_56-.Ltmp27, $3  }
0x59b: {  	_ = 	snop  }
0x59c: {  	v27 =	vmul.f32 v25, v16;
	v25 =	vld.idx.msk [tilespmem:v28+s3+$0x0], $0xffff;
	_ =	sdelay $0x1  }
0x59d: {  	v28 =	vmov s14;
	s14 =	sadd.s32 $0x1, s14;
	v27 =	vadd.f32 $0.0e+00, v27;
	v29 =	vmul.f32 v29, v17  }
0x59e: {  	v28 =	vand.u32 $0x7F, v28  }
0x59f: {  	v26 =	vmul.f32 v26, v19;
	v28 =	vbroadcast v28, $0x0;
	v27 =	vadd.f32 v29, v27  }
0x5a0: {  	v24 =	vor.u32 v11, v24  }
0x5a1: {  	v25 =	vmul.f32 v25, v18;
	v20 =	vor.u32 v20, v28;
	v26 =	vadd.f32 v26, v27;
	_ =	sdelay $0x1  }
0x5a2: {  	v21 =	vor.u32 v21, v28;
	v25 =	vadd.f32 v25, v26;
	_ =	sdelay $0x1  }
0x5a3: {  	v22 =	vor.u32 v22, v28;
	[tilespmem:v24+s12+$0x0] =	vst.idx.msk $0xffff, v25  }
0x5a4: {  	v20 =	vld.idx.msk [tilespmem:v20+s3+$0x0], $0xffff  }
0x5a5: {  	v23 =	vor.u32 v23, v28  }
0x5a6: {  	v21 =	vld.idx.msk [tilespmem:v21+s3+$0x0], $0xffff;
	_ =	sdelay $0x1  }
0x5a7: {  	v22 =	vld.idx.msk [tilespmem:v22+s3+$0x0], $0xffff  }
0x5a8: {  	v16 =	vmul.f32 v20, v16  }
0x5a9: {  	v20 =	vld.idx.msk [tilespmem:v23+s3+$0x0], $0xffff  }
0x5aa: {  	v17 =	vmul.f32 v21, v17;
	v16 =	vadd.f32 $0.0e+00, v16;
	_ =	sdelay $0x1  }
0x5ab: {  	v16 =	vadd.f32 v17, v16;
	v17 =	vmul.f32 v22, v19  }
0x5ac: {  	v19 =	vor.u32 v11, v28  }
0x5ad: {  	v16 =	vadd.f32 v17, v16;
	v17 =	vmul.f32 v20, v18;
	_ =	sdelay $0x1  }
0x5ae: {  	v16 =	vadd.f32 v17, v16;
	_ =	sdelay $0x1  }
0x5af: {  	[tilespmem:v19+s12+$0x0] =	vst.idx.msk $0xffff, v16  }
0x5b0: {  	v16 =	vld [tilespmem:$0x10240]  }
0x5b1: {  	s14 =	simm.s32 $0x0  }
0x5b2: {  	v18 =	vmov s14  }
0x5b3: {  	v18 =	vand.u32 $0x7F, v18;
	v17 =	vld [tilespmem:$0x102C0]  }
0x5b4: {  	v24 =	vbroadcast v18, $0x0  }
0x5b5: {  	v18 =	vld [tilespmem:$0x10340];
	v20 =	vshll.u32 v16, $0x7  }
0x5b6: {  	v19 =	vor.u32 v20, v24  }
0x5b7: {  	v23 =	vld [tilespmem:$0x103C0]  }
0x5b8: {  	v21 =	vshll.u32 v17, $0x7  }
0x5b9: {  	v25 =	vor.u32 v21, v24  }
0x5ba: {  	v16 =	vld [tilespmem:$0x10A40];
	v22 =	vshll.u32 v18, $0x7  }
0x5bb: {  	v27 =	vor.u32 v22, v24;
	v26 =	vld.idx.msk [tilespmem:v19+s3+$0x0], $0xffff  }
0x5bc: {  	v23 =	vshll.u32 v23, $0x7  }
0x5bd: {  	v17 =	vld [tilespmem:$0x10AC0];
	v28 =	vor.u32 v23, v24  }
0x5be: {  	v29 =	vld.idx.msk [tilespmem:v25+s3+$0x0], $0xffff  }
0x5bf: {  	v19 =	vld [tilespmem:$0x10B40]  }
0x5c0: {  	v30 =	vmul.f32 v26, v16;
	v26 =	vld.idx.msk [tilespmem:v27+s3+$0x0], $0xffff  }
0x5c1: {  	v18 =	vld [tilespmem:$0x10BC0]  }
0x5c2: {  	s31 =	simm.s32 $0x1;
	v25 =	vld.idx.msk [tilespmem:v28+s3+$0x0], $0xffff  }
0x5c3: {  	s14 =	simm.s32 $0x2;
	v28 =	vmov s31;
	v29 =	vmul.f32 v29, v17;
	v27 =	vadd.f32 $0.0e+00, v30  }
.LBB2_58:
0x5c4: {  	p0 =	sne.s32 s14, $0x7F;
	v28 =	vand.u32 $0x7F, v28  }
0x5c5: {  	v26 =	vmul.f32 v26, v19;
	v28 =	vbroadcast v28, $0x0;
	v27 =	vadd.f32 v29, v27  }
0x5c6: {  	v29 =	vor.u32 v12, v24  }
0x5c7: {  	v25 =	vmul.f32 v25, v18;
	v30 =	vor.u32 v20, v28;
	v26 =	vadd.f32 v26, v27;
	v24 =	vmovc v28;
	_ =	sdelay $0x1  }
0x5c8: {  	v27 =	vor.u32 v21, v24;
	v25 =	vadd.f32 v25, v26;
	_ =	sdelay $0x1  }
0x5c9: {  	v26 =	vor.u32 v22, v24;
	[tilespmem:v29+s12+$0x0] =	vst.idx.msk $0xffff, v25  }
0x5ca: {  	v25 =	vld.idx.msk [tilespmem:v30+s3+$0x0], $0xffff  }
0x5cb: {  	v28 =	vor.u32 v23, v24  }
0x5cc: {  	v29 =	vld.idx.msk [tilespmem:v27+s3+$0x0], $0xffff;
	_ =	sdelay $0x1  }
.Ltmp28:
0x5cd: {  	v26 =	vld.idx.msk [tilespmem:v26+s3+$0x0], $0xffff;
	(pc) =	sbr.rel @p0 .LBB2_58-.Ltmp28, $3  }
0x5ce: {  	_ = 	snop  }
0x5cf: {  	v27 =	vmul.f32 v25, v16;
	v25 =	vld.idx.msk [tilespmem:v28+s3+$0x0], $0xffff;
	_ =	sdelay $0x1  }
0x5d0: {  	v28 =	vmov s14;
	s14 =	sadd.s32 $0x1, s14;
	v27 =	vadd.f32 $0.0e+00, v27;
	v29 =	vmul.f32 v29, v17  }
0x5d1: {  	v28 =	vand.u32 $0x7F, v28  }
0x5d2: {  	v26 =	vmul.f32 v26, v19;
	v28 =	vbroadcast v28, $0x0;
	v27 =	vadd.f32 v29, v27  }
0x5d3: {  	v24 =	vor.u32 v12, v24  }
0x5d4: {  	v25 =	vmul.f32 v25, v18;
	v20 =	vor.u32 v20, v28;
	v26 =	vadd.f32 v26, v27;
	_ =	sdelay $0x1  }
0x5d5: {  	v21 =	vor.u32 v21, v28;
	v25 =	vadd.f32 v25, v26;
	_ =	sdelay $0x1  }
0x5d6: {  	v22 =	vor.u32 v22, v28;
	[tilespmem:v24+s12+$0x0] =	vst.idx.msk $0xffff, v25  }
0x5d7: {  	v20 =	vld.idx.msk [tilespmem:v20+s3+$0x0], $0xffff  }
0x5d8: {  	v23 =	vor.u32 v23, v28  }
0x5d9: {  	v21 =	vld.idx.msk [tilespmem:v21+s3+$0x0], $0xffff;
	_ =	sdelay $0x1  }
0x5da: {  	v22 =	vld.idx.msk [tilespmem:v22+s3+$0x0], $0xffff  }
0x5db: {  	v16 =	vmul.f32 v20, v16  }
0x5dc: {  	v20 =	vld.idx.msk [tilespmem:v23+s3+$0x0], $0xffff  }
0x5dd: {  	v17 =	vmul.f32 v21, v17;
	v16 =	vadd.f32 $0.0e+00, v16;
	_ =	sdelay $0x1  }
0x5de: {  	v16 =	vadd.f32 v17, v16;
	v17 =	vmul.f32 v22, v19  }
0x5df: {  	v19 =	vor.u32 v12, v28  }
0x5e0: {  	v16 =	vadd.f32 v17, v16;
	v17 =	vmul.f32 v20, v18;
	_ =	sdelay $0x1  }
0x5e1: {  	v16 =	vadd.f32 v17, v16;
	_ =	sdelay $0x1  }
0x5e2: {  	[tilespmem:v19+s12+$0x0] =	vst.idx.msk $0xffff, v16  }
0x5e3: {  	v16 =	vld [tilespmem:$0x10250]  }
0x5e4: {  	s14 =	simm.s32 $0x0  }
0x5e5: {  	v18 =	vmov s14  }
0x5e6: {  	v18 =	vand.u32 $0x7F, v18;
	v17 =	vld [tilespmem:$0x102D0]  }
0x5e7: {  	v24 =	vbroadcast v18, $0x0  }
0x5e8: {  	v18 =	vld [tilespmem:$0x10350];
	v20 =	vshll.u32 v16, $0x7  }
0x5e9: {  	v19 =	vor.u32 v20, v24  }
0x5ea: {  	v23 =	vld [tilespmem:$0x103D0]  }
0x5eb: {  	v21 =	vshll.u32 v17, $0x7  }
0x5ec: {  	v25 =	vor.u32 v21, v24  }
0x5ed: {  	v16 =	vld [tilespmem:$0x10A50];
	v22 =	vshll.u32 v18, $0x7  }
0x5ee: {  	v27 =	vor.u32 v22, v24;
	v26 =	vld.idx.msk [tilespmem:v19+s3+$0x0], $0xffff  }
0x5ef: {  	v23 =	vshll.u32 v23, $0x7  }
0x5f0: {  	v17 =	vld [tilespmem:$0x10AD0];
	v28 =	vor.u32 v23, v24  }
0x5f1: {  	v29 =	vld.idx.msk [tilespmem:v25+s3+$0x0], $0xffff  }
0x5f2: {  	v19 =	vld [tilespmem:$0x10B50]  }
0x5f3: {  	v30 =	vmul.f32 v26, v16;
	v26 =	vld.idx.msk [tilespmem:v27+s3+$0x0], $0xffff  }
0x5f4: {  	v18 =	vld [tilespmem:$0x10BD0]  }
0x5f5: {  	s31 =	simm.s32 $0x1;
	v25 =	vld.idx.msk [tilespmem:v28+s3+$0x0], $0xffff  }
0x5f6: {  	s14 =	simm.s32 $0x2;
	v28 =	vmov s31;
	v29 =	vmul.f32 v29, v17;
	v27 =	vadd.f32 $0.0e+00, v30  }
.LBB2_60:
0x5f7: {  	p0 =	sne.s32 s14, $0x7F;
	v28 =	vand.u32 $0x7F, v28  }
0x5f8: {  	v26 =	vmul.f32 v26, v19;
	v28 =	vbroadcast v28, $0x0;
	v27 =	vadd.f32 v29, v27  }
0x5f9: {  	v29 =	vor.u32 v13, v24  }
0x5fa: {  	v25 =	vmul.f32 v25, v18;
	v30 =	vor.u32 v20, v28;
	v26 =	vadd.f32 v26, v27;
	v24 =	vmovc v28;
	_ =	sdelay $0x1  }
0x5fb: {  	v27 =	vor.u32 v21, v24;
	v25 =	vadd.f32 v25, v26;
	_ =	sdelay $0x1  }
0x5fc: {  	v26 =	vor.u32 v22, v24;
	[tilespmem:v29+s12+$0x0] =	vst.idx.msk $0xffff, v25  }
0x5fd: {  	v25 =	vld.idx.msk [tilespmem:v30+s3+$0x0], $0xffff  }
0x5fe: {  	v28 =	vor.u32 v23, v24  }
0x5ff: {  	v29 =	vld.idx.msk [tilespmem:v27+s3+$0x0], $0xffff;
	_ =	sdelay $0x1  }
.Ltmp29:
0x600: {  	v26 =	vld.idx.msk [tilespmem:v26+s3+$0x0], $0xffff;
	(pc) =	sbr.rel @p0 .LBB2_60-.Ltmp29, $3  }
0x601: {  	_ = 	snop  }
0x602: {  	v27 =	vmul.f32 v25, v16;
	v25 =	vld.idx.msk [tilespmem:v28+s3+$0x0], $0xffff;
	_ =	sdelay $0x1  }
0x603: {  	v28 =	vmov s14;
	s14 =	sadd.s32 $0x1, s14;
	v27 =	vadd.f32 $0.0e+00, v27;
	v29 =	vmul.f32 v29, v17  }
0x604: {  	v28 =	vand.u32 $0x7F, v28  }
0x605: {  	v26 =	vmul.f32 v26, v19;
	v28 =	vbroadcast v28, $0x0;
	v27 =	vadd.f32 v29, v27  }
0x606: {  	v24 =	vor.u32 v13, v24  }
0x607: {  	v25 =	vmul.f32 v25, v18;
	v20 =	vor.u32 v20, v28;
	v26 =	vadd.f32 v26, v27;
	_ =	sdelay $0x1  }
0x608: {  	v21 =	vor.u32 v21, v28;
	v25 =	vadd.f32 v25, v26;
	_ =	sdelay $0x1  }
0x609: {  	v22 =	vor.u32 v22, v28;
	[tilespmem:v24+s12+$0x0] =	vst.idx.msk $0xffff, v25  }
0x60a: {  	v20 =	vld.idx.msk [tilespmem:v20+s3+$0x0], $0xffff  }
0x60b: {  	v23 =	vor.u32 v23, v28  }
0x60c: {  	v21 =	vld.idx.msk [tilespmem:v21+s3+$0x0], $0xffff;
	_ =	sdelay $0x1  }
0x60d: {  	v22 =	vld.idx.msk [tilespmem:v22+s3+$0x0], $0xffff  }
0x60e: {  	v16 =	vmul.f32 v20, v16  }
0x60f: {  	v20 =	vld.idx.msk [tilespmem:v23+s3+$0x0], $0xffff  }
0x610: {  	v17 =	vmul.f32 v21, v17;
	v16 =	vadd.f32 $0.0e+00, v16;
	_ =	sdelay $0x1  }
0x611: {  	v16 =	vadd.f32 v17, v16;
	v17 =	vmul.f32 v22, v19  }
0x612: {  	v19 =	vor.u32 v13, v28  }
0x613: {  	v16 =	vadd.f32 v17, v16;
	v17 =	vmul.f32 v20, v18;
	_ =	sdelay $0x1  }
0x614: {  	v16 =	vadd.f32 v17, v16;
	_ =	sdelay $0x1  }
0x615: {  	[tilespmem:v19+s12+$0x0] =	vst.idx.msk $0xffff, v16  }
0x616: {  	v16 =	vld [tilespmem:$0x10260]  }
0x617: {  	s14 =	simm.s32 $0x0  }
0x618: {  	v18 =	vmov s14  }
0x619: {  	v18 =	vand.u32 $0x7F, v18;
	v17 =	vld [tilespmem:$0x102E0]  }
0x61a: {  	v24 =	vbroadcast v18, $0x0  }
0x61b: {  	v18 =	vld [tilespmem:$0x10360];
	v20 =	vshll.u32 v16, $0x7  }
0x61c: {  	v19 =	vor.u32 v20, v24  }
0x61d: {  	v23 =	vld [tilespmem:$0x103E0]  }
0x61e: {  	v21 =	vshll.u32 v17, $0x7  }
0x61f: {  	v25 =	vor.u32 v21, v24  }
0x620: {  	v16 =	vld [tilespmem:$0x10A60];
	v22 =	vshll.u32 v18, $0x7  }
0x621: {  	v27 =	vor.u32 v22, v24;
	v26 =	vld.idx.msk [tilespmem:v19+s3+$0x0], $0xffff  }
0x622: {  	v23 =	vshll.u32 v23, $0x7  }
0x623: {  	v17 =	vld [tilespmem:$0x10AE0];
	v28 =	vor.u32 v23, v24  }
0x624: {  	v29 =	vld.idx.msk [tilespmem:v25+s3+$0x0], $0xffff  }
0x625: {  	v19 =	vld [tilespmem:$0x10B60]  }
0x626: {  	v30 =	vmul.f32 v26, v16;
	v26 =	vld.idx.msk [tilespmem:v27+s3+$0x0], $0xffff  }
0x627: {  	v18 =	vld [tilespmem:$0x10BE0]  }
0x628: {  	s31 =	simm.s32 $0x1;
	v25 =	vld.idx.msk [tilespmem:v28+s3+$0x0], $0xffff  }
0x629: {  	s14 =	simm.s32 $0x2;
	v28 =	vmov s31;
	v29 =	vmul.f32 v29, v17;
	v27 =	vadd.f32 $0.0e+00, v30  }
.LBB2_62:
0x62a: {  	p0 =	sne.s32 s14, $0x7F;
	v28 =	vand.u32 $0x7F, v28  }
0x62b: {  	v26 =	vmul.f32 v26, v19;
	v28 =	vbroadcast v28, $0x0;
	v27 =	vadd.f32 v29, v27  }
0x62c: {  	v29 =	vor.u32 v14, v24  }
0x62d: {  	v25 =	vmul.f32 v25, v18;
	v30 =	vor.u32 v20, v28;
	v26 =	vadd.f32 v26, v27;
	v24 =	vmovc v28;
	_ =	sdelay $0x1  }
0x62e: {  	v27 =	vor.u32 v21, v24;
	v25 =	vadd.f32 v25, v26;
	_ =	sdelay $0x1  }
0x62f: {  	v26 =	vor.u32 v22, v24;
	[tilespmem:v29+s12+$0x0] =	vst.idx.msk $0xffff, v25  }
0x630: {  	v25 =	vld.idx.msk [tilespmem:v30+s3+$0x0], $0xffff  }
0x631: {  	v28 =	vor.u32 v23, v24  }
0x632: {  	v29 =	vld.idx.msk [tilespmem:v27+s3+$0x0], $0xffff;
	_ =	sdelay $0x1  }
.Ltmp30:
0x633: {  	v26 =	vld.idx.msk [tilespmem:v26+s3+$0x0], $0xffff;
	(pc) =	sbr.rel @p0 .LBB2_62-.Ltmp30, $3  }
0x634: {  	_ = 	snop  }
0x635: {  	v27 =	vmul.f32 v25, v16;
	v25 =	vld.idx.msk [tilespmem:v28+s3+$0x0], $0xffff;
	_ =	sdelay $0x1  }
0x636: {  	v28 =	vmov s14;
	s14 =	sadd.s32 $0x1, s14;
	v27 =	vadd.f32 $0.0e+00, v27;
	v29 =	vmul.f32 v29, v17  }
0x637: {  	v28 =	vand.u32 $0x7F, v28  }
0x638: {  	v26 =	vmul.f32 v26, v19;
	v28 =	vbroadcast v28, $0x0;
	v27 =	vadd.f32 v29, v27  }
0x639: {  	v24 =	vor.u32 v14, v24  }
0x63a: {  	v25 =	vmul.f32 v25, v18;
	v20 =	vor.u32 v20, v28;
	v26 =	vadd.f32 v26, v27;
	_ =	sdelay $0x1  }
0x63b: {  	v21 =	vor.u32 v21, v28;
	v25 =	vadd.f32 v25, v26;
	_ =	sdelay $0x1  }
0x63c: {  	v22 =	vor.u32 v22, v28;
	[tilespmem:v24+s12+$0x0] =	vst.idx.msk $0xffff, v25  }
0x63d: {  	v20 =	vld.idx.msk [tilespmem:v20+s3+$0x0], $0xffff  }
0x63e: {  	v23 =	vor.u32 v23, v28  }
0x63f: {  	v21 =	vld.idx.msk [tilespmem:v21+s3+$0x0], $0xffff;
	_ =	sdelay $0x1  }
0x640: {  	v22 =	vld.idx.msk [tilespmem:v22+s3+$0x0], $0xffff  }
0x641: {  	v16 =	vmul.f32 v20, v16  }
0x642: {  	v20 =	vld.idx.msk [tilespmem:v23+s3+$0x0], $0xffff  }
0x643: {  	v17 =	vmul.f32 v21, v17;
	v16 =	vadd.f32 $0.0e+00, v16;
	_ =	sdelay $0x1  }
0x644: {  	v16 =	vadd.f32 v17, v16;
	v17 =	vmul.f32 v22, v19  }
0x645: {  	v19 =	vor.u32 v14, v28  }
0x646: {  	v16 =	vadd.f32 v17, v16;
	v17 =	vmul.f32 v20, v18;
	_ =	sdelay $0x1  }
0x647: {  	v16 =	vadd.f32 v17, v16;
	_ =	sdelay $0x1  }
0x648: {  	[tilespmem:v19+s12+$0x0] =	vst.idx.msk $0xffff, v16  }
0x649: {  	v16 =	vld [tilespmem:$0x10270]  }
0x64a: {  	s14 =	simm.s32 $0x0  }
0x64b: {  	v18 =	vmov s14  }
0x64c: {  	v18 =	vand.u32 $0x7F, v18;
	v17 =	vld [tilespmem:$0x102F0]  }
0x64d: {  	v24 =	vbroadcast v18, $0x0  }
0x64e: {  	v18 =	vld [tilespmem:$0x10370];
	v20 =	vshll.u32 v16, $0x7  }
0x64f: {  	v19 =	vor.u32 v20, v24  }
0x650: {  	v23 =	vld [tilespmem:$0x103F0]  }
0x651: {  	v21 =	vshll.u32 v17, $0x7  }
0x652: {  	v25 =	vor.u32 v21, v24  }
0x653: {  	v16 =	vld [tilespmem:$0x10A70];
	v22 =	vshll.u32 v18, $0x7  }
0x654: {  	v27 =	vor.u32 v22, v24;
	v26 =	vld.idx.msk [tilespmem:v19+s3+$0x0], $0xffff  }
0x655: {  	v23 =	vshll.u32 v23, $0x7  }
0x656: {  	v17 =	vld [tilespmem:$0x10AF0];
	v28 =	vor.u32 v23, v24  }
0x657: {  	v29 =	vld.idx.msk [tilespmem:v25+s3+$0x0], $0xffff  }
0x658: {  	v19 =	vld [tilespmem:$0x10B70]  }
0x659: {  	v30 =	vmul.f32 v26, v16;
	v26 =	vld.idx.msk [tilespmem:v27+s3+$0x0], $0xffff  }
0x65a: {  	v18 =	vld [tilespmem:$0x10BF0]  }
0x65b: {  	s31 =	simm.s32 $0x1;
	v25 =	vld.idx.msk [tilespmem:v28+s3+$0x0], $0xffff  }
0x65c: {  	s14 =	simm.s32 $0x2;
	v28 =	vmov s31;
	v29 =	vmul.f32 v29, v17;
	v27 =	vadd.f32 $0.0e+00, v30  }
.LBB2_64:
0x65d: {  	p0 =	sne.s32 s14, $0x7F;
	v28 =	vand.u32 $0x7F, v28  }
0x65e: {  	v26 =	vmul.f32 v26, v19;
	v28 =	vbroadcast v28, $0x0;
	v27 =	vadd.f32 v29, v27  }
0x65f: {  	v29 =	vor.u32 v15, v24  }
0x660: {  	v25 =	vmul.f32 v25, v18;
	v30 =	vor.u32 v20, v28;
	v26 =	vadd.f32 v26, v27;
	v24 =	vmovc v28;
	_ =	sdelay $0x1  }
0x661: {  	v27 =	vor.u32 v21, v24;
	v25 =	vadd.f32 v25, v26;
	_ =	sdelay $0x1  }
0x662: {  	v26 =	vor.u32 v22, v24;
	[tilespmem:v29+s12+$0x0] =	vst.idx.msk $0xffff, v25  }
0x663: {  	v25 =	vld.idx.msk [tilespmem:v30+s3+$0x0], $0xffff  }
0x664: {  	v28 =	vor.u32 v23, v24  }
0x665: {  	v29 =	vld.idx.msk [tilespmem:v27+s3+$0x0], $0xffff;
	_ =	sdelay $0x1  }
.Ltmp31:
0x666: {  	v26 =	vld.idx.msk [tilespmem:v26+s3+$0x0], $0xffff;
	(pc) =	sbr.rel @p0 .LBB2_64-.Ltmp31, $3  }
0x667: {  	_ = 	snop  }
0x668: {  	v27 =	vmul.f32 v25, v16;
	v25 =	vld.idx.msk [tilespmem:v28+s3+$0x0], $0xffff;
	_ =	sdelay $0x1  }
0x669: {  	v28 =	vmov s14;
	s14 =	sadd.s32 $0x1, s14;
	v27 =	vadd.f32 $0.0e+00, v27;
	v29 =	vmul.f32 v29, v17  }
0x66a: {  	v28 =	vand.u32 $0x7F, v28  }
0x66b: {  	v26 =	vmul.f32 v26, v19;
	v28 =	vbroadcast v28, $0x0;
	v27 =	vadd.f32 v29, v27  }
0x66c: {  	v24 =	vor.u32 v15, v24  }
0x66d: {  	v25 =	vmul.f32 v25, v18;
	v20 =	vor.u32 v20, v28;
	v26 =	vadd.f32 v26, v27;
	_ =	sdelay $0x1  }
0x66e: {  	v21 =	vor.u32 v21, v28;
	v25 =	vadd.f32 v25, v26;
	_ =	sdelay $0x1  }
0x66f: {  	v22 =	vor.u32 v22, v28;
	[tilespmem:v24+s12+$0x0] =	vst.idx.msk $0xffff, v25  }
0x670: {  	v20 =	vld.idx.msk [tilespmem:v20+s3+$0x0], $0xffff  }
0x671: {  	v23 =	vor.u32 v23, v28  }
0x672: {  	v21 =	vld.idx.msk [tilespmem:v21+s3+$0x0], $0xffff;
	_ =	sdelay $0x1  }
0x673: {  	v22 =	vld.idx.msk [tilespmem:v22+s3+$0x0], $0xffff  }
0x674: {  	v16 =	vmul.f32 v20, v16  }
0x675: {  	v62 =	vld.idx.msk [tilespmem:v23+s3+$0x0], $0xffff  }
0x676: {  	v17 =	vmul.f32 v21, v17;
	v16 =	vadd.f32 $0.0e+00, v16;
	_ =	sdelay $0x1  }
0x677: {  	v16 =	vadd.f32 v17, v16;
	v17 =	vmul.f32 v22, v19  }
0x678: {  	v63 =	vor.u32 v15, v28  }
0x679: {  	v16 =	vadd.f32 v17, v16;
	v17 =	vmul.f32 v62, v18;
	_ =	sdelay $0x1  }
0x67a: {  	s13 =	sadd.s32 $0x1, s13;
	v16 =	vadd.f32 v17, v16  }
0x67b: {  	p0 =	sne.s32 s13, s8  }
.Ltmp32:
0x67c: {  	[tilespmem:v63+s12+$0x0] =	vst.idx.msk $0xffff, v16;
	(pc) =	sbr.rel @p0 .LBB2_1-.Ltmp32, $4  }
0x67d: {  	[hbm4b:s7+s3] =	stream.linear.scatter [tilespmem:s12], [sflag:$0x1], $0x8000, $0x38;
	[tilespmem:$0x18C00] =	vst v63  }
0x67e: {  	_ =	swait.ge [sflag:s9], $0x8000  }
0x67f: {  	[sflag:s9] =	ssyncset.done $0x0  }
0x680: {  	[sflag:s9] =	ssyncadd.s32 $0xFFFF8000  }
0x681: {  	_ =	sfence.sel $0x180000  }
0x682: {  	[bflag:$0x0] =	sbarrier.arrive $0xFFFF  }
0x683: {  	p0 =	sne.s32 s2, $0x0;
	_ =	strace $0x90000047  }
0x684: {  	s0 =	sadd.s32 @!p0 $0x100000, s0;
	[bflag:$0x2] =	sbarrier.arrive $0xFFFF  }
0x685: {  	[sflag:s0] =	ssyncadd.tile.s32 @!p0 $0x1;
	_ =	shalt  }
.Lfunc_end2:
_tile_overlayer_lowered:
.L_overlay_start_2:
0x686: {  	(tag) =	ssettag $0x2  }
0x687: {  	s0 =	rddreg [dreg:$0x0];
	s2 =	stileid.u32  }
0x688: {  	s1 =	rddreg [dreg:$0x1];
	p0 =	sne.s32 s2, $0x0  }
0x689: {  	s3 =	rddreg [dreg:$0x2];
	[bflag:$0x3] =	sbarrier.arrive $0xFFFF;
	s2 =	simm.s32 @!p0 $0x1C01  }
0x68a: {  	[timem:s3], [sflag:s2] =	dma.local @!p0 [hbm:s0], s1  }
0x68b: {  	s0 =	simm.s32 @!p0 $0x1  }
0x68c: {  	_ =	swait.ge @!p0 [sflag:s0], s1  }
0x68d: {  	s1 =	ssub.s32 @!p0 $0x0, s1;
	[sflag:s0] =	ssyncset.done @!p0 $0x0  }
0x68e: {  	[sflag:s0] =	ssyncadd.s32 @!p0 s1  }
0x68f: {  	[bflag:$0x3] =	sbarrier.arrive $0xFFFF  }
0x690: {  	_ =	shalt  }

</sc_bundles>
